<compile_context>
chip_gen: v7x
topology: tpu7x:2x2x1
jax: 0.10.2.dev20260603
libtpu: 0.0.44.dev20260713+nightly
codegen_flags: <defaults>
</compile_context>

<pallas_src>
import math

import jax
import jax.numpy as jnp
from jax import lax
from jax.experimental import pallas as pl
from jax.experimental.pallas import tpu as pltpu
from jax.experimental.pallas import tpu_sc as plsc

_F32 = jnp.float32
_NC = 2
_NS = 16
_NW = _NC * _NS
_B = 128
_TB = 1024


def _dott(a, b):
    return lax.dot_general(a, b, (((1,), (1,)), ((), ())),
                           preferred_element_type=_F32)


def _dot(a, b):
    return jnp.dot(a, b, preferred_element_type=_F32)


def _act(h, layer, n_layers):
    if layer < n_layers - 1:
        return jnp.where(h > 0, h, jnp.exp(h) - 1.0)
    return 1.0 / (1.0 + jnp.exp(-h))



def _sc_segsum(x, src3, dst3, zrows, ntp, nch):
    nrows = ntp + 16 * _NS
    rps_z = nrows // _NS
    rps_o = ntp // _NS
    mesh = plsc.VectorSubcoreMesh(core_axis_name="c", subcore_axis_name="s")

    def body(x_hbm, src_hbm, dst_hbm, z_hbm, out_hbm,
             acc, srcv, dstv, gbuf, sg0, sg1, ss0, ss1):
        sg = (sg0, sg1)
        ss = (ss0, ss1)
        c = lax.axis_index("c")
        s = lax.axis_index("s")
        wid = s * _NC + c
        pltpu.sync_copy(src_hbm.at[wid], srcv)
        pltpu.sync_copy(dst_hbm.at[wid], dstv)
        for b in range(2):
            pltpu.async_copy(x_hbm.at[srcv.at[b]], gbuf.at[b], sg[b])
        pltpu.sync_copy(z_hbm, acc.at[pl.ds(s * rps_z, rps_z)])
        plsc.subcore_barrier()

        def step(i, carry):
            for b in range(2):
                j = i * 2 + b
                pltpu.make_async_copy(x_hbm.at[srcv.at[j]], gbuf.at[b],
                                      sg[b]).wait()
                pltpu.async_copy(gbuf.at[b], acc.at[dstv.at[j]], ss[b],
                                 add=True)
            for b in range(2):
                jn = i * 2 + b + 2
                pltpu.make_async_copy(gbuf.at[b], acc.at[dstv.at[0]],
                                      ss[b]).wait()
                pltpu.async_copy(x_hbm.at[srcv.at[jn]], gbuf.at[b], sg[b])
            return carry

        lax.fori_loop(0, nch // 2 - 1, step, 0)
        for b in range(2):
            j = nch - 2 + b
            pltpu.make_async_copy(x_hbm.at[srcv.at[j]], gbuf.at[b],
                                  sg[b]).wait()
            pltpu.async_copy(gbuf.at[b], acc.at[dstv.at[j]], ss[b], add=True)
        for b in range(2):
            pltpu.make_async_copy(gbuf.at[b], acc.at[dstv.at[0]],
                                  ss[b]).wait()
        plsc.subcore_barrier()
        pltpu.sync_copy(acc.at[pl.ds(s * rps_o, rps_o)],
                        out_hbm.at[c, pl.ds(s * rps_o, rps_o)])

    f = pl.kernel(
        body,
        out_type=jax.ShapeDtypeStruct((_NC, ntp, 128), _F32),
        mesh=mesh,
        scratch_types=[
            pltpu.VMEM_SHARED((nrows, 128), _F32),
            pltpu.VMEM((nch, _B), jnp.int32),
            pltpu.VMEM((nch, _B), jnp.int32),
            pltpu.VMEM((2, _B, 128), _F32),
        ] + [pltpu.SemaphoreType.DMA] * 4,
    )
    return f(x, src3, dst3, zrows)


def _sc_deg(dst3, z16, ones16, ntp, nch):
    nrows = ntp + 16 * _NS
    rps_z = nrows // _NS
    rps_o = ntp // _NS
    mesh = plsc.VectorSubcoreMesh(core_axis_name="c", subcore_axis_name="s")

    def body(dst_hbm, z_hbm, ones_hbm, out_hbm, acc, dstv, ones_v):
        c = lax.axis_index("c")
        s = lax.axis_index("s")
        wid = s * _NC + c
        pltpu.sync_copy(dst_hbm.at[wid], dstv)
        pltpu.sync_copy(ones_hbm, ones_v)
        pltpu.sync_copy(z_hbm, acc.at[pl.ds(s * rps_z, rps_z)])
        plsc.subcore_barrier()

        def step(j, carry):
            pltpu.sync_copy(ones_v, acc.at[dstv.at[j]], add=True)
            return carry

        lax.fori_loop(0, nch, step, 0)
        plsc.subcore_barrier()
        pltpu.sync_copy(acc.at[pl.ds(s * rps_o, rps_o)],
                        out_hbm.at[c, pl.ds(s * rps_o, rps_o)])

    f = pl.kernel(
        body,
        out_type=jax.ShapeDtypeStruct((_NC, ntp, 16), _F32),
        mesh=mesh,
        scratch_types=[
            pltpu.VMEM_SHARED((nrows, 16), _F32),
            pltpu.VMEM((nch, _B), jnp.int32),
            pltpu.VMEM((_B, 16), _F32),
        ],
    )
    return f(dst3, z16, ones16)



def _tc_embed(tx_col, emb_pad, ntp):
    def body(tx_ref, emb_ref, o_ref):
        ids = tx_ref[...]
        io = lax.broadcasted_iota(jnp.int32, (_TB, 256), 1)
        oh = (ids == io).astype(_F32)
        o_ref[...] = _dot(oh, emb_ref[...])

    return pl.pallas_call(
        body,
        grid=(ntp // _TB,),
        in_specs=[pl.BlockSpec((_TB, 1), lambda t: (t, 0)),
                  pl.BlockSpec((256, 128), lambda t: (0, 0))],
        out_specs=pl.BlockSpec((_TB, 128), lambda t: (t, 0)),
        out_shape=jax.ShapeDtypeStruct((ntp, 128), _F32),
    )(tx_col, emb_pad)


def _tc_layer_fused(parts, degp, x, eq_prev, qs_col, qd_col, wl, blv, wr,
                    emb_pad, qx_col, mask_p, layer, n_layers,
                    nt, ntp, eqn, nq):
    first = layer == 0
    isq = 1.0 / math.sqrt(128.0)

    def body(*refs):
        if first:
            (p_ref, d_ref, x_ref, qx_ref, emb_ref, s_ref, dd_ref,
             wl_ref, bl_ref, wr_ref, mk_ref,
             et_ref, eqo_ref, m_out, z_out,
             eq_s, m_s, z_s) = refs
        else:
            (p_ref, d_ref, x_ref, eqp_ref, s_ref, dd_ref,
             wl_ref, bl_ref, wr_ref, mk_ref,
             et_ref, eqo_ref, m_out, z_out,
             eq_s, m_s, z_s) = refs
        t = pl.program_id(0)

        @pl.when(t == 0)
        def _():
            if first:
                io = lax.broadcasted_iota(jnp.int32, (nq, 256), 1)
                xq = _dot((qx_ref[...] == io).astype(_F32), emb_ref[...])
            else:
                xq = eqp_ref[...]
            ios = lax.broadcasted_iota(jnp.int32, (eqn, nq), 1)
            ohs = (s_ref[...] == ios).astype(_F32)
            ohd = (dd_ref[...] == ios).astype(_F32)
            gathered = _dot(ohs, xq)
            ssum = lax.dot_general(ohd, gathered, (((0,), (0,)), ((), ())),
                                   preferred_element_type=_F32)
            dg = lax.dot_general(ohd, jnp.ones((eqn, 8), _F32),
                                 (((0,), (0,)), ((), ())),
                                 preferred_element_type=_F32)[:, 0:1]
            hh = _dott(ssum / jnp.maximum(dg, 1.0), wl_ref[...]) \
                + bl_ref[...] + _dott(xq, wr_ref[...])
            eqn_new = _act(hh, layer, n_layers)
            eq_s[...] = eqn_new
            eqo_ref[...] = eqn_new
            m_s[...] = jnp.full((nq, 1), -1e30, _F32)
            z_s[...] = jnp.zeros((nq, 1), _F32)

        p = p_ref[...].astype(_F32)
        ssum_t = p[0] + p[1]
        d = d_ref[...]
        deg = d[0, :, 0:1] + d[1, :, 0:1]
        mean = ssum_t / jnp.maximum(deg, 1.0)
        hh = _dott(mean, wl_ref[...]) + bl_ref[...] \
            + _dott(x_ref[...], wr_ref[...])
        et = _act(hh, layer, n_layers)
        et_ref[...] = et

        eqv = eq_s[...]
        sc = _dott(eqv, et)
        fm = mk_ref[...].astype(_F32)
        sc = sc * fm * isq + (-1e9) * (1.0 - fm)
        col = t * _TB + lax.broadcasted_iota(jnp.int32, sc.shape, 1)
        sc = jnp.where(col < nt, sc, -3e38)
        bm = jnp.max(sc, axis=1, keepdims=True)
        mold = m_s[...]
        mnew = jnp.maximum(mold, bm)
        z_s[...] = z_s[...] * jnp.exp(mold - mnew) \
            + jnp.sum(jnp.exp(sc - mnew), axis=1, keepdims=True)
        m_s[...] = mnew
        m_out[...] = mnew
        z_out[...] = z_s[...]

    qspec = [pl.BlockSpec((nq, 1), lambda t: (0, 0)),
             pl.BlockSpec((256, 128), lambda t: (0, 0))] if first \
        else [pl.BlockSpec((nq, 128), lambda t: (0, 0))]
    qargs = (qx_col, emb_pad) if first else (eq_prev,)
    return pl.pallas_call(
        body,
        grid=(ntp // _TB,),
        in_specs=[
            pl.BlockSpec((2, _TB, 128), lambda t: (0, t, 0)),
            pl.BlockSpec((2, _TB, 16), lambda t: (0, t, 0)),
            pl.BlockSpec((_TB, 128), lambda t: (t, 0)),
        ] + qspec + [
            pl.BlockSpec((eqn, 1), lambda t: (0, 0)),
            pl.BlockSpec((eqn, 1), lambda t: (0, 0)),
            pl.BlockSpec((128, 128), lambda t: (0, 0)),
            pl.BlockSpec((1, 128), lambda t: (0, 0)),
            pl.BlockSpec((128, 128), lambda t: (0, 0)),
            pl.BlockSpec((nq, _TB), lambda t: (0, t)),
        ],
        out_specs=[
            pl.BlockSpec((_TB, 128), lambda t: (t, 0)),
            pl.BlockSpec((nq, 128), lambda t: (0, 0)),
            pl.BlockSpec((nq, 1), lambda t: (0, 0)),
            pl.BlockSpec((nq, 1), lambda t: (0, 0)),
        ],
        out_shape=[
            jax.ShapeDtypeStruct((ntp, 128), _F32),
            jax.ShapeDtypeStruct((nq, 128), _F32),
            jax.ShapeDtypeStruct((nq, 1), _F32),
            jax.ShapeDtypeStruct((nq, 1), _F32),
        ],
        scratch_shapes=[pltpu.VMEM((nq, 128), _F32),
                        pltpu.VMEM((nq, 1), _F32),
                        pltpu.VMEM((nq, 1), _F32)],
    )(parts, degp, x, *qargs, qs_col, qd_col, wl, blv, wr, mask_p)


def _tc_att_acc(eq, et, mask_p, m, z, wn, vqw, vtw, nb, cw, acc,
                nt, ntp, nq, k_heads, with_stats):
    isq = 1.0 / math.sqrt(128.0)

    def body(*refs):
        if with_stats:
            (eq_ref, et_ref, mk_ref, m_ref, z_ref, wn_ref, vq_ref, vt_ref,
             nb_ref, cw_ref, ai_ref, ao_ref, m2_out, z2_out,
             t1_s, m2_s, z2_s) = refs
        else:
            (eq_ref, et_ref, mk_ref, m_ref, z_ref, wn_ref, vq_ref, vt_ref,
             nb_ref, cw_ref, ai_ref, ao_ref, t1_s) = refs
        t = pl.program_id(0)
        eqv = eq_ref[...]

        @pl.when(t == 0)
        def _():
            for k in range(k_heads):
                t1_s[k] = _dot(eqv, wn_ref[k])
            if with_stats:
                m2_s[...] = jnp.full((nq, 1), -1e30, _F32)
                z2_s[...] = jnp.zeros((nq, 1), _F32)

        etv = et_ref[...]
        sc = _dott(eqv, etv)
        fm = mk_ref[...].astype(_F32)
        sc = sc * fm * isq + (-1e9) * (1.0 - fm)
        col = t * _TB + lax.broadcasted_iota(jnp.int32, sc.shape, 1)
        sc = jnp.where(col < nt, sc, -3e38)
        att = jnp.exp(sc - m_ref[...]) / z_ref[...]
        vqa = _dott(eqv, vq_ref[...])
        vta = _dott(vt_ref[...], etv)
        nbv = nb_ref[...]
        cwv = cw_ref[...]
        contrib = None
        for k in range(k_heads):
            bil = _dott(t1_s[k], etv)
            ntn = jnp.maximum(bil + vqa[:, k:k + 1] + vta[k:k + 1, :]
                              + nbv[:, k:k + 1], 0.0)
            term = cwv[:, k:k + 1] * ntn
            contrib = term if contrib is None else contrib + term
        anew = ai_ref[...] + contrib * att
        ao_ref[...] = anew
        if with_stats:
            scf = jnp.where(col < nt, anew, -3e38)
            bm = jnp.max(scf, axis=1, keepdims=True)
            mold = m2_s[...]
            mnew = jnp.maximum(mold, bm)
            z2_s[...] = z2_s[...] * jnp.exp(mold - mnew) \
                + jnp.sum(jnp.exp(scf - mnew), axis=1, keepdims=True)
            m2_s[...] = mnew
            m2_out[...] = mnew
            z2_out[...] = z2_s[...]

    out_specs = [pl.BlockSpec((nq, _TB), lambda t: (0, t))]
    out_shape = [jax.ShapeDtypeStruct((nq, ntp), _F32)]
    scratch = [pltpu.VMEM((k_heads, nq, 128), _F32)]
    if with_stats:
        out_specs += [pl.BlockSpec((nq, 1), lambda t: (0, 0)),
                      pl.BlockSpec((nq, 1), lambda t: (0, 0))]
        out_shape += [jax.ShapeDtypeStruct((nq, 1), _F32),
                      jax.ShapeDtypeStruct((nq, 1), _F32)]
        scratch += [pltpu.VMEM((nq, 1), _F32), pltpu.VMEM((nq, 1), _F32)]
    return pl.pallas_call(
        body,
        grid=(ntp // _TB,),
        in_specs=[
            pl.BlockSpec((nq, 128), lambda t: (0, 0)),
            pl.BlockSpec((_TB, 128), lambda t: (t, 0)),
            pl.BlockSpec((nq, _TB), lambda t: (0, t)),
            pl.BlockSpec((nq, 1), lambda t: (0, 0)),
            pl.BlockSpec((nq, 1), lambda t: (0, 0)),
            pl.BlockSpec((k_heads, 128, 128), lambda t: (0, 0, 0)),
            pl.BlockSpec((k_heads, 128), lambda t: (0, 0)),
            pl.BlockSpec((k_heads, 128), lambda t: (0, 0)),
            pl.BlockSpec((1, k_heads), lambda t: (0, 0)),
            pl.BlockSpec((1, k_heads), lambda t: (0, 0)),
            pl.BlockSpec((nq, _TB), lambda t: (0, t)),
        ],
        out_specs=out_specs,
        out_shape=out_shape,
        scratch_shapes=scratch,
        input_output_aliases={10: 0},
    )(eq, et, mask_p, m, z, wn, vqw, vtw, nb, cw, acc)


def _tc_final_out(acc, m, z, ntp, nq):
    def body(a_ref, m_ref, z_ref, o_ref):
        o_ref[...] = jnp.exp(a_ref[...] - m_ref[...]) / z_ref[...]

    return pl.pallas_call(
        body,
        grid=(ntp // _TB,),
        in_specs=[
            pl.BlockSpec((nq, _TB), lambda t: (0, t)),
            pl.BlockSpec((nq, 1), lambda t: (0, 0)),
            pl.BlockSpec((nq, 1), lambda t: (0, 0)),
        ],
        out_specs=pl.BlockSpec((nq, _TB), lambda t: (0, t)),
        out_shape=jax.ShapeDtypeStruct((nq, ntp), _F32),
    )(acc, m, z)



def kernel(target_x, target_edge_index, query_x, query_edge_index, mask,
           emb, Wl, bl, Wr, ntn_W, ntn_V, ntn_b, conv_w, conv_b):
    nt = target_x.shape[0]
    nq = query_x.shape[0]
    et_n = target_edge_index.shape[1]
    eq_n = query_edge_index.shape[1]
    hdim = emb.shape[1]
    n_layers = Wl.shape[0]
    k_heads = ntn_W.shape[1]

    ntp = -(-nt // _TB) * _TB
    emb_pad = jnp.zeros((256, hdim), _F32).at[: emb.shape[0]].set(
        emb.astype(_F32))
    tx_col = jnp.pad(target_x.astype(jnp.int32).reshape(nt, 1),
                     ((0, ntp - nt), (0, 0)))
    qx_col = query_x.astype(jnp.int32).reshape(nq, 1)

    nch = -(-et_n // (_NW * _B))
    nch += nch % 2
    tot = _NW * nch * _B
    src = target_edge_index[0].astype(jnp.int32)
    dst = target_edge_index[1].astype(jnp.int32)
    src3 = jnp.concatenate(
        [src, jnp.zeros((tot - et_n,), jnp.int32)]).reshape(_NW, nch, _B)
    dst3 = jnp.concatenate(
        [dst, jnp.full((tot - et_n,), ntp, jnp.int32)]).reshape(_NW, nch, _B)

    zrows = jnp.zeros(((ntp + 16 * _NS) // _NS, hdim), _F32)
    z16 = jnp.zeros(((ntp + 16 * _NS) // _NS, 16), _F32)
    ones16 = jnp.ones((_B, 16), _F32)

    qs_col = query_edge_index[0].astype(jnp.int32).reshape(eq_n, 1)
    qd_col = query_edge_index[1].astype(jnp.int32).reshape(eq_n, 1)
    mask_p = jnp.pad(mask, ((0, 0), (0, ntp - nt)))

    vq_w = ntn_V[:, :, :hdim]
    vt_w = ntn_V[:, :, hdim:]

    x_t = _tc_embed(tx_col, emb_pad, ntp)
    x_q = None
    degp = _sc_deg(dst3, z16, ones16, ntp, nch)
    acc = jnp.zeros((nq, ntp), _F32)
    for l in range(n_layers):
        parts = _sc_segsum(x_t, src3, dst3, zrows, ntp, nch)
        x_t, x_q, m, z = _tc_layer_fused(
            parts, degp, x_t, x_q, qs_col, qd_col, Wl[l],
            bl[l].reshape(1, hdim), Wr[l], emb_pad, qx_col, mask_p,
            l, n_layers, nt, ntp, eq_n, nq)
        last = l == n_layers - 1
        res = _tc_att_acc(x_q, x_t, mask_p, m, z, ntn_W[l],
                          vq_w[l], vt_w[l], ntn_b[l].reshape(1, k_heads),
                          lax.dynamic_slice(conv_w, (l * k_heads,),
                                            (k_heads,)).reshape(1, k_heads),
                          acc, nt, ntp, nq, k_heads, last)
        if last:
            acc, m2, z2 = res
        else:
            acc, = res
    out = _tc_final_out(acc, m2, z2, ntp, nq)
    return out[:, :nt][None]

# --- scband reference (transcript-rebuilt; emitter-appended) ---
"""Pipeline reference for scband-sub-gmn-11699490914441 (READ-ONLY COPY).

The authoritative reference and input builder live on the scoring server;
editing this copy changes nothing except your own understanding.
"""

import jax, jax.numpy as jnp
import numpy as np

NT = 10000
NQ = 256
ET = 160000
EQ = 4096
NF = 128
H = 128
K = 4
L = 3


def setup_inputs(seed: int = 0):
    key = jax.random.key(seed)
    ks = jax.random.split(key, 16)
    inp = {}
    inp["target_x"] = jax.random.randint(ks[0], (NT,), 0, NF + 1)
    inp["target_edge_index"] = jax.random.randint(ks[1], (2, ET), 0, NT)
    inp["query_x"] = jax.random.randint(ks[2], (NQ,), 0, NF + 1)
    inp["query_edge_index"] = jax.random.randint(ks[3], (2, EQ), 0, NQ)
    inp["mask"] = jax.random.randint(ks[4], (NQ, NT), 0, 2).astype(bool)
    inp["emb"] = jax.random.normal(ks[5], (NF + 1, H), dtype=jnp.float32) * 0.02
    inp["Wl"] = jax.random.normal(ks[6], (L, H, H), dtype=jnp.float32) / np.sqrt(H)
    inp["bl"] = jnp.zeros((L, H), dtype=jnp.float32)
    inp["Wr"] = jax.random.normal(ks[7], (L, H, H), dtype=jnp.float32) / np.sqrt(H)
    inp["ntn_W"] = jax.random.normal(ks[8], (L, K, H, H), dtype=jnp.float32) * 0.02
    inp["ntn_V"] = jax.random.normal(ks[9], (L, K, 2 * H), dtype=jnp.float32) * 0.02
    inp["ntn_b"] = jnp.zeros((L, K), dtype=jnp.float32)
    inp["conv_w"] = jax.random.normal(ks[10], (K * L,), dtype=jnp.float32) * 0.1
    inp["conv_b"] = jnp.zeros((1,), dtype=jnp.float32)
    return inp


def _sage(x, ei, wl, b, wr, n):
    src = ei[0]
    dst = ei[1]
    s = jax.ops.segment_sum(x[src], dst, num_segments=n)
    deg = jax.ops.segment_sum(jnp.ones((ei.shape[1],), x.dtype), dst, num_segments=n)
    mean = s / jnp.maximum(deg, 1.0)[:, None]
    return mean @ wl.T + b + x @ wr.T


def _att(et, eq, mask):
    fmask = mask.astype(jnp.float32)
    att = eq @ et.T
    att = att * fmask
    att = att / (et.shape[1] ** 0.5)
    att = att + (-1e9) * (~mask).astype(jnp.float32)
    return jax.nn.softmax(att, axis=1)


def _ntn(et, eq, W, V, b):
    t1 = jnp.einsum('qd,kde->kqe', eq, W)
    bil = jnp.einsum('kqe,te->kqt', t1, et)
    vq = jnp.einsum('qd,kd->kq', eq, V[:, :H])
    vt = jnp.einsum('td,kd->kt', et, V[:, H:])
    return jax.nn.relu(bil + vq[:, :, None] + vt[:, None, :] + b[:, None, None])


def _forward(target_x, target_edge_index, query_x, query_edge_index, mask, emb, Wl, bl, Wr, ntn_W, ntn_V, ntn_b, conv_w, conv_b):
    et = emb[target_x]
    eq = emb[query_x]
    ops = []
    for i in range(L):
        et = _sage(et, target_edge_index, Wl[i], bl[i], Wr[i], NT)
        eq = _sage(eq, query_edge_index, Wl[i], bl[i], Wr[i], NQ)
        if i < L - 1:
            et = jax.nn.elu(et)
            eq = jax.nn.elu(eq)
        else:
            et = jax.nn.sigmoid(et)
            eq = jax.nn.sigmoid(eq)
        att = _att(et, eq, mask)
        ntn = _ntn(et, eq, ntn_W[i], ntn_V[i], ntn_b[i])
        ops.append(ntn * att[None])
    cat = jnp.concatenate(ops, axis=0)
    mm = jnp.einsum('c,cqt->qt', conv_w, cat) + conv_b[0]
    mm = jax.nn.softmax(mm, axis=1)
    return mm[None]


def reference(target_x, target_edge_index, query_x, query_edge_index, mask, emb, Wl, bl, Wr, ntn_W, ntn_V, ntn_b, conv_w, conv_b):
    return _forward(target_x, target_edge_index, query_x, query_edge_index, mask, emb, Wl, bl, Wr, ntn_W, ntn_V, ntn_b, conv_w, conv_b)

if __name__ == "__main__":
    import jax
    _d = setup_inputs()
    print(jax.jit(kernel)(*tuple(_d.values())))

</pallas_src>

<mosaic_0001>
#map = affine_map<(d0, d1) -> (0, 0, 0)>
#map1 = affine_map<(d0, d1) -> (0, 0)>
module attributes {stable_mosaic.version = 14 : i64} {
  func.func @body(%arg0: i32, %arg1: i32, %arg2: memref<32x40x128xi32, #tpu.memory_space<hbm>>, %arg3: memref<656x16xf32, #tpu.memory_space<hbm>>, %arg4: memref<128x16xf32, #tpu.memory_space<hbm>>, %arg5: memref<2x10240x16xf32, #tpu.memory_space<hbm>>, %arg6: memref<10496x16xf32, #tpu.memory_space<vmem_shared>>, %arg7: memref<40x128xi32, #tpu.memory_space<vmem>>, %arg8: memref<128x16xf32, #tpu.memory_space<vmem>>) attributes {dimension_semantics = [#tpu.dimension_semantics<core_parallel>, #tpu.dimension_semantics<subcore_parallel>], iteration_bounds = array<i64: 2, 16>, scalar_prefetch = 0 : i64, scratch_operands = 3 : i64, tpu.core_type = #tpu.core_type<sc_vector_subcore>, window_params = [{transform_indices = #map}, {transform_indices = #map1}, {transform_indices = #map1}, {transform_indices = #map}]} {
    %mul3A = arith.constant 2 : i32
    %mul3A_0 = arith.muli %arg1, %mul3A : i32
    %add3A = arith.addi %mul3A_0, %arg0 : i32
    "tpu.region"() ({
      %run_scoped3A = tpu.sem_alloc : memref<!tpu.dma_semaphore, #tpu.memory_space<semaphore_mem>>
      %dma_start3A = arith.constant 0 : i32
      %dma_start3A_13 = arith.constant 0 : i32
      %dma_start3A_14 = tpu.memref_slice %arg2[%add3A, %dma_start3A, %dma_start3A_13] : memref<32x40x128xi32, #tpu.memory_space<hbm>> -> memref<1x40x128xi32, #tpu.memory_space<hbm>>
      %dma_start3A_15 = tpu.memref_squeeze %dma_start3A_14 : memref<1x40x128xi32, #tpu.memory_space<hbm>> -> memref<40x128xi32, #tpu.memory_space<hbm>>
      %dma_start3A_16 = arith.constant 0 : i32
      %dma_start3A_17 = arith.constant 0 : i32
      %dma_start3A_18 = tpu.memref_slice %arg2[%add3A, %dma_start3A_16, %dma_start3A_17] : memref<32x40x128xi32, #tpu.memory_space<hbm>> -> memref<1x40x128xi32, #tpu.memory_space<hbm>>
      %dma_start3A_19 = tpu.memref_squeeze %dma_start3A_18 : memref<1x40x128xi32, #tpu.memory_space<hbm>> -> memref<40x128xi32, #tpu.memory_space<hbm>>
      tpu.enqueue_dma source(%dma_start3A_19 : memref<40x128xi32, #tpu.memory_space<hbm>>) target(%arg7 : memref<40x128xi32, #tpu.memory_space<vmem>>) target_semaphore(%run_scoped3A : memref<!tpu.dma_semaphore, #tpu.memory_space<semaphore_mem>>)
      %dma_wait3A = arith.constant 0 : i32
      %dma_wait3A_20 = arith.constant 0 : i32
      %dma_wait3A_21 = tpu.memref_slice %arg2[%add3A, %dma_wait3A, %dma_wait3A_20] : memref<32x40x128xi32, #tpu.memory_space<hbm>> -> memref<1x40x128xi32, #tpu.memory_space<hbm>>
      %dma_wait3A_22 = tpu.memref_squeeze %dma_wait3A_21 : memref<1x40x128xi32, #tpu.memory_space<hbm>> -> memref<40x128xi32, #tpu.memory_space<hbm>>
      %dma_wait3A_23 = arith.constant 0 : i32
      %dma_wait3A_24 = arith.constant 0 : i32
      %dma_wait3A_25 = tpu.memref_slice %arg2[%add3A, %dma_wait3A_23, %dma_wait3A_24] : memref<32x40x128xi32, #tpu.memory_space<hbm>> -> memref<1x40x128xi32, #tpu.memory_space<hbm>>
      %dma_wait3A_26 = tpu.memref_squeeze %dma_wait3A_25 : memref<1x40x128xi32, #tpu.memory_space<hbm>> -> memref<40x128xi32, #tpu.memory_space<hbm>>
      tpu.wait_dma2 semaphore(%run_scoped3A : memref<!tpu.dma_semaphore, #tpu.memory_space<semaphore_mem>>) src(%dma_wait3A_26 : memref<40x128xi32, #tpu.memory_space<hbm>>) dst(%arg7 : memref<40x128xi32, #tpu.memory_space<vmem>>)
      tpu.yield
    }) : () -> ()
    "tpu.region"() ({
      %run_scoped3A = tpu.sem_alloc : memref<!tpu.dma_semaphore, #tpu.memory_space<semaphore_mem>>
      tpu.enqueue_dma source(%arg4 : memref<128x16xf32, #tpu.memory_space<hbm>>) target(%arg8 : memref<128x16xf32, #tpu.memory_space<vmem>>) target_semaphore(%run_scoped3A : memref<!tpu.dma_semaphore, #tpu.memory_space<semaphore_mem>>)
      tpu.wait_dma2 semaphore(%run_scoped3A : memref<!tpu.dma_semaphore, #tpu.memory_space<semaphore_mem>>) src(%arg4 : memref<128x16xf32, #tpu.memory_space<hbm>>) dst(%arg8 : memref<128x16xf32, #tpu.memory_space<vmem>>)
      tpu.yield
    }) : () -> ()
    %mul3A_1 = arith.constant 656 : i32
    %mul3A_2 = arith.muli %arg1, %mul3A_1 : i32
    "tpu.region"() ({
      %run_scoped3A = tpu.sem_alloc : memref<!tpu.dma_semaphore, #tpu.memory_space<semaphore_mem>>
      %dma_start3A = arith.constant 0 : i32
      %dma_start3A_13 = tpu.memref_slice %arg6[%mul3A_2, %dma_start3A] : memref<10496x16xf32, #tpu.memory_space<vmem_shared>> -> memref<656x16xf32, #tpu.memory_space<vmem_shared>>
      tpu.enqueue_dma source(%arg3 : memref<656x16xf32, #tpu.memory_space<hbm>>) target(%dma_start3A_13 : memref<656x16xf32, #tpu.memory_space<vmem_shared>>) target_semaphore(%run_scoped3A : memref<!tpu.dma_semaphore, #tpu.memory_space<semaphore_mem>>)
      %dma_wait3A = arith.constant 0 : i32
      %dma_wait3A_14 = tpu.memref_slice %arg6[%mul3A_2, %dma_wait3A] : memref<10496x16xf32, #tpu.memory_space<vmem_shared>> -> memref<656x16xf32, #tpu.memory_space<vmem_shared>>
      tpu.wait_dma2 semaphore(%run_scoped3A : memref<!tpu.dma_semaphore, #tpu.memory_space<semaphore_mem>>) src(%arg3 : memref<656x16xf32, #tpu.memory_space<hbm>>) dst(%dma_wait3A_14 : memref<656x16xf32, #tpu.memory_space<vmem_shared>>)
      tpu.yield
    }) : () -> ()
    %barrier3A = arith.constant 0 : index
    tpu.barrier barrier_id(%barrier3A)
    %scan3A = arith.constant 0 : i32
    %scan3A_3 = arith.constant 0 : i32
    %scan3A_4 = arith.constant 40 : i32
    %scan3A_5 = arith.addi %scan3A_3, %scan3A_4 : i32
    %scan3A_6 = arith.constant 1 : i32
    scf.for %scan3A_13 = %scan3A_3 to %scan3A_5 step %scan3A_6  : i32 {
      "tpu.region"() ({
        %run_scoped3A = tpu.sem_alloc : memref<!tpu.dma_semaphore, #tpu.memory_space<semaphore_mem>>
        %dma_start3A = arith.constant 0 : i32
        %dma_start3A_14 = tpu.memref_slice %arg7[%scan3A_13, %dma_start3A] : memref<40x128xi32, #tpu.memory_space<vmem>> -> memref<1x128xi32, #tpu.memory_space<vmem>>
        %dma_start3A_15 = tpu.memref_squeeze %dma_start3A_14 : memref<1x128xi32, #tpu.memory_space<vmem>> -> memref<128xi32, #tpu.memory_space<vmem>>
        %dma_start3A_16 = arith.constant 0 : i32
        %dma_start3A_17 = arith.constant 0 : i32
        %dma_start3A_18 = tpu.memref_slice %arg6[%dma_start3A_16, %dma_start3A_17] : memref<10496x16xf32, #tpu.memory_space<vmem_shared>> -> memref<10496x16xf32, #tpu.memory_space<vmem_shared>>
        tpu.enqueue_indirect_dma source(%arg8 : memref<128x16xf32, #tpu.memory_space<vmem>>) target(%dma_start3A_18 : memref<10496x16xf32, #tpu.memory_space<vmem_shared>>) offsets(%dma_start3A_15 : memref<128xi32, #tpu.memory_space<vmem>>) semaphore(%run_scoped3A : memref<!tpu.dma_semaphore, #tpu.memory_space<semaphore_mem>>) {add = true}
        %dma_wait3A = arith.constant 0 : i32
        %dma_wait3A_19 = tpu.memref_slice %arg7[%scan3A_13, %dma_wait3A] : memref<40x128xi32, #tpu.memory_space<vmem>> -> memref<1x128xi32, #tpu.memory_space<vmem>>
        %dma_wait3A_20 = tpu.memref_squeeze %dma_wait3A_19 : memref<1x128xi32, #tpu.memory_space<vmem>> -> memref<128xi32, #tpu.memory_space<vmem>>
        %dma_wait3A_21 = arith.constant 0 : i32
        %dma_wait3A_22 = arith.constant 0 : i32
        %dma_wait3A_23 = tpu.memref_slice %arg6[%dma_wait3A_21, %dma_wait3A_22] : memref<10496x16xf32, #tpu.memory_space<vmem_shared>> -> memref<10496x16xf32, #tpu.memory_space<vmem_shared>>
        tpu.wait_indirect_dma semaphore(%run_scoped3A : memref<!tpu.dma_semaphore, #tpu.memory_space<semaphore_mem>>) src(%arg8 : memref<128x16xf32, #tpu.memory_space<vmem>>) dst(%dma_wait3A_23 : memref<10496x16xf32, #tpu.memory_space<vmem_shared>>)
        tpu.yield
      }) : () -> ()
    }
    %scan3A_7 = arith.constant 40 : i32
    %barrier3A_8 = arith.constant 0 : index
    tpu.barrier barrier_id(%barrier3A_8)
    %mul3A_9 = arith.constant 640 : i32
    %mul3A_10 = arith.muli %arg1, %mul3A_9 : i32
    %mul3A_11 = arith.constant 640 : i32
    %mul3A_12 = arith.muli %arg1, %mul3A_11 : i32
    "tpu.region"() ({
      %run_scoped3A = tpu.sem_alloc : memref<!tpu.dma_semaphore, #tpu.memory_space<semaphore_mem>>
      %dma_start3A = arith.constant 0 : i32
      %dma_start3A_13 = tpu.memref_slice %arg5[%arg0, %mul3A_12, %dma_start3A] : memref<2x10240x16xf32, #tpu.memory_space<hbm>> -> memref<1x640x16xf32, #tpu.memory_space<hbm>>
      %dma_start3A_14 = tpu.memref_squeeze %dma_start3A_13 : memref<1x640x16xf32, #tpu.memory_space<hbm>> -> memref<640x16xf32, #tpu.memory_space<hbm>>
      %dma_start3A_15 = arith.constant 0 : i32
      %dma_start3A_16 = tpu.memref_slice %arg6[%mul3A_10, %dma_start3A_15] : memref<10496x16xf32, #tpu.memory_space<vmem_shared>> -> memref<640x16xf32, #tpu.memory_space<vmem_shared>>
      tpu.enqueue_dma source(%dma_start3A_16 : memref<640x16xf32, #tpu.memory_space<vmem_shared>>) target(%dma_start3A_14 : memref<640x16xf32, #tpu.memory_space<hbm>>) target_semaphore(%run_scoped3A : memref<!tpu.dma_semaphore, #tpu.memory_space<semaphore_mem>>)
      %dma_wait3A = arith.constant 0 : i32
      %dma_wait3A_17 = tpu.memref_slice %arg5[%arg0, %mul3A_12, %dma_wait3A] : memref<2x10240x16xf32, #tpu.memory_space<hbm>> -> memref<1x640x16xf32, #tpu.memory_space<hbm>>
      %dma_wait3A_18 = tpu.memref_squeeze %dma_wait3A_17 : memref<1x640x16xf32, #tpu.memory_space<hbm>> -> memref<640x16xf32, #tpu.memory_space<hbm>>
      %dma_wait3A_19 = arith.constant 0 : i32
      %dma_wait3A_20 = tpu.memref_slice %arg6[%mul3A_10, %dma_wait3A_19] : memref<10496x16xf32, #tpu.memory_space<vmem_shared>> -> memref<640x16xf32, #tpu.memory_space<vmem_shared>>
      tpu.wait_dma2 semaphore(%run_scoped3A : memref<!tpu.dma_semaphore, #tpu.memory_space<semaphore_mem>>) src(%dma_wait3A_20 : memref<640x16xf32, #tpu.memory_space<vmem_shared>>) dst(%dma_wait3A_18 : memref<640x16xf32, #tpu.memory_space<hbm>>)
      tpu.yield
    }) : () -> ()
    return
  }
}

#map = affine_map<(d0, d1) -> (0, 0)>
#map1 = affine_map<(d0, d1) -> (0, 0, 0)>
module attributes {stable_mosaic.version = 14 : i64} {
  func.func @body(%arg0: i32, %arg1: i32, %arg2: memref<10240x128xf32, #tpu.memory_space<hbm>>, %arg3: memref<32x40x128xi32, #tpu.memory_space<hbm>>, %arg4: memref<32x40x128xi32, #tpu.memory_space<hbm>>, %arg5: memref<656x128xf32, #tpu.memory_space<hbm>>, %arg6: memref<2x10240x128xf32, #tpu.memory_space<hbm>>, %arg7: memref<10496x128xf32, #tpu.memory_space<vmem_shared>>, %arg8: memref<40x128xi32, #tpu.memory_space<vmem>>, %arg9: memref<40x128xi32, #tpu.memory_space<vmem>>, %arg10: memref<2x128x128xf32, #tpu.memory_space<vmem>>, %arg11: memref<!tpu.dma_semaphore, #tpu.memory_space<semaphore_mem>>, %arg12: memref<!tpu.dma_semaphore, #tpu.memory_space<semaphore_mem>>, %arg13: memref<!tpu.dma_semaphore, #tpu.memory_space<semaphore_mem>>, %arg14: memref<!tpu.dma_semaphore, #tpu.memory_space<semaphore_mem>>) attributes {dimension_semantics = [#tpu.dimension_semantics<core_parallel>, #tpu.dimension_semantics<subcore_parallel>], iteration_bounds = array<i64: 2, 16>, scalar_prefetch = 0 : i64, scratch_operands = 8 : i64, tpu.core_type = #tpu.core_type<sc_vector_subcore>, window_params = [{transform_indices = #map}, {transform_indices = #map1}, {transform_indices = #map1}, {transform_indices = #map}, {transform_indices = #map1}]} {
    %mul3A = arith.constant 2 : i32
    %mul3A_0 = arith.muli %arg1, %mul3A : i32
    %add3A = arith.addi %mul3A_0, %arg0 : i32
    "tpu.region"() ({
      %run_scoped3A = tpu.sem_alloc : memref<!tpu.dma_semaphore, #tpu.memory_space<semaphore_mem>>
      %dma_start3A_107 = arith.constant 0 : i32
      %dma_start3A_108 = arith.constant 0 : i32
      %dma_start3A_109 = tpu.memref_slice %arg3[%add3A, %dma_start3A_107, %dma_start3A_108] : memref<32x40x128xi32, #tpu.memory_space<hbm>> -> memref<1x40x128xi32, #tpu.memory_space<hbm>>
      %dma_start3A_110 = tpu.memref_squeeze %dma_start3A_109 : memref<1x40x128xi32, #tpu.memory_space<hbm>> -> memref<40x128xi32, #tpu.memory_space<hbm>>
      %dma_start3A_111 = arith.constant 0 : i32
      %dma_start3A_112 = arith.constant 0 : i32
      %dma_start3A_113 = tpu.memref_slice %arg3[%add3A, %dma_start3A_111, %dma_start3A_112] : memref<32x40x128xi32, #tpu.memory_space<hbm>> -> memref<1x40x128xi32, #tpu.memory_space<hbm>>
      %dma_start3A_114 = tpu.memref_squeeze %dma_start3A_113 : memref<1x40x128xi32, #tpu.memory_space<hbm>> -> memref<40x128xi32, #tpu.memory_space<hbm>>
      tpu.enqueue_dma source(%dma_start3A_114 : memref<40x128xi32, #tpu.memory_space<hbm>>) target(%arg8 : memref<40x128xi32, #tpu.memory_space<vmem>>) target_semaphore(%run_scoped3A : memref<!tpu.dma_semaphore, #tpu.memory_space<semaphore_mem>>)
      %dma_wait3A_115 = arith.constant 0 : i32
      %dma_wait3A_116 = arith.constant 0 : i32
      %dma_wait3A_117 = tpu.memref_slice %arg3[%add3A, %dma_wait3A_115, %dma_wait3A_116] : memref<32x40x128xi32, #tpu.memory_space<hbm>> -> memref<1x40x128xi32, #tpu.memory_space<hbm>>
      %dma_wait3A_118 = tpu.memref_squeeze %dma_wait3A_117 : memref<1x40x128xi32, #tpu.memory_space<hbm>> -> memref<40x128xi32, #tpu.memory_space<hbm>>
      %dma_wait3A_119 = arith.constant 0 : i32
      %dma_wait3A_120 = arith.constant 0 : i32
      %dma_wait3A_121 = tpu.memref_slice %arg3[%add3A, %dma_wait3A_119, %dma_wait3A_120] : memref<32x40x128xi32, #tpu.memory_space<hbm>> -> memref<1x40x128xi32, #tpu.memory_space<hbm>>
      %dma_wait3A_122 = tpu.memref_squeeze %dma_wait3A_121 : memref<1x40x128xi32, #tpu.memory_space<hbm>> -> memref<40x128xi32, #tpu.memory_space<hbm>>
      tpu.wait_dma2 semaphore(%run_scoped3A : memref<!tpu.dma_semaphore, #tpu.memory_space<semaphore_mem>>) src(%dma_wait3A_122 : memref<40x128xi32, #tpu.memory_space<hbm>>) dst(%arg8 : memref<40x128xi32, #tpu.memory_space<vmem>>)
      tpu.yield
    }) : () -> ()
    "tpu.region"() ({
      %run_scoped3A = tpu.sem_alloc : memref<!tpu.dma_semaphore, #tpu.memory_space<semaphore_mem>>
      %dma_start3A_107 = arith.constant 0 : i32
      %dma_start3A_108 = arith.constant 0 : i32
      %dma_start3A_109 = tpu.memref_slice %arg4[%add3A, %dma_start3A_107, %dma_start3A_108] : memref<32x40x128xi32, #tpu.memory_space<hbm>> -> memref<1x40x128xi32, #tpu.memory_space<hbm>>
      %dma_start3A_110 = tpu.memref_squeeze %dma_start3A_109 : memref<1x40x128xi32, #tpu.memory_space<hbm>> -> memref<40x128xi32, #tpu.memory_space<hbm>>
      %dma_start3A_111 = arith.constant 0 : i32
      %dma_start3A_112 = arith.constant 0 : i32
      %dma_start3A_113 = tpu.memref_slice %arg4[%add3A, %dma_start3A_111, %dma_start3A_112] : memref<32x40x128xi32, #tpu.memory_space<hbm>> -> memref<1x40x128xi32, #tpu.memory_space<hbm>>
      %dma_start3A_114 = tpu.memref_squeeze %dma_start3A_113 : memref<1x40x128xi32, #tpu.memory_space<hbm>> -> memref<40x128xi32, #tpu.memory_space<hbm>>
      tpu.enqueue_dma source(%dma_start3A_114 : memref<40x128xi32, #tpu.memory_space<hbm>>) target(%arg9 : memref<40x128xi32, #tpu.memory_space<vmem>>) target_semaphore(%run_scoped3A : memref<!tpu.dma_semaphore, #tpu.memory_space<semaphore_mem>>)
      %dma_wait3A_115 = arith.constant 0 : i32
      %dma_wait3A_116 = arith.constant 0 : i32
      %dma_wait3A_117 = tpu.memref_slice %arg4[%add3A, %dma_wait3A_115, %dma_wait3A_116] : memref<32x40x128xi32, #tpu.memory_space<hbm>> -> memref<1x40x128xi32, #tpu.memory_space<hbm>>
      %dma_wait3A_118 = tpu.memref_squeeze %dma_wait3A_117 : memref<1x40x128xi32, #tpu.memory_space<hbm>> -> memref<40x128xi32, #tpu.memory_space<hbm>>
      %dma_wait3A_119 = arith.constant 0 : i32
      %dma_wait3A_120 = arith.constant 0 : i32
      %dma_wait3A_121 = tpu.memref_slice %arg4[%add3A, %dma_wait3A_119, %dma_wait3A_120] : memref<32x40x128xi32, #tpu.memory_space<hbm>> -> memref<1x40x128xi32, #tpu.memory_space<hbm>>
      %dma_wait3A_122 = tpu.memref_squeeze %dma_wait3A_121 : memref<1x40x128xi32, #tpu.memory_space<hbm>> -> memref<40x128xi32, #tpu.memory_space<hbm>>
      tpu.wait_dma2 semaphore(%run_scoped3A : memref<!tpu.dma_semaphore, #tpu.memory_space<semaphore_mem>>) src(%dma_wait3A_122 : memref<40x128xi32, #tpu.memory_space<hbm>>) dst(%arg9 : memref<40x128xi32, #tpu.memory_space<vmem>>)
      tpu.yield
    }) : () -> ()
    %dma_start3A = arith.constant 0 : i32
    %dma_start3A_1 = arith.constant 0 : i32
    %dma_start3A_2 = arith.constant 0 : i32
    %dma_start3A_3 = arith.constant 0 : i32
    %dma_start3A_4 = tpu.memref_slice %arg10[%dma_start3A_1, %dma_start3A_2, %dma_start3A_3] : memref<2x128x128xf32, #tpu.memory_space<vmem>> -> memref<1x128x128xf32, #tpu.memory_space<vmem>>
    %dma_start3A_5 = tpu.memref_squeeze %dma_start3A_4 : memref<1x128x128xf32, #tpu.memory_space<vmem>> -> memref<128x128xf32, #tpu.memory_space<vmem>>
    %dma_start3A_6 = arith.constant 0 : i32
    %dma_start3A_7 = tpu.memref_slice %arg8[%dma_start3A, %dma_start3A_6] : memref<40x128xi32, #tpu.memory_space<vmem>> -> memref<1x128xi32, #tpu.memory_space<vmem>>
    %dma_start3A_8 = tpu.memref_squeeze %dma_start3A_7 : memref<1x128xi32, #tpu.memory_space<vmem>> -> memref<128xi32, #tpu.memory_space<vmem>>
    %dma_start3A_9 = arith.constant 0 : i32
    %dma_start3A_10 = arith.constant 0 : i32
    %dma_start3A_11 = tpu.memref_slice %arg2[%dma_start3A_9, %dma_start3A_10] : memref<10240x128xf32, #tpu.memory_space<hbm>> -> memref<10240x128xf32, #tpu.memory_space<hbm>>
    tpu.enqueue_indirect_dma source(%dma_start3A_11 : memref<10240x128xf32, #tpu.memory_space<hbm>>) target(%dma_start3A_5 : memref<128x128xf32, #tpu.memory_space<vmem>>) offsets(%dma_start3A_8 : memref<128xi32, #tpu.memory_space<vmem>>) semaphore(%arg11 : memref<!tpu.dma_semaphore, #tpu.memory_space<semaphore_mem>>)
    %dma_start3A_12 = arith.constant 1 : i32
    %dma_start3A_13 = arith.constant 1 : i32
    %dma_start3A_14 = arith.constant 0 : i32
    %dma_start3A_15 = arith.constant 0 : i32
    %dma_start3A_16 = tpu.memref_slice %arg10[%dma_start3A_13, %dma_start3A_14, %dma_start3A_15] : memref<2x128x128xf32, #tpu.memory_space<vmem>> -> memref<1x128x128xf32, #tpu.memory_space<vmem>>
    %dma_start3A_17 = tpu.memref_squeeze %dma_start3A_16 : memref<1x128x128xf32, #tpu.memory_space<vmem>> -> memref<128x128xf32, #tpu.memory_space<vmem>>
    %dma_start3A_18 = arith.constant 0 : i32
    %dma_start3A_19 = tpu.memref_slice %arg8[%dma_start3A_12, %dma_start3A_18] : memref<40x128xi32, #tpu.memory_space<vmem>> -> memref<1x128xi32, #tpu.memory_space<vmem>>
    %dma_start3A_20 = tpu.memref_squeeze %dma_start3A_19 : memref<1x128xi32, #tpu.memory_space<vmem>> -> memref<128xi32, #tpu.memory_space<vmem>>
    %dma_start3A_21 = arith.constant 0 : i32
    %dma_start3A_22 = arith.constant 0 : i32
    %dma_start3A_23 = tpu.memref_slice %arg2[%dma_start3A_21, %dma_start3A_22] : memref<10240x128xf32, #tpu.memory_space<hbm>> -> memref<10240x128xf32, #tpu.memory_space<hbm>>
    tpu.enqueue_indirect_dma source(%dma_start3A_23 : memref<10240x128xf32, #tpu.memory_space<hbm>>) target(%dma_start3A_17 : memref<128x128xf32, #tpu.memory_space<vmem>>) offsets(%dma_start3A_20 : memref<128xi32, #tpu.memory_space<vmem>>) semaphore(%arg12 : memref<!tpu.dma_semaphore, #tpu.memory_space<semaphore_mem>>)
    %mul3A_24 = arith.constant 656 : i32
    %mul3A_25 = arith.muli %arg1, %mul3A_24 : i32
    "tpu.region"() ({
      %run_scoped3A = tpu.sem_alloc : memref<!tpu.dma_semaphore, #tpu.memory_space<semaphore_mem>>
      %dma_start3A_107 = arith.constant 0 : i32
      %dma_start3A_108 = tpu.memref_slice %arg7[%mul3A_25, %dma_start3A_107] : memref<10496x128xf32, #tpu.memory_space<vmem_shared>> -> memref<656x128xf32, #tpu.memory_space<vmem_shared>>
      tpu.enqueue_dma source(%arg5 : memref<656x128xf32, #tpu.memory_space<hbm>>) target(%dma_start3A_108 : memref<656x128xf32, #tpu.memory_space<vmem_shared>>) target_semaphore(%run_scoped3A : memref<!tpu.dma_semaphore, #tpu.memory_space<semaphore_mem>>)
      %dma_wait3A_109 = arith.constant 0 : i32
      %dma_wait3A_110 = tpu.memref_slice %arg7[%mul3A_25, %dma_wait3A_109] : memref<10496x128xf32, #tpu.memory_space<vmem_shared>> -> memref<656x128xf32, #tpu.memory_space<vmem_shared>>
      tpu.wait_dma2 semaphore(%run_scoped3A : memref<!tpu.dma_semaphore, #tpu.memory_space<semaphore_mem>>) src(%arg5 : memref<656x128xf32, #tpu.memory_space<hbm>>) dst(%dma_wait3A_110 : memref<656x128xf32, #tpu.memory_space<vmem_shared>>)
      tpu.yield
    }) : () -> ()
    %barrier3A = arith.constant 0 : index
    tpu.barrier barrier_id(%barrier3A)
    %scan3A = arith.constant 0 : i32
    %scan3A_26 = arith.constant 0 : i32
    %scan3A_27 = arith.constant 19 : i32
    %scan3A_28 = arith.addi %scan3A_26, %scan3A_27 : i32
    %scan3A_29 = arith.constant 1 : i32
    scf.for %scan3A_107 = %scan3A_26 to %scan3A_28 step %scan3A_29  : i32 {
      %mul3A_108 = arith.constant 2 : i32
      %mul3A_109 = arith.muli %scan3A_107, %mul3A_108 : i32
      %add3A_110 = arith.constant 0 : i32
      %add3A_111 = arith.addi %mul3A_109, %add3A_110 : i32
      %dma_wait3A_112 = arith.constant 0 : i32
      %dma_wait3A_113 = arith.constant 0 : i32
      %dma_wait3A_114 = arith.constant 0 : i32
      %dma_wait3A_115 = tpu.memref_slice %arg10[%dma_wait3A_112, %dma_wait3A_113, %dma_wait3A_114] : memref<2x128x128xf32, #tpu.memory_space<vmem>> -> memref<1x128x128xf32, #tpu.memory_space<vmem>>
      %dma_wait3A_116 = tpu.memref_squeeze %dma_wait3A_115 : memref<1x128x128xf32, #tpu.memory_space<vmem>> -> memref<128x128xf32, #tpu.memory_space<vmem>>
      %dma_wait3A_117 = arith.constant 0 : i32
      %dma_wait3A_118 = tpu.memref_slice %arg8[%add3A_111, %dma_wait3A_117] : memref<40x128xi32, #tpu.memory_space<vmem>> -> memref<1x128xi32, #tpu.memory_space<vmem>>
      %dma_wait3A_119 = tpu.memref_squeeze %dma_wait3A_118 : memref<1x128xi32, #tpu.memory_space<vmem>> -> memref<128xi32, #tpu.memory_space<vmem>>
      %dma_wait3A_120 = arith.constant 0 : i32
      %dma_wait3A_121 = arith.constant 0 : i32
      %dma_wait3A_122 = tpu.memref_slice %arg2[%dma_wait3A_120, %dma_wait3A_121] : memref<10240x128xf32, #tpu.memory_space<hbm>> -> memref<10240x128xf32, #tpu.memory_space<hbm>>
      tpu.wait_indirect_dma semaphore(%arg11 : memref<!tpu.dma_semaphore, #tpu.memory_space<semaphore_mem>>) src(%dma_wait3A_122 : memref<10240x128xf32, #tpu.memory_space<hbm>>) dst(%dma_wait3A_116 : memref<128x128xf32, #tpu.memory_space<vmem>>)
      %dma_start3A_123 = arith.constant 0 : i32
      %dma_start3A_124 = arith.constant 0 : i32
      %dma_start3A_125 = arith.constant 0 : i32
      %dma_start3A_126 = tpu.memref_slice %arg10[%dma_start3A_123, %dma_start3A_124, %dma_start3A_125] : memref<2x128x128xf32, #tpu.memory_space<vmem>> -> memref<1x128x128xf32, #tpu.memory_space<vmem>>
      %dma_start3A_127 = tpu.memref_squeeze %dma_start3A_126 : memref<1x128x128xf32, #tpu.memory_space<vmem>> -> memref<128x128xf32, #tpu.memory_space<vmem>>
      %dma_start3A_128 = arith.constant 0 : i32
      %dma_start3A_129 = tpu.memref_slice %arg9[%add3A_111, %dma_start3A_128] : memref<40x128xi32, #tpu.memory_space<vmem>> -> memref<1x128xi32, #tpu.memory_space<vmem>>
      %dma_start3A_130 = tpu.memref_squeeze %dma_start3A_129 : memref<1x128xi32, #tpu.memory_space<vmem>> -> memref<128xi32, #tpu.memory_space<vmem>>
      %dma_start3A_131 = arith.constant 0 : i32
      %dma_start3A_132 = arith.constant 0 : i32
      %dma_start3A_133 = tpu.memref_slice %arg7[%dma_start3A_131, %dma_start3A_132] : memref<10496x128xf32, #tpu.memory_space<vmem_shared>> -> memref<10496x128xf32, #tpu.memory_space<vmem_shared>>
      tpu.enqueue_indirect_dma source(%dma_start3A_127 : memref<128x128xf32, #tpu.memory_space<vmem>>) target(%dma_start3A_133 : memref<10496x128xf32, #tpu.memory_space<vmem_shared>>) offsets(%dma_start3A_130 : memref<128xi32, #tpu.memory_space<vmem>>) semaphore(%arg13 : memref<!tpu.dma_semaphore, #tpu.memory_space<semaphore_mem>>) {add = true}
      %mul3A_134 = arith.constant 2 : i32
      %mul3A_135 = arith.muli %scan3A_107, %mul3A_134 : i32
      %add3A_136 = arith.constant 1 : i32
      %add3A_137 = arith.addi %mul3A_135, %add3A_136 : i32
      %dma_wait3A_138 = arith.constant 1 : i32
      %dma_wait3A_139 = arith.constant 0 : i32
      %dma_wait3A_140 = arith.constant 0 : i32
      %dma_wait3A_141 = tpu.memref_slice %arg10[%dma_wait3A_138, %dma_wait3A_139, %dma_wait3A_140] : memref<2x128x128xf32, #tpu.memory_space<vmem>> -> memref<1x128x128xf32, #tpu.memory_space<vmem>>
      %dma_wait3A_142 = tpu.memref_squeeze %dma_wait3A_141 : memref<1x128x128xf32, #tpu.memory_space<vmem>> -> memref<128x128xf32, #tpu.memory_space<vmem>>
      %dma_wait3A_143 = arith.constant 0 : i32
      %dma_wait3A_144 = tpu.memref_slice %arg8[%add3A_137, %dma_wait3A_143] : memref<40x128xi32, #tpu.memory_space<vmem>> -> memref<1x128xi32, #tpu.memory_space<vmem>>
      %dma_wait3A_145 = tpu.memref_squeeze %dma_wait3A_144 : memref<1x128xi32, #tpu.memory_space<vmem>> -> memref<128xi32, #tpu.memory_space<vmem>>
      %dma_wait3A_146 = arith.constant 0 : i32
      %dma_wait3A_147 = arith.constant 0 : i32
      %dma_wait3A_148 = tpu.memref_slice %arg2[%dma_wait3A_146, %dma_wait3A_147] : memref<10240x128xf32, #tpu.memory_space<hbm>> -> memref<10240x128xf32, #tpu.memory_space<hbm>>
      tpu.wait_indirect_dma semaphore(%arg12 : memref<!tpu.dma_semaphore, #tpu.memory_space<semaphore_mem>>) src(%dma_wait3A_148 : memref<10240x128xf32, #tpu.memory_space<hbm>>) dst(%dma_wait3A_142 : memref<128x128xf32, #tpu.memory_space<vmem>>)
      %dma_start3A_149 = arith.constant 1 : i32
      %dma_start3A_150 = arith.constant 0 : i32
      %dma_start3A_151 = arith.constant 0 : i32
      %dma_start3A_152 = tpu.memref_slice %arg10[%dma_start3A_149, %dma_start3A_150, %dma_start3A_151] : memref<2x128x128xf32, #tpu.memory_space<vmem>> -> memref<1x128x128xf32, #tpu.memory_space<vmem>>
      %dma_start3A_153 = tpu.memref_squeeze %dma_start3A_152 : memref<1x128x128xf32, #tpu.memory_space<vmem>> -> memref<128x128xf32, #tpu.memory_space<vmem>>
      %dma_start3A_154 = arith.constant 0 : i32
      %dma_start3A_155 = tpu.memref_slice %arg9[%add3A_137, %dma_start3A_154] : memref<40x128xi32, #tpu.memory_space<vmem>> -> memref<1x128xi32, #tpu.memory_space<vmem>>
      %dma_start3A_156 = tpu.memref_squeeze %dma_start3A_155 : memref<1x128xi32, #tpu.memory_space<vmem>> -> memref<128xi32, #tpu.memory_space<vmem>>
      %dma_start3A_157 = arith.constant 0 : i32
      %dma_start3A_158 = arith.constant 0 : i32
      %dma_start3A_159 = tpu.memref_slice %arg7[%dma_start3A_157, %dma_start3A_158] : memref<10496x128xf32, #tpu.memory_space<vmem_shared>> -> memref<10496x128xf32, #tpu.memory_space<vmem_shared>>
      tpu.enqueue_indirect_dma source(%dma_start3A_153 : memref<128x128xf32, #tpu.memory_space<vmem>>) target(%dma_start3A_159 : memref<10496x128xf32, #tpu.memory_space<vmem_shared>>) offsets(%dma_start3A_156 : memref<128xi32, #tpu.memory_space<vmem>>) semaphore(%arg14 : memref<!tpu.dma_semaphore, #tpu.memory_space<semaphore_mem>>) {add = true}
      %mul3A_160 = arith.constant 2 : i32
      %mul3A_161 = arith.muli %scan3A_107, %mul3A_160 : i32
      %add3A_162 = arith.constant 0 : i32
      %add3A_163 = arith.addi %mul3A_161, %add3A_162 : i32
      %add3A_164 = arith.constant 2 : i32
      %add3A_165 = arith.addi %add3A_163, %add3A_164 : i32
      %dma_wait3A_166 = arith.constant 0 : i32
      %dma_wait3A_167 = arith.constant 0 : i32
      %dma_wait3A_168 = arith.constant 0 : i32
      %dma_wait3A_169 = arith.constant 0 : i32
      %dma_wait3A_170 = tpu.memref_slice %arg10[%dma_wait3A_166, %dma_wait3A_168, %dma_wait3A_169] : memref<2x128x128xf32, #tpu.memory_space<vmem>> -> memref<1x128x128xf32, #tpu.memory_space<vmem>>
      %dma_wait3A_171 = tpu.memref_squeeze %dma_wait3A_170 : memref<1x128x128xf32, #tpu.memory_space<vmem>> -> memref<128x128xf32, #tpu.memory_space<vmem>>
      %dma_wait3A_172 = arith.constant 0 : i32
      %dma_wait3A_173 = tpu.memref_slice %arg9[%dma_wait3A_167, %dma_wait3A_172] : memref<40x128xi32, #tpu.memory_space<vmem>> -> memref<1x128xi32, #tpu.memory_space<vmem>>
      %dma_wait3A_174 = tpu.memref_squeeze %dma_wait3A_173 : memref<1x128xi32, #tpu.memory_space<vmem>> -> memref<128xi32, #tpu.memory_space<vmem>>
      %dma_wait3A_175 = arith.constant 0 : i32
      %dma_wait3A_176 = arith.constant 0 : i32
      %dma_wait3A_177 = tpu.memref_slice %arg7[%dma_wait3A_175, %dma_wait3A_176] : memref<10496x128xf32, #tpu.memory_space<vmem_shared>> -> memref<10496x128xf32, #tpu.memory_space<vmem_shared>>
      tpu.wait_indirect_dma semaphore(%arg13 : memref<!tpu.dma_semaphore, #tpu.memory_space<semaphore_mem>>) src(%dma_wait3A_171 : memref<128x128xf32, #tpu.memory_space<vmem>>) dst(%dma_wait3A_177 : memref<10496x128xf32, #tpu.memory_space<vmem_shared>>)
      %dma_start3A_178 = arith.constant 0 : i32
      %dma_start3A_179 = arith.constant 0 : i32
      %dma_start3A_180 = arith.constant 0 : i32
      %dma_start3A_181 = tpu.memref_slice %arg10[%dma_start3A_178, %dma_start3A_179, %dma_start3A_180] : memref<2x128x128xf32, #tpu.memory_space<vmem>> -> memref<1x128x128xf32, #tpu.memory_space<vmem>>
      %dma_start3A_182 = tpu.memref_squeeze %dma_start3A_181 : memref<1x128x128xf32, #tpu.memory_space<vmem>> -> memref<128x128xf32, #tpu.memory_space<vmem>>
      %dma_start3A_183 = arith.constant 0 : i32
      %dma_start3A_184 = tpu.memref_slice %arg8[%add3A_165, %dma_start3A_183] : memref<40x128xi32, #tpu.memory_space<vmem>> -> memref<1x128xi32, #tpu.memory_space<vmem>>
      %dma_start3A_185 = tpu.memref_squeeze %dma_start3A_184 : memref<1x128xi32, #tpu.memory_space<vmem>> -> memref<128xi32, #tpu.memory_space<vmem>>
      %dma_start3A_186 = arith.constant 0 : i32
      %dma_start3A_187 = arith.constant 0 : i32
      %dma_start3A_188 = tpu.memref_slice %arg2[%dma_start3A_186, %dma_start3A_187] : memref<10240x128xf32, #tpu.memory_space<hbm>> -> memref<10240x128xf32, #tpu.memory_space<hbm>>
      tpu.enqueue_indirect_dma source(%dma_start3A_188 : memref<10240x128xf32, #tpu.memory_space<hbm>>) target(%dma_start3A_182 : memref<128x128xf32, #tpu.memory_space<vmem>>) offsets(%dma_start3A_185 : memref<128xi32, #tpu.memory_space<vmem>>) semaphore(%arg11 : memref<!tpu.dma_semaphore, #tpu.memory_space<semaphore_mem>>)
      %mul3A_189 = arith.constant 2 : i32
      %mul3A_190 = arith.muli %scan3A_107, %mul3A_189 : i32
      %add3A_191 = arith.constant 1 : i32
      %add3A_192 = arith.addi %mul3A_190, %add3A_191 : i32
      %add3A_193 = arith.constant 2 : i32
      %add3A_194 = arith.addi %add3A_192, %add3A_193 : i32
      %dma_wait3A_195 = arith.constant 1 : i32
      %dma_wait3A_196 = arith.constant 0 : i32
      %dma_wait3A_197 = arith.constant 0 : i32
      %dma_wait3A_198 = arith.constant 0 : i32
      %dma_wait3A_199 = tpu.memref_slice %arg10[%dma_wait3A_195, %dma_wait3A_197, %dma_wait3A_198] : memref<2x128x128xf32, #tpu.memory_space<vmem>> -> memref<1x128x128xf32, #tpu.memory_space<vmem>>
      %dma_wait3A_200 = tpu.memref_squeeze %dma_wait3A_199 : memref<1x128x128xf32, #tpu.memory_space<vmem>> -> memref<128x128xf32, #tpu.memory_space<vmem>>
      %dma_wait3A_201 = arith.constant 0 : i32
      %dma_wait3A_202 = tpu.memref_slice %arg9[%dma_wait3A_196, %dma_wait3A_201] : memref<40x128xi32, #tpu.memory_space<vmem>> -> memref<1x128xi32, #tpu.memory_space<vmem>>
      %dma_wait3A_203 = tpu.memref_squeeze %dma_wait3A_202 : memref<1x128xi32, #tpu.memory_space<vmem>> -> memref<128xi32, #tpu.memory_space<vmem>>
      %dma_wait3A_204 = arith.constant 0 : i32
      %dma_wait3A_205 = arith.constant 0 : i32
      %dma_wait3A_206 = tpu.memref_slice %arg7[%dma_wait3A_204, %dma_wait3A_205] : memref<10496x128xf32, #tpu.memory_space<vmem_shared>> -> memref<10496x128xf32, #tpu.memory_space<vmem_shared>>
      tpu.wait_indirect_dma semaphore(%arg14 : memref<!tpu.dma_semaphore, #tpu.memory_space<semaphore_mem>>) src(%dma_wait3A_200 : memref<128x128xf32, #tpu.memory_space<vmem>>) dst(%dma_wait3A_206 : memref<10496x128xf32, #tpu.memory_space<vmem_shared>>)
      %dma_start3A_207 = arith.constant 1 : i32
      %dma_start3A_208 = arith.constant 0 : i32
      %dma_start3A_209 = arith.constant 0 : i32
      %dma_start3A_210 = tpu.memref_slice %arg10[%dma_start3A_207, %dma_start3A_208, %dma_start3A_209] : memref<2x128x128xf32, #tpu.memory_space<vmem>> -> memref<1x128x128xf32, #tpu.memory_space<vmem>>
      %dma_start3A_211 = tpu.memref_squeeze %dma_start3A_210 : memref<1x128x128xf32, #tpu.memory_space<vmem>> -> memref<128x128xf32, #tpu.memory_space<vmem>>
      %dma_start3A_212 = arith.constant 0 : i32
      %dma_start3A_213 = tpu.memref_slice %arg8[%add3A_194, %dma_start3A_212] : memref<40x128xi32, #tpu.memory_space<vmem>> -> memref<1x128xi32, #tpu.memory_space<vmem>>
      %dma_start3A_214 = tpu.memref_squeeze %dma_start3A_213 : memref<1x128xi32, #tpu.memory_space<vmem>> -> memref<128xi32, #tpu.memory_space<vmem>>
      %dma_start3A_215 = arith.constant 0 : i32
      %dma_start3A_216 = arith.constant 0 : i32
      %dma_start3A_217 = tpu.memref_slice %arg2[%dma_start3A_215, %dma_start3A_216] : memref<10240x128xf32, #tpu.memory_space<hbm>> -> memref<10240x128xf32, #tpu.memory_space<hbm>>
      tpu.enqueue_indirect_dma source(%dma_start3A_217 : memref<10240x128xf32, #tpu.memory_space<hbm>>) target(%dma_start3A_211 : memref<128x128xf32, #tpu.memory_space<vmem>>) offsets(%dma_start3A_214 : memref<128xi32, #tpu.memory_space<vmem>>) semaphore(%arg12 : memref<!tpu.dma_semaphore, #tpu.memory_space<semaphore_mem>>)
    }
    %scan3A_30 = arith.constant 19 : i32
    %dma_wait3A = arith.constant 38 : i32
    %dma_wait3A_31 = arith.constant 0 : i32
    %dma_wait3A_32 = arith.constant 0 : i32
    %dma_wait3A_33 = arith.constant 0 : i32
    %dma_wait3A_34 = tpu.memref_slice %arg10[%dma_wait3A_31, %dma_wait3A_32, %dma_wait3A_33] : memref<2x128x128xf32, #tpu.memory_space<vmem>> -> memref<1x128x128xf32, #tpu.memory_space<vmem>>
    %dma_wait3A_35 = tpu.memref_squeeze %dma_wait3A_34 : memref<1x128x128xf32, #tpu.memory_space<vmem>> -> memref<128x128xf32, #tpu.memory_space<vmem>>
    %dma_wait3A_36 = arith.constant 0 : i32
    %dma_wait3A_37 = tpu.memref_slice %arg8[%dma_wait3A, %dma_wait3A_36] : memref<40x128xi32, #tpu.memory_space<vmem>> -> memref<1x128xi32, #tpu.memory_space<vmem>>
    %dma_wait3A_38 = tpu.memref_squeeze %dma_wait3A_37 : memref<1x128xi32, #tpu.memory_space<vmem>> -> memref<128xi32, #tpu.memory_space<vmem>>
    %dma_wait3A_39 = arith.constant 0 : i32
    %dma_wait3A_40 = arith.constant 0 : i32
    %dma_wait3A_41 = tpu.memref_slice %arg2[%dma_wait3A_39, %dma_wait3A_40] : memref<10240x128xf32, #tpu.memory_space<hbm>> -> memref<10240x128xf32, #tpu.memory_space<hbm>>
    tpu.wait_indirect_dma semaphore(%arg11 : memref<!tpu.dma_semaphore, #tpu.memory_space<semaphore_mem>>) src(%dma_wait3A_41 : memref<10240x128xf32, #tpu.memory_space<hbm>>) dst(%dma_wait3A_35 : memref<128x128xf32, #tpu.memory_space<vmem>>)
    %dma_start3A_42 = arith.constant 0 : i32
    %dma_start3A_43 = arith.constant 38 : i32
    %dma_start3A_44 = arith.constant 0 : i32
    %dma_start3A_45 = arith.constant 0 : i32
    %dma_start3A_46 = tpu.memref_slice %arg10[%dma_start3A_42, %dma_start3A_44, %dma_start3A_45] : memref<2x128x128xf32, #tpu.memory_space<vmem>> -> memref<1x128x128xf32, #tpu.memory_space<vmem>>
    %dma_start3A_47 = tpu.memref_squeeze %dma_start3A_46 : memref<1x128x128xf32, #tpu.memory_space<vmem>> -> memref<128x128xf32, #tpu.memory_space<vmem>>
    %dma_start3A_48 = arith.constant 0 : i32
    %dma_start3A_49 = tpu.memref_slice %arg9[%dma_start3A_43, %dma_start3A_48] : memref<40x128xi32, #tpu.memory_space<vmem>> -> memref<1x128xi32, #tpu.memory_space<vmem>>
    %dma_start3A_50 = tpu.memref_squeeze %dma_start3A_49 : memref<1x128xi32, #tpu.memory_space<vmem>> -> memref<128xi32, #tpu.memory_space<vmem>>
    %dma_start3A_51 = arith.constant 0 : i32
    %dma_start3A_52 = arith.constant 0 : i32
    %dma_start3A_53 = tpu.memref_slice %arg7[%dma_start3A_51, %dma_start3A_52] : memref<10496x128xf32, #tpu.memory_space<vmem_shared>> -> memref<10496x128xf32, #tpu.memory_space<vmem_shared>>
    tpu.enqueue_indirect_dma source(%dma_start3A_47 : memref<128x128xf32, #tpu.memory_space<vmem>>) target(%dma_start3A_53 : memref<10496x128xf32, #tpu.memory_space<vmem_shared>>) offsets(%dma_start3A_50 : memref<128xi32, #tpu.memory_space<vmem>>) semaphore(%arg13 : memref<!tpu.dma_semaphore, #tpu.memory_space<semaphore_mem>>) {add = true}
    %dma_wait3A_54 = arith.constant 39 : i32
    %dma_wait3A_55 = arith.constant 1 : i32
    %dma_wait3A_56 = arith.constant 0 : i32
    %dma_wait3A_57 = arith.constant 0 : i32
    %dma_wait3A_58 = tpu.memref_slice %arg10[%dma_wait3A_55, %dma_wait3A_56, %dma_wait3A_57] : memref<2x128x128xf32, #tpu.memory_space<vmem>> -> memref<1x128x128xf32, #tpu.memory_space<vmem>>
    %dma_wait3A_59 = tpu.memref_squeeze %dma_wait3A_58 : memref<1x128x128xf32, #tpu.memory_space<vmem>> -> memref<128x128xf32, #tpu.memory_space<vmem>>
    %dma_wait3A_60 = arith.constant 0 : i32
    %dma_wait3A_61 = tpu.memref_slice %arg8[%dma_wait3A_54, %dma_wait3A_60] : memref<40x128xi32, #tpu.memory_space<vmem>> -> memref<1x128xi32, #tpu.memory_space<vmem>>
    %dma_wait3A_62 = tpu.memref_squeeze %dma_wait3A_61 : memref<1x128xi32, #tpu.memory_space<vmem>> -> memref<128xi32, #tpu.memory_space<vmem>>
    %dma_wait3A_63 = arith.constant 0 : i32
    %dma_wait3A_64 = arith.constant 0 : i32
    %dma_wait3A_65 = tpu.memref_slice %arg2[%dma_wait3A_63, %dma_wait3A_64] : memref<10240x128xf32, #tpu.memory_space<hbm>> -> memref<10240x128xf32, #tpu.memory_space<hbm>>
    tpu.wait_indirect_dma semaphore(%arg12 : memref<!tpu.dma_semaphore, #tpu.memory_space<semaphore_mem>>) src(%dma_wait3A_65 : memref<10240x128xf32, #tpu.memory_space<hbm>>) dst(%dma_wait3A_59 : memref<128x128xf32, #tpu.memory_space<vmem>>)
    %dma_start3A_66 = arith.constant 1 : i32
    %dma_start3A_67 = arith.constant 39 : i32
    %dma_start3A_68 = arith.constant 0 : i32
    %dma_start3A_69 = arith.constant 0 : i32
    %dma_start3A_70 = tpu.memref_slice %arg10[%dma_start3A_66, %dma_start3A_68, %dma_start3A_69] : memref<2x128x128xf32, #tpu.memory_space<vmem>> -> memref<1x128x128xf32, #tpu.memory_space<vmem>>
    %dma_start3A_71 = tpu.memref_squeeze %dma_start3A_70 : memref<1x128x128xf32, #tpu.memory_space<vmem>> -> memref<128x128xf32, #tpu.memory_space<vmem>>
    %dma_start3A_72 = arith.constant 0 : i32
    %dma_start3A_73 = tpu.memref_slice %arg9[%dma_start3A_67, %dma_start3A_72] : memref<40x128xi32, #tpu.memory_space<vmem>> -> memref<1x128xi32, #tpu.memory_space<vmem>>
    %dma_start3A_74 = tpu.memref_squeeze %dma_start3A_73 : memref<1x128xi32, #tpu.memory_space<vmem>> -> memref<128xi32, #tpu.memory_space<vmem>>
    %dma_start3A_75 = arith.constant 0 : i32
    %dma_start3A_76 = arith.constant 0 : i32
    %dma_start3A_77 = tpu.memref_slice %arg7[%dma_start3A_75, %dma_start3A_76] : memref<10496x128xf32, #tpu.memory_space<vmem_shared>> -> memref<10496x128xf32, #tpu.memory_space<vmem_shared>>
    tpu.enqueue_indirect_dma source(%dma_start3A_71 : memref<128x128xf32, #tpu.memory_space<vmem>>) target(%dma_start3A_77 : memref<10496x128xf32, #tpu.memory_space<vmem_shared>>) offsets(%dma_start3A_74 : memref<128xi32, #tpu.memory_space<vmem>>) semaphore(%arg14 : memref<!tpu.dma_semaphore, #tpu.memory_space<semaphore_mem>>) {add = true}
    %dma_wait3A_78 = arith.constant 0 : i32
    %dma_wait3A_79 = arith.constant 0 : i32
    %dma_wait3A_80 = arith.constant 0 : i32
    %dma_wait3A_81 = arith.constant 0 : i32
    %dma_wait3A_82 = tpu.memref_slice %arg10[%dma_wait3A_78, %dma_wait3A_80, %dma_wait3A_81] : memref<2x128x128xf32, #tpu.memory_space<vmem>> -> memref<1x128x128xf32, #tpu.memory_space<vmem>>
    %dma_wait3A_83 = tpu.memref_squeeze %dma_wait3A_82 : memref<1x128x128xf32, #tpu.memory_space<vmem>> -> memref<128x128xf32, #tpu.memory_space<vmem>>
    %dma_wait3A_84 = arith.constant 0 : i32
    %dma_wait3A_85 = tpu.memref_slice %arg9[%dma_wait3A_79, %dma_wait3A_84] : memref<40x128xi32, #tpu.memory_space<vmem>> -> memref<1x128xi32, #tpu.memory_space<vmem>>
    %dma_wait3A_86 = tpu.memref_squeeze %dma_wait3A_85 : memref<1x128xi32, #tpu.memory_space<vmem>> -> memref<128xi32, #tpu.memory_space<vmem>>
    %dma_wait3A_87 = arith.constant 0 : i32
    %dma_wait3A_88 = arith.constant 0 : i32
    %dma_wait3A_89 = tpu.memref_slice %arg7[%dma_wait3A_87, %dma_wait3A_88] : memref<10496x128xf32, #tpu.memory_space<vmem_shared>> -> memref<10496x128xf32, #tpu.memory_space<vmem_shared>>
    tpu.wait_indirect_dma semaphore(%arg13 : memref<!tpu.dma_semaphore, #tpu.memory_space<semaphore_mem>>) src(%dma_wait3A_83 : memref<128x128xf32, #tpu.memory_space<vmem>>) dst(%dma_wait3A_89 : memref<10496x128xf32, #tpu.memory_space<vmem_shared>>)
    %dma_wait3A_90 = arith.constant 1 : i32
    %dma_wait3A_91 = arith.constant 0 : i32
    %dma_wait3A_92 = arith.constant 0 : i32
    %dma_wait3A_93 = arith.constant 0 : i32
    %dma_wait3A_94 = tpu.memref_slice %arg10[%dma_wait3A_90, %dma_wait3A_92, %dma_wait3A_93] : memref<2x128x128xf32, #tpu.memory_space<vmem>> -> memref<1x128x128xf32, #tpu.memory_space<vmem>>
    %dma_wait3A_95 = tpu.memref_squeeze %dma_wait3A_94 : memref<1x128x128xf32, #tpu.memory_space<vmem>> -> memref<128x128xf32, #tpu.memory_space<vmem>>
    %dma_wait3A_96 = arith.constant 0 : i32
    %dma_wait3A_97 = tpu.memref_slice %arg9[%dma_wait3A_91, %dma_wait3A_96] : memref<40x128xi32, #tpu.memory_space<vmem>> -> memref<1x128xi32, #tpu.memory_space<vmem>>
    %dma_wait3A_98 = tpu.memref_squeeze %dma_wait3A_97 : memref<1x128xi32, #tpu.memory_space<vmem>> -> memref<128xi32, #tpu.memory_space<vmem>>
    %dma_wait3A_99 = arith.constant 0 : i32
    %dma_wait3A_100 = arith.constant 0 : i32
    %dma_wait3A_101 = tpu.memref_slice %arg7[%dma_wait3A_99, %dma_wait3A_100] : memref<10496x128xf32, #tpu.memory_space<vmem_shared>> -> memref<10496x128xf32, #tpu.memory_space<vmem_shared>>
    tpu.wait_indirect_dma semaphore(%arg14 : memref<!tpu.dma_semaphore, #tpu.memory_space<semaphore_mem>>) src(%dma_wait3A_95 : memref<128x128xf32, #tpu.memory_space<vmem>>) dst(%dma_wait3A_101 : memref<10496x128xf32, #tpu.memory_space<vmem_shared>>)
    %barrier3A_102 = arith.constant 0 : index
    tpu.barrier barrier_id(%barrier3A_102)
    %mul3A_103 = arith.constant 640 : i32
    %mul3A_104 = arith.muli %arg1, %mul3A_103 : i32
    %mul3A_105 = arith.constant 640 : i32
    %mul3A_106 = arith.muli %arg1, %mul3A_105 : i32
    "tpu.region"() ({
      %run_scoped3A = tpu.sem_alloc : memref<!tpu.dma_semaphore, #tpu.memory_space<semaphore_mem>>
      %dma_start3A_107 = arith.constant 0 : i32
      %dma_start3A_108 = tpu.memref_slice %arg6[%arg0, %mul3A_106, %dma_start3A_107] : memref<2x10240x128xf32, #tpu.memory_space<hbm>> -> memref<1x640x128xf32, #tpu.memory_space<hbm>>
      %dma_start3A_109 = tpu.memref_squeeze %dma_start3A_108 : memref<1x640x128xf32, #tpu.memory_space<hbm>> -> memref<640x128xf32, #tpu.memory_space<hbm>>
      %dma_start3A_110 = arith.constant 0 : i32
      %dma_start3A_111 = tpu.memref_slice %arg7[%mul3A_104, %dma_start3A_110] : memref<10496x128xf32, #tpu.memory_space<vmem_shared>> -> memref<640x128xf32, #tpu.memory_space<vmem_shared>>
      tpu.enqueue_dma source(%dma_start3A_111 : memref<640x128xf32, #tpu.memory_space<vmem_shared>>) target(%dma_start3A_109 : memref<640x128xf32, #tpu.memory_space<hbm>>) target_semaphore(%run_scoped3A : memref<!tpu.dma_semaphore, #tpu.memory_space<semaphore_mem>>)
      %dma_wait3A_112 = arith.constant 0 : i32
      %dma_wait3A_113 = tpu.memref_slice %arg6[%arg0, %mul3A_106, %dma_wait3A_112] : memref<2x10240x128xf32, #tpu.memory_space<hbm>> -> memref<1x640x128xf32, #tpu.memory_space<hbm>>
      %dma_wait3A_114 = tpu.memref_squeeze %dma_wait3A_113 : memref<1x640x128xf32, #tpu.memory_space<hbm>> -> memref<640x128xf32, #tpu.memory_space<hbm>>
      %dma_wait3A_115 = arith.constant 0 : i32
      %dma_wait3A_116 = tpu.memref_slice %arg7[%mul3A_104, %dma_wait3A_115] : memref<10496x128xf32, #tpu.memory_space<vmem_shared>> -> memref<640x128xf32, #tpu.memory_space<vmem_shared>>
      tpu.wait_dma2 semaphore(%run_scoped3A : memref<!tpu.dma_semaphore, #tpu.memory_space<semaphore_mem>>) src(%dma_wait3A_116 : memref<640x128xf32, #tpu.memory_space<vmem_shared>>) dst(%dma_wait3A_114 : memref<640x128xf32, #tpu.memory_space<hbm>>)
      tpu.yield
    }) : () -> ()
    return
  }
}

#map = affine_map<(d0, d1) -> (0, 0)>
#map1 = affine_map<(d0, d1) -> (0, 0, 0)>
module attributes {stable_mosaic.version = 14 : i64} {
  func.func @body(%arg0: i32, %arg1: i32, %arg2: memref<10240x128xf32, #tpu.memory_space<hbm>>, %arg3: memref<32x40x128xi32, #tpu.memory_space<hbm>>, %arg4: memref<32x40x128xi32, #tpu.memory_space<hbm>>, %arg5: memref<656x128xf32, #tpu.memory_space<hbm>>, %arg6: memref<2x10240x128xf32, #tpu.memory_space<hbm>>, %arg7: memref<10496x128xf32, #tpu.memory_space<vmem_shared>>, %arg8: memref<40x128xi32, #tpu.memory_space<vmem>>, %arg9: memref<40x128xi32, #tpu.memory_space<vmem>>, %arg10: memref<2x128x128xf32, #tpu.memory_space<vmem>>, %arg11: memref<!tpu.dma_semaphore, #tpu.memory_space<semaphore_mem>>, %arg12: memref<!tpu.dma_semaphore, #tpu.memory_space<semaphore_mem>>, %arg13: memref<!tpu.dma_semaphore, #tpu.memory_space<semaphore_mem>>, %arg14: memref<!tpu.dma_semaphore, #tpu.memory_space<semaphore_mem>>) attributes {dimension_semantics = [#tpu.dimension_semantics<core_parallel>, #tpu.dimension_semantics<subcore_parallel>], iteration_bounds = array<i64: 2, 16>, scalar_prefetch = 0 : i64, scratch_operands = 8 : i64, tpu.core_type = #tpu.core_type<sc_vector_subcore>, window_params = [{transform_indices = #map}, {transform_indices = #map1}, {transform_indices = #map1}, {transform_indices = #map}, {transform_indices = #map1}]} {
    %mul3A = arith.constant 2 : i32
    %mul3A_0 = arith.muli %arg1, %mul3A : i32
    %add3A = arith.addi %mul3A_0, %arg0 : i32
    "tpu.region"() ({
      %run_scoped3A = tpu.sem_alloc : memref<!tpu.dma_semaphore, #tpu.memory_space<semaphore_mem>>
      %dma_start3A_107 = arith.constant 0 : i32
      %dma_start3A_108 = arith.constant 0 : i32
      %dma_start3A_109 = tpu.memref_slice %arg3[%add3A, %dma_start3A_107, %dma_start3A_108] : memref<32x40x128xi32, #tpu.memory_space<hbm>> -> memref<1x40x128xi32, #tpu.memory_space<hbm>>
      %dma_start3A_110 = tpu.memref_squeeze %dma_start3A_109 : memref<1x40x128xi32, #tpu.memory_space<hbm>> -> memref<40x128xi32, #tpu.memory_space<hbm>>
      %dma_start3A_111 = arith.constant 0 : i32
      %dma_start3A_112 = arith.constant 0 : i32
      %dma_start3A_113 = tpu.memref_slice %arg3[%add3A, %dma_start3A_111, %dma_start3A_112] : memref<32x40x128xi32, #tpu.memory_space<hbm>> -> memref<1x40x128xi32, #tpu.memory_space<hbm>>
      %dma_start3A_114 = tpu.memref_squeeze %dma_start3A_113 : memref<1x40x128xi32, #tpu.memory_space<hbm>> -> memref<40x128xi32, #tpu.memory_space<hbm>>
      tpu.enqueue_dma source(%dma_start3A_114 : memref<40x128xi32, #tpu.memory_space<hbm>>) target(%arg8 : memref<40x128xi32, #tpu.memory_space<vmem>>) target_semaphore(%run_scoped3A : memref<!tpu.dma_semaphore, #tpu.memory_space<semaphore_mem>>)
      %dma_wait3A_115 = arith.constant 0 : i32
      %dma_wait3A_116 = arith.constant 0 : i32
      %dma_wait3A_117 = tpu.memref_slice %arg3[%add3A, %dma_wait3A_115, %dma_wait3A_116] : memref<32x40x128xi32, #tpu.memory_space<hbm>> -> memref<1x40x128xi32, #tpu.memory_space<hbm>>
      %dma_wait3A_118 = tpu.memref_squeeze %dma_wait3A_117 : memref<1x40x128xi32, #tpu.memory_space<hbm>> -> memref<40x128xi32, #tpu.memory_space<hbm>>
      %dma_wait3A_119 = arith.constant 0 : i32
      %dma_wait3A_120 = arith.constant 0 : i32
      %dma_wait3A_121 = tpu.memref_slice %arg3[%add3A, %dma_wait3A_119, %dma_wait3A_120] : memref<32x40x128xi32, #tpu.memory_space<hbm>> -> memref<1x40x128xi32, #tpu.memory_space<hbm>>
      %dma_wait3A_122 = tpu.memref_squeeze %dma_wait3A_121 : memref<1x40x128xi32, #tpu.memory_space<hbm>> -> memref<40x128xi32, #tpu.memory_space<hbm>>
      tpu.wait_dma2 semaphore(%run_scoped3A : memref<!tpu.dma_semaphore, #tpu.memory_space<semaphore_mem>>) src(%dma_wait3A_122 : memref<40x128xi32, #tpu.memory_space<hbm>>) dst(%arg8 : memref<40x128xi32, #tpu.memory_space<vmem>>)
      tpu.yield
    }) : () -> ()
    "tpu.region"() ({
      %run_scoped3A = tpu.sem_alloc : memref<!tpu.dma_semaphore, #tpu.memory_space<semaphore_mem>>
      %dma_start3A_107 = arith.constant 0 : i32
      %dma_start3A_108 = arith.constant 0 : i32
      %dma_start3A_109 = tpu.memref_slice %arg4[%add3A, %dma_start3A_107, %dma_start3A_108] : memref<32x40x128xi32, #tpu.memory_space<hbm>> -> memref<1x40x128xi32, #tpu.memory_space<hbm>>
      %dma_start3A_110 = tpu.memref_squeeze %dma_start3A_109 : memref<1x40x128xi32, #tpu.memory_space<hbm>> -> memref<40x128xi32, #tpu.memory_space<hbm>>
      %dma_start3A_111 = arith.constant 0 : i32
      %dma_start3A_112 = arith.constant 0 : i32
      %dma_start3A_113 = tpu.memref_slice %arg4[%add3A, %dma_start3A_111, %dma_start3A_112] : memref<32x40x128xi32, #tpu.memory_space<hbm>> -> memref<1x40x128xi32, #tpu.memory_space<hbm>>
      %dma_start3A_114 = tpu.memref_squeeze %dma_start3A_113 : memref<1x40x128xi32, #tpu.memory_space<hbm>> -> memref<40x128xi32, #tpu.memory_space<hbm>>
      tpu.enqueue_dma source(%dma_start3A_114 : memref<40x128xi32, #tpu.memory_space<hbm>>) target(%arg9 : memref<40x128xi32, #tpu.memory_space<vmem>>) target_semaphore(%run_scoped3A : memref<!tpu.dma_semaphore, #tpu.memory_space<semaphore_mem>>)
      %dma_wait3A_115 = arith.constant 0 : i32
      %dma_wait3A_116 = arith.constant 0 : i32
      %dma_wait3A_117 = tpu.memref_slice %arg4[%add3A, %dma_wait3A_115, %dma_wait3A_116] : memref<32x40x128xi32, #tpu.memory_space<hbm>> -> memref<1x40x128xi32, #tpu.memory_space<hbm>>
      %dma_wait3A_118 = tpu.memref_squeeze %dma_wait3A_117 : memref<1x40x128xi32, #tpu.memory_space<hbm>> -> memref<40x128xi32, #tpu.memory_space<hbm>>
      %dma_wait3A_119 = arith.constant 0 : i32
      %dma_wait3A_120 = arith.constant 0 : i32
      %dma_wait3A_121 = tpu.memref_slice %arg4[%add3A, %dma_wait3A_119, %dma_wait3A_120] : memref<32x40x128xi32, #tpu.memory_space<hbm>> -> memref<1x40x128xi32, #tpu.memory_space<hbm>>
      %dma_wait3A_122 = tpu.memref_squeeze %dma_wait3A_121 : memref<1x40x128xi32, #tpu.memory_space<hbm>> -> memref<40x128xi32, #tpu.memory_space<hbm>>
      tpu.wait_dma2 semaphore(%run_scoped3A : memref<!tpu.dma_semaphore, #tpu.memory_space<semaphore_mem>>) src(%dma_wait3A_122 : memref<40x128xi32, #tpu.memory_space<hbm>>) dst(%arg9 : memref<40x128xi32, #tpu.memory_space<vmem>>)
      tpu.yield
    }) : () -> ()
    %dma_start3A = arith.constant 0 : i32
    %dma_start3A_1 = arith.constant 0 : i32
    %dma_start3A_2 = arith.constant 0 : i32
    %dma_start3A_3 = arith.constant 0 : i32
    %dma_start3A_4 = tpu.memref_slice %arg10[%dma_start3A_1, %dma_start3A_2, %dma_start3A_3] : memref<2x128x128xf32, #tpu.memory_space<vmem>> -> memref<1x128x128xf32, #tpu.memory_space<vmem>>
    %dma_start3A_5 = tpu.memref_squeeze %dma_start3A_4 : memref<1x128x128xf32, #tpu.memory_space<vmem>> -> memref<128x128xf32, #tpu.memory_space<vmem>>
    %dma_start3A_6 = arith.constant 0 : i32
    %dma_start3A_7 = tpu.memref_slice %arg8[%dma_start3A, %dma_start3A_6] : memref<40x128xi32, #tpu.memory_space<vmem>> -> memref<1x128xi32, #tpu.memory_space<vmem>>
    %dma_start3A_8 = tpu.memref_squeeze %dma_start3A_7 : memref<1x128xi32, #tpu.memory_space<vmem>> -> memref<128xi32, #tpu.memory_space<vmem>>
    %dma_start3A_9 = arith.constant 0 : i32
    %dma_start3A_10 = arith.constant 0 : i32
    %dma_start3A_11 = tpu.memref_slice %arg2[%dma_start3A_9, %dma_start3A_10] : memref<10240x128xf32, #tpu.memory_space<hbm>> -> memref<10240x128xf32, #tpu.memory_space<hbm>>
    tpu.enqueue_indirect_dma source(%dma_start3A_11 : memref<10240x128xf32, #tpu.memory_space<hbm>>) target(%dma_start3A_5 : memref<128x128xf32, #tpu.memory_space<vmem>>) offsets(%dma_start3A_8 : memref<128xi32, #tpu.memory_space<vmem>>) semaphore(%arg11 : memref<!tpu.dma_semaphore, #tpu.memory_space<semaphore_mem>>)
    %dma_start3A_12 = arith.constant 1 : i32
    %dma_start3A_13 = arith.constant 1 : i32
    %dma_start3A_14 = arith.constant 0 : i32
    %dma_start3A_15 = arith.constant 0 : i32
    %dma_start3A_16 = tpu.memref_slice %arg10[%dma_start3A_13, %dma_start3A_14, %dma_start3A_15] : memref<2x128x128xf32, #tpu.memory_space<vmem>> -> memref<1x128x128xf32, #tpu.memory_space<vmem>>
    %dma_start3A_17 = tpu.memref_squeeze %dma_start3A_16 : memref<1x128x128xf32, #tpu.memory_space<vmem>> -> memref<128x128xf32, #tpu.memory_space<vmem>>
    %dma_start3A_18 = arith.constant 0 : i32
    %dma_start3A_19 = tpu.memref_slice %arg8[%dma_start3A_12, %dma_start3A_18] : memref<40x128xi32, #tpu.memory_space<vmem>> -> memref<1x128xi32, #tpu.memory_space<vmem>>
    %dma_start3A_20 = tpu.memref_squeeze %dma_start3A_19 : memref<1x128xi32, #tpu.memory_space<vmem>> -> memref<128xi32, #tpu.memory_space<vmem>>
    %dma_start3A_21 = arith.constant 0 : i32
    %dma_start3A_22 = arith.constant 0 : i32
    %dma_start3A_23 = tpu.memref_slice %arg2[%dma_start3A_21, %dma_start3A_22] : memref<10240x128xf32, #tpu.memory_space<hbm>> -> memref<10240x128xf32, #tpu.memory_space<hbm>>
    tpu.enqueue_indirect_dma source(%dma_start3A_23 : memref<10240x128xf32, #tpu.memory_space<hbm>>) target(%dma_start3A_17 : memref<128x128xf32, #tpu.memory_space<vmem>>) offsets(%dma_start3A_20 : memref<128xi32, #tpu.memory_space<vmem>>) semaphore(%arg12 : memref<!tpu.dma_semaphore, #tpu.memory_space<semaphore_mem>>)
    %mul3A_24 = arith.constant 656 : i32
    %mul3A_25 = arith.muli %arg1, %mul3A_24 : i32
    "tpu.region"() ({
      %run_scoped3A = tpu.sem_alloc : memref<!tpu.dma_semaphore, #tpu.memory_space<semaphore_mem>>
      %dma_start3A_107 = arith.constant 0 : i32
      %dma_start3A_108 = tpu.memref_slice %arg7[%mul3A_25, %dma_start3A_107] : memref<10496x128xf32, #tpu.memory_space<vmem_shared>> -> memref<656x128xf32, #tpu.memory_space<vmem_shared>>
      tpu.enqueue_dma source(%arg5 : memref<656x128xf32, #tpu.memory_space<hbm>>) target(%dma_start3A_108 : memref<656x128xf32, #tpu.memory_space<vmem_shared>>) target_semaphore(%run_scoped3A : memref<!tpu.dma_semaphore, #tpu.memory_space<semaphore_mem>>)
      %dma_wait3A_109 = arith.constant 0 : i32
      %dma_wait3A_110 = tpu.memref_slice %arg7[%mul3A_25, %dma_wait3A_109] : memref<10496x128xf32, #tpu.memory_space<vmem_shared>> -> memref<656x128xf32, #tpu.memory_space<vmem_shared>>
      tpu.wait_dma2 semaphore(%run_scoped3A : memref<!tpu.dma_semaphore, #tpu.memory_space<semaphore_mem>>) src(%arg5 : memref<656x128xf32, #tpu.memory_space<hbm>>) dst(%dma_wait3A_110 : memref<656x128xf32, #tpu.memory_space<vmem_shared>>)
      tpu.yield
    }) : () -> ()
    %barrier3A = arith.constant 0 : index
    tpu.barrier barrier_id(%barrier3A)
    %scan3A = arith.constant 0 : i32
    %scan3A_26 = arith.constant 0 : i32
    %scan3A_27 = arith.constant 19 : i32
    %scan3A_28 = arith.addi %scan3A_26, %scan3A_27 : i32
    %scan3A_29 = arith.constant 1 : i32
    scf.for %scan3A_107 = %scan3A_26 to %scan3A_28 step %scan3A_29  : i32 {
      %mul3A_108 = arith.constant 2 : i32
      %mul3A_109 = arith.muli %scan3A_107, %mul3A_108 : i32
      %add3A_110 = arith.constant 0 : i32
      %add3A_111 = arith.addi %mul3A_109, %add3A_110 : i32
      %dma_wait3A_112 = arith.constant 0 : i32
      %dma_wait3A_113 = arith.constant 0 : i32
      %dma_wait3A_114 = arith.constant 0 : i32
      %dma_wait3A_115 = tpu.memref_slice %arg10[%dma_wait3A_112, %dma_wait3A_113, %dma_wait3A_114] : memref<2x128x128xf32, #tpu.memory_space<vmem>> -> memref<1x128x128xf32, #tpu.memory_space<vmem>>
      %dma_wait3A_116 = tpu.memref_squeeze %dma_wait3A_115 : memref<1x128x128xf32, #tpu.memory_space<vmem>> -> memref<128x128xf32, #tpu.memory_space<vmem>>
      %dma_wait3A_117 = arith.constant 0 : i32
      %dma_wait3A_118 = tpu.memref_slice %arg8[%add3A_111, %dma_wait3A_117] : memref<40x128xi32, #tpu.memory_space<vmem>> -> memref<1x128xi32, #tpu.memory_space<vmem>>
      %dma_wait3A_119 = tpu.memref_squeeze %dma_wait3A_118 : memref<1x128xi32, #tpu.memory_space<vmem>> -> memref<128xi32, #tpu.memory_space<vmem>>
      %dma_wait3A_120 = arith.constant 0 : i32
      %dma_wait3A_121 = arith.constant 0 : i32
      %dma_wait3A_122 = tpu.memref_slice %arg2[%dma_wait3A_120, %dma_wait3A_121] : memref<10240x128xf32, #tpu.memory_space<hbm>> -> memref<10240x128xf32, #tpu.memory_space<hbm>>
      tpu.wait_indirect_dma semaphore(%arg11 : memref<!tpu.dma_semaphore, #tpu.memory_space<semaphore_mem>>) src(%dma_wait3A_122 : memref<10240x128xf32, #tpu.memory_space<hbm>>) dst(%dma_wait3A_116 : memref<128x128xf32, #tpu.memory_space<vmem>>)
      %dma_start3A_123 = arith.constant 0 : i32
      %dma_start3A_124 = arith.constant 0 : i32
      %dma_start3A_125 = arith.constant 0 : i32
      %dma_start3A_126 = tpu.memref_slice %arg10[%dma_start3A_123, %dma_start3A_124, %dma_start3A_125] : memref<2x128x128xf32, #tpu.memory_space<vmem>> -> memref<1x128x128xf32, #tpu.memory_space<vmem>>
      %dma_start3A_127 = tpu.memref_squeeze %dma_start3A_126 : memref<1x128x128xf32, #tpu.memory_space<vmem>> -> memref<128x128xf32, #tpu.memory_space<vmem>>
      %dma_start3A_128 = arith.constant 0 : i32
      %dma_start3A_129 = tpu.memref_slice %arg9[%add3A_111, %dma_start3A_128] : memref<40x128xi32, #tpu.memory_space<vmem>> -> memref<1x128xi32, #tpu.memory_space<vmem>>
      %dma_start3A_130 = tpu.memref_squeeze %dma_start3A_129 : memref<1x128xi32, #tpu.memory_space<vmem>> -> memref<128xi32, #tpu.memory_space<vmem>>
      %dma_start3A_131 = arith.constant 0 : i32
      %dma_start3A_132 = arith.constant 0 : i32
      %dma_start3A_133 = tpu.memref_slice %arg7[%dma_start3A_131, %dma_start3A_132] : memref<10496x128xf32, #tpu.memory_space<vmem_shared>> -> memref<10496x128xf32, #tpu.memory_space<vmem_shared>>
      tpu.enqueue_indirect_dma source(%dma_start3A_127 : memref<128x128xf32, #tpu.memory_space<vmem>>) target(%dma_start3A_133 : memref<10496x128xf32, #tpu.memory_space<vmem_shared>>) offsets(%dma_start3A_130 : memref<128xi32, #tpu.memory_space<vmem>>) semaphore(%arg13 : memref<!tpu.dma_semaphore, #tpu.memory_space<semaphore_mem>>) {add = true}
      %mul3A_134 = arith.constant 2 : i32
      %mul3A_135 = arith.muli %scan3A_107, %mul3A_134 : i32
      %add3A_136 = arith.constant 1 : i32
      %add3A_137 = arith.addi %mul3A_135, %add3A_136 : i32
      %dma_wait3A_138 = arith.constant 1 : i32
      %dma_wait3A_139 = arith.constant 0 : i32
      %dma_wait3A_140 = arith.constant 0 : i32
      %dma_wait3A_141 = tpu.memref_slice %arg10[%dma_wait3A_138, %dma_wait3A_139, %dma_wait3A_140] : memref<2x128x128xf32, #tpu.memory_space<vmem>> -> memref<1x128x128xf32, #tpu.memory_space<vmem>>
      %dma_wait3A_142 = tpu.memref_squeeze %dma_wait3A_141 : memref<1x128x128xf32, #tpu.memory_space<vmem>> -> memref<128x128xf32, #tpu.memory_space<vmem>>
      %dma_wait3A_143 = arith.constant 0 : i32
      %dma_wait3A_144 = tpu.memref_slice %arg8[%add3A_137, %dma_wait3A_143] : memref<40x128xi32, #tpu.memory_space<vmem>> -> memref<1x128xi32, #tpu.memory_space<vmem>>
      %dma_wait3A_145 = tpu.memref_squeeze %dma_wait3A_144 : memref<1x128xi32, #tpu.memory_space<vmem>> -> memref<128xi32, #tpu.memory_space<vmem>>
      %dma_wait3A_146 = arith.constant 0 : i32
      %dma_wait3A_147 = arith.constant 0 : i32
      %dma_wait3A_148 = tpu.memref_slice %arg2[%dma_wait3A_146, %dma_wait3A_147] : memref<10240x128xf32, #tpu.memory_space<hbm>> -> memref<10240x128xf32, #tpu.memory_space<hbm>>
      tpu.wait_indirect_dma semaphore(%arg12 : memref<!tpu.dma_semaphore, #tpu.memory_space<semaphore_mem>>) src(%dma_wait3A_148 : memref<10240x128xf32, #tpu.memory_space<hbm>>) dst(%dma_wait3A_142 : memref<128x128xf32, #tpu.memory_space<vmem>>)
      %dma_start3A_149 = arith.constant 1 : i32
      %dma_start3A_150 = arith.constant 0 : i32
      %dma_start3A_151 = arith.constant 0 : i32
      %dma_start3A_152 = tpu.memref_slice %arg10[%dma_start3A_149, %dma_start3A_150, %dma_start3A_151] : memref<2x128x128xf32, #tpu.memory_space<vmem>> -> memref<1x128x128xf32, #tpu.memory_space<vmem>>
      %dma_start3A_153 = tpu.memref_squeeze %dma_start3A_152 : memref<1x128x128xf32, #tpu.memory_space<vmem>> -> memref<128x128xf32, #tpu.memory_space<vmem>>
      %dma_start3A_154 = arith.constant 0 : i32
      %dma_start3A_155 = tpu.memref_slice %arg9[%add3A_137, %dma_start3A_154] : memref<40x128xi32, #tpu.memory_space<vmem>> -> memref<1x128xi32, #tpu.memory_space<vmem>>
      %dma_start3A_156 = tpu.memref_squeeze %dma_start3A_155 : memref<1x128xi32, #tpu.memory_space<vmem>> -> memref<128xi32, #tpu.memory_space<vmem>>
      %dma_start3A_157 = arith.constant 0 : i32
      %dma_start3A_158 = arith.constant 0 : i32
      %dma_start3A_159 = tpu.memref_slice %arg7[%dma_start3A_157, %dma_start3A_158] : memref<10496x128xf32, #tpu.memory_space<vmem_shared>> -> memref<10496x128xf32, #tpu.memory_space<vmem_shared>>
      tpu.enqueue_indirect_dma source(%dma_start3A_153 : memref<128x128xf32, #tpu.memory_space<vmem>>) target(%dma_start3A_159 : memref<10496x128xf32, #tpu.memory_space<vmem_shared>>) offsets(%dma_start3A_156 : memref<128xi32, #tpu.memory_space<vmem>>) semaphore(%arg14 : memref<!tpu.dma_semaphore, #tpu.memory_space<semaphore_mem>>) {add = true}
      %mul3A_160 = arith.constant 2 : i32
      %mul3A_161 = arith.muli %scan3A_107, %mul3A_160 : i32
      %add3A_162 = arith.constant 0 : i32
      %add3A_163 = arith.addi %mul3A_161, %add3A_162 : i32
      %add3A_164 = arith.constant 2 : i32
      %add3A_165 = arith.addi %add3A_163, %add3A_164 : i32
      %dma_wait3A_166 = arith.constant 0 : i32
      %dma_wait3A_167 = arith.constant 0 : i32
      %dma_wait3A_168 = arith.constant 0 : i32
      %dma_wait3A_169 = arith.constant 0 : i32
      %dma_wait3A_170 = tpu.memref_slice %arg10[%dma_wait3A_166, %dma_wait3A_168, %dma_wait3A_169] : memref<2x128x128xf32, #tpu.memory_space<vmem>> -> memref<1x128x128xf32, #tpu.memory_space<vmem>>
      %dma_wait3A_171 = tpu.memref_squeeze %dma_wait3A_170 : memref<1x128x128xf32, #tpu.memory_space<vmem>> -> memref<128x128xf32, #tpu.memory_space<vmem>>
      %dma_wait3A_172 = arith.constant 0 : i32
      %dma_wait3A_173 = tpu.memref_slice %arg9[%dma_wait3A_167, %dma_wait3A_172] : memref<40x128xi32, #tpu.memory_space<vmem>> -> memref<1x128xi32, #tpu.memory_space<vmem>>
      %dma_wait3A_174 = tpu.memref_squeeze %dma_wait3A_173 : memref<1x128xi32, #tpu.memory_space<vmem>> -> memref<128xi32, #tpu.memory_space<vmem>>
      %dma_wait3A_175 = arith.constant 0 : i32
      %dma_wait3A_176 = arith.constant 0 : i32
      %dma_wait3A_177 = tpu.memref_slice %arg7[%dma_wait3A_175, %dma_wait3A_176] : memref<10496x128xf32, #tpu.memory_space<vmem_shared>> -> memref<10496x128xf32, #tpu.memory_space<vmem_shared>>
      tpu.wait_indirect_dma semaphore(%arg13 : memref<!tpu.dma_semaphore, #tpu.memory_space<semaphore_mem>>) src(%dma_wait3A_171 : memref<128x128xf32, #tpu.memory_space<vmem>>) dst(%dma_wait3A_177 : memref<10496x128xf32, #tpu.memory_space<vmem_shared>>)
      %dma_start3A_178 = arith.constant 0 : i32
      %dma_start3A_179 = arith.constant 0 : i32
      %dma_start3A_180 = arith.constant 0 : i32
      %dma_start3A_181 = tpu.memref_slice %arg10[%dma_start3A_178, %dma_start3A_179, %dma_start3A_180] : memref<2x128x128xf32, #tpu.memory_space<vmem>> -> memref<1x128x128xf32, #tpu.memory_space<vmem>>
      %dma_start3A_182 = tpu.memref_squeeze %dma_start3A_181 : memref<1x128x128xf32, #tpu.memory_space<vmem>> -> memref<128x128xf32, #tpu.memory_space<vmem>>
      %dma_start3A_183 = arith.constant 0 : i32
      %dma_start3A_184 = tpu.memref_slice %arg8[%add3A_165, %dma_start3A_183] : memref<40x128xi32, #tpu.memory_space<vmem>> -> memref<1x128xi32, #tpu.memory_space<vmem>>
      %dma_start3A_185 = tpu.memref_squeeze %dma_start3A_184 : memref<1x128xi32, #tpu.memory_space<vmem>> -> memref<128xi32, #tpu.memory_space<vmem>>
      %dma_start3A_186 = arith.constant 0 : i32
      %dma_start3A_187 = arith.constant 0 : i32
      %dma_start3A_188 = tpu.memref_slice %arg2[%dma_start3A_186, %dma_start3A_187] : memref<10240x128xf32, #tpu.memory_space<hbm>> -> memref<10240x128xf32, #tpu.memory_space<hbm>>
      tpu.enqueue_indirect_dma source(%dma_start3A_188 : memref<10240x128xf32, #tpu.memory_space<hbm>>) target(%dma_start3A_182 : memref<128x128xf32, #tpu.memory_space<vmem>>) offsets(%dma_start3A_185 : memref<128xi32, #tpu.memory_space<vmem>>) semaphore(%arg11 : memref<!tpu.dma_semaphore, #tpu.memory_space<semaphore_mem>>)
      %mul3A_189 = arith.constant 2 : i32
      %mul3A_190 = arith.muli %scan3A_107, %mul3A_189 : i32
      %add3A_191 = arith.constant 1 : i32
      %add3A_192 = arith.addi %mul3A_190, %add3A_191 : i32
      %add3A_193 = arith.constant 2 : i32
      %add3A_194 = arith.addi %add3A_192, %add3A_193 : i32
      %dma_wait3A_195 = arith.constant 1 : i32
      %dma_wait3A_196 = arith.constant 0 : i32
      %dma_wait3A_197 = arith.constant 0 : i32
      %dma_wait3A_198 = arith.constant 0 : i32
      %dma_wait3A_199 = tpu.memref_slice %arg10[%dma_wait3A_195, %dma_wait3A_197, %dma_wait3A_198] : memref<2x128x128xf32, #tpu.memory_space<vmem>> -> memref<1x128x128xf32, #tpu.memory_space<vmem>>
      %dma_wait3A_200 = tpu.memref_squeeze %dma_wait3A_199 : memref<1x128x128xf32, #tpu.memory_space<vmem>> -> memref<128x128xf32, #tpu.memory_space<vmem>>
      %dma_wait3A_201 = arith.constant 0 : i32
      %dma_wait3A_202 = tpu.memref_slice %arg9[%dma_wait3A_196, %dma_wait3A_201] : memref<40x128xi32, #tpu.memory_space<vmem>> -> memref<1x128xi32, #tpu.memory_space<vmem>>
      %dma_wait3A_203 = tpu.memref_squeeze %dma_wait3A_202 : memref<1x128xi32, #tpu.memory_space<vmem>> -> memref<128xi32, #tpu.memory_space<vmem>>
      %dma_wait3A_204 = arith.constant 0 : i32
      %dma_wait3A_205 = arith.constant 0 : i32
      %dma_wait3A_206 = tpu.memref_slice %arg7[%dma_wait3A_204, %dma_wait3A_205] : memref<10496x128xf32, #tpu.memory_space<vmem_shared>> -> memref<10496x128xf32, #tpu.memory_space<vmem_shared>>
      tpu.wait_indirect_dma semaphore(%arg14 : memref<!tpu.dma_semaphore, #tpu.memory_space<semaphore_mem>>) src(%dma_wait3A_200 : memref<128x128xf32, #tpu.memory_space<vmem>>) dst(%dma_wait3A_206 : memref<10496x128xf32, #tpu.memory_space<vmem_shared>>)
      %dma_start3A_207 = arith.constant 1 : i32
      %dma_start3A_208 = arith.constant 0 : i32
      %dma_start3A_209 = arith.constant 0 : i32
      %dma_start3A_210 = tpu.memref_slice %arg10[%dma_start3A_207, %dma_start3A_208, %dma_start3A_209] : memref<2x128x128xf32, #tpu.memory_space<vmem>> -> memref<1x128x128xf32, #tpu.memory_space<vmem>>
      %dma_start3A_211 = tpu.memref_squeeze %dma_start3A_210 : memref<1x128x128xf32, #tpu.memory_space<vmem>> -> memref<128x128xf32, #tpu.memory_space<vmem>>
      %dma_start3A_212 = arith.constant 0 : i32
      %dma_start3A_213 = tpu.memref_slice %arg8[%add3A_194, %dma_start3A_212] : memref<40x128xi32, #tpu.memory_space<vmem>> -> memref<1x128xi32, #tpu.memory_space<vmem>>
      %dma_start3A_214 = tpu.memref_squeeze %dma_start3A_213 : memref<1x128xi32, #tpu.memory_space<vmem>> -> memref<128xi32, #tpu.memory_space<vmem>>
      %dma_start3A_215 = arith.constant 0 : i32
      %dma_start3A_216 = arith.constant 0 : i32
      %dma_start3A_217 = tpu.memref_slice %arg2[%dma_start3A_215, %dma_start3A_216] : memref<10240x128xf32, #tpu.memory_space<hbm>> -> memref<10240x128xf32, #tpu.memory_space<hbm>>
      tpu.enqueue_indirect_dma source(%dma_start3A_217 : memref<10240x128xf32, #tpu.memory_space<hbm>>) target(%dma_start3A_211 : memref<128x128xf32, #tpu.memory_space<vmem>>) offsets(%dma_start3A_214 : memref<128xi32, #tpu.memory_space<vmem>>) semaphore(%arg12 : memref<!tpu.dma_semaphore, #tpu.memory_space<semaphore_mem>>)
    }
    %scan3A_30 = arith.constant 19 : i32
    %dma_wait3A = arith.constant 38 : i32
    %dma_wait3A_31 = arith.constant 0 : i32
    %dma_wait3A_32 = arith.constant 0 : i32
    %dma_wait3A_33 = arith.constant 0 : i32
    %dma_wait3A_34 = tpu.memref_slice %arg10[%dma_wait3A_31, %dma_wait3A_32, %dma_wait3A_33] : memref<2x128x128xf32, #tpu.memory_space<vmem>> -> memref<1x128x128xf32, #tpu.memory_space<vmem>>
    %dma_wait3A_35 = tpu.memref_squeeze %dma_wait3A_34 : memref<1x128x128xf32, #tpu.memory_space<vmem>> -> memref<128x128xf32, #tpu.memory_space<vmem>>
    %dma_wait3A_36 = arith.constant 0 : i32
    %dma_wait3A_37 = tpu.memref_slice %arg8[%dma_wait3A, %dma_wait3A_36] : memref<40x128xi32, #tpu.memory_space<vmem>> -> memref<1x128xi32, #tpu.memory_space<vmem>>
    %dma_wait3A_38 = tpu.memref_squeeze %dma_wait3A_37 : memref<1x128xi32, #tpu.memory_space<vmem>> -> memref<128xi32, #tpu.memory_space<vmem>>
    %dma_wait3A_39 = arith.constant 0 : i32
    %dma_wait3A_40 = arith.constant 0 : i32
    %dma_wait3A_41 = tpu.memref_slice %arg2[%dma_wait3A_39, %dma_wait3A_40] : memref<10240x128xf32, #tpu.memory_space<hbm>> -> memref<10240x128xf32, #tpu.memory_space<hbm>>
    tpu.wait_indirect_dma semaphore(%arg11 : memref<!tpu.dma_semaphore, #tpu.memory_space<semaphore_mem>>) src(%dma_wait3A_41 : memref<10240x128xf32, #tpu.memory_space<hbm>>) dst(%dma_wait3A_35 : memref<128x128xf32, #tpu.memory_space<vmem>>)
    %dma_start3A_42 = arith.constant 0 : i32
    %dma_start3A_43 = arith.constant 38 : i32
    %dma_start3A_44 = arith.constant 0 : i32
    %dma_start3A_45 = arith.constant 0 : i32
    %dma_start3A_46 = tpu.memref_slice %arg10[%dma_start3A_42, %dma_start3A_44, %dma_start3A_45] : memref<2x128x128xf32, #tpu.memory_space<vmem>> -> memref<1x128x128xf32, #tpu.memory_space<vmem>>
    %dma_start3A_47 = tpu.memref_squeeze %dma_start3A_46 : memref<1x128x128xf32, #tpu.memory_space<vmem>> -> memref<128x128xf32, #tpu.memory_space<vmem>>
    %dma_start3A_48 = arith.constant 0 : i32
    %dma_start3A_49 = tpu.memref_slice %arg9[%dma_start3A_43, %dma_start3A_48] : memref<40x128xi32, #tpu.memory_space<vmem>> -> memref<1x128xi32, #tpu.memory_space<vmem>>
    %dma_start3A_50 = tpu.memref_squeeze %dma_start3A_49 : memref<1x128xi32, #tpu.memory_space<vmem>> -> memref<128xi32, #tpu.memory_space<vmem>>
    %dma_start3A_51 = arith.constant 0 : i32
    %dma_start3A_52 = arith.constant 0 : i32
    %dma_start3A_53 = tpu.memref_slice %arg7[%dma_start3A_51, %dma_start3A_52] : memref<10496x128xf32, #tpu.memory_space<vmem_shared>> -> memref<10496x128xf32, #tpu.memory_space<vmem_shared>>
    tpu.enqueue_indirect_dma source(%dma_start3A_47 : memref<128x128xf32, #tpu.memory_space<vmem>>) target(%dma_start3A_53 : memref<10496x128xf32, #tpu.memory_space<vmem_shared>>) offsets(%dma_start3A_50 : memref<128xi32, #tpu.memory_space<vmem>>) semaphore(%arg13 : memref<!tpu.dma_semaphore, #tpu.memory_space<semaphore_mem>>) {add = true}
    %dma_wait3A_54 = arith.constant 39 : i32
    %dma_wait3A_55 = arith.constant 1 : i32
    %dma_wait3A_56 = arith.constant 0 : i32
    %dma_wait3A_57 = arith.constant 0 : i32
    %dma_wait3A_58 = tpu.memref_slice %arg10[%dma_wait3A_55, %dma_wait3A_56, %dma_wait3A_57] : memref<2x128x128xf32, #tpu.memory_space<vmem>> -> memref<1x128x128xf32, #tpu.memory_space<vmem>>
    %dma_wait3A_59 = tpu.memref_squeeze %dma_wait3A_58 : memref<1x128x128xf32, #tpu.memory_space<vmem>> -> memref<128x128xf32, #tpu.memory_space<vmem>>
    %dma_wait3A_60 = arith.constant 0 : i32
    %dma_wait3A_61 = tpu.memref_slice %arg8[%dma_wait3A_54, %dma_wait3A_60] : memref<40x128xi32, #tpu.memory_space<vmem>> -> memref<1x128xi32, #tpu.memory_space<vmem>>
    %dma_wait3A_62 = tpu.memref_squeeze %dma_wait3A_61 : memref<1x128xi32, #tpu.memory_space<vmem>> -> memref<128xi32, #tpu.memory_space<vmem>>
    %dma_wait3A_63 = arith.constant 0 : i32
    %dma_wait3A_64 = arith.constant 0 : i32
    %dma_wait3A_65 = tpu.memref_slice %arg2[%dma_wait3A_63, %dma_wait3A_64] : memref<10240x128xf32, #tpu.memory_space<hbm>> -> memref<10240x128xf32, #tpu.memory_space<hbm>>
    tpu.wait_indirect_dma semaphore(%arg12 : memref<!tpu.dma_semaphore, #tpu.memory_space<semaphore_mem>>) src(%dma_wait3A_65 : memref<10240x128xf32, #tpu.memory_space<hbm>>) dst(%dma_wait3A_59 : memref<128x128xf32, #tpu.memory_space<vmem>>)
    %dma_start3A_66 = arith.constant 1 : i32
    %dma_start3A_67 = arith.constant 39 : i32
    %dma_start3A_68 = arith.constant 0 : i32
    %dma_start3A_69 = arith.constant 0 : i32
    %dma_start3A_70 = tpu.memref_slice %arg10[%dma_start3A_66, %dma_start3A_68, %dma_start3A_69] : memref<2x128x128xf32, #tpu.memory_space<vmem>> -> memref<1x128x128xf32, #tpu.memory_space<vmem>>
    %dma_start3A_71 = tpu.memref_squeeze %dma_start3A_70 : memref<1x128x128xf32, #tpu.memory_space<vmem>> -> memref<128x128xf32, #tpu.memory_space<vmem>>
    %dma_start3A_72 = arith.constant 0 : i32
    %dma_start3A_73 = tpu.memref_slice %arg9[%dma_start3A_67, %dma_start3A_72] : memref<40x128xi32, #tpu.memory_space<vmem>> -> memref<1x128xi32, #tpu.memory_space<vmem>>
    %dma_start3A_74 = tpu.memref_squeeze %dma_start3A_73 : memref<1x128xi32, #tpu.memory_space<vmem>> -> memref<128xi32, #tpu.memory_space<vmem>>
    %dma_start3A_75 = arith.constant 0 : i32
    %dma_start3A_76 = arith.constant 0 : i32
    %dma_start3A_77 = tpu.memref_slice %arg7[%dma_start3A_75, %dma_start3A_76] : memref<10496x128xf32, #tpu.memory_space<vmem_shared>> -> memref<10496x128xf32, #tpu.memory_space<vmem_shared>>
    tpu.enqueue_indirect_dma source(%dma_start3A_71 : memref<128x128xf32, #tpu.memory_space<vmem>>) target(%dma_start3A_77 : memref<10496x128xf32, #tpu.memory_space<vmem_shared>>) offsets(%dma_start3A_74 : memref<128xi32, #tpu.memory_space<vmem>>) semaphore(%arg14 : memref<!tpu.dma_semaphore, #tpu.memory_space<semaphore_mem>>) {add = true}
    %dma_wait3A_78 = arith.constant 0 : i32
    %dma_wait3A_79 = arith.constant 0 : i32
    %dma_wait3A_80 = arith.constant 0 : i32
    %dma_wait3A_81 = arith.constant 0 : i32
    %dma_wait3A_82 = tpu.memref_slice %arg10[%dma_wait3A_78, %dma_wait3A_80, %dma_wait3A_81] : memref<2x128x128xf32, #tpu.memory_space<vmem>> -> memref<1x128x128xf32, #tpu.memory_space<vmem>>
    %dma_wait3A_83 = tpu.memref_squeeze %dma_wait3A_82 : memref<1x128x128xf32, #tpu.memory_space<vmem>> -> memref<128x128xf32, #tpu.memory_space<vmem>>
    %dma_wait3A_84 = arith.constant 0 : i32
    %dma_wait3A_85 = tpu.memref_slice %arg9[%dma_wait3A_79, %dma_wait3A_84] : memref<40x128xi32, #tpu.memory_space<vmem>> -> memref<1x128xi32, #tpu.memory_space<vmem>>
    %dma_wait3A_86 = tpu.memref_squeeze %dma_wait3A_85 : memref<1x128xi32, #tpu.memory_space<vmem>> -> memref<128xi32, #tpu.memory_space<vmem>>
    %dma_wait3A_87 = arith.constant 0 : i32
    %dma_wait3A_88 = arith.constant 0 : i32
    %dma_wait3A_89 = tpu.memref_slice %arg7[%dma_wait3A_87, %dma_wait3A_88] : memref<10496x128xf32, #tpu.memory_space<vmem_shared>> -> memref<10496x128xf32, #tpu.memory_space<vmem_shared>>
    tpu.wait_indirect_dma semaphore(%arg13 : memref<!tpu.dma_semaphore, #tpu.memory_space<semaphore_mem>>) src(%dma_wait3A_83 : memref<128x128xf32, #tpu.memory_space<vmem>>) dst(%dma_wait3A_89 : memref<10496x128xf32, #tpu.memory_space<vmem_shared>>)
    %dma_wait3A_90 = arith.constant 1 : i32
    %dma_wait3A_91 = arith.constant 0 : i32
    %dma_wait3A_92 = arith.constant 0 : i32
    %dma_wait3A_93 = arith.constant 0 : i32
    %dma_wait3A_94 = tpu.memref_slice %arg10[%dma_wait3A_90, %dma_wait3A_92, %dma_wait3A_93] : memref<2x128x128xf32, #tpu.memory_space<vmem>> -> memref<1x128x128xf32, #tpu.memory_space<vmem>>
    %dma_wait3A_95 = tpu.memref_squeeze %dma_wait3A_94 : memref<1x128x128xf32, #tpu.memory_space<vmem>> -> memref<128x128xf32, #tpu.memory_space<vmem>>
    %dma_wait3A_96 = arith.constant 0 : i32
    %dma_wait3A_97 = tpu.memref_slice %arg9[%dma_wait3A_91, %dma_wait3A_96] : memref<40x128xi32, #tpu.memory_space<vmem>> -> memref<1x128xi32, #tpu.memory_space<vmem>>
    %dma_wait3A_98 = tpu.memref_squeeze %dma_wait3A_97 : memref<1x128xi32, #tpu.memory_space<vmem>> -> memref<128xi32, #tpu.memory_space<vmem>>
    %dma_wait3A_99 = arith.constant 0 : i32
    %dma_wait3A_100 = arith.constant 0 : i32
    %dma_wait3A_101 = tpu.memref_slice %arg7[%dma_wait3A_99, %dma_wait3A_100] : memref<10496x128xf32, #tpu.memory_space<vmem_shared>> -> memref<10496x128xf32, #tpu.memory_space<vmem_shared>>
    tpu.wait_indirect_dma semaphore(%arg14 : memref<!tpu.dma_semaphore, #tpu.memory_space<semaphore_mem>>) src(%dma_wait3A_95 : memref<128x128xf32, #tpu.memory_space<vmem>>) dst(%dma_wait3A_101 : memref<10496x128xf32, #tpu.memory_space<vmem_shared>>)
    %barrier3A_102 = arith.constant 0 : index
    tpu.barrier barrier_id(%barrier3A_102)
    %mul3A_103 = arith.constant 640 : i32
    %mul3A_104 = arith.muli %arg1, %mul3A_103 : i32
    %mul3A_105 = arith.constant 640 : i32
    %mul3A_106 = arith.muli %arg1, %mul3A_105 : i32
    "tpu.region"() ({
      %run_scoped3A = tpu.sem_alloc : memref<!tpu.dma_semaphore, #tpu.memory_space<semaphore_mem>>
      %dma_start3A_107 = arith.constant 0 : i32
      %dma_start3A_108 = tpu.memref_slice %arg6[%arg0, %mul3A_106, %dma_start3A_107] : memref<2x10240x128xf32, #tpu.memory_space<hbm>> -> memref<1x640x128xf32, #tpu.memory_space<hbm>>
      %dma_start3A_109 = tpu.memref_squeeze %dma_start3A_108 : memref<1x640x128xf32, #tpu.memory_space<hbm>> -> memref<640x128xf32, #tpu.memory_space<hbm>>
      %dma_start3A_110 = arith.constant 0 : i32
      %dma_start3A_111 = tpu.memref_slice %arg7[%mul3A_104, %dma_start3A_110] : memref<10496x128xf32, #tpu.memory_space<vmem_shared>> -> memref<640x128xf32, #tpu.memory_space<vmem_shared>>
      tpu.enqueue_dma source(%dma_start3A_111 : memref<640x128xf32, #tpu.memory_space<vmem_shared>>) target(%dma_start3A_109 : memref<640x128xf32, #tpu.memory_space<hbm>>) target_semaphore(%run_scoped3A : memref<!tpu.dma_semaphore, #tpu.memory_space<semaphore_mem>>)
      %dma_wait3A_112 = arith.constant 0 : i32
      %dma_wait3A_113 = tpu.memref_slice %arg6[%arg0, %mul3A_106, %dma_wait3A_112] : memref<2x10240x128xf32, #tpu.memory_space<hbm>> -> memref<1x640x128xf32, #tpu.memory_space<hbm>>
      %dma_wait3A_114 = tpu.memref_squeeze %dma_wait3A_113 : memref<1x640x128xf32, #tpu.memory_space<hbm>> -> memref<640x128xf32, #tpu.memory_space<hbm>>
      %dma_wait3A_115 = arith.constant 0 : i32
      %dma_wait3A_116 = tpu.memref_slice %arg7[%mul3A_104, %dma_wait3A_115] : memref<10496x128xf32, #tpu.memory_space<vmem_shared>> -> memref<640x128xf32, #tpu.memory_space<vmem_shared>>
      tpu.wait_dma2 semaphore(%run_scoped3A : memref<!tpu.dma_semaphore, #tpu.memory_space<semaphore_mem>>) src(%dma_wait3A_116 : memref<640x128xf32, #tpu.memory_space<vmem_shared>>) dst(%dma_wait3A_114 : memref<640x128xf32, #tpu.memory_space<hbm>>)
      tpu.yield
    }) : () -> ()
    return
  }
}

#map = affine_map<(d0, d1) -> (0, 0)>
#map1 = affine_map<(d0, d1) -> (0, 0, 0)>
module attributes {stable_mosaic.version = 14 : i64} {
  func.func @body(%arg0: i32, %arg1: i32, %arg2: memref<10240x128xf32, #tpu.memory_space<hbm>>, %arg3: memref<32x40x128xi32, #tpu.memory_space<hbm>>, %arg4: memref<32x40x128xi32, #tpu.memory_space<hbm>>, %arg5: memref<656x128xf32, #tpu.memory_space<hbm>>, %arg6: memref<2x10240x128xf32, #tpu.memory_space<hbm>>, %arg7: memref<10496x128xf32, #tpu.memory_space<vmem_shared>>, %arg8: memref<40x128xi32, #tpu.memory_space<vmem>>, %arg9: memref<40x128xi32, #tpu.memory_space<vmem>>, %arg10: memref<2x128x128xf32, #tpu.memory_space<vmem>>, %arg11: memref<!tpu.dma_semaphore, #tpu.memory_space<semaphore_mem>>, %arg12: memref<!tpu.dma_semaphore, #tpu.memory_space<semaphore_mem>>, %arg13: memref<!tpu.dma_semaphore, #tpu.memory_space<semaphore_mem>>, %arg14: memref<!tpu.dma_semaphore, #tpu.memory_space<semaphore_mem>>) attributes {dimension_semantics = [#tpu.dimension_semantics<core_parallel>, #tpu.dimension_semantics<subcore_parallel>], iteration_bounds = array<i64: 2, 16>, scalar_prefetch = 0 : i64, scratch_operands = 8 : i64, tpu.core_type = #tpu.core_type<sc_vector_subcore>, window_params = [{transform_indices = #map}, {transform_indices = #map1}, {transform_indices = #map1}, {transform_indices = #map}, {transform_indices = #map1}]} {
    %mul3A = arith.constant 2 : i32
    %mul3A_0 = arith.muli %arg1, %mul3A : i32
    %add3A = arith.addi %mul3A_0, %arg0 : i32
    "tpu.region"() ({
      %run_scoped3A = tpu.sem_alloc : memref<!tpu.dma_semaphore, #tpu.memory_space<semaphore_mem>>
      %dma_start3A_107 = arith.constant 0 : i32
      %dma_start3A_108 = arith.constant 0 : i32
      %dma_start3A_109 = tpu.memref_slice %arg3[%add3A, %dma_start3A_107, %dma_start3A_108] : memref<32x40x128xi32, #tpu.memory_space<hbm>> -> memref<1x40x128xi32, #tpu.memory_space<hbm>>
      %dma_start3A_110 = tpu.memref_squeeze %dma_start3A_109 : memref<1x40x128xi32, #tpu.memory_space<hbm>> -> memref<40x128xi32, #tpu.memory_space<hbm>>
      %dma_start3A_111 = arith.constant 0 : i32
      %dma_start3A_112 = arith.constant 0 : i32
      %dma_start3A_113 = tpu.memref_slice %arg3[%add3A, %dma_start3A_111, %dma_start3A_112] : memref<32x40x128xi32, #tpu.memory_space<hbm>> -> memref<1x40x128xi32, #tpu.memory_space<hbm>>
      %dma_start3A_114 = tpu.memref_squeeze %dma_start3A_113 : memref<1x40x128xi32, #tpu.memory_space<hbm>> -> memref<40x128xi32, #tpu.memory_space<hbm>>
      tpu.enqueue_dma source(%dma_start3A_114 : memref<40x128xi32, #tpu.memory_space<hbm>>) target(%arg8 : memref<40x128xi32, #tpu.memory_space<vmem>>) target_semaphore(%run_scoped3A : memref<!tpu.dma_semaphore, #tpu.memory_space<semaphore_mem>>)
      %dma_wait3A_115 = arith.constant 0 : i32
      %dma_wait3A_116 = arith.constant 0 : i32
      %dma_wait3A_117 = tpu.memref_slice %arg3[%add3A, %dma_wait3A_115, %dma_wait3A_116] : memref<32x40x128xi32, #tpu.memory_space<hbm>> -> memref<1x40x128xi32, #tpu.memory_space<hbm>>
      %dma_wait3A_118 = tpu.memref_squeeze %dma_wait3A_117 : memref<1x40x128xi32, #tpu.memory_space<hbm>> -> memref<40x128xi32, #tpu.memory_space<hbm>>
      %dma_wait3A_119 = arith.constant 0 : i32
      %dma_wait3A_120 = arith.constant 0 : i32
      %dma_wait3A_121 = tpu.memref_slice %arg3[%add3A, %dma_wait3A_119, %dma_wait3A_120] : memref<32x40x128xi32, #tpu.memory_space<hbm>> -> memref<1x40x128xi32, #tpu.memory_space<hbm>>
      %dma_wait3A_122 = tpu.memref_squeeze %dma_wait3A_121 : memref<1x40x128xi32, #tpu.memory_space<hbm>> -> memref<40x128xi32, #tpu.memory_space<hbm>>
      tpu.wait_dma2 semaphore(%run_scoped3A : memref<!tpu.dma_semaphore, #tpu.memory_space<semaphore_mem>>) src(%dma_wait3A_122 : memref<40x128xi32, #tpu.memory_space<hbm>>) dst(%arg8 : memref<40x128xi32, #tpu.memory_space<vmem>>)
      tpu.yield
    }) : () -> ()
    "tpu.region"() ({
      %run_scoped3A = tpu.sem_alloc : memref<!tpu.dma_semaphore, #tpu.memory_space<semaphore_mem>>
      %dma_start3A_107 = arith.constant 0 : i32
      %dma_start3A_108 = arith.constant 0 : i32
      %dma_start3A_109 = tpu.memref_slice %arg4[%add3A, %dma_start3A_107, %dma_start3A_108] : memref<32x40x128xi32, #tpu.memory_space<hbm>> -> memref<1x40x128xi32, #tpu.memory_space<hbm>>
      %dma_start3A_110 = tpu.memref_squeeze %dma_start3A_109 : memref<1x40x128xi32, #tpu.memory_space<hbm>> -> memref<40x128xi32, #tpu.memory_space<hbm>>
      %dma_start3A_111 = arith.constant 0 : i32
      %dma_start3A_112 = arith.constant 0 : i32
      %dma_start3A_113 = tpu.memref_slice %arg4[%add3A, %dma_start3A_111, %dma_start3A_112] : memref<32x40x128xi32, #tpu.memory_space<hbm>> -> memref<1x40x128xi32, #tpu.memory_space<hbm>>
      %dma_start3A_114 = tpu.memref_squeeze %dma_start3A_113 : memref<1x40x128xi32, #tpu.memory_space<hbm>> -> memref<40x128xi32, #tpu.memory_space<hbm>>
      tpu.enqueue_dma source(%dma_start3A_114 : memref<40x128xi32, #tpu.memory_space<hbm>>) target(%arg9 : memref<40x128xi32, #tpu.memory_space<vmem>>) target_semaphore(%run_scoped3A : memref<!tpu.dma_semaphore, #tpu.memory_space<semaphore_mem>>)
      %dma_wait3A_115 = arith.constant 0 : i32
      %dma_wait3A_116 = arith.constant 0 : i32
      %dma_wait3A_117 = tpu.memref_slice %arg4[%add3A, %dma_wait3A_115, %dma_wait3A_116] : memref<32x40x128xi32, #tpu.memory_space<hbm>> -> memref<1x40x128xi32, #tpu.memory_space<hbm>>
      %dma_wait3A_118 = tpu.memref_squeeze %dma_wait3A_117 : memref<1x40x128xi32, #tpu.memory_space<hbm>> -> memref<40x128xi32, #tpu.memory_space<hbm>>
      %dma_wait3A_119 = arith.constant 0 : i32
      %dma_wait3A_120 = arith.constant 0 : i32
      %dma_wait3A_121 = tpu.memref_slice %arg4[%add3A, %dma_wait3A_119, %dma_wait3A_120] : memref<32x40x128xi32, #tpu.memory_space<hbm>> -> memref<1x40x128xi32, #tpu.memory_space<hbm>>
      %dma_wait3A_122 = tpu.memref_squeeze %dma_wait3A_121 : memref<1x40x128xi32, #tpu.memory_space<hbm>> -> memref<40x128xi32, #tpu.memory_space<hbm>>
      tpu.wait_dma2 semaphore(%run_scoped3A : memref<!tpu.dma_semaphore, #tpu.memory_space<semaphore_mem>>) src(%dma_wait3A_122 : memref<40x128xi32, #tpu.memory_space<hbm>>) dst(%arg9 : memref<40x128xi32, #tpu.memory_space<vmem>>)
      tpu.yield
    }) : () -> ()
    %dma_start3A = arith.constant 0 : i32
    %dma_start3A_1 = arith.constant 0 : i32
    %dma_start3A_2 = arith.constant 0 : i32
    %dma_start3A_3 = arith.constant 0 : i32
    %dma_start3A_4 = tpu.memref_slice %arg10[%dma_start3A_1, %dma_start3A_2, %dma_start3A_3] : memref<2x128x128xf32, #tpu.memory_space<vmem>> -> memref<1x128x128xf32, #tpu.memory_space<vmem>>
    %dma_start3A_5 = tpu.memref_squeeze %dma_start3A_4 : memref<1x128x128xf32, #tpu.memory_space<vmem>> -> memref<128x128xf32, #tpu.memory_space<vmem>>
    %dma_start3A_6 = arith.constant 0 : i32
    %dma_start3A_7 = tpu.memref_slice %arg8[%dma_start3A, %dma_start3A_6] : memref<40x128xi32, #tpu.memory_space<vmem>> -> memref<1x128xi32, #tpu.memory_space<vmem>>
    %dma_start3A_8 = tpu.memref_squeeze %dma_start3A_7 : memref<1x128xi32, #tpu.memory_space<vmem>> -> memref<128xi32, #tpu.memory_space<vmem>>
    %dma_start3A_9 = arith.constant 0 : i32
    %dma_start3A_10 = arith.constant 0 : i32
    %dma_start3A_11 = tpu.memref_slice %arg2[%dma_start3A_9, %dma_start3A_10] : memref<10240x128xf32, #tpu.memory_space<hbm>> -> memref<10240x128xf32, #tpu.memory_space<hbm>>
    tpu.enqueue_indirect_dma source(%dma_start3A_11 : memref<10240x128xf32, #tpu.memory_space<hbm>>) target(%dma_start3A_5 : memref<128x128xf32, #tpu.memory_space<vmem>>) offsets(%dma_start3A_8 : memref<128xi32, #tpu.memory_space<vmem>>) semaphore(%arg11 : memref<!tpu.dma_semaphore, #tpu.memory_space<semaphore_mem>>)
    %dma_start3A_12 = arith.constant 1 : i32
    %dma_start3A_13 = arith.constant 1 : i32
    %dma_start3A_14 = arith.constant 0 : i32
    %dma_start3A_15 = arith.constant 0 : i32
    %dma_start3A_16 = tpu.memref_slice %arg10[%dma_start3A_13, %dma_start3A_14, %dma_start3A_15] : memref<2x128x128xf32, #tpu.memory_space<vmem>> -> memref<1x128x128xf32, #tpu.memory_space<vmem>>
    %dma_start3A_17 = tpu.memref_squeeze %dma_start3A_16 : memref<1x128x128xf32, #tpu.memory_space<vmem>> -> memref<128x128xf32, #tpu.memory_space<vmem>>
    %dma_start3A_18 = arith.constant 0 : i32
    %dma_start3A_19 = tpu.memref_slice %arg8[%dma_start3A_12, %dma_start3A_18] : memref<40x128xi32, #tpu.memory_space<vmem>> -> memref<1x128xi32, #tpu.memory_space<vmem>>
    %dma_start3A_20 = tpu.memref_squeeze %dma_start3A_19 : memref<1x128xi32, #tpu.memory_space<vmem>> -> memref<128xi32, #tpu.memory_space<vmem>>
    %dma_start3A_21 = arith.constant 0 : i32
    %dma_start3A_22 = arith.constant 0 : i32
    %dma_start3A_23 = tpu.memref_slice %arg2[%dma_start3A_21, %dma_start3A_22] : memref<10240x128xf32, #tpu.memory_space<hbm>> -> memref<10240x128xf32, #tpu.memory_space<hbm>>
    tpu.enqueue_indirect_dma source(%dma_start3A_23 : memref<10240x128xf32, #tpu.memory_space<hbm>>) target(%dma_start3A_17 : memref<128x128xf32, #tpu.memory_space<vmem>>) offsets(%dma_start3A_20 : memref<128xi32, #tpu.memory_space<vmem>>) semaphore(%arg12 : memref<!tpu.dma_semaphore, #tpu.memory_space<semaphore_mem>>)
    %mul3A_24 = arith.constant 656 : i32
    %mul3A_25 = arith.muli %arg1, %mul3A_24 : i32
    "tpu.region"() ({
      %run_scoped3A = tpu.sem_alloc : memref<!tpu.dma_semaphore, #tpu.memory_space<semaphore_mem>>
      %dma_start3A_107 = arith.constant 0 : i32
      %dma_start3A_108 = tpu.memref_slice %arg7[%mul3A_25, %dma_start3A_107] : memref<10496x128xf32, #tpu.memory_space<vmem_shared>> -> memref<656x128xf32, #tpu.memory_space<vmem_shared>>
      tpu.enqueue_dma source(%arg5 : memref<656x128xf32, #tpu.memory_space<hbm>>) target(%dma_start3A_108 : memref<656x128xf32, #tpu.memory_space<vmem_shared>>) target_semaphore(%run_scoped3A : memref<!tpu.dma_semaphore, #tpu.memory_space<semaphore_mem>>)
      %dma_wait3A_109 = arith.constant 0 : i32
      %dma_wait3A_110 = tpu.memref_slice %arg7[%mul3A_25, %dma_wait3A_109] : memref<10496x128xf32, #tpu.memory_space<vmem_shared>> -> memref<656x128xf32, #tpu.memory_space<vmem_shared>>
      tpu.wait_dma2 semaphore(%run_scoped3A : memref<!tpu.dma_semaphore, #tpu.memory_space<semaphore_mem>>) src(%arg5 : memref<656x128xf32, #tpu.memory_space<hbm>>) dst(%dma_wait3A_110 : memref<656x128xf32, #tpu.memory_space<vmem_shared>>)
      tpu.yield
    }) : () -> ()
    %barrier3A = arith.constant 0 : index
    tpu.barrier barrier_id(%barrier3A)
    %scan3A = arith.constant 0 : i32
    %scan3A_26 = arith.constant 0 : i32
    %scan3A_27 = arith.constant 19 : i32
    %scan3A_28 = arith.addi %scan3A_26, %scan3A_27 : i32
    %scan3A_29 = arith.constant 1 : i32
    scf.for %scan3A_107 = %scan3A_26 to %scan3A_28 step %scan3A_29  : i32 {
      %mul3A_108 = arith.constant 2 : i32
      %mul3A_109 = arith.muli %scan3A_107, %mul3A_108 : i32
      %add3A_110 = arith.constant 0 : i32
      %add3A_111 = arith.addi %mul3A_109, %add3A_110 : i32
      %dma_wait3A_112 = arith.constant 0 : i32
      %dma_wait3A_113 = arith.constant 0 : i32
      %dma_wait3A_114 = arith.constant 0 : i32
      %dma_wait3A_115 = tpu.memref_slice %arg10[%dma_wait3A_112, %dma_wait3A_113, %dma_wait3A_114] : memref<2x128x128xf32, #tpu.memory_space<vmem>> -> memref<1x128x128xf32, #tpu.memory_space<vmem>>
      %dma_wait3A_116 = tpu.memref_squeeze %dma_wait3A_115 : memref<1x128x128xf32, #tpu.memory_space<vmem>> -> memref<128x128xf32, #tpu.memory_space<vmem>>
      %dma_wait3A_117 = arith.constant 0 : i32
      %dma_wait3A_118 = tpu.memref_slice %arg8[%add3A_111, %dma_wait3A_117] : memref<40x128xi32, #tpu.memory_space<vmem>> -> memref<1x128xi32, #tpu.memory_space<vmem>>
      %dma_wait3A_119 = tpu.memref_squeeze %dma_wait3A_118 : memref<1x128xi32, #tpu.memory_space<vmem>> -> memref<128xi32, #tpu.memory_space<vmem>>
      %dma_wait3A_120 = arith.constant 0 : i32
      %dma_wait3A_121 = arith.constant 0 : i32
      %dma_wait3A_122 = tpu.memref_slice %arg2[%dma_wait3A_120, %dma_wait3A_121] : memref<10240x128xf32, #tpu.memory_space<hbm>> -> memref<10240x128xf32, #tpu.memory_space<hbm>>
      tpu.wait_indirect_dma semaphore(%arg11 : memref<!tpu.dma_semaphore, #tpu.memory_space<semaphore_mem>>) src(%dma_wait3A_122 : memref<10240x128xf32, #tpu.memory_space<hbm>>) dst(%dma_wait3A_116 : memref<128x128xf32, #tpu.memory_space<vmem>>)
      %dma_start3A_123 = arith.constant 0 : i32
      %dma_start3A_124 = arith.constant 0 : i32
      %dma_start3A_125 = arith.constant 0 : i32
      %dma_start3A_126 = tpu.memref_slice %arg10[%dma_start3A_123, %dma_start3A_124, %dma_start3A_125] : memref<2x128x128xf32, #tpu.memory_space<vmem>> -> memref<1x128x128xf32, #tpu.memory_space<vmem>>
      %dma_start3A_127 = tpu.memref_squeeze %dma_start3A_126 : memref<1x128x128xf32, #tpu.memory_space<vmem>> -> memref<128x128xf32, #tpu.memory_space<vmem>>
      %dma_start3A_128 = arith.constant 0 : i32
      %dma_start3A_129 = tpu.memref_slice %arg9[%add3A_111, %dma_start3A_128] : memref<40x128xi32, #tpu.memory_space<vmem>> -> memref<1x128xi32, #tpu.memory_space<vmem>>
      %dma_start3A_130 = tpu.memref_squeeze %dma_start3A_129 : memref<1x128xi32, #tpu.memory_space<vmem>> -> memref<128xi32, #tpu.memory_space<vmem>>
      %dma_start3A_131 = arith.constant 0 : i32
      %dma_start3A_132 = arith.constant 0 : i32
      %dma_start3A_133 = tpu.memref_slice %arg7[%dma_start3A_131, %dma_start3A_132] : memref<10496x128xf32, #tpu.memory_space<vmem_shared>> -> memref<10496x128xf32, #tpu.memory_space<vmem_shared>>
      tpu.enqueue_indirect_dma source(%dma_start3A_127 : memref<128x128xf32, #tpu.memory_space<vmem>>) target(%dma_start3A_133 : memref<10496x128xf32, #tpu.memory_space<vmem_shared>>) offsets(%dma_start3A_130 : memref<128xi32, #tpu.memory_space<vmem>>) semaphore(%arg13 : memref<!tpu.dma_semaphore, #tpu.memory_space<semaphore_mem>>) {add = true}
      %mul3A_134 = arith.constant 2 : i32
      %mul3A_135 = arith.muli %scan3A_107, %mul3A_134 : i32
      %add3A_136 = arith.constant 1 : i32
      %add3A_137 = arith.addi %mul3A_135, %add3A_136 : i32
      %dma_wait3A_138 = arith.constant 1 : i32
      %dma_wait3A_139 = arith.constant 0 : i32
      %dma_wait3A_140 = arith.constant 0 : i32
      %dma_wait3A_141 = tpu.memref_slice %arg10[%dma_wait3A_138, %dma_wait3A_139, %dma_wait3A_140] : memref<2x128x128xf32, #tpu.memory_space<vmem>> -> memref<1x128x128xf32, #tpu.memory_space<vmem>>
      %dma_wait3A_142 = tpu.memref_squeeze %dma_wait3A_141 : memref<1x128x128xf32, #tpu.memory_space<vmem>> -> memref<128x128xf32, #tpu.memory_space<vmem>>
      %dma_wait3A_143 = arith.constant 0 : i32
      %dma_wait3A_144 = tpu.memref_slice %arg8[%add3A_137, %dma_wait3A_143] : memref<40x128xi32, #tpu.memory_space<vmem>> -> memref<1x128xi32, #tpu.memory_space<vmem>>
      %dma_wait3A_145 = tpu.memref_squeeze %dma_wait3A_144 : memref<1x128xi32, #tpu.memory_space<vmem>> -> memref<128xi32, #tpu.memory_space<vmem>>
      %dma_wait3A_146 = arith.constant 0 : i32
      %dma_wait3A_147 = arith.constant 0 : i32
      %dma_wait3A_148 = tpu.memref_slice %arg2[%dma_wait3A_146, %dma_wait3A_147] : memref<10240x128xf32, #tpu.memory_space<hbm>> -> memref<10240x128xf32, #tpu.memory_space<hbm>>
      tpu.wait_indirect_dma semaphore(%arg12 : memref<!tpu.dma_semaphore, #tpu.memory_space<semaphore_mem>>) src(%dma_wait3A_148 : memref<10240x128xf32, #tpu.memory_space<hbm>>) dst(%dma_wait3A_142 : memref<128x128xf32, #tpu.memory_space<vmem>>)
      %dma_start3A_149 = arith.constant 1 : i32
      %dma_start3A_150 = arith.constant 0 : i32
      %dma_start3A_151 = arith.constant 0 : i32
      %dma_start3A_152 = tpu.memref_slice %arg10[%dma_start3A_149, %dma_start3A_150, %dma_start3A_151] : memref<2x128x128xf32, #tpu.memory_space<vmem>> -> memref<1x128x128xf32, #tpu.memory_space<vmem>>
      %dma_start3A_153 = tpu.memref_squeeze %dma_start3A_152 : memref<1x128x128xf32, #tpu.memory_space<vmem>> -> memref<128x128xf32, #tpu.memory_space<vmem>>
      %dma_start3A_154 = arith.constant 0 : i32
      %dma_start3A_155 = tpu.memref_slice %arg9[%add3A_137, %dma_start3A_154] : memref<40x128xi32, #tpu.memory_space<vmem>> -> memref<1x128xi32, #tpu.memory_space<vmem>>
      %dma_start3A_156 = tpu.memref_squeeze %dma_start3A_155 : memref<1x128xi32, #tpu.memory_space<vmem>> -> memref<128xi32, #tpu.memory_space<vmem>>
      %dma_start3A_157 = arith.constant 0 : i32
      %dma_start3A_158 = arith.constant 0 : i32
      %dma_start3A_159 = tpu.memref_slice %arg7[%dma_start3A_157, %dma_start3A_158] : memref<10496x128xf32, #tpu.memory_space<vmem_shared>> -> memref<10496x128xf32, #tpu.memory_space<vmem_shared>>
      tpu.enqueue_indirect_dma source(%dma_start3A_153 : memref<128x128xf32, #tpu.memory_space<vmem>>) target(%dma_start3A_159 : memref<10496x128xf32, #tpu.memory_space<vmem_shared>>) offsets(%dma_start3A_156 : memref<128xi32, #tpu.memory_space<vmem>>) semaphore(%arg14 : memref<!tpu.dma_semaphore, #tpu.memory_space<semaphore_mem>>) {add = true}
      %mul3A_160 = arith.constant 2 : i32
      %mul3A_161 = arith.muli %scan3A_107, %mul3A_160 : i32
      %add3A_162 = arith.constant 0 : i32
      %add3A_163 = arith.addi %mul3A_161, %add3A_162 : i32
      %add3A_164 = arith.constant 2 : i32
      %add3A_165 = arith.addi %add3A_163, %add3A_164 : i32
      %dma_wait3A_166 = arith.constant 0 : i32
      %dma_wait3A_167 = arith.constant 0 : i32
      %dma_wait3A_168 = arith.constant 0 : i32
      %dma_wait3A_169 = arith.constant 0 : i32
      %dma_wait3A_170 = tpu.memref_slice %arg10[%dma_wait3A_166, %dma_wait3A_168, %dma_wait3A_169] : memref<2x128x128xf32, #tpu.memory_space<vmem>> -> memref<1x128x128xf32, #tpu.memory_space<vmem>>
      %dma_wait3A_171 = tpu.memref_squeeze %dma_wait3A_170 : memref<1x128x128xf32, #tpu.memory_space<vmem>> -> memref<128x128xf32, #tpu.memory_space<vmem>>
      %dma_wait3A_172 = arith.constant 0 : i32
      %dma_wait3A_173 = tpu.memref_slice %arg9[%dma_wait3A_167, %dma_wait3A_172] : memref<40x128xi32, #tpu.memory_space<vmem>> -> memref<1x128xi32, #tpu.memory_space<vmem>>
      %dma_wait3A_174 = tpu.memref_squeeze %dma_wait3A_173 : memref<1x128xi32, #tpu.memory_space<vmem>> -> memref<128xi32, #tpu.memory_space<vmem>>
      %dma_wait3A_175 = arith.constant 0 : i32
      %dma_wait3A_176 = arith.constant 0 : i32
      %dma_wait3A_177 = tpu.memref_slice %arg7[%dma_wait3A_175, %dma_wait3A_176] : memref<10496x128xf32, #tpu.memory_space<vmem_shared>> -> memref<10496x128xf32, #tpu.memory_space<vmem_shared>>
      tpu.wait_indirect_dma semaphore(%arg13 : memref<!tpu.dma_semaphore, #tpu.memory_space<semaphore_mem>>) src(%dma_wait3A_171 : memref<128x128xf32, #tpu.memory_space<vmem>>) dst(%dma_wait3A_177 : memref<10496x128xf32, #tpu.memory_space<vmem_shared>>)
      %dma_start3A_178 = arith.constant 0 : i32
      %dma_start3A_179 = arith.constant 0 : i32
      %dma_start3A_180 = arith.constant 0 : i32
      %dma_start3A_181 = tpu.memref_slice %arg10[%dma_start3A_178, %dma_start3A_179, %dma_start3A_180] : memref<2x128x128xf32, #tpu.memory_space<vmem>> -> memref<1x128x128xf32, #tpu.memory_space<vmem>>
      %dma_start3A_182 = tpu.memref_squeeze %dma_start3A_181 : memref<1x128x128xf32, #tpu.memory_space<vmem>> -> memref<128x128xf32, #tpu.memory_space<vmem>>
      %dma_start3A_183 = arith.constant 0 : i32
      %dma_start3A_184 = tpu.memref_slice %arg8[%add3A_165, %dma_start3A_183] : memref<40x128xi32, #tpu.memory_space<vmem>> -> memref<1x128xi32, #tpu.memory_space<vmem>>
      %dma_start3A_185 = tpu.memref_squeeze %dma_start3A_184 : memref<1x128xi32, #tpu.memory_space<vmem>> -> memref<128xi32, #tpu.memory_space<vmem>>
      %dma_start3A_186 = arith.constant 0 : i32
      %dma_start3A_187 = arith.constant 0 : i32
      %dma_start3A_188 = tpu.memref_slice %arg2[%dma_start3A_186, %dma_start3A_187] : memref<10240x128xf32, #tpu.memory_space<hbm>> -> memref<10240x128xf32, #tpu.memory_space<hbm>>
      tpu.enqueue_indirect_dma source(%dma_start3A_188 : memref<10240x128xf32, #tpu.memory_space<hbm>>) target(%dma_start3A_182 : memref<128x128xf32, #tpu.memory_space<vmem>>) offsets(%dma_start3A_185 : memref<128xi32, #tpu.memory_space<vmem>>) semaphore(%arg11 : memref<!tpu.dma_semaphore, #tpu.memory_space<semaphore_mem>>)
      %mul3A_189 = arith.constant 2 : i32
      %mul3A_190 = arith.muli %scan3A_107, %mul3A_189 : i32
      %add3A_191 = arith.constant 1 : i32
      %add3A_192 = arith.addi %mul3A_190, %add3A_191 : i32
      %add3A_193 = arith.constant 2 : i32
      %add3A_194 = arith.addi %add3A_192, %add3A_193 : i32
      %dma_wait3A_195 = arith.constant 1 : i32
      %dma_wait3A_196 = arith.constant 0 : i32
      %dma_wait3A_197 = arith.constant 0 : i32
      %dma_wait3A_198 = arith.constant 0 : i32
      %dma_wait3A_199 = tpu.memref_slice %arg10[%dma_wait3A_195, %dma_wait3A_197, %dma_wait3A_198] : memref<2x128x128xf32, #tpu.memory_space<vmem>> -> memref<1x128x128xf32, #tpu.memory_space<vmem>>
      %dma_wait3A_200 = tpu.memref_squeeze %dma_wait3A_199 : memref<1x128x128xf32, #tpu.memory_space<vmem>> -> memref<128x128xf32, #tpu.memory_space<vmem>>
      %dma_wait3A_201 = arith.constant 0 : i32
      %dma_wait3A_202 = tpu.memref_slice %arg9[%dma_wait3A_196, %dma_wait3A_201] : memref<40x128xi32, #tpu.memory_space<vmem>> -> memref<1x128xi32, #tpu.memory_space<vmem>>
      %dma_wait3A_203 = tpu.memref_squeeze %dma_wait3A_202 : memref<1x128xi32, #tpu.memory_space<vmem>> -> memref<128xi32, #tpu.memory_space<vmem>>
      %dma_wait3A_204 = arith.constant 0 : i32
      %dma_wait3A_205 = arith.constant 0 : i32
      %dma_wait3A_206 = tpu.memref_slice %arg7[%dma_wait3A_204, %dma_wait3A_205] : memref<10496x128xf32, #tpu.memory_space<vmem_shared>> -> memref<10496x128xf32, #tpu.memory_space<vmem_shared>>
      tpu.wait_indirect_dma semaphore(%arg14 : memref<!tpu.dma_semaphore, #tpu.memory_space<semaphore_mem>>) src(%dma_wait3A_200 : memref<128x128xf32, #tpu.memory_space<vmem>>) dst(%dma_wait3A_206 : memref<10496x128xf32, #tpu.memory_space<vmem_shared>>)
      %dma_start3A_207 = arith.constant 1 : i32
      %dma_start3A_208 = arith.constant 0 : i32
      %dma_start3A_209 = arith.constant 0 : i32
      %dma_start3A_210 = tpu.memref_slice %arg10[%dma_start3A_207, %dma_start3A_208, %dma_start3A_209] : memref<2x128x128xf32, #tpu.memory_space<vmem>> -> memref<1x128x128xf32, #tpu.memory_space<vmem>>
      %dma_start3A_211 = tpu.memref_squeeze %dma_start3A_210 : memref<1x128x128xf32, #tpu.memory_space<vmem>> -> memref<128x128xf32, #tpu.memory_space<vmem>>
      %dma_start3A_212 = arith.constant 0 : i32
      %dma_start3A_213 = tpu.memref_slice %arg8[%add3A_194, %dma_start3A_212] : memref<40x128xi32, #tpu.memory_space<vmem>> -> memref<1x128xi32, #tpu.memory_space<vmem>>
      %dma_start3A_214 = tpu.memref_squeeze %dma_start3A_213 : memref<1x128xi32, #tpu.memory_space<vmem>> -> memref<128xi32, #tpu.memory_space<vmem>>
      %dma_start3A_215 = arith.constant 0 : i32
      %dma_start3A_216 = arith.constant 0 : i32
      %dma_start3A_217 = tpu.memref_slice %arg2[%dma_start3A_215, %dma_start3A_216] : memref<10240x128xf32, #tpu.memory_space<hbm>> -> memref<10240x128xf32, #tpu.memory_space<hbm>>
      tpu.enqueue_indirect_dma source(%dma_start3A_217 : memref<10240x128xf32, #tpu.memory_space<hbm>>) target(%dma_start3A_211 : memref<128x128xf32, #tpu.memory_space<vmem>>) offsets(%dma_start3A_214 : memref<128xi32, #tpu.memory_space<vmem>>) semaphore(%arg12 : memref<!tpu.dma_semaphore, #tpu.memory_space<semaphore_mem>>)
    }
    %scan3A_30 = arith.constant 19 : i32
    %dma_wait3A = arith.constant 38 : i32
    %dma_wait3A_31 = arith.constant 0 : i32
    %dma_wait3A_32 = arith.constant 0 : i32
    %dma_wait3A_33 = arith.constant 0 : i32
    %dma_wait3A_34 = tpu.memref_slice %arg10[%dma_wait3A_31, %dma_wait3A_32, %dma_wait3A_33] : memref<2x128x128xf32, #tpu.memory_space<vmem>> -> memref<1x128x128xf32, #tpu.memory_space<vmem>>
    %dma_wait3A_35 = tpu.memref_squeeze %dma_wait3A_34 : memref<1x128x128xf32, #tpu.memory_space<vmem>> -> memref<128x128xf32, #tpu.memory_space<vmem>>
    %dma_wait3A_36 = arith.constant 0 : i32
    %dma_wait3A_37 = tpu.memref_slice %arg8[%dma_wait3A, %dma_wait3A_36] : memref<40x128xi32, #tpu.memory_space<vmem>> -> memref<1x128xi32, #tpu.memory_space<vmem>>
    %dma_wait3A_38 = tpu.memref_squeeze %dma_wait3A_37 : memref<1x128xi32, #tpu.memory_space<vmem>> -> memref<128xi32, #tpu.memory_space<vmem>>
    %dma_wait3A_39 = arith.constant 0 : i32
    %dma_wait3A_40 = arith.constant 0 : i32
    %dma_wait3A_41 = tpu.memref_slice %arg2[%dma_wait3A_39, %dma_wait3A_40] : memref<10240x128xf32, #tpu.memory_space<hbm>> -> memref<10240x128xf32, #tpu.memory_space<hbm>>
    tpu.wait_indirect_dma semaphore(%arg11 : memref<!tpu.dma_semaphore, #tpu.memory_space<semaphore_mem>>) src(%dma_wait3A_41 : memref<10240x128xf32, #tpu.memory_space<hbm>>) dst(%dma_wait3A_35 : memref<128x128xf32, #tpu.memory_space<vmem>>)
    %dma_start3A_42 = arith.constant 0 : i32
    %dma_start3A_43 = arith.constant 38 : i32
    %dma_start3A_44 = arith.constant 0 : i32
    %dma_start3A_45 = arith.constant 0 : i32
    %dma_start3A_46 = tpu.memref_slice %arg10[%dma_start3A_42, %dma_start3A_44, %dma_start3A_45] : memref<2x128x128xf32, #tpu.memory_space<vmem>> -> memref<1x128x128xf32, #tpu.memory_space<vmem>>
    %dma_start3A_47 = tpu.memref_squeeze %dma_start3A_46 : memref<1x128x128xf32, #tpu.memory_space<vmem>> -> memref<128x128xf32, #tpu.memory_space<vmem>>
    %dma_start3A_48 = arith.constant 0 : i32
    %dma_start3A_49 = tpu.memref_slice %arg9[%dma_start3A_43, %dma_start3A_48] : memref<40x128xi32, #tpu.memory_space<vmem>> -> memref<1x128xi32, #tpu.memory_space<vmem>>
    %dma_start3A_50 = tpu.memref_squeeze %dma_start3A_49 : memref<1x128xi32, #tpu.memory_space<vmem>> -> memref<128xi32, #tpu.memory_space<vmem>>
    %dma_start3A_51 = arith.constant 0 : i32
    %dma_start3A_52 = arith.constant 0 : i32
    %dma_start3A_53 = tpu.memref_slice %arg7[%dma_start3A_51, %dma_start3A_52] : memref<10496x128xf32, #tpu.memory_space<vmem_shared>> -> memref<10496x128xf32, #tpu.memory_space<vmem_shared>>
    tpu.enqueue_indirect_dma source(%dma_start3A_47 : memref<128x128xf32, #tpu.memory_space<vmem>>) target(%dma_start3A_53 : memref<10496x128xf32, #tpu.memory_space<vmem_shared>>) offsets(%dma_start3A_50 : memref<128xi32, #tpu.memory_space<vmem>>) semaphore(%arg13 : memref<!tpu.dma_semaphore, #tpu.memory_space<semaphore_mem>>) {add = true}
    %dma_wait3A_54 = arith.constant 39 : i32
    %dma_wait3A_55 = arith.constant 1 : i32
    %dma_wait3A_56 = arith.constant 0 : i32
    %dma_wait3A_57 = arith.constant 0 : i32
    %dma_wait3A_58 = tpu.memref_slice %arg10[%dma_wait3A_55, %dma_wait3A_56, %dma_wait3A_57] : memref<2x128x128xf32, #tpu.memory_space<vmem>> -> memref<1x128x128xf32, #tpu.memory_space<vmem>>
    %dma_wait3A_59 = tpu.memref_squeeze %dma_wait3A_58 : memref<1x128x128xf32, #tpu.memory_space<vmem>> -> memref<128x128xf32, #tpu.memory_space<vmem>>
    %dma_wait3A_60 = arith.constant 0 : i32
    %dma_wait3A_61 = tpu.memref_slice %arg8[%dma_wait3A_54, %dma_wait3A_60] : memref<40x128xi32, #tpu.memory_space<vmem>> -> memref<1x128xi32, #tpu.memory_space<vmem>>
    %dma_wait3A_62 = tpu.memref_squeeze %dma_wait3A_61 : memref<1x128xi32, #tpu.memory_space<vmem>> -> memref<128xi32, #tpu.memory_space<vmem>>
    %dma_wait3A_63 = arith.constant 0 : i32
    %dma_wait3A_64 = arith.constant 0 : i32
    %dma_wait3A_65 = tpu.memref_slice %arg2[%dma_wait3A_63, %dma_wait3A_64] : memref<10240x128xf32, #tpu.memory_space<hbm>> -> memref<10240x128xf32, #tpu.memory_space<hbm>>
    tpu.wait_indirect_dma semaphore(%arg12 : memref<!tpu.dma_semaphore, #tpu.memory_space<semaphore_mem>>) src(%dma_wait3A_65 : memref<10240x128xf32, #tpu.memory_space<hbm>>) dst(%dma_wait3A_59 : memref<128x128xf32, #tpu.memory_space<vmem>>)
    %dma_start3A_66 = arith.constant 1 : i32
    %dma_start3A_67 = arith.constant 39 : i32
    %dma_start3A_68 = arith.constant 0 : i32
    %dma_start3A_69 = arith.constant 0 : i32
    %dma_start3A_70 = tpu.memref_slice %arg10[%dma_start3A_66, %dma_start3A_68, %dma_start3A_69] : memref<2x128x128xf32, #tpu.memory_space<vmem>> -> memref<1x128x128xf32, #tpu.memory_space<vmem>>
    %dma_start3A_71 = tpu.memref_squeeze %dma_start3A_70 : memref<1x128x128xf32, #tpu.memory_space<vmem>> -> memref<128x128xf32, #tpu.memory_space<vmem>>
    %dma_start3A_72 = arith.constant 0 : i32
    %dma_start3A_73 = tpu.memref_slice %arg9[%dma_start3A_67, %dma_start3A_72] : memref<40x128xi32, #tpu.memory_space<vmem>> -> memref<1x128xi32, #tpu.memory_space<vmem>>
    %dma_start3A_74 = tpu.memref_squeeze %dma_start3A_73 : memref<1x128xi32, #tpu.memory_space<vmem>> -> memref<128xi32, #tpu.memory_space<vmem>>
    %dma_start3A_75 = arith.constant 0 : i32
    %dma_start3A_76 = arith.constant 0 : i32
    %dma_start3A_77 = tpu.memref_slice %arg7[%dma_start3A_75, %dma_start3A_76] : memref<10496x128xf32, #tpu.memory_space<vmem_shared>> -> memref<10496x128xf32, #tpu.memory_space<vmem_shared>>
    tpu.enqueue_indirect_dma source(%dma_start3A_71 : memref<128x128xf32, #tpu.memory_space<vmem>>) target(%dma_start3A_77 : memref<10496x128xf32, #tpu.memory_space<vmem_shared>>) offsets(%dma_start3A_74 : memref<128xi32, #tpu.memory_space<vmem>>) semaphore(%arg14 : memref<!tpu.dma_semaphore, #tpu.memory_space<semaphore_mem>>) {add = true}
    %dma_wait3A_78 = arith.constant 0 : i32
    %dma_wait3A_79 = arith.constant 0 : i32
    %dma_wait3A_80 = arith.constant 0 : i32
    %dma_wait3A_81 = arith.constant 0 : i32
    %dma_wait3A_82 = tpu.memref_slice %arg10[%dma_wait3A_78, %dma_wait3A_80, %dma_wait3A_81] : memref<2x128x128xf32, #tpu.memory_space<vmem>> -> memref<1x128x128xf32, #tpu.memory_space<vmem>>
    %dma_wait3A_83 = tpu.memref_squeeze %dma_wait3A_82 : memref<1x128x128xf32, #tpu.memory_space<vmem>> -> memref<128x128xf32, #tpu.memory_space<vmem>>
    %dma_wait3A_84 = arith.constant 0 : i32
    %dma_wait3A_85 = tpu.memref_slice %arg9[%dma_wait3A_79, %dma_wait3A_84] : memref<40x128xi32, #tpu.memory_space<vmem>> -> memref<1x128xi32, #tpu.memory_space<vmem>>
    %dma_wait3A_86 = tpu.memref_squeeze %dma_wait3A_85 : memref<1x128xi32, #tpu.memory_space<vmem>> -> memref<128xi32, #tpu.memory_space<vmem>>
    %dma_wait3A_87 = arith.constant 0 : i32
    %dma_wait3A_88 = arith.constant 0 : i32
    %dma_wait3A_89 = tpu.memref_slice %arg7[%dma_wait3A_87, %dma_wait3A_88] : memref<10496x128xf32, #tpu.memory_space<vmem_shared>> -> memref<10496x128xf32, #tpu.memory_space<vmem_shared>>
    tpu.wait_indirect_dma semaphore(%arg13 : memref<!tpu.dma_semaphore, #tpu.memory_space<semaphore_mem>>) src(%dma_wait3A_83 : memref<128x128xf32, #tpu.memory_space<vmem>>) dst(%dma_wait3A_89 : memref<10496x128xf32, #tpu.memory_space<vmem_shared>>)
    %dma_wait3A_90 = arith.constant 1 : i32
    %dma_wait3A_91 = arith.constant 0 : i32
    %dma_wait3A_92 = arith.constant 0 : i32
    %dma_wait3A_93 = arith.constant 0 : i32
    %dma_wait3A_94 = tpu.memref_slice %arg10[%dma_wait3A_90, %dma_wait3A_92, %dma_wait3A_93] : memref<2x128x128xf32, #tpu.memory_space<vmem>> -> memref<1x128x128xf32, #tpu.memory_space<vmem>>
    %dma_wait3A_95 = tpu.memref_squeeze %dma_wait3A_94 : memref<1x128x128xf32, #tpu.memory_space<vmem>> -> memref<128x128xf32, #tpu.memory_space<vmem>>
    %dma_wait3A_96 = arith.constant 0 : i32
    %dma_wait3A_97 = tpu.memref_slice %arg9[%dma_wait3A_91, %dma_wait3A_96] : memref<40x128xi32, #tpu.memory_space<vmem>> -> memref<1x128xi32, #tpu.memory_space<vmem>>
    %dma_wait3A_98 = tpu.memref_squeeze %dma_wait3A_97 : memref<1x128xi32, #tpu.memory_space<vmem>> -> memref<128xi32, #tpu.memory_space<vmem>>
    %dma_wait3A_99 = arith.constant 0 : i32
    %dma_wait3A_100 = arith.constant 0 : i32
    %dma_wait3A_101 = tpu.memref_slice %arg7[%dma_wait3A_99, %dma_wait3A_100] : memref<10496x128xf32, #tpu.memory_space<vmem_shared>> -> memref<10496x128xf32, #tpu.memory_space<vmem_shared>>
    tpu.wait_indirect_dma semaphore(%arg14 : memref<!tpu.dma_semaphore, #tpu.memory_space<semaphore_mem>>) src(%dma_wait3A_95 : memref<128x128xf32, #tpu.memory_space<vmem>>) dst(%dma_wait3A_101 : memref<10496x128xf32, #tpu.memory_space<vmem_shared>>)
    %barrier3A_102 = arith.constant 0 : index
    tpu.barrier barrier_id(%barrier3A_102)
    %mul3A_103 = arith.constant 640 : i32
    %mul3A_104 = arith.muli %arg1, %mul3A_103 : i32
    %mul3A_105 = arith.constant 640 : i32
    %mul3A_106 = arith.muli %arg1, %mul3A_105 : i32
    "tpu.region"() ({
      %run_scoped3A = tpu.sem_alloc : memref<!tpu.dma_semaphore, #tpu.memory_space<semaphore_mem>>
      %dma_start3A_107 = arith.constant 0 : i32
      %dma_start3A_108 = tpu.memref_slice %arg6[%arg0, %mul3A_106, %dma_start3A_107] : memref<2x10240x128xf32, #tpu.memory_space<hbm>> -> memref<1x640x128xf32, #tpu.memory_space<hbm>>
      %dma_start3A_109 = tpu.memref_squeeze %dma_start3A_108 : memref<1x640x128xf32, #tpu.memory_space<hbm>> -> memref<640x128xf32, #tpu.memory_space<hbm>>
      %dma_start3A_110 = arith.constant 0 : i32
      %dma_start3A_111 = tpu.memref_slice %arg7[%mul3A_104, %dma_start3A_110] : memref<10496x128xf32, #tpu.memory_space<vmem_shared>> -> memref<640x128xf32, #tpu.memory_space<vmem_shared>>
      tpu.enqueue_dma source(%dma_start3A_111 : memref<640x128xf32, #tpu.memory_space<vmem_shared>>) target(%dma_start3A_109 : memref<640x128xf32, #tpu.memory_space<hbm>>) target_semaphore(%run_scoped3A : memref<!tpu.dma_semaphore, #tpu.memory_space<semaphore_mem>>)
      %dma_wait3A_112 = arith.constant 0 : i32
      %dma_wait3A_113 = tpu.memref_slice %arg6[%arg0, %mul3A_106, %dma_wait3A_112] : memref<2x10240x128xf32, #tpu.memory_space<hbm>> -> memref<1x640x128xf32, #tpu.memory_space<hbm>>
      %dma_wait3A_114 = tpu.memref_squeeze %dma_wait3A_113 : memref<1x640x128xf32, #tpu.memory_space<hbm>> -> memref<640x128xf32, #tpu.memory_space<hbm>>
      %dma_wait3A_115 = arith.constant 0 : i32
      %dma_wait3A_116 = tpu.memref_slice %arg7[%mul3A_104, %dma_wait3A_115] : memref<10496x128xf32, #tpu.memory_space<vmem_shared>> -> memref<640x128xf32, #tpu.memory_space<vmem_shared>>
      tpu.wait_dma2 semaphore(%run_scoped3A : memref<!tpu.dma_semaphore, #tpu.memory_space<semaphore_mem>>) src(%dma_wait3A_116 : memref<640x128xf32, #tpu.memory_space<vmem_shared>>) dst(%dma_wait3A_114 : memref<640x128xf32, #tpu.memory_space<hbm>>)
      tpu.yield
    }) : () -> ()
    return
  }
}

module attributes {stable_mosaic.version = 14 : i64} {
  func.func @body(%arg0: i32, %arg1: memref<1024x1xi32, #tpu.memory_space<vmem>>, %arg2: memref<256x128xf32, #tpu.memory_space<vmem>>, %arg3: memref<1024x128xf32, #tpu.memory_space<vmem>>) attributes {dimension_semantics = [#tpu.dimension_semantics<arbitrary>], iteration_bounds = array<i64: 10>, scalar_prefetch = 0 : i64, scratch_operands = 0 : i64, tpu.core_type = #tpu.core_type<tc>, window_params = [{transform_indices = @transform_0, window_bounds = array<i64: 1024, 1>}, {pipeline_mode = #tpu.pipeline_mode<synchronous>, transform_indices = @transform_1, window_bounds = array<i64: 256, 128>}, {transform_indices = @transform_2, window_bounds = array<i64: 1024, 128>}]} {
    %get3A = arith.constant 0 : index
    %get3A_0 = arith.constant 0 : index
    %get3A_1 = vector.load %arg1[%get3A, %get3A_0] : memref<1024x1xi32, #tpu.memory_space<vmem>>, vector<1024x1xi32>
    %iota3A = tpu.iota {dimensions = array<i32: 1>} : vector<1024x256xi32>
    %eq3A = vector.broadcast %get3A_1 : vector<1024x1xi32> to vector<1024x256xi32>
    %eq3A_2 = arith.cmpi eq, %eq3A, %iota3A : vector<1024x256xi32>
    %convert_element_type3A = arith.extui %eq3A_2 : vector<1024x256xi1> to vector<1024x256xi32>
    %convert_element_type3A_3 = arith.sitofp %convert_element_type3A : vector<1024x256xi32> to vector<1024x256xf32>
    %get3A_4 = arith.constant 0 : index
    %get3A_5 = arith.constant 0 : index
    %get3A_6 = vector.load %arg2[%get3A_4, %get3A_5] : memref<256x128xf32, #tpu.memory_space<vmem>>, vector<256x128xf32>
    %dot_general3A = arith.constant dense<0.000000e+00> : vector<1024x128xf32>
    %dot_general3A_7 = tpu.matmul %convert_element_type3A_3, %get3A_6, %dot_general3A {dimension_numbers = #tpu.dot_dimension_numbers<[1], [0], [0], [1], [0, 0, 1, 1], [], []>, transpose_lhs_hint = false} : vector<1024x256xf32>, vector<256x128xf32>, vector<1024x128xf32> -> vector<1024x128xf32>
    %swap3A = arith.constant 0 : index
    %swap3A_8 = arith.constant 0 : index
    %swap3A_9 = vector.load %arg3[%swap3A, %swap3A_8] : memref<1024x128xf32, #tpu.memory_space<vmem>>, vector<1024x128xf32>
    tpu.vector_store %arg3[%swap3A, %swap3A_8], %dot_general3A_7 {strides = array<i32>} : memref<1024x128xf32, #tpu.memory_space<vmem>>, vector<1024x128xf32>,
    return
  }
  func.func @transform_0(%arg0: i32) -> (i32, i32) {
    %c0_i32 = arith.constant 0 : i32
    %c0_i32_0 = arith.constant 0 : i32
    return %arg0, %c0_i32 : i32, i32
  }
  func.func @transform_1(%arg0: i32) -> (i32, i32) {
    %c0_i32 = arith.constant 0 : i32
    %c0_i32_0 = arith.constant 0 : i32
    %c0_i32_1 = arith.constant 0 : i32
    return %c0_i32, %c0_i32_0 : i32, i32
  }
  func.func @transform_2(%arg0: i32) -> (i32, i32) {
    %c0_i32 = arith.constant 0 : i32
    %c0_i32_0 = arith.constant 0 : i32
    return %arg0, %c0_i32 : i32, i32
  }
}

module attributes {stable_mosaic.version = 14 : i64} {
  func.func @body(%arg0: i32, %arg1: memref<2x1024x128xf32, #tpu.memory_space<vmem>>, %arg2: memref<2x1024x16xf32, #tpu.memory_space<vmem>>, %arg3: memref<1024x128xf32, #tpu.memory_space<vmem>>, %arg4: memref<256x1xi32, #tpu.memory_space<vmem>>, %arg5: memref<256x128xf32, #tpu.memory_space<vmem>>, %arg6: memref<4096x1xi32, #tpu.memory_space<vmem>>, %arg7: memref<4096x1xi32, #tpu.memory_space<vmem>>, %arg8: memref<128x128xf32, #tpu.memory_space<vmem>>, %arg9: memref<1x128xf32, #tpu.memory_space<vmem>>, %arg10: memref<128x128xf32, #tpu.memory_space<vmem>>, %arg11: memref<256x1024xi32, #tpu.memory_space<vmem>>, %arg12: memref<1024x128xf32, #tpu.memory_space<vmem>>, %arg13: memref<256x128xf32, #tpu.memory_space<vmem>>, %arg14: memref<256x1xf32, #tpu.memory_space<vmem>>, %arg15: memref<256x1xf32, #tpu.memory_space<vmem>>, %arg16: memref<256x128xf32, #tpu.memory_space<vmem>>, %arg17: memref<256x1xf32, #tpu.memory_space<vmem>>, %arg18: memref<256x1xf32, #tpu.memory_space<vmem>>) attributes {dimension_semantics = [#tpu.dimension_semantics<arbitrary>], iteration_bounds = array<i64: 10>, scalar_prefetch = 0 : i64, scratch_operands = 3 : i64, tpu.core_type = #tpu.core_type<tc>, window_params = [{transform_indices = @transform_0, window_bounds = array<i64: 2, 1024, 128>}, {transform_indices = @transform_1, window_bounds = array<i64: 2, 1024, 16>}, {transform_indices = @transform_2, window_bounds = array<i64: 1024, 128>}, {pipeline_mode = #tpu.pipeline_mode<synchronous>, transform_indices = @transform_3, window_bounds = array<i64: 256, 1>}, {pipeline_mode = #tpu.pipeline_mode<synchronous>, transform_indices = @transform_4, window_bounds = array<i64: 256, 128>}, {pipeline_mode = #tpu.pipeline_mode<synchronous>, transform_indices = @transform_5, window_bounds = array<i64: 4096, 1>}, {pipeline_mode = #tpu.pipeline_mode<synchronous>, transform_indices = @transform_6, window_bounds = array<i64: 4096, 1>}, {pipeline_mode = #tpu.pipeline_mode<synchronous>, transform_indices = @transform_7, window_bounds = array<i64: 128, 128>}, {pipeline_mode = #tpu.pipeline_mode<synchronous>, transform_indices = @transform_8, window_bounds = array<i64: 1, 128>}, {pipeline_mode = #tpu.pipeline_mode<synchronous>, transform_indices = @transform_9, window_bounds = array<i64: 128, 128>}, {transform_indices = @transform_10, window_bounds = array<i64: 256, 1024>}, {transform_indices = @transform_11, window_bounds = array<i64: 1024, 128>}, {pipeline_mode = #tpu.pipeline_mode<synchronous>, transform_indices = @transform_12, window_bounds = array<i64: 256, 128>}, {pipeline_mode = #tpu.pipeline_mode<synchronous>, transform_indices = @transform_13, window_bounds = array<i64: 256, 1>}, {pipeline_mode = #tpu.pipeline_mode<synchronous>, transform_indices = @transform_14, window_bounds = array<i64: 256, 1>}]} {
    %eq3A = arith.constant 0 : i32
    %eq3A_0 = arith.cmpi eq, %arg0, %eq3A : i32
    %convert_element_type3A = arith.extui %eq3A_0 : i1 to i32
    %cond3A = arith.constant 0 : i32
    %cond3A_1 = arith.cmpi ne, %convert_element_type3A, %cond3A : i32
    scf.if %cond3A_1 {
      %iota3A_105 = tpu.iota {dimensions = array<i32: 1>} : vector<256x256xi32>
      %get3A_106 = arith.constant 0 : index
      %get3A_107 = arith.constant 0 : index
      %get3A_108 = vector.load %arg4[%get3A_106, %get3A_107] : memref<256x1xi32, #tpu.memory_space<vmem>>, vector<256x1xi32>
      %eq3A_109 = vector.broadcast %get3A_108 : vector<256x1xi32> to vector<256x256xi32>
      %eq3A_110 = arith.cmpi eq, %eq3A_109, %iota3A_105 : vector<256x256xi32>
      %convert_element_type3A_111 = arith.extui %eq3A_110 : vector<256x256xi1> to vector<256x256xi32>
      %convert_element_type3A_112 = arith.sitofp %convert_element_type3A_111 : vector<256x256xi32> to vector<256x256xf32>
      %get3A_113 = arith.constant 0 : index
      %get3A_114 = arith.constant 0 : index
      %get3A_115 = vector.load %arg5[%get3A_113, %get3A_114] : memref<256x128xf32, #tpu.memory_space<vmem>>, vector<256x128xf32>
      %dot_general3A_116 = arith.constant dense<0.000000e+00> : vector<256x128xf32>
      %dot_general3A_117 = tpu.matmul %convert_element_type3A_112, %get3A_115, %dot_general3A_116 {dimension_numbers = #tpu.dot_dimension_numbers<[1], [0], [0], [1], [0, 0, 1, 1], [], []>, transpose_lhs_hint = false} : vector<256x256xf32>, vector<256x128xf32>, vector<256x128xf32> -> vector<256x128xf32>
      %iota3A_118 = tpu.iota {dimensions = array<i32: 1>} : vector<4096x256xi32>
      %get3A_119 = arith.constant 0 : index
      %get3A_120 = arith.constant 0 : index
      %get3A_121 = vector.load %arg6[%get3A_119, %get3A_120] : memref<4096x1xi32, #tpu.memory_space<vmem>>, vector<4096x1xi32>
      %eq3A_122 = vector.broadcast %get3A_121 : vector<4096x1xi32> to vector<4096x256xi32>
      %eq3A_123 = arith.cmpi eq, %eq3A_122, %iota3A_118 : vector<4096x256xi32>
      %convert_element_type3A_124 = arith.extui %eq3A_123 : vector<4096x256xi1> to vector<4096x256xi32>
      %convert_element_type3A_125 = arith.sitofp %convert_element_type3A_124 : vector<4096x256xi32> to vector<4096x256xf32>
      %get3A_126 = arith.constant 0 : index
      %get3A_127 = arith.constant 0 : index
      %get3A_128 = vector.load %arg7[%get3A_126, %get3A_127] : memref<4096x1xi32, #tpu.memory_space<vmem>>, vector<4096x1xi32>
      %eq3A_129 = vector.broadcast %get3A_128 : vector<4096x1xi32> to vector<4096x256xi32>
      %eq3A_130 = arith.cmpi eq, %eq3A_129, %iota3A_118 : vector<4096x256xi32>
      %convert_element_type3A_131 = arith.extui %eq3A_130 : vector<4096x256xi1> to vector<4096x256xi32>
      %convert_element_type3A_132 = arith.sitofp %convert_element_type3A_131 : vector<4096x256xi32> to vector<4096x256xf32>
      %dot_general3A_133 = arith.constant dense<0.000000e+00> : vector<4096x128xf32>
      %dot_general3A_134 = tpu.matmul %convert_element_type3A_125, %dot_general3A_117, %dot_general3A_133 {dimension_numbers = #tpu.dot_dimension_numbers<[1], [0], [0], [1], [0, 0, 1, 1], [], []>, transpose_lhs_hint = false} : vector<4096x256xf32>, vector<256x128xf32>, vector<4096x128xf32> -> vector<4096x128xf32>
      %dot_general3A_135 = arith.constant dense<0.000000e+00> : vector<256x128xf32>
      %dot_general3A_136 = tpu.matmul %convert_element_type3A_132, %dot_general3A_134, %dot_general3A_135 {dimension_numbers = #tpu.dot_dimension_numbers<[0], [0], [1], [1], [0, 1, 1, 1], [], []>, transpose_lhs_hint = false} : vector<4096x256xf32>, vector<4096x128xf32>, vector<256x128xf32> -> vector<256x128xf32>
      %broadcast_in_dim3A_137 = arith.constant 1.000000e+00 : f32
      %broadcast_in_dim3A_138 = vector.broadcast %broadcast_in_dim3A_137 : f32 to vector<4096x8xf32>
      %dot_general3A_139 = arith.constant dense<0.000000e+00> : vector<256x8xf32>
      %dot_general3A_140 = tpu.matmul %convert_element_type3A_132, %broadcast_in_dim3A_138, %dot_general3A_139 {dimension_numbers = #tpu.dot_dimension_numbers<[0], [0], [1], [1], [0, 1, 1, 1], [], []>, transpose_lhs_hint = false} : vector<4096x256xf32>, vector<4096x8xf32>, vector<256x8xf32> -> vector<256x8xf32>
      %slice3A_141 = vector.extract_strided_slice %dot_general3A_140 {offsets = [0, 0], sizes = [256, 1], strides = [1, 1]} : vector<256x8xf32> to vector<256x1xf32>
      %max3A_142 = arith.constant 1.000000e+00 : f32
      %max3A_143 = vector.broadcast %max3A_142 : f32 to vector<256x1xf32>
      %max3A_144 = arith.maximumf %slice3A_141, %max3A_143 : vector<256x1xf32>
      %div3A_145 = vector.broadcast %max3A_144 : vector<256x1xf32> to vector<256x128xf32>
      %div3A_146 = arith.divf %dot_general3A_136, %div3A_145 : vector<256x128xf32>
      %get3A_147 = arith.constant 0 : index
      %get3A_148 = arith.constant 0 : index
      %get3A_149 = vector.load %arg8[%get3A_147, %get3A_148] : memref<128x128xf32, #tpu.memory_space<vmem>>, vector<128x128xf32>
      %dot_general3A_150 = arith.constant dense<0.000000e+00> : vector<256x128xf32>
      %dot_general3A_151 = tpu.matmul %div3A_146, %get3A_149, %dot_general3A_150 {dimension_numbers = #tpu.dot_dimension_numbers<[1], [1], [0], [0], [0, 0, 1, 0], [], []>, transpose_lhs_hint = false} : vector<256x128xf32>, vector<128x128xf32>, vector<256x128xf32> -> vector<256x128xf32>
      %get3A_152 = arith.constant 0 : index
      %get3A_153 = arith.constant 0 : index
      %get3A_154 = vector.load %arg9[%get3A_152, %get3A_153] : memref<1x128xf32, #tpu.memory_space<vmem>>, vector<1x128xf32>
      %add3A_155 = vector.broadcast %get3A_154 : vector<1x128xf32> to vector<256x128xf32>
      %add3A_156 = arith.addf %dot_general3A_151, %add3A_155 : vector<256x128xf32>
      %get3A_157 = arith.constant 0 : index
      %get3A_158 = arith.constant 0 : index
      %get3A_159 = vector.load %arg10[%get3A_157, %get3A_158] : memref<128x128xf32, #tpu.memory_space<vmem>>, vector<128x128xf32>
      %dot_general3A_160 = arith.constant dense<0.000000e+00> : vector<256x128xf32>
      %dot_general3A_161 = tpu.matmul %dot_general3A_117, %get3A_159, %dot_general3A_160 {dimension_numbers = #tpu.dot_dimension_numbers<[1], [1], [0], [0], [0, 0, 1, 0], [], []>, transpose_lhs_hint = false} : vector<256x128xf32>, vector<128x128xf32>, vector<256x128xf32> -> vector<256x128xf32>
      %add3A_162 = arith.addf %add3A_156, %dot_general3A_161 : vector<256x128xf32>
      %gt3A_163 = arith.constant 0.000000e+00 : f32
      %gt3A_164 = vector.broadcast %gt3A_163 : f32 to vector<256x128xf32>
      %gt3A_165 = arith.cmpf ogt, %add3A_162, %gt3A_164 : vector<256x128xf32>
      %exp3A_166 = math.exp %add3A_162 : vector<256x128xf32>
      %sub3A_167 = arith.constant 1.000000e+00 : f32
      %sub3A_168 = vector.broadcast %sub3A_167 : f32 to vector<256x128xf32>
      %sub3A_169 = arith.subf %exp3A_166, %sub3A_168 : vector<256x128xf32>
      %select_n3A_170 = arith.select %gt3A_165, %add3A_162, %sub3A_169 : vector<256x128xi1>, vector<256x128xf32>
      %swap3A_171 = arith.constant 0 : index
      %swap3A_172 = arith.constant 0 : index
      %swap3A_173 = vector.load %arg16[%swap3A_171, %swap3A_172] : memref<256x128xf32, #tpu.memory_space<vmem>>, vector<256x128xf32>
      tpu.vector_store %arg16[%swap3A_171, %swap3A_172], %select_n3A_170 {strides = array<i32>} : memref<256x128xf32, #tpu.memory_space<vmem>>, vector<256x128xf32>,
      %swap3A_174 = arith.constant 0 : index
      %swap3A_175 = arith.constant 0 : index
      %swap3A_176 = vector.load %arg13[%swap3A_174, %swap3A_175] : memref<256x128xf32, #tpu.memory_space<vmem>>, vector<256x128xf32>
      tpu.vector_store %arg13[%swap3A_174, %swap3A_175], %select_n3A_170 {strides = array<i32>} : memref<256x128xf32, #tpu.memory_space<vmem>>, vector<256x128xf32>,
      %broadcast_in_dim3A_177 = arith.constant -1.000000e+30 : f32
      %broadcast_in_dim3A_178 = vector.broadcast %broadcast_in_dim3A_177 : f32 to vector<256x1xf32>
      %swap3A_179 = arith.constant 0 : index
      %swap3A_180 = arith.constant 0 : index
      %swap3A_181 = vector.load %arg17[%swap3A_179, %swap3A_180] : memref<256x1xf32, #tpu.memory_space<vmem>>, vector<256x1xf32>
      tpu.vector_store %arg17[%swap3A_179, %swap3A_180], %broadcast_in_dim3A_178 {strides = array<i32>} : memref<256x1xf32, #tpu.memory_space<vmem>>, vector<256x1xf32>,
      %broadcast_in_dim3A_182 = arith.constant 0.000000e+00 : f32
      %broadcast_in_dim3A_183 = vector.broadcast %broadcast_in_dim3A_182 : f32 to vector<256x1xf32>
      %swap3A_184 = arith.constant 0 : index
      %swap3A_185 = arith.constant 0 : index
      %swap3A_186 = vector.load %arg18[%swap3A_184, %swap3A_185] : memref<256x1xf32, #tpu.memory_space<vmem>>, vector<256x1xf32>
      tpu.vector_store %arg18[%swap3A_184, %swap3A_185], %broadcast_in_dim3A_183 {strides = array<i32>} : memref<256x1xf32, #tpu.memory_space<vmem>>, vector<256x1xf32>,
    } else {
    }
    %get3A = arith.constant 0 : index
    %get3A_2 = arith.constant 0 : index
    %get3A_3 = arith.constant 0 : index
    %get3A_4 = vector.load %arg1[%get3A, %get3A_2, %get3A_3] : memref<2x1024x128xf32, #tpu.memory_space<vmem>>, vector<2x1024x128xf32>
    %slice3A = vector.extract_strided_slice %get3A_4 {offsets = [0, 0, 0], sizes = [1, 1024, 128], strides = [1, 1, 1]} : vector<2x1024x128xf32> to vector<1x1024x128xf32>
    %squeeze3A = vector.shape_cast %slice3A : vector<1x1024x128xf32> to vector<1024x128xf32>
    %slice3A_5 = vector.extract_strided_slice %get3A_4 {offsets = [1, 0, 0], sizes = [1, 1024, 128], strides = [1, 1, 1]} : vector<2x1024x128xf32> to vector<1x1024x128xf32>
    %squeeze3A_6 = vector.shape_cast %slice3A_5 : vector<1x1024x128xf32> to vector<1024x128xf32>
    %add3A = arith.addf %squeeze3A, %squeeze3A_6 : vector<1024x128xf32>
    %get3A_7 = arith.constant 0 : index
    %get3A_8 = arith.constant 0 : index
    %get3A_9 = arith.constant 0 : index
    %get3A_10 = vector.load %arg2[%get3A_7, %get3A_8, %get3A_9] : memref<2x1024x16xf32, #tpu.memory_space<vmem>>, vector<2x1024x16xf32>
    %slice3A_11 = vector.extract_strided_slice %get3A_10 {offsets = [0, 0, 0], sizes = [1, 1024, 1], strides = [1, 1, 1]} : vector<2x1024x16xf32> to vector<1x1024x1xf32>
    %squeeze3A_12 = vector.shape_cast %slice3A_11 : vector<1x1024x1xf32> to vector<1024x1xf32>
    %slice3A_13 = vector.extract_strided_slice %get3A_10 {offsets = [1, 0, 0], sizes = [1, 1024, 1], strides = [1, 1, 1]} : vector<2x1024x16xf32> to vector<1x1024x1xf32>
    %squeeze3A_14 = vector.shape_cast %slice3A_13 : vector<1x1024x1xf32> to vector<1024x1xf32>
    %add3A_15 = arith.addf %squeeze3A_12, %squeeze3A_14 : vector<1024x1xf32>
    %max3A = arith.constant 1.000000e+00 : f32
    %max3A_16 = vector.broadcast %max3A : f32 to vector<1024x1xf32>
    %max3A_17 = arith.maximumf %add3A_15, %max3A_16 : vector<1024x1xf32>
    %div3A = vector.broadcast %max3A_17 : vector<1024x1xf32> to vector<1024x128xf32>
    %div3A_18 = arith.divf %add3A, %div3A : vector<1024x128xf32>
    %get3A_19 = arith.constant 0 : index
    %get3A_20 = arith.constant 0 : index
    %get3A_21 = vector.load %arg8[%get3A_19, %get3A_20] : memref<128x128xf32, #tpu.memory_space<vmem>>, vector<128x128xf32>
    %dot_general3A = arith.constant dense<0.000000e+00> : vector<1024x128xf32>
    %dot_general3A_22 = tpu.matmul %div3A_18, %get3A_21, %dot_general3A {dimension_numbers = #tpu.dot_dimension_numbers<[1], [1], [0], [0], [0, 0, 1, 0], [], []>, transpose_lhs_hint = false} : vector<1024x128xf32>, vector<128x128xf32>, vector<1024x128xf32> -> vector<1024x128xf32>
    %get3A_23 = arith.constant 0 : index
    %get3A_24 = arith.constant 0 : index
    %get3A_25 = vector.load %arg9[%get3A_23, %get3A_24] : memref<1x128xf32, #tpu.memory_space<vmem>>, vector<1x128xf32>
    %add3A_26 = vector.broadcast %get3A_25 : vector<1x128xf32> to vector<1024x128xf32>
    %add3A_27 = arith.addf %dot_general3A_22, %add3A_26 : vector<1024x128xf32>
    %get3A_28 = arith.constant 0 : index
    %get3A_29 = arith.constant 0 : index
    %get3A_30 = vector.load %arg3[%get3A_28, %get3A_29] : memref<1024x128xf32, #tpu.memory_space<vmem>>, vector<1024x128xf32>
    %get3A_31 = arith.constant 0 : index
    %get3A_32 = arith.constant 0 : index
    %get3A_33 = vector.load %arg10[%get3A_31, %get3A_32] : memref<128x128xf32, #tpu.memory_space<vmem>>, vector<128x128xf32>
    %dot_general3A_34 = arith.constant dense<0.000000e+00> : vector<1024x128xf32>
    %dot_general3A_35 = tpu.matmul %get3A_30, %get3A_33, %dot_general3A_34 {dimension_numbers = #tpu.dot_dimension_numbers<[1], [1], [0], [0], [0, 0, 1, 0], [], []>, transpose_lhs_hint = false} : vector<1024x128xf32>, vector<128x128xf32>, vector<1024x128xf32> -> vector<1024x128xf32>
    %add3A_36 = arith.addf %add3A_27, %dot_general3A_35 : vector<1024x128xf32>
    %gt3A = arith.constant 0.000000e+00 : f32
    %gt3A_37 = vector.broadcast %gt3A : f32 to vector<1024x128xf32>
    %gt3A_38 = arith.cmpf ogt, %add3A_36, %gt3A_37 : vector<1024x128xf32>
    %exp3A = math.exp %add3A_36 : vector<1024x128xf32>
    %sub3A = arith.constant 1.000000e+00 : f32
    %sub3A_39 = vector.broadcast %sub3A : f32 to vector<1024x128xf32>
    %sub3A_40 = arith.subf %exp3A, %sub3A_39 : vector<1024x128xf32>
    %select_n3A = arith.select %gt3A_38, %add3A_36, %sub3A_40 : vector<1024x128xi1>, vector<1024x128xf32>
    %swap3A = arith.constant 0 : index
    %swap3A_41 = arith.constant 0 : index
    %swap3A_42 = vector.load %arg12[%swap3A, %swap3A_41] : memref<1024x128xf32, #tpu.memory_space<vmem>>, vector<1024x128xf32>
    tpu.vector_store %arg12[%swap3A, %swap3A_41], %select_n3A {strides = array<i32>} : memref<1024x128xf32, #tpu.memory_space<vmem>>, vector<1024x128xf32>,
    %get3A_43 = arith.constant 0 : index
    %get3A_44 = arith.constant 0 : index
    %get3A_45 = vector.load %arg16[%get3A_43, %get3A_44] : memref<256x128xf32, #tpu.memory_space<vmem>>, vector<256x128xf32>
    %dot_general3A_46 = arith.constant dense<0.000000e+00> : vector<256x1024xf32>
    %dot_general3A_47 = tpu.matmul %get3A_45, %select_n3A, %dot_general3A_46 {dimension_numbers = #tpu.dot_dimension_numbers<[1], [1], [0], [0], [0, 0, 1, 0], [], []>, transpose_lhs_hint = false} : vector<256x128xf32>, vector<1024x128xf32>, vector<256x1024xf32> -> vector<256x1024xf32>
    %get3A_48 = arith.constant 0 : index
    %get3A_49 = arith.constant 0 : index
    %get3A_50 = vector.load %arg11[%get3A_48, %get3A_49] : memref<256x1024xi32, #tpu.memory_space<vmem>>, vector<256x1024xi32>
    %get3A_51 = arith.constant dense<0> : vector<256x1024xi32>
    %get3A_52 = arith.cmpi ne, %get3A_50, %get3A_51 : vector<256x1024xi32>
    %convert_element_type3A_53 = arith.extui %get3A_52 : vector<256x1024xi1> to vector<256x1024xi32>
    %convert_element_type3A_54 = arith.sitofp %convert_element_type3A_53 : vector<256x1024xi32> to vector<256x1024xf32>
    %mul3A = arith.mulf %dot_general3A_47, %convert_element_type3A_54 : vector<256x1024xf32>
    %mul3A_55 = arith.constant 0.0883883461 : f32
    %mul3A_56 = vector.broadcast %mul3A_55 : f32 to vector<256x1024xf32>
    %mul3A_57 = arith.mulf %mul3A, %mul3A_56 : vector<256x1024xf32>
    %sub3A_58 = arith.constant 1.000000e+00 : f32
    %sub3A_59 = vector.broadcast %sub3A_58 : f32 to vector<256x1024xf32>
    %sub3A_60 = arith.subf %sub3A_59, %convert_element_type3A_54 : vector<256x1024xf32>
    %mul3A_61 = arith.constant -1.000000e+09 : f32
    %mul3A_62 = vector.broadcast %mul3A_61 : f32 to vector<256x1024xf32>
    %mul3A_63 = arith.mulf %mul3A_62, %sub3A_60 : vector<256x1024xf32>
    %add3A_64 = arith.addf %mul3A_57, %mul3A_63 : vector<256x1024xf32>
    %mul3A_65 = arith.constant 1024 : i32
    %mul3A_66 = arith.muli %arg0, %mul3A_65 : i32
    %iota3A = tpu.iota {dimensions = array<i32: 1>} : vector<256x1024xi32>
    %add3A_67 = vector.broadcast %mul3A_66 : i32 to vector<256x1024xi32>
    %add3A_68 = arith.addi %add3A_67, %iota3A : vector<256x1024xi32>
    %lt3A = arith.constant 10000 : i32
    %lt3A_69 = vector.broadcast %lt3A : i32 to vector<256x1024xi32>
    %lt3A_70 = arith.cmpi slt, %add3A_68, %lt3A_69 : vector<256x1024xi32>
    %jit3A = arith.constant -3.000000e+38 : f32
    %broadcast_in_dim3A = vector.broadcast %jit3A : f32 to vector<256x1024xf32>
    %select_n3A_71 = arith.select %lt3A_70, %add3A_64, %broadcast_in_dim3A : vector<256x1024xi1>, vector<256x1024xf32>
    %reduce_max3A = arith.constant dense<0xFF800000> : vector<256xf32>
    %reduce_max3A_72 = vector.multi_reduction <maximumf>, %select_n3A_71, %reduce_max3A [1] : vector<256x1024xf32> to vector<256xf32>
    %broadcast_in_dim3A_73 = vector.shape_cast %reduce_max3A_72 : vector<256xf32> to vector<256x1xf32>
    %get3A_74 = arith.constant 0 : index
    %get3A_75 = arith.constant 0 : index
    %get3A_76 = vector.load %arg17[%get3A_74, %get3A_75] : memref<256x1xf32, #tpu.memory_space<vmem>>, vector<256x1xf32>
    %max3A_77 = arith.maximumf %get3A_76, %broadcast_in_dim3A_73 : vector<256x1xf32>
    %get3A_78 = arith.constant 0 : index
    %get3A_79 = arith.constant 0 : index
    %get3A_80 = vector.load %arg18[%get3A_78, %get3A_79] : memref<256x1xf32, #tpu.memory_space<vmem>>, vector<256x1xf32>
    %sub3A_81 = arith.subf %get3A_76, %max3A_77 : vector<256x1xf32>
    %exp3A_82 = math.exp %sub3A_81 : vector<256x1xf32>
    %mul3A_83 = arith.mulf %get3A_80, %exp3A_82 : vector<256x1xf32>
    %sub3A_84 = vector.broadcast %max3A_77 : vector<256x1xf32> to vector<256x1024xf32>
    %sub3A_85 = arith.subf %select_n3A_71, %sub3A_84 : vector<256x1024xf32>
    %exp3A_86 = math.exp %sub3A_85 : vector<256x1024xf32>
    %reduce_sum3A = arith.constant dense<0.000000e+00> : vector<256xf32>
    %reduce_sum3A_87 = vector.multi_reduction <add>, %exp3A_86, %reduce_sum3A [1] : vector<256x1024xf32> to vector<256xf32>
    %broadcast_in_dim3A_88 = vector.shape_cast %reduce_sum3A_87 : vector<256xf32> to vector<256x1xf32>
    %add3A_89 = arith.addf %mul3A_83, %broadcast_in_dim3A_88 : vector<256x1xf32>
    %swap3A_90 = arith.constant 0 : index
    %swap3A_91 = arith.constant 0 : index
    %swap3A_92 = vector.load %arg18[%swap3A_90, %swap3A_91] : memref<256x1xf32, #tpu.memory_space<vmem>>, vector<256x1xf32>
    tpu.vector_store %arg18[%swap3A_90, %swap3A_91], %add3A_89 {strides = array<i32>} : memref<256x1xf32, #tpu.memory_space<vmem>>, vector<256x1xf32>,
    %swap3A_93 = arith.constant 0 : index
    %swap3A_94 = arith.constant 0 : index
    %swap3A_95 = vector.load %arg17[%swap3A_93, %swap3A_94] : memref<256x1xf32, #tpu.memory_space<vmem>>, vector<256x1xf32>
    tpu.vector_store %arg17[%swap3A_93, %swap3A_94], %max3A_77 {strides = array<i32>} : memref<256x1xf32, #tpu.memory_space<vmem>>, vector<256x1xf32>,
    %swap3A_96 = arith.constant 0 : index
    %swap3A_97 = arith.constant 0 : index
    %swap3A_98 = vector.load %arg14[%swap3A_96, %swap3A_97] : memref<256x1xf32, #tpu.memory_space<vmem>>, vector<256x1xf32>
    tpu.vector_store %arg14[%swap3A_96, %swap3A_97], %max3A_77 {strides = array<i32>} : memref<256x1xf32, #tpu.memory_space<vmem>>, vector<256x1xf32>,
    %get3A_99 = arith.constant 0 : index
    %get3A_100 = arith.constant 0 : index
    %get3A_101 = vector.load %arg18[%get3A_99, %get3A_100] : memref<256x1xf32, #tpu.memory_space<vmem>>, vector<256x1xf32>
    %swap3A_102 = arith.constant 0 : index
    %swap3A_103 = arith.constant 0 : index
    %swap3A_104 = vector.load %arg15[%swap3A_102, %swap3A_103] : memref<256x1xf32, #tpu.memory_space<vmem>>, vector<256x1xf32>
    tpu.vector_store %arg15[%swap3A_102, %swap3A_103], %get3A_101 {strides = array<i32>} : memref<256x1xf32, #tpu.memory_space<vmem>>, vector<256x1xf32>,
    return
  }
  func.func @transform_0(%arg0: i32) -> (i32, i32, i32) {
    %c0_i32 = arith.constant 0 : i32
    %c0_i32_0 = arith.constant 0 : i32
    %c0_i32_1 = arith.constant 0 : i32
    return %c0_i32, %arg0, %c0_i32_0 : i32, i32, i32
  }
  func.func @transform_1(%arg0: i32) -> (i32, i32, i32) {
    %c0_i32 = arith.constant 0 : i32
    %c0_i32_0 = arith.constant 0 : i32
    %c0_i32_1 = arith.constant 0 : i32
    return %c0_i32, %arg0, %c0_i32_0 : i32, i32, i32
  }
  func.func @transform_2(%arg0: i32) -> (i32, i32) {
    %c0_i32 = arith.constant 0 : i32
    %c0_i32_0 = arith.constant 0 : i32
    return %arg0, %c0_i32 : i32, i32
  }
  func.func @transform_3(%arg0: i32) -> (i32, i32) {
    %c0_i32 = arith.constant 0 : i32
    %c0_i32_0 = arith.constant 0 : i32
    %c0_i32_1 = arith.constant 0 : i32
    return %c0_i32, %c0_i32_0 : i32, i32
  }
  func.func @transform_4(%arg0: i32) -> (i32, i32) {
    %c0_i32 = arith.constant 0 : i32
    %c0_i32_0 = arith.constant 0 : i32
    %c0_i32_1 = arith.constant 0 : i32
    return %c0_i32, %c0_i32_0 : i32, i32
  }
  func.func @transform_5(%arg0: i32) -> (i32, i32) {
    %c0_i32 = arith.constant 0 : i32
    %c0_i32_0 = arith.constant 0 : i32
    %c0_i32_1 = arith.constant 0 : i32
    return %c0_i32, %c0_i32_0 : i32, i32
  }
  func.func @transform_6(%arg0: i32) -> (i32, i32) {
    %c0_i32 = arith.constant 0 : i32
    %c0_i32_0 = arith.constant 0 : i32
    %c0_i32_1 = arith.constant 0 : i32
    return %c0_i32, %c0_i32_0 : i32, i32
  }
  func.func @transform_7(%arg0: i32) -> (i32, i32) {
    %c0_i32 = arith.constant 0 : i32
    %c0_i32_0 = arith.constant 0 : i32
    %c0_i32_1 = arith.constant 0 : i32
    return %c0_i32, %c0_i32_0 : i32, i32
  }
  func.func @transform_8(%arg0: i32) -> (i32, i32) {
    %c0_i32 = arith.constant 0 : i32
    %c0_i32_0 = arith.constant 0 : i32
    %c0_i32_1 = arith.constant 0 : i32
    return %c0_i32, %c0_i32_0 : i32, i32
  }
  func.func @transform_9(%arg0: i32) -> (i32, i32) {
    %c0_i32 = arith.constant 0 : i32
    %c0_i32_0 = arith.constant 0 : i32
    %c0_i32_1 = arith.constant 0 : i32
    return %c0_i32, %c0_i32_0 : i32, i32
  }
  func.func @transform_10(%arg0: i32) -> (i32, i32) {
    %c0_i32 = arith.constant 0 : i32
    %c0_i32_0 = arith.constant 0 : i32
    return %c0_i32, %arg0 : i32, i32
  }
  func.func @transform_11(%arg0: i32) -> (i32, i32) {
    %c0_i32 = arith.constant 0 : i32
    %c0_i32_0 = arith.constant 0 : i32
    return %arg0, %c0_i32 : i32, i32
  }
  func.func @transform_12(%arg0: i32) -> (i32, i32) {
    %c0_i32 = arith.constant 0 : i32
    %c0_i32_0 = arith.constant 0 : i32
    %c0_i32_1 = arith.constant 0 : i32
    return %c0_i32, %c0_i32_0 : i32, i32
  }
  func.func @transform_13(%arg0: i32) -> (i32, i32) {
    %c0_i32 = arith.constant 0 : i32
    %c0_i32_0 = arith.constant 0 : i32
    %c0_i32_1 = arith.constant 0 : i32
    return %c0_i32, %c0_i32_0 : i32, i32
  }
  func.func @transform_14(%arg0: i32) -> (i32, i32) {
    %c0_i32 = arith.constant 0 : i32
    %c0_i32_0 = arith.constant 0 : i32
    %c0_i32_1 = arith.constant 0 : i32
    return %c0_i32, %c0_i32_0 : i32, i32
  }
}

module attributes {stable_mosaic.version = 14 : i64} {
  func.func @body(%arg0: i32, %arg1: memref<2x1024x128xf32, #tpu.memory_space<vmem>>, %arg2: memref<2x1024x16xf32, #tpu.memory_space<vmem>>, %arg3: memref<1024x128xf32, #tpu.memory_space<vmem>>, %arg4: memref<256x128xf32, #tpu.memory_space<vmem>>, %arg5: memref<4096x1xi32, #tpu.memory_space<vmem>>, %arg6: memref<4096x1xi32, #tpu.memory_space<vmem>>, %arg7: memref<128x128xf32, #tpu.memory_space<vmem>>, %arg8: memref<1x128xf32, #tpu.memory_space<vmem>>, %arg9: memref<128x128xf32, #tpu.memory_space<vmem>>, %arg10: memref<256x1024xi32, #tpu.memory_space<vmem>>, %arg11: memref<1024x128xf32, #tpu.memory_space<vmem>>, %arg12: memref<256x128xf32, #tpu.memory_space<vmem>>, %arg13: memref<256x1xf32, #tpu.memory_space<vmem>>, %arg14: memref<256x1xf32, #tpu.memory_space<vmem>>, %arg15: memref<256x128xf32, #tpu.memory_space<vmem>>, %arg16: memref<256x1xf32, #tpu.memory_space<vmem>>, %arg17: memref<256x1xf32, #tpu.memory_space<vmem>>) attributes {dimension_semantics = [#tpu.dimension_semantics<arbitrary>], iteration_bounds = array<i64: 10>, scalar_prefetch = 0 : i64, scratch_operands = 3 : i64, tpu.core_type = #tpu.core_type<tc>, window_params = [{transform_indices = @transform_0, window_bounds = array<i64: 2, 1024, 128>}, {transform_indices = @transform_1, window_bounds = array<i64: 2, 1024, 16>}, {transform_indices = @transform_2, window_bounds = array<i64: 1024, 128>}, {pipeline_mode = #tpu.pipeline_mode<synchronous>, transform_indices = @transform_3, window_bounds = array<i64: 256, 128>}, {pipeline_mode = #tpu.pipeline_mode<synchronous>, transform_indices = @transform_4, window_bounds = array<i64: 4096, 1>}, {pipeline_mode = #tpu.pipeline_mode<synchronous>, transform_indices = @transform_5, window_bounds = array<i64: 4096, 1>}, {pipeline_mode = #tpu.pipeline_mode<synchronous>, transform_indices = @transform_6, window_bounds = array<i64: 128, 128>}, {pipeline_mode = #tpu.pipeline_mode<synchronous>, transform_indices = @transform_7, window_bounds = array<i64: 1, 128>}, {pipeline_mode = #tpu.pipeline_mode<synchronous>, transform_indices = @transform_8, window_bounds = array<i64: 128, 128>}, {transform_indices = @transform_9, window_bounds = array<i64: 256, 1024>}, {transform_indices = @transform_10, window_bounds = array<i64: 1024, 128>}, {pipeline_mode = #tpu.pipeline_mode<synchronous>, transform_indices = @transform_11, window_bounds = array<i64: 256, 128>}, {pipeline_mode = #tpu.pipeline_mode<synchronous>, transform_indices = @transform_12, window_bounds = array<i64: 256, 1>}, {pipeline_mode = #tpu.pipeline_mode<synchronous>, transform_indices = @transform_13, window_bounds = array<i64: 256, 1>}]} {
    %eq3A = arith.constant 0 : i32
    %eq3A_0 = arith.cmpi eq, %arg0, %eq3A : i32
    %convert_element_type3A = arith.extui %eq3A_0 : i1 to i32
    %cond3A = arith.constant 0 : i32
    %cond3A_1 = arith.cmpi ne, %convert_element_type3A, %cond3A : i32
    scf.if %cond3A_1 {
      %get3A_105 = arith.constant 0 : index
      %get3A_106 = arith.constant 0 : index
      %get3A_107 = vector.load %arg4[%get3A_105, %get3A_106] : memref<256x128xf32, #tpu.memory_space<vmem>>, vector<256x128xf32>
      %iota3A_108 = tpu.iota {dimensions = array<i32: 1>} : vector<4096x256xi32>
      %get3A_109 = arith.constant 0 : index
      %get3A_110 = arith.constant 0 : index
      %get3A_111 = vector.load %arg5[%get3A_109, %get3A_110] : memref<4096x1xi32, #tpu.memory_space<vmem>>, vector<4096x1xi32>
      %eq3A_112 = vector.broadcast %get3A_111 : vector<4096x1xi32> to vector<4096x256xi32>
      %eq3A_113 = arith.cmpi eq, %eq3A_112, %iota3A_108 : vector<4096x256xi32>
      %convert_element_type3A_114 = arith.extui %eq3A_113 : vector<4096x256xi1> to vector<4096x256xi32>
      %convert_element_type3A_115 = arith.sitofp %convert_element_type3A_114 : vector<4096x256xi32> to vector<4096x256xf32>
      %get3A_116 = arith.constant 0 : index
      %get3A_117 = arith.constant 0 : index
      %get3A_118 = vector.load %arg6[%get3A_116, %get3A_117] : memref<4096x1xi32, #tpu.memory_space<vmem>>, vector<4096x1xi32>
      %eq3A_119 = vector.broadcast %get3A_118 : vector<4096x1xi32> to vector<4096x256xi32>
      %eq3A_120 = arith.cmpi eq, %eq3A_119, %iota3A_108 : vector<4096x256xi32>
      %convert_element_type3A_121 = arith.extui %eq3A_120 : vector<4096x256xi1> to vector<4096x256xi32>
      %convert_element_type3A_122 = arith.sitofp %convert_element_type3A_121 : vector<4096x256xi32> to vector<4096x256xf32>
      %dot_general3A_123 = arith.constant dense<0.000000e+00> : vector<4096x128xf32>
      %dot_general3A_124 = tpu.matmul %convert_element_type3A_115, %get3A_107, %dot_general3A_123 {dimension_numbers = #tpu.dot_dimension_numbers<[1], [0], [0], [1], [0, 0, 1, 1], [], []>, transpose_lhs_hint = false} : vector<4096x256xf32>, vector<256x128xf32>, vector<4096x128xf32> -> vector<4096x128xf32>
      %dot_general3A_125 = arith.constant dense<0.000000e+00> : vector<256x128xf32>
      %dot_general3A_126 = tpu.matmul %convert_element_type3A_122, %dot_general3A_124, %dot_general3A_125 {dimension_numbers = #tpu.dot_dimension_numbers<[0], [0], [1], [1], [0, 1, 1, 1], [], []>, transpose_lhs_hint = false} : vector<4096x256xf32>, vector<4096x128xf32>, vector<256x128xf32> -> vector<256x128xf32>
      %broadcast_in_dim3A_127 = arith.constant 1.000000e+00 : f32
      %broadcast_in_dim3A_128 = vector.broadcast %broadcast_in_dim3A_127 : f32 to vector<4096x8xf32>
      %dot_general3A_129 = arith.constant dense<0.000000e+00> : vector<256x8xf32>
      %dot_general3A_130 = tpu.matmul %convert_element_type3A_122, %broadcast_in_dim3A_128, %dot_general3A_129 {dimension_numbers = #tpu.dot_dimension_numbers<[0], [0], [1], [1], [0, 1, 1, 1], [], []>, transpose_lhs_hint = false} : vector<4096x256xf32>, vector<4096x8xf32>, vector<256x8xf32> -> vector<256x8xf32>
      %slice3A_131 = vector.extract_strided_slice %dot_general3A_130 {offsets = [0, 0], sizes = [256, 1], strides = [1, 1]} : vector<256x8xf32> to vector<256x1xf32>
      %max3A_132 = arith.constant 1.000000e+00 : f32
      %max3A_133 = vector.broadcast %max3A_132 : f32 to vector<256x1xf32>
      %max3A_134 = arith.maximumf %slice3A_131, %max3A_133 : vector<256x1xf32>
      %div3A_135 = vector.broadcast %max3A_134 : vector<256x1xf32> to vector<256x128xf32>
      %div3A_136 = arith.divf %dot_general3A_126, %div3A_135 : vector<256x128xf32>
      %get3A_137 = arith.constant 0 : index
      %get3A_138 = arith.constant 0 : index
      %get3A_139 = vector.load %arg7[%get3A_137, %get3A_138] : memref<128x128xf32, #tpu.memory_space<vmem>>, vector<128x128xf32>
      %dot_general3A_140 = arith.constant dense<0.000000e+00> : vector<256x128xf32>
      %dot_general3A_141 = tpu.matmul %div3A_136, %get3A_139, %dot_general3A_140 {dimension_numbers = #tpu.dot_dimension_numbers<[1], [1], [0], [0], [0, 0, 1, 0], [], []>, transpose_lhs_hint = false} : vector<256x128xf32>, vector<128x128xf32>, vector<256x128xf32> -> vector<256x128xf32>
      %get3A_142 = arith.constant 0 : index
      %get3A_143 = arith.constant 0 : index
      %get3A_144 = vector.load %arg8[%get3A_142, %get3A_143] : memref<1x128xf32, #tpu.memory_space<vmem>>, vector<1x128xf32>
      %add3A_145 = vector.broadcast %get3A_144 : vector<1x128xf32> to vector<256x128xf32>
      %add3A_146 = arith.addf %dot_general3A_141, %add3A_145 : vector<256x128xf32>
      %get3A_147 = arith.constant 0 : index
      %get3A_148 = arith.constant 0 : index
      %get3A_149 = vector.load %arg9[%get3A_147, %get3A_148] : memref<128x128xf32, #tpu.memory_space<vmem>>, vector<128x128xf32>
      %dot_general3A_150 = arith.constant dense<0.000000e+00> : vector<256x128xf32>
      %dot_general3A_151 = tpu.matmul %get3A_107, %get3A_149, %dot_general3A_150 {dimension_numbers = #tpu.dot_dimension_numbers<[1], [1], [0], [0], [0, 0, 1, 0], [], []>, transpose_lhs_hint = false} : vector<256x128xf32>, vector<128x128xf32>, vector<256x128xf32> -> vector<256x128xf32>
      %add3A_152 = arith.addf %add3A_146, %dot_general3A_151 : vector<256x128xf32>
      %gt3A_153 = arith.constant 0.000000e+00 : f32
      %gt3A_154 = vector.broadcast %gt3A_153 : f32 to vector<256x128xf32>
      %gt3A_155 = arith.cmpf ogt, %add3A_152, %gt3A_154 : vector<256x128xf32>
      %exp3A_156 = math.exp %add3A_152 : vector<256x128xf32>
      %sub3A_157 = arith.constant 1.000000e+00 : f32
      %sub3A_158 = vector.broadcast %sub3A_157 : f32 to vector<256x128xf32>
      %sub3A_159 = arith.subf %exp3A_156, %sub3A_158 : vector<256x128xf32>
      %select_n3A_160 = arith.select %gt3A_155, %add3A_152, %sub3A_159 : vector<256x128xi1>, vector<256x128xf32>
      %swap3A_161 = arith.constant 0 : index
      %swap3A_162 = arith.constant 0 : index
      %swap3A_163 = vector.load %arg15[%swap3A_161, %swap3A_162] : memref<256x128xf32, #tpu.memory_space<vmem>>, vector<256x128xf32>
      tpu.vector_store %arg15[%swap3A_161, %swap3A_162], %select_n3A_160 {strides = array<i32>} : memref<256x128xf32, #tpu.memory_space<vmem>>, vector<256x128xf32>,
      %swap3A_164 = arith.constant 0 : index
      %swap3A_165 = arith.constant 0 : index
      %swap3A_166 = vector.load %arg12[%swap3A_164, %swap3A_165] : memref<256x128xf32, #tpu.memory_space<vmem>>, vector<256x128xf32>
      tpu.vector_store %arg12[%swap3A_164, %swap3A_165], %select_n3A_160 {strides = array<i32>} : memref<256x128xf32, #tpu.memory_space<vmem>>, vector<256x128xf32>,
      %broadcast_in_dim3A_167 = arith.constant -1.000000e+30 : f32
      %broadcast_in_dim3A_168 = vector.broadcast %broadcast_in_dim3A_167 : f32 to vector<256x1xf32>
      %swap3A_169 = arith.constant 0 : index
      %swap3A_170 = arith.constant 0 : index
      %swap3A_171 = vector.load %arg16[%swap3A_169, %swap3A_170] : memref<256x1xf32, #tpu.memory_space<vmem>>, vector<256x1xf32>
      tpu.vector_store %arg16[%swap3A_169, %swap3A_170], %broadcast_in_dim3A_168 {strides = array<i32>} : memref<256x1xf32, #tpu.memory_space<vmem>>, vector<256x1xf32>,
      %broadcast_in_dim3A_172 = arith.constant 0.000000e+00 : f32
      %broadcast_in_dim3A_173 = vector.broadcast %broadcast_in_dim3A_172 : f32 to vector<256x1xf32>
      %swap3A_174 = arith.constant 0 : index
      %swap3A_175 = arith.constant 0 : index
      %swap3A_176 = vector.load %arg17[%swap3A_174, %swap3A_175] : memref<256x1xf32, #tpu.memory_space<vmem>>, vector<256x1xf32>
      tpu.vector_store %arg17[%swap3A_174, %swap3A_175], %broadcast_in_dim3A_173 {strides = array<i32>} : memref<256x1xf32, #tpu.memory_space<vmem>>, vector<256x1xf32>,
    } else {
    }
    %get3A = arith.constant 0 : index
    %get3A_2 = arith.constant 0 : index
    %get3A_3 = arith.constant 0 : index
    %get3A_4 = vector.load %arg1[%get3A, %get3A_2, %get3A_3] : memref<2x1024x128xf32, #tpu.memory_space<vmem>>, vector<2x1024x128xf32>
    %slice3A = vector.extract_strided_slice %get3A_4 {offsets = [0, 0, 0], sizes = [1, 1024, 128], strides = [1, 1, 1]} : vector<2x1024x128xf32> to vector<1x1024x128xf32>
    %squeeze3A = vector.shape_cast %slice3A : vector<1x1024x128xf32> to vector<1024x128xf32>
    %slice3A_5 = vector.extract_strided_slice %get3A_4 {offsets = [1, 0, 0], sizes = [1, 1024, 128], strides = [1, 1, 1]} : vector<2x1024x128xf32> to vector<1x1024x128xf32>
    %squeeze3A_6 = vector.shape_cast %slice3A_5 : vector<1x1024x128xf32> to vector<1024x128xf32>
    %add3A = arith.addf %squeeze3A, %squeeze3A_6 : vector<1024x128xf32>
    %get3A_7 = arith.constant 0 : index
    %get3A_8 = arith.constant 0 : index
    %get3A_9 = arith.constant 0 : index
    %get3A_10 = vector.load %arg2[%get3A_7, %get3A_8, %get3A_9] : memref<2x1024x16xf32, #tpu.memory_space<vmem>>, vector<2x1024x16xf32>
    %slice3A_11 = vector.extract_strided_slice %get3A_10 {offsets = [0, 0, 0], sizes = [1, 1024, 1], strides = [1, 1, 1]} : vector<2x1024x16xf32> to vector<1x1024x1xf32>
    %squeeze3A_12 = vector.shape_cast %slice3A_11 : vector<1x1024x1xf32> to vector<1024x1xf32>
    %slice3A_13 = vector.extract_strided_slice %get3A_10 {offsets = [1, 0, 0], sizes = [1, 1024, 1], strides = [1, 1, 1]} : vector<2x1024x16xf32> to vector<1x1024x1xf32>
    %squeeze3A_14 = vector.shape_cast %slice3A_13 : vector<1x1024x1xf32> to vector<1024x1xf32>
    %add3A_15 = arith.addf %squeeze3A_12, %squeeze3A_14 : vector<1024x1xf32>
    %max3A = arith.constant 1.000000e+00 : f32
    %max3A_16 = vector.broadcast %max3A : f32 to vector<1024x1xf32>
    %max3A_17 = arith.maximumf %add3A_15, %max3A_16 : vector<1024x1xf32>
    %div3A = vector.broadcast %max3A_17 : vector<1024x1xf32> to vector<1024x128xf32>
    %div3A_18 = arith.divf %add3A, %div3A : vector<1024x128xf32>
    %get3A_19 = arith.constant 0 : index
    %get3A_20 = arith.constant 0 : index
    %get3A_21 = vector.load %arg7[%get3A_19, %get3A_20] : memref<128x128xf32, #tpu.memory_space<vmem>>, vector<128x128xf32>
    %dot_general3A = arith.constant dense<0.000000e+00> : vector<1024x128xf32>
    %dot_general3A_22 = tpu.matmul %div3A_18, %get3A_21, %dot_general3A {dimension_numbers = #tpu.dot_dimension_numbers<[1], [1], [0], [0], [0, 0, 1, 0], [], []>, transpose_lhs_hint = false} : vector<1024x128xf32>, vector<128x128xf32>, vector<1024x128xf32> -> vector<1024x128xf32>
    %get3A_23 = arith.constant 0 : index
    %get3A_24 = arith.constant 0 : index
    %get3A_25 = vector.load %arg8[%get3A_23, %get3A_24] : memref<1x128xf32, #tpu.memory_space<vmem>>, vector<1x128xf32>
    %add3A_26 = vector.broadcast %get3A_25 : vector<1x128xf32> to vector<1024x128xf32>
    %add3A_27 = arith.addf %dot_general3A_22, %add3A_26 : vector<1024x128xf32>
    %get3A_28 = arith.constant 0 : index
    %get3A_29 = arith.constant 0 : index
    %get3A_30 = vector.load %arg3[%get3A_28, %get3A_29] : memref<1024x128xf32, #tpu.memory_space<vmem>>, vector<1024x128xf32>
    %get3A_31 = arith.constant 0 : index
    %get3A_32 = arith.constant 0 : index
    %get3A_33 = vector.load %arg9[%get3A_31, %get3A_32] : memref<128x128xf32, #tpu.memory_space<vmem>>, vector<128x128xf32>
    %dot_general3A_34 = arith.constant dense<0.000000e+00> : vector<1024x128xf32>
    %dot_general3A_35 = tpu.matmul %get3A_30, %get3A_33, %dot_general3A_34 {dimension_numbers = #tpu.dot_dimension_numbers<[1], [1], [0], [0], [0, 0, 1, 0], [], []>, transpose_lhs_hint = false} : vector<1024x128xf32>, vector<128x128xf32>, vector<1024x128xf32> -> vector<1024x128xf32>
    %add3A_36 = arith.addf %add3A_27, %dot_general3A_35 : vector<1024x128xf32>
    %gt3A = arith.constant 0.000000e+00 : f32
    %gt3A_37 = vector.broadcast %gt3A : f32 to vector<1024x128xf32>
    %gt3A_38 = arith.cmpf ogt, %add3A_36, %gt3A_37 : vector<1024x128xf32>
    %exp3A = math.exp %add3A_36 : vector<1024x128xf32>
    %sub3A = arith.constant 1.000000e+00 : f32
    %sub3A_39 = vector.broadcast %sub3A : f32 to vector<1024x128xf32>
    %sub3A_40 = arith.subf %exp3A, %sub3A_39 : vector<1024x128xf32>
    %select_n3A = arith.select %gt3A_38, %add3A_36, %sub3A_40 : vector<1024x128xi1>, vector<1024x128xf32>
    %swap3A = arith.constant 0 : index
    %swap3A_41 = arith.constant 0 : index
    %swap3A_42 = vector.load %arg11[%swap3A, %swap3A_41] : memref<1024x128xf32, #tpu.memory_space<vmem>>, vector<1024x128xf32>
    tpu.vector_store %arg11[%swap3A, %swap3A_41], %select_n3A {strides = array<i32>} : memref<1024x128xf32, #tpu.memory_space<vmem>>, vector<1024x128xf32>,
    %get3A_43 = arith.constant 0 : index
    %get3A_44 = arith.constant 0 : index
    %get3A_45 = vector.load %arg15[%get3A_43, %get3A_44] : memref<256x128xf32, #tpu.memory_space<vmem>>, vector<256x128xf32>
    %dot_general3A_46 = arith.constant dense<0.000000e+00> : vector<256x1024xf32>
    %dot_general3A_47 = tpu.matmul %get3A_45, %select_n3A, %dot_general3A_46 {dimension_numbers = #tpu.dot_dimension_numbers<[1], [1], [0], [0], [0, 0, 1, 0], [], []>, transpose_lhs_hint = false} : vector<256x128xf32>, vector<1024x128xf32>, vector<256x1024xf32> -> vector<256x1024xf32>
    %get3A_48 = arith.constant 0 : index
    %get3A_49 = arith.constant 0 : index
    %get3A_50 = vector.load %arg10[%get3A_48, %get3A_49] : memref<256x1024xi32, #tpu.memory_space<vmem>>, vector<256x1024xi32>
    %get3A_51 = arith.constant dense<0> : vector<256x1024xi32>
    %get3A_52 = arith.cmpi ne, %get3A_50, %get3A_51 : vector<256x1024xi32>
    %convert_element_type3A_53 = arith.extui %get3A_52 : vector<256x1024xi1> to vector<256x1024xi32>
    %convert_element_type3A_54 = arith.sitofp %convert_element_type3A_53 : vector<256x1024xi32> to vector<256x1024xf32>
    %mul3A = arith.mulf %dot_general3A_47, %convert_element_type3A_54 : vector<256x1024xf32>
    %mul3A_55 = arith.constant 0.0883883461 : f32
    %mul3A_56 = vector.broadcast %mul3A_55 : f32 to vector<256x1024xf32>
    %mul3A_57 = arith.mulf %mul3A, %mul3A_56 : vector<256x1024xf32>
    %sub3A_58 = arith.constant 1.000000e+00 : f32
    %sub3A_59 = vector.broadcast %sub3A_58 : f32 to vector<256x1024xf32>
    %sub3A_60 = arith.subf %sub3A_59, %convert_element_type3A_54 : vector<256x1024xf32>
    %mul3A_61 = arith.constant -1.000000e+09 : f32
    %mul3A_62 = vector.broadcast %mul3A_61 : f32 to vector<256x1024xf32>
    %mul3A_63 = arith.mulf %mul3A_62, %sub3A_60 : vector<256x1024xf32>
    %add3A_64 = arith.addf %mul3A_57, %mul3A_63 : vector<256x1024xf32>
    %mul3A_65 = arith.constant 1024 : i32
    %mul3A_66 = arith.muli %arg0, %mul3A_65 : i32
    %iota3A = tpu.iota {dimensions = array<i32: 1>} : vector<256x1024xi32>
    %add3A_67 = vector.broadcast %mul3A_66 : i32 to vector<256x1024xi32>
    %add3A_68 = arith.addi %add3A_67, %iota3A : vector<256x1024xi32>
    %lt3A = arith.constant 10000 : i32
    %lt3A_69 = vector.broadcast %lt3A : i32 to vector<256x1024xi32>
    %lt3A_70 = arith.cmpi slt, %add3A_68, %lt3A_69 : vector<256x1024xi32>
    %jit3A = arith.constant -3.000000e+38 : f32
    %broadcast_in_dim3A = vector.broadcast %jit3A : f32 to vector<256x1024xf32>
    %select_n3A_71 = arith.select %lt3A_70, %add3A_64, %broadcast_in_dim3A : vector<256x1024xi1>, vector<256x1024xf32>
    %reduce_max3A = arith.constant dense<0xFF800000> : vector<256xf32>
    %reduce_max3A_72 = vector.multi_reduction <maximumf>, %select_n3A_71, %reduce_max3A [1] : vector<256x1024xf32> to vector<256xf32>
    %broadcast_in_dim3A_73 = vector.shape_cast %reduce_max3A_72 : vector<256xf32> to vector<256x1xf32>
    %get3A_74 = arith.constant 0 : index
    %get3A_75 = arith.constant 0 : index
    %get3A_76 = vector.load %arg16[%get3A_74, %get3A_75] : memref<256x1xf32, #tpu.memory_space<vmem>>, vector<256x1xf32>
    %max3A_77 = arith.maximumf %get3A_76, %broadcast_in_dim3A_73 : vector<256x1xf32>
    %get3A_78 = arith.constant 0 : index
    %get3A_79 = arith.constant 0 : index
    %get3A_80 = vector.load %arg17[%get3A_78, %get3A_79] : memref<256x1xf32, #tpu.memory_space<vmem>>, vector<256x1xf32>
    %sub3A_81 = arith.subf %get3A_76, %max3A_77 : vector<256x1xf32>
    %exp3A_82 = math.exp %sub3A_81 : vector<256x1xf32>
    %mul3A_83 = arith.mulf %get3A_80, %exp3A_82 : vector<256x1xf32>
    %sub3A_84 = vector.broadcast %max3A_77 : vector<256x1xf32> to vector<256x1024xf32>
    %sub3A_85 = arith.subf %select_n3A_71, %sub3A_84 : vector<256x1024xf32>
    %exp3A_86 = math.exp %sub3A_85 : vector<256x1024xf32>
    %reduce_sum3A = arith.constant dense<0.000000e+00> : vector<256xf32>
    %reduce_sum3A_87 = vector.multi_reduction <add>, %exp3A_86, %reduce_sum3A [1] : vector<256x1024xf32> to vector<256xf32>
    %broadcast_in_dim3A_88 = vector.shape_cast %reduce_sum3A_87 : vector<256xf32> to vector<256x1xf32>
    %add3A_89 = arith.addf %mul3A_83, %broadcast_in_dim3A_88 : vector<256x1xf32>
    %swap3A_90 = arith.constant 0 : index
    %swap3A_91 = arith.constant 0 : index
    %swap3A_92 = vector.load %arg17[%swap3A_90, %swap3A_91] : memref<256x1xf32, #tpu.memory_space<vmem>>, vector<256x1xf32>
    tpu.vector_store %arg17[%swap3A_90, %swap3A_91], %add3A_89 {strides = array<i32>} : memref<256x1xf32, #tpu.memory_space<vmem>>, vector<256x1xf32>,
    %swap3A_93 = arith.constant 0 : index
    %swap3A_94 = arith.constant 0 : index
    %swap3A_95 = vector.load %arg16[%swap3A_93, %swap3A_94] : memref<256x1xf32, #tpu.memory_space<vmem>>, vector<256x1xf32>
    tpu.vector_store %arg16[%swap3A_93, %swap3A_94], %max3A_77 {strides = array<i32>} : memref<256x1xf32, #tpu.memory_space<vmem>>, vector<256x1xf32>,
    %swap3A_96 = arith.constant 0 : index
    %swap3A_97 = arith.constant 0 : index
    %swap3A_98 = vector.load %arg13[%swap3A_96, %swap3A_97] : memref<256x1xf32, #tpu.memory_space<vmem>>, vector<256x1xf32>
    tpu.vector_store %arg13[%swap3A_96, %swap3A_97], %max3A_77 {strides = array<i32>} : memref<256x1xf32, #tpu.memory_space<vmem>>, vector<256x1xf32>,
    %get3A_99 = arith.constant 0 : index
    %get3A_100 = arith.constant 0 : index
    %get3A_101 = vector.load %arg17[%get3A_99, %get3A_100] : memref<256x1xf32, #tpu.memory_space<vmem>>, vector<256x1xf32>
    %swap3A_102 = arith.constant 0 : index
    %swap3A_103 = arith.constant 0 : index
    %swap3A_104 = vector.load %arg14[%swap3A_102, %swap3A_103] : memref<256x1xf32, #tpu.memory_space<vmem>>, vector<256x1xf32>
    tpu.vector_store %arg14[%swap3A_102, %swap3A_103], %get3A_101 {strides = array<i32>} : memref<256x1xf32, #tpu.memory_space<vmem>>, vector<256x1xf32>,
    return
  }
  func.func @transform_0(%arg0: i32) -> (i32, i32, i32) {
    %c0_i32 = arith.constant 0 : i32
    %c0_i32_0 = arith.constant 0 : i32
    %c0_i32_1 = arith.constant 0 : i32
    return %c0_i32, %arg0, %c0_i32_0 : i32, i32, i32
  }
  func.func @transform_1(%arg0: i32) -> (i32, i32, i32) {
    %c0_i32 = arith.constant 0 : i32
    %c0_i32_0 = arith.constant 0 : i32
    %c0_i32_1 = arith.constant 0 : i32
    return %c0_i32, %arg0, %c0_i32_0 : i32, i32, i32
  }
  func.func @transform_2(%arg0: i32) -> (i32, i32) {
    %c0_i32 = arith.constant 0 : i32
    %c0_i32_0 = arith.constant 0 : i32
    return %arg0, %c0_i32 : i32, i32
  }
  func.func @transform_3(%arg0: i32) -> (i32, i32) {
    %c0_i32 = arith.constant 0 : i32
    %c0_i32_0 = arith.constant 0 : i32
    %c0_i32_1 = arith.constant 0 : i32
    return %c0_i32, %c0_i32_0 : i32, i32
  }
  func.func @transform_4(%arg0: i32) -> (i32, i32) {
    %c0_i32 = arith.constant 0 : i32
    %c0_i32_0 = arith.constant 0 : i32
    %c0_i32_1 = arith.constant 0 : i32
    return %c0_i32, %c0_i32_0 : i32, i32
  }
  func.func @transform_5(%arg0: i32) -> (i32, i32) {
    %c0_i32 = arith.constant 0 : i32
    %c0_i32_0 = arith.constant 0 : i32
    %c0_i32_1 = arith.constant 0 : i32
    return %c0_i32, %c0_i32_0 : i32, i32
  }
  func.func @transform_6(%arg0: i32) -> (i32, i32) {
    %c0_i32 = arith.constant 0 : i32
    %c0_i32_0 = arith.constant 0 : i32
    %c0_i32_1 = arith.constant 0 : i32
    return %c0_i32, %c0_i32_0 : i32, i32
  }
  func.func @transform_7(%arg0: i32) -> (i32, i32) {
    %c0_i32 = arith.constant 0 : i32
    %c0_i32_0 = arith.constant 0 : i32
    %c0_i32_1 = arith.constant 0 : i32
    return %c0_i32, %c0_i32_0 : i32, i32
  }
  func.func @transform_8(%arg0: i32) -> (i32, i32) {
    %c0_i32 = arith.constant 0 : i32
    %c0_i32_0 = arith.constant 0 : i32
    %c0_i32_1 = arith.constant 0 : i32
    return %c0_i32, %c0_i32_0 : i32, i32
  }
  func.func @transform_9(%arg0: i32) -> (i32, i32) {
    %c0_i32 = arith.constant 0 : i32
    %c0_i32_0 = arith.constant 0 : i32
    return %c0_i32, %arg0 : i32, i32
  }
  func.func @transform_10(%arg0: i32) -> (i32, i32) {
    %c0_i32 = arith.constant 0 : i32
    %c0_i32_0 = arith.constant 0 : i32
    return %arg0, %c0_i32 : i32, i32
  }
  func.func @transform_11(%arg0: i32) -> (i32, i32) {
    %c0_i32 = arith.constant 0 : i32
    %c0_i32_0 = arith.constant 0 : i32
    %c0_i32_1 = arith.constant 0 : i32
    return %c0_i32, %c0_i32_0 : i32, i32
  }
  func.func @transform_12(%arg0: i32) -> (i32, i32) {
    %c0_i32 = arith.constant 0 : i32
    %c0_i32_0 = arith.constant 0 : i32
    %c0_i32_1 = arith.constant 0 : i32
    return %c0_i32, %c0_i32_0 : i32, i32
  }
  func.func @transform_13(%arg0: i32) -> (i32, i32) {
    %c0_i32 = arith.constant 0 : i32
    %c0_i32_0 = arith.constant 0 : i32
    %c0_i32_1 = arith.constant 0 : i32
    return %c0_i32, %c0_i32_0 : i32, i32
  }
}

module attributes {stable_mosaic.version = 14 : i64} {
  func.func @body(%arg0: i32, %arg1: memref<256x128xf32, #tpu.memory_space<vmem>>, %arg2: memref<1024x128xf32, #tpu.memory_space<vmem>>, %arg3: memref<256x1024xi32, #tpu.memory_space<vmem>>, %arg4: memref<256x1xf32, #tpu.memory_space<vmem>>, %arg5: memref<256x1xf32, #tpu.memory_space<vmem>>, %arg6: memref<4x128x128xf32, #tpu.memory_space<vmem>>, %arg7: memref<4x128xf32, #tpu.memory_space<vmem>>, %arg8: memref<4x128xf32, #tpu.memory_space<vmem>>, %arg9: memref<1x4xf32, #tpu.memory_space<vmem>>, %arg10: memref<1x4xf32, #tpu.memory_space<vmem>>, %arg11: memref<256x1024xf32, #tpu.memory_space<vmem>>, %arg12: memref<256x1024xf32, #tpu.memory_space<vmem>>, %arg13: memref<4x256x128xf32, #tpu.memory_space<vmem>>) attributes {dimension_semantics = [#tpu.dimension_semantics<arbitrary>], iteration_bounds = array<i64: 10>, scalar_prefetch = 0 : i64, scratch_operands = 1 : i64, tpu.core_type = #tpu.core_type<tc>, window_params = [{pipeline_mode = #tpu.pipeline_mode<synchronous>, transform_indices = @transform_0, window_bounds = array<i64: 256, 128>}, {transform_indices = @transform_1, window_bounds = array<i64: 1024, 128>}, {transform_indices = @transform_2, window_bounds = array<i64: 256, 1024>}, {pipeline_mode = #tpu.pipeline_mode<synchronous>, transform_indices = @transform_3, window_bounds = array<i64: 256, 1>}, {pipeline_mode = #tpu.pipeline_mode<synchronous>, transform_indices = @transform_4, window_bounds = array<i64: 256, 1>}, {pipeline_mode = #tpu.pipeline_mode<synchronous>, transform_indices = @transform_5, window_bounds = array<i64: 4, 128, 128>}, {pipeline_mode = #tpu.pipeline_mode<synchronous>, transform_indices = @transform_6, window_bounds = array<i64: 4, 128>}, {pipeline_mode = #tpu.pipeline_mode<synchronous>, transform_indices = @transform_7, window_bounds = array<i64: 4, 128>}, {pipeline_mode = #tpu.pipeline_mode<synchronous>, transform_indices = @transform_8, window_bounds = array<i64: 1, 4>}, {pipeline_mode = #tpu.pipeline_mode<synchronous>, transform_indices = @transform_9, window_bounds = array<i64: 1, 4>}, {transform_indices = @transform_10, window_bounds = array<i64: 256, 1024>}, {transform_indices = @transform_11, window_bounds = array<i64: 256, 1024>}]} {
    %get3A = arith.constant 0 : index
    %get3A_0 = arith.constant 0 : index
    %get3A_1 = vector.load %arg1[%get3A, %get3A_0] : memref<256x128xf32, #tpu.memory_space<vmem>>, vector<256x128xf32>
    %eq3A = arith.constant 0 : i32
    %eq3A_2 = arith.cmpi eq, %arg0, %eq3A : i32
    %convert_element_type3A = arith.extui %eq3A_2 : i1 to i32
    %cond3A = arith.constant 0 : i32
    %cond3A_3 = arith.cmpi ne, %convert_element_type3A, %cond3A : i32
    scf.if %cond3A_3 {
      %get3A_150 = arith.constant 0 : index
      %get3A_151 = arith.constant 0 : index
      %get3A_152 = arith.constant 0 : index
      %get3A_153 = vector.load %arg6[%get3A_150, %get3A_151, %get3A_152] : memref<4x128x128xf32, #tpu.memory_space<vmem>>, vector<1x128x128xf32>
      %get3A_154 = vector.shape_cast %get3A_153 : vector<1x128x128xf32> to vector<128x128xf32>
      %dot_general3A_155 = arith.constant dense<0.000000e+00> : vector<256x128xf32>
      %dot_general3A_156 = tpu.matmul %get3A_1, %get3A_154, %dot_general3A_155 {dimension_numbers = #tpu.dot_dimension_numbers<[1], [0], [0], [1], [0, 0, 1, 1], [], []>, transpose_lhs_hint = false} : vector<256x128xf32>, vector<128x128xf32>, vector<256x128xf32> -> vector<256x128xf32>
      %swap3A_157 = arith.constant 0 : index
      %swap3A_158 = arith.constant 0 : index
      %swap3A_159 = arith.constant 0 : index
      %swap3A_160 = vector.load %arg13[%swap3A_157, %swap3A_158, %swap3A_159] : memref<4x256x128xf32, #tpu.memory_space<vmem>>, vector<1x256x128xf32>
      %swap3A_161 = vector.shape_cast %swap3A_160 : vector<1x256x128xf32> to vector<256x128xf32>
      %swap3A_162 = vector.shape_cast %dot_general3A_156 : vector<256x128xf32> to vector<1x256x128xf32>
      tpu.vector_store %arg13[%swap3A_157, %swap3A_158, %swap3A_159], %swap3A_162 {strides = array<i32>} : memref<4x256x128xf32, #tpu.memory_space<vmem>>, vector<1x256x128xf32>,
      %get3A_163 = arith.constant 1 : index
      %get3A_164 = arith.constant 0 : index
      %get3A_165 = arith.constant 0 : index
      %get3A_166 = vector.load %arg6[%get3A_163, %get3A_164, %get3A_165] : memref<4x128x128xf32, #tpu.memory_space<vmem>>, vector<1x128x128xf32>
      %get3A_167 = vector.shape_cast %get3A_166 : vector<1x128x128xf32> to vector<128x128xf32>
      %dot_general3A_168 = arith.constant dense<0.000000e+00> : vector<256x128xf32>
      %dot_general3A_169 = tpu.matmul %get3A_1, %get3A_167, %dot_general3A_168 {dimension_numbers = #tpu.dot_dimension_numbers<[1], [0], [0], [1], [0, 0, 1, 1], [], []>, transpose_lhs_hint = false} : vector<256x128xf32>, vector<128x128xf32>, vector<256x128xf32> -> vector<256x128xf32>
      %swap3A_170 = arith.constant 1 : index
      %swap3A_171 = arith.constant 0 : index
      %swap3A_172 = arith.constant 0 : index
      %swap3A_173 = vector.load %arg13[%swap3A_170, %swap3A_171, %swap3A_172] : memref<4x256x128xf32, #tpu.memory_space<vmem>>, vector<1x256x128xf32>
      %swap3A_174 = vector.shape_cast %swap3A_173 : vector<1x256x128xf32> to vector<256x128xf32>
      %swap3A_175 = vector.shape_cast %dot_general3A_169 : vector<256x128xf32> to vector<1x256x128xf32>
      tpu.vector_store %arg13[%swap3A_170, %swap3A_171, %swap3A_172], %swap3A_175 {strides = array<i32>} : memref<4x256x128xf32, #tpu.memory_space<vmem>>, vector<1x256x128xf32>,
      %get3A_176 = arith.constant 2 : index
      %get3A_177 = arith.constant 0 : index
      %get3A_178 = arith.constant 0 : index
      %get3A_179 = vector.load %arg6[%get3A_176, %get3A_177, %get3A_178] : memref<4x128x128xf32, #tpu.memory_space<vmem>>, vector<1x128x128xf32>
      %get3A_180 = vector.shape_cast %get3A_179 : vector<1x128x128xf32> to vector<128x128xf32>
      %dot_general3A_181 = arith.constant dense<0.000000e+00> : vector<256x128xf32>
      %dot_general3A_182 = tpu.matmul %get3A_1, %get3A_180, %dot_general3A_181 {dimension_numbers = #tpu.dot_dimension_numbers<[1], [0], [0], [1], [0, 0, 1, 1], [], []>, transpose_lhs_hint = false} : vector<256x128xf32>, vector<128x128xf32>, vector<256x128xf32> -> vector<256x128xf32>
      %swap3A_183 = arith.constant 2 : index
      %swap3A_184 = arith.constant 0 : index
      %swap3A_185 = arith.constant 0 : index
      %swap3A_186 = vector.load %arg13[%swap3A_183, %swap3A_184, %swap3A_185] : memref<4x256x128xf32, #tpu.memory_space<vmem>>, vector<1x256x128xf32>
      %swap3A_187 = vector.shape_cast %swap3A_186 : vector<1x256x128xf32> to vector<256x128xf32>
      %swap3A_188 = vector.shape_cast %dot_general3A_182 : vector<256x128xf32> to vector<1x256x128xf32>
      tpu.vector_store %arg13[%swap3A_183, %swap3A_184, %swap3A_185], %swap3A_188 {strides = array<i32>} : memref<4x256x128xf32, #tpu.memory_space<vmem>>, vector<1x256x128xf32>,
      %get3A_189 = arith.constant 3 : index
      %get3A_190 = arith.constant 0 : index
      %get3A_191 = arith.constant 0 : index
      %get3A_192 = vector.load %arg6[%get3A_189, %get3A_190, %get3A_191] : memref<4x128x128xf32, #tpu.memory_space<vmem>>, vector<1x128x128xf32>
      %get3A_193 = vector.shape_cast %get3A_192 : vector<1x128x128xf32> to vector<128x128xf32>
      %dot_general3A_194 = arith.constant dense<0.000000e+00> : vector<256x128xf32>
      %dot_general3A_195 = tpu.matmul %get3A_1, %get3A_193, %dot_general3A_194 {dimension_numbers = #tpu.dot_dimension_numbers<[1], [0], [0], [1], [0, 0, 1, 1], [], []>, transpose_lhs_hint = false} : vector<256x128xf32>, vector<128x128xf32>, vector<256x128xf32> -> vector<256x128xf32>
      %swap3A_196 = arith.constant 3 : index
      %swap3A_197 = arith.constant 0 : index
      %swap3A_198 = arith.constant 0 : index
      %swap3A_199 = vector.load %arg13[%swap3A_196, %swap3A_197, %swap3A_198] : memref<4x256x128xf32, #tpu.memory_space<vmem>>, vector<1x256x128xf32>
      %swap3A_200 = vector.shape_cast %swap3A_199 : vector<1x256x128xf32> to vector<256x128xf32>
      %swap3A_201 = vector.shape_cast %dot_general3A_195 : vector<256x128xf32> to vector<1x256x128xf32>
      tpu.vector_store %arg13[%swap3A_196, %swap3A_197, %swap3A_198], %swap3A_201 {strides = array<i32>} : memref<4x256x128xf32, #tpu.memory_space<vmem>>, vector<1x256x128xf32>,
    } else {
    }
    %get3A_4 = arith.constant 0 : index
    %get3A_5 = arith.constant 0 : index
    %get3A_6 = vector.load %arg2[%get3A_4, %get3A_5] : memref<1024x128xf32, #tpu.memory_space<vmem>>, vector<1024x128xf32>
    %dot_general3A = arith.constant dense<0.000000e+00> : vector<256x1024xf32>
    %dot_general3A_7 = tpu.matmul %get3A_1, %get3A_6, %dot_general3A {dimension_numbers = #tpu.dot_dimension_numbers<[1], [1], [0], [0], [0, 0, 1, 0], [], []>, transpose_lhs_hint = false} : vector<256x128xf32>, vector<1024x128xf32>, vector<256x1024xf32> -> vector<256x1024xf32>
    %get3A_8 = arith.constant 0 : index
    %get3A_9 = arith.constant 0 : index
    %get3A_10 = vector.load %arg3[%get3A_8, %get3A_9] : memref<256x1024xi32, #tpu.memory_space<vmem>>, vector<256x1024xi32>
    %get3A_11 = arith.constant dense<0> : vector<256x1024xi32>
    %get3A_12 = arith.cmpi ne, %get3A_10, %get3A_11 : vector<256x1024xi32>
    %convert_element_type3A_13 = arith.extui %get3A_12 : vector<256x1024xi1> to vector<256x1024xi32>
    %convert_element_type3A_14 = arith.sitofp %convert_element_type3A_13 : vector<256x1024xi32> to vector<256x1024xf32>
    %mul3A = arith.mulf %dot_general3A_7, %convert_element_type3A_14 : vector<256x1024xf32>
    %mul3A_15 = arith.constant 0.0883883461 : f32
    %mul3A_16 = vector.broadcast %mul3A_15 : f32 to vector<256x1024xf32>
    %mul3A_17 = arith.mulf %mul3A, %mul3A_16 : vector<256x1024xf32>
    %sub3A = arith.constant 1.000000e+00 : f32
    %sub3A_18 = vector.broadcast %sub3A : f32 to vector<256x1024xf32>
    %sub3A_19 = arith.subf %sub3A_18, %convert_element_type3A_14 : vector<256x1024xf32>
    %mul3A_20 = arith.constant -1.000000e+09 : f32
    %mul3A_21 = vector.broadcast %mul3A_20 : f32 to vector<256x1024xf32>
    %mul3A_22 = arith.mulf %mul3A_21, %sub3A_19 : vector<256x1024xf32>
    %add3A = arith.addf %mul3A_17, %mul3A_22 : vector<256x1024xf32>
    %mul3A_23 = arith.constant 1024 : i32
    %mul3A_24 = arith.muli %arg0, %mul3A_23 : i32
    %iota3A = tpu.iota {dimensions = array<i32: 1>} : vector<256x1024xi32>
    %add3A_25 = vector.broadcast %mul3A_24 : i32 to vector<256x1024xi32>
    %add3A_26 = arith.addi %add3A_25, %iota3A : vector<256x1024xi32>
    %lt3A = arith.constant 10000 : i32
    %lt3A_27 = vector.broadcast %lt3A : i32 to vector<256x1024xi32>
    %lt3A_28 = arith.cmpi slt, %add3A_26, %lt3A_27 : vector<256x1024xi32>
    %jit3A = arith.constant -3.000000e+38 : f32
    %broadcast_in_dim3A = vector.broadcast %jit3A : f32 to vector<256x1024xf32>
    %select_n3A = arith.select %lt3A_28, %add3A, %broadcast_in_dim3A : vector<256x1024xi1>, vector<256x1024xf32>
    %get3A_29 = arith.constant 0 : index
    %get3A_30 = arith.constant 0 : index
    %get3A_31 = vector.load %arg4[%get3A_29, %get3A_30] : memref<256x1xf32, #tpu.memory_space<vmem>>, vector<256x1xf32>
    %sub3A_32 = vector.broadcast %get3A_31 : vector<256x1xf32> to vector<256x1024xf32>
    %sub3A_33 = arith.subf %select_n3A, %sub3A_32 : vector<256x1024xf32>
    %exp3A = math.exp %sub3A_33 : vector<256x1024xf32>
    %get3A_34 = arith.constant 0 : index
    %get3A_35 = arith.constant 0 : index
    %get3A_36 = vector.load %arg5[%get3A_34, %get3A_35] : memref<256x1xf32, #tpu.memory_space<vmem>>, vector<256x1xf32>
    %div3A = vector.broadcast %get3A_36 : vector<256x1xf32> to vector<256x1024xf32>
    %div3A_37 = arith.divf %exp3A, %div3A : vector<256x1024xf32>
    %get3A_38 = arith.constant 0 : index
    %get3A_39 = arith.constant 0 : index
    %get3A_40 = vector.load %arg7[%get3A_38, %get3A_39] : memref<4x128xf32, #tpu.memory_space<vmem>>, vector<4x128xf32>
    %dot_general3A_41 = arith.constant dense<0.000000e+00> : vector<256x4xf32>
    %dot_general3A_42 = tpu.matmul %get3A_1, %get3A_40, %dot_general3A_41 {dimension_numbers = #tpu.dot_dimension_numbers<[1], [1], [0], [0], [0, 0, 1, 0], [], []>, transpose_lhs_hint = false} : vector<256x128xf32>, vector<4x128xf32>, vector<256x4xf32> -> vector<256x4xf32>
    %get3A_43 = arith.constant 0 : index
    %get3A_44 = arith.constant 0 : index
    %get3A_45 = vector.load %arg8[%get3A_43, %get3A_44] : memref<4x128xf32, #tpu.memory_space<vmem>>, vector<4x128xf32>
    %dot_general3A_46 = arith.constant dense<0.000000e+00> : vector<4x1024xf32>
    %dot_general3A_47 = tpu.matmul %get3A_45, %get3A_6, %dot_general3A_46 {dimension_numbers = #tpu.dot_dimension_numbers<[1], [1], [0], [0], [0, 0, 1, 0], [], []>, transpose_lhs_hint = false} : vector<4x128xf32>, vector<1024x128xf32>, vector<4x1024xf32> -> vector<4x1024xf32>
    %get3A_48 = arith.constant 0 : index
    %get3A_49 = arith.constant 0 : index
    %get3A_50 = vector.load %arg9[%get3A_48, %get3A_49] : memref<1x4xf32, #tpu.memory_space<vmem>>, vector<1x4xf32>
    %get3A_51 = arith.constant 0 : index
    %get3A_52 = arith.constant 0 : index
    %get3A_53 = vector.load %arg10[%get3A_51, %get3A_52] : memref<1x4xf32, #tpu.memory_space<vmem>>, vector<1x4xf32>
    %get3A_54 = arith.constant 0 : index
    %get3A_55 = arith.constant 0 : index
    %get3A_56 = arith.constant 0 : index
    %get3A_57 = vector.load %arg13[%get3A_54, %get3A_55, %get3A_56] : memref<4x256x128xf32, #tpu.memory_space<vmem>>, vector<1x256x128xf32>
    %get3A_58 = vector.shape_cast %get3A_57 : vector<1x256x128xf32> to vector<256x128xf32>
    %dot_general3A_59 = arith.constant dense<0.000000e+00> : vector<256x1024xf32>
    %dot_general3A_60 = tpu.matmul %get3A_58, %get3A_6, %dot_general3A_59 {dimension_numbers = #tpu.dot_dimension_numbers<[1], [1], [0], [0], [0, 0, 1, 0], [], []>, transpose_lhs_hint = false} : vector<256x128xf32>, vector<1024x128xf32>, vector<256x1024xf32> -> vector<256x1024xf32>
    %slice3A = vector.extract_strided_slice %dot_general3A_42 {offsets = [0, 0], sizes = [256, 1], strides = [1, 1]} : vector<256x4xf32> to vector<256x1xf32>
    %add3A_61 = vector.broadcast %slice3A : vector<256x1xf32> to vector<256x1024xf32>
    %add3A_62 = arith.addf %dot_general3A_60, %add3A_61 : vector<256x1024xf32>
    %slice3A_63 = vector.extract_strided_slice %dot_general3A_47 {offsets = [0, 0], sizes = [1, 1024], strides = [1, 1]} : vector<4x1024xf32> to vector<1x1024xf32>
    %add3A_64 = vector.broadcast %slice3A_63 : vector<1x1024xf32> to vector<256x1024xf32>
    %add3A_65 = arith.addf %add3A_62, %add3A_64 : vector<256x1024xf32>
    %slice3A_66 = vector.extract_strided_slice %get3A_50 {offsets = [0, 0], sizes = [1, 1], strides = [1, 1]} : vector<1x4xf32> to vector<1x1xf32>
    %add3A_67 = vector.broadcast %slice3A_66 : vector<1x1xf32> to vector<256x1024xf32>
    %add3A_68 = arith.addf %add3A_65, %add3A_67 : vector<256x1024xf32>
    %max3A = arith.constant 0.000000e+00 : f32
    %max3A_69 = vector.broadcast %max3A : f32 to vector<256x1024xf32>
    %max3A_70 = arith.maximumf %add3A_68, %max3A_69 : vector<256x1024xf32>
    %slice3A_71 = vector.extract_strided_slice %get3A_53 {offsets = [0, 0], sizes = [1, 1], strides = [1, 1]} : vector<1x4xf32> to vector<1x1xf32>
    %mul3A_72 = vector.broadcast %slice3A_71 : vector<1x1xf32> to vector<256x1024xf32>
    %mul3A_73 = arith.mulf %mul3A_72, %max3A_70 : vector<256x1024xf32>
    %get3A_74 = arith.constant 1 : index
    %get3A_75 = arith.constant 0 : index
    %get3A_76 = arith.constant 0 : index
    %get3A_77 = vector.load %arg13[%get3A_74, %get3A_75, %get3A_76] : memref<4x256x128xf32, #tpu.memory_space<vmem>>, vector<1x256x128xf32>
    %get3A_78 = vector.shape_cast %get3A_77 : vector<1x256x128xf32> to vector<256x128xf32>
    %dot_general3A_79 = arith.constant dense<0.000000e+00> : vector<256x1024xf32>
    %dot_general3A_80 = tpu.matmul %get3A_78, %get3A_6, %dot_general3A_79 {dimension_numbers = #tpu.dot_dimension_numbers<[1], [1], [0], [0], [0, 0, 1, 0], [], []>, transpose_lhs_hint = false} : vector<256x128xf32>, vector<1024x128xf32>, vector<256x1024xf32> -> vector<256x1024xf32>
    %slice3A_81 = vector.extract_strided_slice %dot_general3A_42 {offsets = [0, 1], sizes = [256, 1], strides = [1, 1]} : vector<256x4xf32> to vector<256x1xf32>
    %add3A_82 = vector.broadcast %slice3A_81 : vector<256x1xf32> to vector<256x1024xf32>
    %add3A_83 = arith.addf %dot_general3A_80, %add3A_82 : vector<256x1024xf32>
    %slice3A_84 = vector.extract_strided_slice %dot_general3A_47 {offsets = [1, 0], sizes = [1, 1024], strides = [1, 1]} : vector<4x1024xf32> to vector<1x1024xf32>
    %add3A_85 = vector.broadcast %slice3A_84 : vector<1x1024xf32> to vector<256x1024xf32>
    %add3A_86 = arith.addf %add3A_83, %add3A_85 : vector<256x1024xf32>
    %slice3A_87 = vector.extract_strided_slice %get3A_50 {offsets = [0, 1], sizes = [1, 1], strides = [1, 1]} : vector<1x4xf32> to vector<1x1xf32>
    %add3A_88 = vector.broadcast %slice3A_87 : vector<1x1xf32> to vector<256x1024xf32>
    %add3A_89 = arith.addf %add3A_86, %add3A_88 : vector<256x1024xf32>
    %max3A_90 = arith.constant 0.000000e+00 : f32
    %max3A_91 = vector.broadcast %max3A_90 : f32 to vector<256x1024xf32>
    %max3A_92 = arith.maximumf %add3A_89, %max3A_91 : vector<256x1024xf32>
    %slice3A_93 = vector.extract_strided_slice %get3A_53 {offsets = [0, 1], sizes = [1, 1], strides = [1, 1]} : vector<1x4xf32> to vector<1x1xf32>
    %mul3A_94 = vector.broadcast %slice3A_93 : vector<1x1xf32> to vector<256x1024xf32>
    %mul3A_95 = arith.mulf %mul3A_94, %max3A_92 : vector<256x1024xf32>
    %add3A_96 = arith.addf %mul3A_73, %mul3A_95 : vector<256x1024xf32>
    %get3A_97 = arith.constant 2 : index
    %get3A_98 = arith.constant 0 : index
    %get3A_99 = arith.constant 0 : index
    %get3A_100 = vector.load %arg13[%get3A_97, %get3A_98, %get3A_99] : memref<4x256x128xf32, #tpu.memory_space<vmem>>, vector<1x256x128xf32>
    %get3A_101 = vector.shape_cast %get3A_100 : vector<1x256x128xf32> to vector<256x128xf32>
    %dot_general3A_102 = arith.constant dense<0.000000e+00> : vector<256x1024xf32>
    %dot_general3A_103 = tpu.matmul %get3A_101, %get3A_6, %dot_general3A_102 {dimension_numbers = #tpu.dot_dimension_numbers<[1], [1], [0], [0], [0, 0, 1, 0], [], []>, transpose_lhs_hint = false} : vector<256x128xf32>, vector<1024x128xf32>, vector<256x1024xf32> -> vector<256x1024xf32>
    %slice3A_104 = vector.extract_strided_slice %dot_general3A_42 {offsets = [0, 2], sizes = [256, 1], strides = [1, 1]} : vector<256x4xf32> to vector<256x1xf32>
    %add3A_105 = vector.broadcast %slice3A_104 : vector<256x1xf32> to vector<256x1024xf32>
    %add3A_106 = arith.addf %dot_general3A_103, %add3A_105 : vector<256x1024xf32>
    %slice3A_107 = vector.extract_strided_slice %dot_general3A_47 {offsets = [2, 0], sizes = [1, 1024], strides = [1, 1]} : vector<4x1024xf32> to vector<1x1024xf32>
    %add3A_108 = vector.broadcast %slice3A_107 : vector<1x1024xf32> to vector<256x1024xf32>
    %add3A_109 = arith.addf %add3A_106, %add3A_108 : vector<256x1024xf32>
    %slice3A_110 = vector.extract_strided_slice %get3A_50 {offsets = [0, 2], sizes = [1, 1], strides = [1, 1]} : vector<1x4xf32> to vector<1x1xf32>
    %add3A_111 = vector.broadcast %slice3A_110 : vector<1x1xf32> to vector<256x1024xf32>
    %add3A_112 = arith.addf %add3A_109, %add3A_111 : vector<256x1024xf32>
    %max3A_113 = arith.constant 0.000000e+00 : f32
    %max3A_114 = vector.broadcast %max3A_113 : f32 to vector<256x1024xf32>
    %max3A_115 = arith.maximumf %add3A_112, %max3A_114 : vector<256x1024xf32>
    %slice3A_116 = vector.extract_strided_slice %get3A_53 {offsets = [0, 2], sizes = [1, 1], strides = [1, 1]} : vector<1x4xf32> to vector<1x1xf32>
    %mul3A_117 = vector.broadcast %slice3A_116 : vector<1x1xf32> to vector<256x1024xf32>
    %mul3A_118 = arith.mulf %mul3A_117, %max3A_115 : vector<256x1024xf32>
    %add3A_119 = arith.addf %add3A_96, %mul3A_118 : vector<256x1024xf32>
    %get3A_120 = arith.constant 3 : index
    %get3A_121 = arith.constant 0 : index
    %get3A_122 = arith.constant 0 : index
    %get3A_123 = vector.load %arg13[%get3A_120, %get3A_121, %get3A_122] : memref<4x256x128xf32, #tpu.memory_space<vmem>>, vector<1x256x128xf32>
    %get3A_124 = vector.shape_cast %get3A_123 : vector<1x256x128xf32> to vector<256x128xf32>
    %dot_general3A_125 = arith.constant dense<0.000000e+00> : vector<256x1024xf32>
    %dot_general3A_126 = tpu.matmul %get3A_124, %get3A_6, %dot_general3A_125 {dimension_numbers = #tpu.dot_dimension_numbers<[1], [1], [0], [0], [0, 0, 1, 0], [], []>, transpose_lhs_hint = false} : vector<256x128xf32>, vector<1024x128xf32>, vector<256x1024xf32> -> vector<256x1024xf32>
    %slice3A_127 = vector.extract_strided_slice %dot_general3A_42 {offsets = [0, 3], sizes = [256, 1], strides = [1, 1]} : vector<256x4xf32> to vector<256x1xf32>
    %add3A_128 = vector.broadcast %slice3A_127 : vector<256x1xf32> to vector<256x1024xf32>
    %add3A_129 = arith.addf %dot_general3A_126, %add3A_128 : vector<256x1024xf32>
    %slice3A_130 = vector.extract_strided_slice %dot_general3A_47 {offsets = [3, 0], sizes = [1, 1024], strides = [1, 1]} : vector<4x1024xf32> to vector<1x1024xf32>
    %add3A_131 = vector.broadcast %slice3A_130 : vector<1x1024xf32> to vector<256x1024xf32>
    %add3A_132 = arith.addf %add3A_129, %add3A_131 : vector<256x1024xf32>
    %slice3A_133 = vector.extract_strided_slice %get3A_50 {offsets = [0, 3], sizes = [1, 1], strides = [1, 1]} : vector<1x4xf32> to vector<1x1xf32>
    %add3A_134 = vector.broadcast %slice3A_133 : vector<1x1xf32> to vector<256x1024xf32>
    %add3A_135 = arith.addf %add3A_132, %add3A_134 : vector<256x1024xf32>
    %max3A_136 = arith.constant 0.000000e+00 : f32
    %max3A_137 = vector.broadcast %max3A_136 : f32 to vector<256x1024xf32>
    %max3A_138 = arith.maximumf %add3A_135, %max3A_137 : vector<256x1024xf32>
    %slice3A_139 = vector.extract_strided_slice %get3A_53 {offsets = [0, 3], sizes = [1, 1], strides = [1, 1]} : vector<1x4xf32> to vector<1x1xf32>
    %mul3A_140 = vector.broadcast %slice3A_139 : vector<1x1xf32> to vector<256x1024xf32>
    %mul3A_141 = arith.mulf %mul3A_140, %max3A_138 : vector<256x1024xf32>
    %add3A_142 = arith.addf %add3A_119, %mul3A_141 : vector<256x1024xf32>
    %get3A_143 = arith.constant 0 : index
    %get3A_144 = arith.constant 0 : index
    %get3A_145 = vector.load %arg11[%get3A_143, %get3A_144] : memref<256x1024xf32, #tpu.memory_space<vmem>>, vector<256x1024xf32>
    %mul3A_146 = arith.mulf %add3A_142, %div3A_37 : vector<256x1024xf32>
    %add3A_147 = arith.addf %get3A_145, %mul3A_146 : vector<256x1024xf32>
    %swap3A = arith.constant 0 : index
    %swap3A_148 = arith.constant 0 : index
    %swap3A_149 = vector.load %arg12[%swap3A, %swap3A_148] : memref<256x1024xf32, #tpu.memory_space<vmem>>, vector<256x1024xf32>
    tpu.vector_store %arg12[%swap3A, %swap3A_148], %add3A_147 {strides = array<i32>} : memref<256x1024xf32, #tpu.memory_space<vmem>>, vector<256x1024xf32>,
    return
  }
  func.func @transform_0(%arg0: i32) -> (i32, i32) {
    %c0_i32 = arith.constant 0 : i32
    %c0_i32_0 = arith.constant 0 : i32
    %c0_i32_1 = arith.constant 0 : i32
    return %c0_i32, %c0_i32_0 : i32, i32
  }
  func.func @transform_1(%arg0: i32) -> (i32, i32) {
    %c0_i32 = arith.constant 0 : i32
    %c0_i32_0 = arith.constant 0 : i32
    return %arg0, %c0_i32 : i32, i32
  }
  func.func @transform_2(%arg0: i32) -> (i32, i32) {
    %c0_i32 = arith.constant 0 : i32
    %c0_i32_0 = arith.constant 0 : i32
    return %c0_i32, %arg0 : i32, i32
  }
  func.func @transform_3(%arg0: i32) -> (i32, i32) {
    %c0_i32 = arith.constant 0 : i32
    %c0_i32_0 = arith.constant 0 : i32
    %c0_i32_1 = arith.constant 0 : i32
    return %c0_i32, %c0_i32_0 : i32, i32
  }
  func.func @transform_4(%arg0: i32) -> (i32, i32) {
    %c0_i32 = arith.constant 0 : i32
    %c0_i32_0 = arith.constant 0 : i32
    %c0_i32_1 = arith.constant 0 : i32
    return %c0_i32, %c0_i32_0 : i32, i32
  }
  func.func @transform_5(%arg0: i32) -> (i32, i32, i32) {
    %c0_i32 = arith.constant 0 : i32
    %c0_i32_0 = arith.constant 0 : i32
    %c0_i32_1 = arith.constant 0 : i32
    %c0_i32_2 = arith.constant 0 : i32
    return %c0_i32, %c0_i32_0, %c0_i32_1 : i32, i32, i32
  }
  func.func @transform_6(%arg0: i32) -> (i32, i32) {
    %c0_i32 = arith.constant 0 : i32
    %c0_i32_0 = arith.constant 0 : i32
    %c0_i32_1 = arith.constant 0 : i32
    return %c0_i32, %c0_i32_0 : i32, i32
  }
  func.func @transform_7(%arg0: i32) -> (i32, i32) {
    %c0_i32 = arith.constant 0 : i32
    %c0_i32_0 = arith.constant 0 : i32
    %c0_i32_1 = arith.constant 0 : i32
    return %c0_i32, %c0_i32_0 : i32, i32
  }
  func.func @transform_8(%arg0: i32) -> (i32, i32) {
    %c0_i32 = arith.constant 0 : i32
    %c0_i32_0 = arith.constant 0 : i32
    %c0_i32_1 = arith.constant 0 : i32
    return %c0_i32, %c0_i32_0 : i32, i32
  }
  func.func @transform_9(%arg0: i32) -> (i32, i32) {
    %c0_i32 = arith.constant 0 : i32
    %c0_i32_0 = arith.constant 0 : i32
    %c0_i32_1 = arith.constant 0 : i32
    return %c0_i32, %c0_i32_0 : i32, i32
  }
  func.func @transform_10(%arg0: i32) -> (i32, i32) {
    %c0_i32 = arith.constant 0 : i32
    %c0_i32_0 = arith.constant 0 : i32
    return %c0_i32, %arg0 : i32, i32
  }
  func.func @transform_11(%arg0: i32) -> (i32, i32) {
    %c0_i32 = arith.constant 0 : i32
    %c0_i32_0 = arith.constant 0 : i32
    return %c0_i32, %arg0 : i32, i32
  }
}

module attributes {stable_mosaic.version = 14 : i64} {
  func.func @body(%arg0: i32, %arg1: memref<2x1024x128xf32, #tpu.memory_space<vmem>>, %arg2: memref<2x1024x16xf32, #tpu.memory_space<vmem>>, %arg3: memref<1024x128xf32, #tpu.memory_space<vmem>>, %arg4: memref<256x128xf32, #tpu.memory_space<vmem>>, %arg5: memref<4096x1xi32, #tpu.memory_space<vmem>>, %arg6: memref<4096x1xi32, #tpu.memory_space<vmem>>, %arg7: memref<128x128xf32, #tpu.memory_space<vmem>>, %arg8: memref<1x128xf32, #tpu.memory_space<vmem>>, %arg9: memref<128x128xf32, #tpu.memory_space<vmem>>, %arg10: memref<256x1024xi32, #tpu.memory_space<vmem>>, %arg11: memref<1024x128xf32, #tpu.memory_space<vmem>>, %arg12: memref<256x128xf32, #tpu.memory_space<vmem>>, %arg13: memref<256x1xf32, #tpu.memory_space<vmem>>, %arg14: memref<256x1xf32, #tpu.memory_space<vmem>>, %arg15: memref<256x128xf32, #tpu.memory_space<vmem>>, %arg16: memref<256x1xf32, #tpu.memory_space<vmem>>, %arg17: memref<256x1xf32, #tpu.memory_space<vmem>>) attributes {dimension_semantics = [#tpu.dimension_semantics<arbitrary>], iteration_bounds = array<i64: 10>, scalar_prefetch = 0 : i64, scratch_operands = 3 : i64, tpu.core_type = #tpu.core_type<tc>, window_params = [{transform_indices = @transform_0, window_bounds = array<i64: 2, 1024, 128>}, {transform_indices = @transform_1, window_bounds = array<i64: 2, 1024, 16>}, {transform_indices = @transform_2, window_bounds = array<i64: 1024, 128>}, {pipeline_mode = #tpu.pipeline_mode<synchronous>, transform_indices = @transform_3, window_bounds = array<i64: 256, 128>}, {pipeline_mode = #tpu.pipeline_mode<synchronous>, transform_indices = @transform_4, window_bounds = array<i64: 4096, 1>}, {pipeline_mode = #tpu.pipeline_mode<synchronous>, transform_indices = @transform_5, window_bounds = array<i64: 4096, 1>}, {pipeline_mode = #tpu.pipeline_mode<synchronous>, transform_indices = @transform_6, window_bounds = array<i64: 128, 128>}, {pipeline_mode = #tpu.pipeline_mode<synchronous>, transform_indices = @transform_7, window_bounds = array<i64: 1, 128>}, {pipeline_mode = #tpu.pipeline_mode<synchronous>, transform_indices = @transform_8, window_bounds = array<i64: 128, 128>}, {transform_indices = @transform_9, window_bounds = array<i64: 256, 1024>}, {transform_indices = @transform_10, window_bounds = array<i64: 1024, 128>}, {pipeline_mode = #tpu.pipeline_mode<synchronous>, transform_indices = @transform_11, window_bounds = array<i64: 256, 128>}, {pipeline_mode = #tpu.pipeline_mode<synchronous>, transform_indices = @transform_12, window_bounds = array<i64: 256, 1>}, {pipeline_mode = #tpu.pipeline_mode<synchronous>, transform_indices = @transform_13, window_bounds = array<i64: 256, 1>}]} {
    %eq3A = arith.constant 0 : i32
    %eq3A_0 = arith.cmpi eq, %arg0, %eq3A : i32
    %convert_element_type3A = arith.extui %eq3A_0 : i1 to i32
    %cond3A = arith.constant 0 : i32
    %cond3A_1 = arith.cmpi ne, %convert_element_type3A, %cond3A : i32
    scf.if %cond3A_1 {
      %get3A_107 = arith.constant 0 : index
      %get3A_108 = arith.constant 0 : index
      %get3A_109 = vector.load %arg4[%get3A_107, %get3A_108] : memref<256x128xf32, #tpu.memory_space<vmem>>, vector<256x128xf32>
      %iota3A_110 = tpu.iota {dimensions = array<i32: 1>} : vector<4096x256xi32>
      %get3A_111 = arith.constant 0 : index
      %get3A_112 = arith.constant 0 : index
      %get3A_113 = vector.load %arg5[%get3A_111, %get3A_112] : memref<4096x1xi32, #tpu.memory_space<vmem>>, vector<4096x1xi32>
      %eq3A_114 = vector.broadcast %get3A_113 : vector<4096x1xi32> to vector<4096x256xi32>
      %eq3A_115 = arith.cmpi eq, %eq3A_114, %iota3A_110 : vector<4096x256xi32>
      %convert_element_type3A_116 = arith.extui %eq3A_115 : vector<4096x256xi1> to vector<4096x256xi32>
      %convert_element_type3A_117 = arith.sitofp %convert_element_type3A_116 : vector<4096x256xi32> to vector<4096x256xf32>
      %get3A_118 = arith.constant 0 : index
      %get3A_119 = arith.constant 0 : index
      %get3A_120 = vector.load %arg6[%get3A_118, %get3A_119] : memref<4096x1xi32, #tpu.memory_space<vmem>>, vector<4096x1xi32>
      %eq3A_121 = vector.broadcast %get3A_120 : vector<4096x1xi32> to vector<4096x256xi32>
      %eq3A_122 = arith.cmpi eq, %eq3A_121, %iota3A_110 : vector<4096x256xi32>
      %convert_element_type3A_123 = arith.extui %eq3A_122 : vector<4096x256xi1> to vector<4096x256xi32>
      %convert_element_type3A_124 = arith.sitofp %convert_element_type3A_123 : vector<4096x256xi32> to vector<4096x256xf32>
      %dot_general3A_125 = arith.constant dense<0.000000e+00> : vector<4096x128xf32>
      %dot_general3A_126 = tpu.matmul %convert_element_type3A_117, %get3A_109, %dot_general3A_125 {dimension_numbers = #tpu.dot_dimension_numbers<[1], [0], [0], [1], [0, 0, 1, 1], [], []>, transpose_lhs_hint = false} : vector<4096x256xf32>, vector<256x128xf32>, vector<4096x128xf32> -> vector<4096x128xf32>
      %dot_general3A_127 = arith.constant dense<0.000000e+00> : vector<256x128xf32>
      %dot_general3A_128 = tpu.matmul %convert_element_type3A_124, %dot_general3A_126, %dot_general3A_127 {dimension_numbers = #tpu.dot_dimension_numbers<[0], [0], [1], [1], [0, 1, 1, 1], [], []>, transpose_lhs_hint = false} : vector<4096x256xf32>, vector<4096x128xf32>, vector<256x128xf32> -> vector<256x128xf32>
      %broadcast_in_dim3A_129 = arith.constant 1.000000e+00 : f32
      %broadcast_in_dim3A_130 = vector.broadcast %broadcast_in_dim3A_129 : f32 to vector<4096x8xf32>
      %dot_general3A_131 = arith.constant dense<0.000000e+00> : vector<256x8xf32>
      %dot_general3A_132 = tpu.matmul %convert_element_type3A_124, %broadcast_in_dim3A_130, %dot_general3A_131 {dimension_numbers = #tpu.dot_dimension_numbers<[0], [0], [1], [1], [0, 1, 1, 1], [], []>, transpose_lhs_hint = false} : vector<4096x256xf32>, vector<4096x8xf32>, vector<256x8xf32> -> vector<256x8xf32>
      %slice3A_133 = vector.extract_strided_slice %dot_general3A_132 {offsets = [0, 0], sizes = [256, 1], strides = [1, 1]} : vector<256x8xf32> to vector<256x1xf32>
      %max3A_134 = arith.constant 1.000000e+00 : f32
      %max3A_135 = vector.broadcast %max3A_134 : f32 to vector<256x1xf32>
      %max3A_136 = arith.maximumf %slice3A_133, %max3A_135 : vector<256x1xf32>
      %div3A_137 = vector.broadcast %max3A_136 : vector<256x1xf32> to vector<256x128xf32>
      %div3A_138 = arith.divf %dot_general3A_128, %div3A_137 : vector<256x128xf32>
      %get3A_139 = arith.constant 0 : index
      %get3A_140 = arith.constant 0 : index
      %get3A_141 = vector.load %arg7[%get3A_139, %get3A_140] : memref<128x128xf32, #tpu.memory_space<vmem>>, vector<128x128xf32>
      %dot_general3A_142 = arith.constant dense<0.000000e+00> : vector<256x128xf32>
      %dot_general3A_143 = tpu.matmul %div3A_138, %get3A_141, %dot_general3A_142 {dimension_numbers = #tpu.dot_dimension_numbers<[1], [1], [0], [0], [0, 0, 1, 0], [], []>, transpose_lhs_hint = false} : vector<256x128xf32>, vector<128x128xf32>, vector<256x128xf32> -> vector<256x128xf32>
      %get3A_144 = arith.constant 0 : index
      %get3A_145 = arith.constant 0 : index
      %get3A_146 = vector.load %arg8[%get3A_144, %get3A_145] : memref<1x128xf32, #tpu.memory_space<vmem>>, vector<1x128xf32>
      %add3A_147 = vector.broadcast %get3A_146 : vector<1x128xf32> to vector<256x128xf32>
      %add3A_148 = arith.addf %dot_general3A_143, %add3A_147 : vector<256x128xf32>
      %get3A_149 = arith.constant 0 : index
      %get3A_150 = arith.constant 0 : index
      %get3A_151 = vector.load %arg9[%get3A_149, %get3A_150] : memref<128x128xf32, #tpu.memory_space<vmem>>, vector<128x128xf32>
      %dot_general3A_152 = arith.constant dense<0.000000e+00> : vector<256x128xf32>
      %dot_general3A_153 = tpu.matmul %get3A_109, %get3A_151, %dot_general3A_152 {dimension_numbers = #tpu.dot_dimension_numbers<[1], [1], [0], [0], [0, 0, 1, 0], [], []>, transpose_lhs_hint = false} : vector<256x128xf32>, vector<128x128xf32>, vector<256x128xf32> -> vector<256x128xf32>
      %add3A_154 = arith.addf %add3A_148, %dot_general3A_153 : vector<256x128xf32>
      %neg3A_155 = arith.constant 0.000000e+00 : f32
      %neg3A_156 = vector.broadcast %neg3A_155 : f32 to vector<256x128xf32>
      %neg3A_157 = arith.subf %neg3A_156, %add3A_154 : vector<256x128xf32>
      %exp3A_158 = math.exp %neg3A_157 : vector<256x128xf32>
      %add3A_159 = arith.constant 1.000000e+00 : f32
      %add3A_160 = vector.broadcast %add3A_159 : f32 to vector<256x128xf32>
      %add3A_161 = arith.addf %add3A_160, %exp3A_158 : vector<256x128xf32>
      %div3A_162 = arith.constant 1.000000e+00 : f32
      %div3A_163 = vector.broadcast %div3A_162 : f32 to vector<256x128xf32>
      %div3A_164 = arith.divf %div3A_163, %add3A_161 : vector<256x128xf32>
      %swap3A_165 = arith.constant 0 : index
      %swap3A_166 = arith.constant 0 : index
      %swap3A_167 = vector.load %arg15[%swap3A_165, %swap3A_166] : memref<256x128xf32, #tpu.memory_space<vmem>>, vector<256x128xf32>
      tpu.vector_store %arg15[%swap3A_165, %swap3A_166], %div3A_164 {strides = array<i32>} : memref<256x128xf32, #tpu.memory_space<vmem>>, vector<256x128xf32>,
      %swap3A_168 = arith.constant 0 : index
      %swap3A_169 = arith.constant 0 : index
      %swap3A_170 = vector.load %arg12[%swap3A_168, %swap3A_169] : memref<256x128xf32, #tpu.memory_space<vmem>>, vector<256x128xf32>
      tpu.vector_store %arg12[%swap3A_168, %swap3A_169], %div3A_164 {strides = array<i32>} : memref<256x128xf32, #tpu.memory_space<vmem>>, vector<256x128xf32>,
      %broadcast_in_dim3A_171 = arith.constant -1.000000e+30 : f32
      %broadcast_in_dim3A_172 = vector.broadcast %broadcast_in_dim3A_171 : f32 to vector<256x1xf32>
      %swap3A_173 = arith.constant 0 : index
      %swap3A_174 = arith.constant 0 : index
      %swap3A_175 = vector.load %arg16[%swap3A_173, %swap3A_174] : memref<256x1xf32, #tpu.memory_space<vmem>>, vector<256x1xf32>
      tpu.vector_store %arg16[%swap3A_173, %swap3A_174], %broadcast_in_dim3A_172 {strides = array<i32>} : memref<256x1xf32, #tpu.memory_space<vmem>>, vector<256x1xf32>,
      %broadcast_in_dim3A_176 = arith.constant 0.000000e+00 : f32
      %broadcast_in_dim3A_177 = vector.broadcast %broadcast_in_dim3A_176 : f32 to vector<256x1xf32>
      %swap3A_178 = arith.constant 0 : index
      %swap3A_179 = arith.constant 0 : index
      %swap3A_180 = vector.load %arg17[%swap3A_178, %swap3A_179] : memref<256x1xf32, #tpu.memory_space<vmem>>, vector<256x1xf32>
      tpu.vector_store %arg17[%swap3A_178, %swap3A_179], %broadcast_in_dim3A_177 {strides = array<i32>} : memref<256x1xf32, #tpu.memory_space<vmem>>, vector<256x1xf32>,
    } else {
    }
    %get3A = arith.constant 0 : index
    %get3A_2 = arith.constant 0 : index
    %get3A_3 = arith.constant 0 : index
    %get3A_4 = vector.load %arg1[%get3A, %get3A_2, %get3A_3] : memref<2x1024x128xf32, #tpu.memory_space<vmem>>, vector<2x1024x128xf32>
    %slice3A = vector.extract_strided_slice %get3A_4 {offsets = [0, 0, 0], sizes = [1, 1024, 128], strides = [1, 1, 1]} : vector<2x1024x128xf32> to vector<1x1024x128xf32>
    %squeeze3A = vector.shape_cast %slice3A : vector<1x1024x128xf32> to vector<1024x128xf32>
    %slice3A_5 = vector.extract_strided_slice %get3A_4 {offsets = [1, 0, 0], sizes = [1, 1024, 128], strides = [1, 1, 1]} : vector<2x1024x128xf32> to vector<1x1024x128xf32>
    %squeeze3A_6 = vector.shape_cast %slice3A_5 : vector<1x1024x128xf32> to vector<1024x128xf32>
    %add3A = arith.addf %squeeze3A, %squeeze3A_6 : vector<1024x128xf32>
    %get3A_7 = arith.constant 0 : index
    %get3A_8 = arith.constant 0 : index
    %get3A_9 = arith.constant 0 : index
    %get3A_10 = vector.load %arg2[%get3A_7, %get3A_8, %get3A_9] : memref<2x1024x16xf32, #tpu.memory_space<vmem>>, vector<2x1024x16xf32>
    %slice3A_11 = vector.extract_strided_slice %get3A_10 {offsets = [0, 0, 0], sizes = [1, 1024, 1], strides = [1, 1, 1]} : vector<2x1024x16xf32> to vector<1x1024x1xf32>
    %squeeze3A_12 = vector.shape_cast %slice3A_11 : vector<1x1024x1xf32> to vector<1024x1xf32>
    %slice3A_13 = vector.extract_strided_slice %get3A_10 {offsets = [1, 0, 0], sizes = [1, 1024, 1], strides = [1, 1, 1]} : vector<2x1024x16xf32> to vector<1x1024x1xf32>
    %squeeze3A_14 = vector.shape_cast %slice3A_13 : vector<1x1024x1xf32> to vector<1024x1xf32>
    %add3A_15 = arith.addf %squeeze3A_12, %squeeze3A_14 : vector<1024x1xf32>
    %max3A = arith.constant 1.000000e+00 : f32
    %max3A_16 = vector.broadcast %max3A : f32 to vector<1024x1xf32>
    %max3A_17 = arith.maximumf %add3A_15, %max3A_16 : vector<1024x1xf32>
    %div3A = vector.broadcast %max3A_17 : vector<1024x1xf32> to vector<1024x128xf32>
    %div3A_18 = arith.divf %add3A, %div3A : vector<1024x128xf32>
    %get3A_19 = arith.constant 0 : index
    %get3A_20 = arith.constant 0 : index
    %get3A_21 = vector.load %arg7[%get3A_19, %get3A_20] : memref<128x128xf32, #tpu.memory_space<vmem>>, vector<128x128xf32>
    %dot_general3A = arith.constant dense<0.000000e+00> : vector<1024x128xf32>
    %dot_general3A_22 = tpu.matmul %div3A_18, %get3A_21, %dot_general3A {dimension_numbers = #tpu.dot_dimension_numbers<[1], [1], [0], [0], [0, 0, 1, 0], [], []>, transpose_lhs_hint = false} : vector<1024x128xf32>, vector<128x128xf32>, vector<1024x128xf32> -> vector<1024x128xf32>
    %get3A_23 = arith.constant 0 : index
    %get3A_24 = arith.constant 0 : index
    %get3A_25 = vector.load %arg8[%get3A_23, %get3A_24] : memref<1x128xf32, #tpu.memory_space<vmem>>, vector<1x128xf32>
    %add3A_26 = vector.broadcast %get3A_25 : vector<1x128xf32> to vector<1024x128xf32>
    %add3A_27 = arith.addf %dot_general3A_22, %add3A_26 : vector<1024x128xf32>
    %get3A_28 = arith.constant 0 : index
    %get3A_29 = arith.constant 0 : index
    %get3A_30 = vector.load %arg3[%get3A_28, %get3A_29] : memref<1024x128xf32, #tpu.memory_space<vmem>>, vector<1024x128xf32>
    %get3A_31 = arith.constant 0 : index
    %get3A_32 = arith.constant 0 : index
    %get3A_33 = vector.load %arg9[%get3A_31, %get3A_32] : memref<128x128xf32, #tpu.memory_space<vmem>>, vector<128x128xf32>
    %dot_general3A_34 = arith.constant dense<0.000000e+00> : vector<1024x128xf32>
    %dot_general3A_35 = tpu.matmul %get3A_30, %get3A_33, %dot_general3A_34 {dimension_numbers = #tpu.dot_dimension_numbers<[1], [1], [0], [0], [0, 0, 1, 0], [], []>, transpose_lhs_hint = false} : vector<1024x128xf32>, vector<128x128xf32>, vector<1024x128xf32> -> vector<1024x128xf32>
    %add3A_36 = arith.addf %add3A_27, %dot_general3A_35 : vector<1024x128xf32>
    %neg3A = arith.constant 0.000000e+00 : f32
    %neg3A_37 = vector.broadcast %neg3A : f32 to vector<1024x128xf32>
    %neg3A_38 = arith.subf %neg3A_37, %add3A_36 : vector<1024x128xf32>
    %exp3A = math.exp %neg3A_38 : vector<1024x128xf32>
    %add3A_39 = arith.constant 1.000000e+00 : f32
    %add3A_40 = vector.broadcast %add3A_39 : f32 to vector<1024x128xf32>
    %add3A_41 = arith.addf %add3A_40, %exp3A : vector<1024x128xf32>
    %div3A_42 = arith.constant 1.000000e+00 : f32
    %div3A_43 = vector.broadcast %div3A_42 : f32 to vector<1024x128xf32>
    %div3A_44 = arith.divf %div3A_43, %add3A_41 : vector<1024x128xf32>
    %swap3A = arith.constant 0 : index
    %swap3A_45 = arith.constant 0 : index
    %swap3A_46 = vector.load %arg11[%swap3A, %swap3A_45] : memref<1024x128xf32, #tpu.memory_space<vmem>>, vector<1024x128xf32>
    tpu.vector_store %arg11[%swap3A, %swap3A_45], %div3A_44 {strides = array<i32>} : memref<1024x128xf32, #tpu.memory_space<vmem>>, vector<1024x128xf32>,
    %get3A_47 = arith.constant 0 : index
    %get3A_48 = arith.constant 0 : index
    %get3A_49 = vector.load %arg15[%get3A_47, %get3A_48] : memref<256x128xf32, #tpu.memory_space<vmem>>, vector<256x128xf32>
    %dot_general3A_50 = arith.constant dense<0.000000e+00> : vector<256x1024xf32>
    %dot_general3A_51 = tpu.matmul %get3A_49, %div3A_44, %dot_general3A_50 {dimension_numbers = #tpu.dot_dimension_numbers<[1], [1], [0], [0], [0, 0, 1, 0], [], []>, transpose_lhs_hint = false} : vector<256x128xf32>, vector<1024x128xf32>, vector<256x1024xf32> -> vector<256x1024xf32>
    %get3A_52 = arith.constant 0 : index
    %get3A_53 = arith.constant 0 : index
    %get3A_54 = vector.load %arg10[%get3A_52, %get3A_53] : memref<256x1024xi32, #tpu.memory_space<vmem>>, vector<256x1024xi32>
    %get3A_55 = arith.constant dense<0> : vector<256x1024xi32>
    %get3A_56 = arith.cmpi ne, %get3A_54, %get3A_55 : vector<256x1024xi32>
    %convert_element_type3A_57 = arith.extui %get3A_56 : vector<256x1024xi1> to vector<256x1024xi32>
    %convert_element_type3A_58 = arith.sitofp %convert_element_type3A_57 : vector<256x1024xi32> to vector<256x1024xf32>
    %mul3A = arith.mulf %dot_general3A_51, %convert_element_type3A_58 : vector<256x1024xf32>
    %mul3A_59 = arith.constant 0.0883883461 : f32
    %mul3A_60 = vector.broadcast %mul3A_59 : f32 to vector<256x1024xf32>
    %mul3A_61 = arith.mulf %mul3A, %mul3A_60 : vector<256x1024xf32>
    %sub3A = arith.constant 1.000000e+00 : f32
    %sub3A_62 = vector.broadcast %sub3A : f32 to vector<256x1024xf32>
    %sub3A_63 = arith.subf %sub3A_62, %convert_element_type3A_58 : vector<256x1024xf32>
    %mul3A_64 = arith.constant -1.000000e+09 : f32
    %mul3A_65 = vector.broadcast %mul3A_64 : f32 to vector<256x1024xf32>
    %mul3A_66 = arith.mulf %mul3A_65, %sub3A_63 : vector<256x1024xf32>
    %add3A_67 = arith.addf %mul3A_61, %mul3A_66 : vector<256x1024xf32>
    %mul3A_68 = arith.constant 1024 : i32
    %mul3A_69 = arith.muli %arg0, %mul3A_68 : i32
    %iota3A = tpu.iota {dimensions = array<i32: 1>} : vector<256x1024xi32>
    %add3A_70 = vector.broadcast %mul3A_69 : i32 to vector<256x1024xi32>
    %add3A_71 = arith.addi %add3A_70, %iota3A : vector<256x1024xi32>
    %lt3A = arith.constant 10000 : i32
    %lt3A_72 = vector.broadcast %lt3A : i32 to vector<256x1024xi32>
    %lt3A_73 = arith.cmpi slt, %add3A_71, %lt3A_72 : vector<256x1024xi32>
    %jit3A = arith.constant -3.000000e+38 : f32
    %broadcast_in_dim3A = vector.broadcast %jit3A : f32 to vector<256x1024xf32>
    %select_n3A = arith.select %lt3A_73, %add3A_67, %broadcast_in_dim3A : vector<256x1024xi1>, vector<256x1024xf32>
    %reduce_max3A = arith.constant dense<0xFF800000> : vector<256xf32>
    %reduce_max3A_74 = vector.multi_reduction <maximumf>, %select_n3A, %reduce_max3A [1] : vector<256x1024xf32> to vector<256xf32>
    %broadcast_in_dim3A_75 = vector.shape_cast %reduce_max3A_74 : vector<256xf32> to vector<256x1xf32>
    %get3A_76 = arith.constant 0 : index
    %get3A_77 = arith.constant 0 : index
    %get3A_78 = vector.load %arg16[%get3A_76, %get3A_77] : memref<256x1xf32, #tpu.memory_space<vmem>>, vector<256x1xf32>
    %max3A_79 = arith.maximumf %get3A_78, %broadcast_in_dim3A_75 : vector<256x1xf32>
    %get3A_80 = arith.constant 0 : index
    %get3A_81 = arith.constant 0 : index
    %get3A_82 = vector.load %arg17[%get3A_80, %get3A_81] : memref<256x1xf32, #tpu.memory_space<vmem>>, vector<256x1xf32>
    %sub3A_83 = arith.subf %get3A_78, %max3A_79 : vector<256x1xf32>
    %exp3A_84 = math.exp %sub3A_83 : vector<256x1xf32>
    %mul3A_85 = arith.mulf %get3A_82, %exp3A_84 : vector<256x1xf32>
    %sub3A_86 = vector.broadcast %max3A_79 : vector<256x1xf32> to vector<256x1024xf32>
    %sub3A_87 = arith.subf %select_n3A, %sub3A_86 : vector<256x1024xf32>
    %exp3A_88 = math.exp %sub3A_87 : vector<256x1024xf32>
    %reduce_sum3A = arith.constant dense<0.000000e+00> : vector<256xf32>
    %reduce_sum3A_89 = vector.multi_reduction <add>, %exp3A_88, %reduce_sum3A [1] : vector<256x1024xf32> to vector<256xf32>
    %broadcast_in_dim3A_90 = vector.shape_cast %reduce_sum3A_89 : vector<256xf32> to vector<256x1xf32>
    %add3A_91 = arith.addf %mul3A_85, %broadcast_in_dim3A_90 : vector<256x1xf32>
    %swap3A_92 = arith.constant 0 : index
    %swap3A_93 = arith.constant 0 : index
    %swap3A_94 = vector.load %arg17[%swap3A_92, %swap3A_93] : memref<256x1xf32, #tpu.memory_space<vmem>>, vector<256x1xf32>
    tpu.vector_store %arg17[%swap3A_92, %swap3A_93], %add3A_91 {strides = array<i32>} : memref<256x1xf32, #tpu.memory_space<vmem>>, vector<256x1xf32>,
    %swap3A_95 = arith.constant 0 : index
    %swap3A_96 = arith.constant 0 : index
    %swap3A_97 = vector.load %arg16[%swap3A_95, %swap3A_96] : memref<256x1xf32, #tpu.memory_space<vmem>>, vector<256x1xf32>
    tpu.vector_store %arg16[%swap3A_95, %swap3A_96], %max3A_79 {strides = array<i32>} : memref<256x1xf32, #tpu.memory_space<vmem>>, vector<256x1xf32>,
    %swap3A_98 = arith.constant 0 : index
    %swap3A_99 = arith.constant 0 : index
    %swap3A_100 = vector.load %arg13[%swap3A_98, %swap3A_99] : memref<256x1xf32, #tpu.memory_space<vmem>>, vector<256x1xf32>
    tpu.vector_store %arg13[%swap3A_98, %swap3A_99], %max3A_79 {strides = array<i32>} : memref<256x1xf32, #tpu.memory_space<vmem>>, vector<256x1xf32>,
    %get3A_101 = arith.constant 0 : index
    %get3A_102 = arith.constant 0 : index
    %get3A_103 = vector.load %arg17[%get3A_101, %get3A_102] : memref<256x1xf32, #tpu.memory_space<vmem>>, vector<256x1xf32>
    %swap3A_104 = arith.constant 0 : index
    %swap3A_105 = arith.constant 0 : index
    %swap3A_106 = vector.load %arg14[%swap3A_104, %swap3A_105] : memref<256x1xf32, #tpu.memory_space<vmem>>, vector<256x1xf32>
    tpu.vector_store %arg14[%swap3A_104, %swap3A_105], %get3A_103 {strides = array<i32>} : memref<256x1xf32, #tpu.memory_space<vmem>>, vector<256x1xf32>,
    return
  }
  func.func @transform_0(%arg0: i32) -> (i32, i32, i32) {
    %c0_i32 = arith.constant 0 : i32
    %c0_i32_0 = arith.constant 0 : i32
    %c0_i32_1 = arith.constant 0 : i32
    return %c0_i32, %arg0, %c0_i32_0 : i32, i32, i32
  }
  func.func @transform_1(%arg0: i32) -> (i32, i32, i32) {
    %c0_i32 = arith.constant 0 : i32
    %c0_i32_0 = arith.constant 0 : i32
    %c0_i32_1 = arith.constant 0 : i32
    return %c0_i32, %arg0, %c0_i32_0 : i32, i32, i32
  }
  func.func @transform_2(%arg0: i32) -> (i32, i32) {
    %c0_i32 = arith.constant 0 : i32
    %c0_i32_0 = arith.constant 0 : i32
    return %arg0, %c0_i32 : i32, i32
  }
  func.func @transform_3(%arg0: i32) -> (i32, i32) {
    %c0_i32 = arith.constant 0 : i32
    %c0_i32_0 = arith.constant 0 : i32
    %c0_i32_1 = arith.constant 0 : i32
    return %c0_i32, %c0_i32_0 : i32, i32
  }
  func.func @transform_4(%arg0: i32) -> (i32, i32) {
    %c0_i32 = arith.constant 0 : i32
    %c0_i32_0 = arith.constant 0 : i32
    %c0_i32_1 = arith.constant 0 : i32
    return %c0_i32, %c0_i32_0 : i32, i32
  }
  func.func @transform_5(%arg0: i32) -> (i32, i32) {
    %c0_i32 = arith.constant 0 : i32
    %c0_i32_0 = arith.constant 0 : i32
    %c0_i32_1 = arith.constant 0 : i32
    return %c0_i32, %c0_i32_0 : i32, i32
  }
  func.func @transform_6(%arg0: i32) -> (i32, i32) {
    %c0_i32 = arith.constant 0 : i32
    %c0_i32_0 = arith.constant 0 : i32
    %c0_i32_1 = arith.constant 0 : i32
    return %c0_i32, %c0_i32_0 : i32, i32
  }
  func.func @transform_7(%arg0: i32) -> (i32, i32) {
    %c0_i32 = arith.constant 0 : i32
    %c0_i32_0 = arith.constant 0 : i32
    %c0_i32_1 = arith.constant 0 : i32
    return %c0_i32, %c0_i32_0 : i32, i32
  }
  func.func @transform_8(%arg0: i32) -> (i32, i32) {
    %c0_i32 = arith.constant 0 : i32
    %c0_i32_0 = arith.constant 0 : i32
    %c0_i32_1 = arith.constant 0 : i32
    return %c0_i32, %c0_i32_0 : i32, i32
  }
  func.func @transform_9(%arg0: i32) -> (i32, i32) {
    %c0_i32 = arith.constant 0 : i32
    %c0_i32_0 = arith.constant 0 : i32
    return %c0_i32, %arg0 : i32, i32
  }
  func.func @transform_10(%arg0: i32) -> (i32, i32) {
    %c0_i32 = arith.constant 0 : i32
    %c0_i32_0 = arith.constant 0 : i32
    return %arg0, %c0_i32 : i32, i32
  }
  func.func @transform_11(%arg0: i32) -> (i32, i32) {
    %c0_i32 = arith.constant 0 : i32
    %c0_i32_0 = arith.constant 0 : i32
    %c0_i32_1 = arith.constant 0 : i32
    return %c0_i32, %c0_i32_0 : i32, i32
  }
  func.func @transform_12(%arg0: i32) -> (i32, i32) {
    %c0_i32 = arith.constant 0 : i32
    %c0_i32_0 = arith.constant 0 : i32
    %c0_i32_1 = arith.constant 0 : i32
    return %c0_i32, %c0_i32_0 : i32, i32
  }
  func.func @transform_13(%arg0: i32) -> (i32, i32) {
    %c0_i32 = arith.constant 0 : i32
    %c0_i32_0 = arith.constant 0 : i32
    %c0_i32_1 = arith.constant 0 : i32
    return %c0_i32, %c0_i32_0 : i32, i32
  }
}

module attributes {stable_mosaic.version = 14 : i64} {
  func.func @body(%arg0: i32, %arg1: memref<256x128xf32, #tpu.memory_space<vmem>>, %arg2: memref<1024x128xf32, #tpu.memory_space<vmem>>, %arg3: memref<256x1024xi32, #tpu.memory_space<vmem>>, %arg4: memref<256x1xf32, #tpu.memory_space<vmem>>, %arg5: memref<256x1xf32, #tpu.memory_space<vmem>>, %arg6: memref<4x128x128xf32, #tpu.memory_space<vmem>>, %arg7: memref<4x128xf32, #tpu.memory_space<vmem>>, %arg8: memref<4x128xf32, #tpu.memory_space<vmem>>, %arg9: memref<1x4xf32, #tpu.memory_space<vmem>>, %arg10: memref<1x4xf32, #tpu.memory_space<vmem>>, %arg11: memref<256x1024xf32, #tpu.memory_space<vmem>>, %arg12: memref<256x1024xf32, #tpu.memory_space<vmem>>, %arg13: memref<256x1xf32, #tpu.memory_space<vmem>>, %arg14: memref<256x1xf32, #tpu.memory_space<vmem>>, %arg15: memref<4x256x128xf32, #tpu.memory_space<vmem>>, %arg16: memref<256x1xf32, #tpu.memory_space<vmem>>, %arg17: memref<256x1xf32, #tpu.memory_space<vmem>>) attributes {dimension_semantics = [#tpu.dimension_semantics<arbitrary>], iteration_bounds = array<i64: 10>, scalar_prefetch = 0 : i64, scratch_operands = 3 : i64, tpu.core_type = #tpu.core_type<tc>, window_params = [{pipeline_mode = #tpu.pipeline_mode<synchronous>, transform_indices = @transform_0, window_bounds = array<i64: 256, 128>}, {transform_indices = @transform_1, window_bounds = array<i64: 1024, 128>}, {transform_indices = @transform_2, window_bounds = array<i64: 256, 1024>}, {pipeline_mode = #tpu.pipeline_mode<synchronous>, transform_indices = @transform_3, window_bounds = array<i64: 256, 1>}, {pipeline_mode = #tpu.pipeline_mode<synchronous>, transform_indices = @transform_4, window_bounds = array<i64: 256, 1>}, {pipeline_mode = #tpu.pipeline_mode<synchronous>, transform_indices = @transform_5, window_bounds = array<i64: 4, 128, 128>}, {pipeline_mode = #tpu.pipeline_mode<synchronous>, transform_indices = @transform_6, window_bounds = array<i64: 4, 128>}, {pipeline_mode = #tpu.pipeline_mode<synchronous>, transform_indices = @transform_7, window_bounds = array<i64: 4, 128>}, {pipeline_mode = #tpu.pipeline_mode<synchronous>, transform_indices = @transform_8, window_bounds = array<i64: 1, 4>}, {pipeline_mode = #tpu.pipeline_mode<synchronous>, transform_indices = @transform_9, window_bounds = array<i64: 1, 4>}, {transform_indices = @transform_10, window_bounds = array<i64: 256, 1024>}, {transform_indices = @transform_11, window_bounds = array<i64: 256, 1024>}, {pipeline_mode = #tpu.pipeline_mode<synchronous>, transform_indices = @transform_12, window_bounds = array<i64: 256, 1>}, {pipeline_mode = #tpu.pipeline_mode<synchronous>, transform_indices = @transform_13, window_bounds = array<i64: 256, 1>}]} {
    %get3A = arith.constant 0 : index
    %get3A_0 = arith.constant 0 : index
    %get3A_1 = vector.load %arg1[%get3A, %get3A_0] : memref<256x128xf32, #tpu.memory_space<vmem>>, vector<256x128xf32>
    %eq3A = arith.constant 0 : i32
    %eq3A_2 = arith.cmpi eq, %arg0, %eq3A : i32
    %convert_element_type3A = arith.extui %eq3A_2 : i1 to i32
    %cond3A = arith.constant 0 : i32
    %cond3A_3 = arith.cmpi ne, %convert_element_type3A, %cond3A : i32
    scf.if %cond3A_3 {
      %get3A_189 = arith.constant 0 : index
      %get3A_190 = arith.constant 0 : index
      %get3A_191 = arith.constant 0 : index
      %get3A_192 = vector.load %arg6[%get3A_189, %get3A_190, %get3A_191] : memref<4x128x128xf32, #tpu.memory_space<vmem>>, vector<1x128x128xf32>
      %get3A_193 = vector.shape_cast %get3A_192 : vector<1x128x128xf32> to vector<128x128xf32>
      %dot_general3A_194 = arith.constant dense<0.000000e+00> : vector<256x128xf32>
      %dot_general3A_195 = tpu.matmul %get3A_1, %get3A_193, %dot_general3A_194 {dimension_numbers = #tpu.dot_dimension_numbers<[1], [0], [0], [1], [0, 0, 1, 1], [], []>, transpose_lhs_hint = false} : vector<256x128xf32>, vector<128x128xf32>, vector<256x128xf32> -> vector<256x128xf32>
      %swap3A_196 = arith.constant 0 : index
      %swap3A_197 = arith.constant 0 : index
      %swap3A_198 = arith.constant 0 : index
      %swap3A_199 = vector.load %arg15[%swap3A_196, %swap3A_197, %swap3A_198] : memref<4x256x128xf32, #tpu.memory_space<vmem>>, vector<1x256x128xf32>
      %swap3A_200 = vector.shape_cast %swap3A_199 : vector<1x256x128xf32> to vector<256x128xf32>
      %swap3A_201 = vector.shape_cast %dot_general3A_195 : vector<256x128xf32> to vector<1x256x128xf32>
      tpu.vector_store %arg15[%swap3A_196, %swap3A_197, %swap3A_198], %swap3A_201 {strides = array<i32>} : memref<4x256x128xf32, #tpu.memory_space<vmem>>, vector<1x256x128xf32>,
      %get3A_202 = arith.constant 1 : index
      %get3A_203 = arith.constant 0 : index
      %get3A_204 = arith.constant 0 : index
      %get3A_205 = vector.load %arg6[%get3A_202, %get3A_203, %get3A_204] : memref<4x128x128xf32, #tpu.memory_space<vmem>>, vector<1x128x128xf32>
      %get3A_206 = vector.shape_cast %get3A_205 : vector<1x128x128xf32> to vector<128x128xf32>
      %dot_general3A_207 = arith.constant dense<0.000000e+00> : vector<256x128xf32>
      %dot_general3A_208 = tpu.matmul %get3A_1, %get3A_206, %dot_general3A_207 {dimension_numbers = #tpu.dot_dimension_numbers<[1], [0], [0], [1], [0, 0, 1, 1], [], []>, transpose_lhs_hint = false} : vector<256x128xf32>, vector<128x128xf32>, vector<256x128xf32> -> vector<256x128xf32>
      %swap3A_209 = arith.constant 1 : index
      %swap3A_210 = arith.constant 0 : index
      %swap3A_211 = arith.constant 0 : index
      %swap3A_212 = vector.load %arg15[%swap3A_209, %swap3A_210, %swap3A_211] : memref<4x256x128xf32, #tpu.memory_space<vmem>>, vector<1x256x128xf32>
      %swap3A_213 = vector.shape_cast %swap3A_212 : vector<1x256x128xf32> to vector<256x128xf32>
      %swap3A_214 = vector.shape_cast %dot_general3A_208 : vector<256x128xf32> to vector<1x256x128xf32>
      tpu.vector_store %arg15[%swap3A_209, %swap3A_210, %swap3A_211], %swap3A_214 {strides = array<i32>} : memref<4x256x128xf32, #tpu.memory_space<vmem>>, vector<1x256x128xf32>,
      %get3A_215 = arith.constant 2 : index
      %get3A_216 = arith.constant 0 : index
      %get3A_217 = arith.constant 0 : index
      %get3A_218 = vector.load %arg6[%get3A_215, %get3A_216, %get3A_217] : memref<4x128x128xf32, #tpu.memory_space<vmem>>, vector<1x128x128xf32>
      %get3A_219 = vector.shape_cast %get3A_218 : vector<1x128x128xf32> to vector<128x128xf32>
      %dot_general3A_220 = arith.constant dense<0.000000e+00> : vector<256x128xf32>
      %dot_general3A_221 = tpu.matmul %get3A_1, %get3A_219, %dot_general3A_220 {dimension_numbers = #tpu.dot_dimension_numbers<[1], [0], [0], [1], [0, 0, 1, 1], [], []>, transpose_lhs_hint = false} : vector<256x128xf32>, vector<128x128xf32>, vector<256x128xf32> -> vector<256x128xf32>
      %swap3A_222 = arith.constant 2 : index
      %swap3A_223 = arith.constant 0 : index
      %swap3A_224 = arith.constant 0 : index
      %swap3A_225 = vector.load %arg15[%swap3A_222, %swap3A_223, %swap3A_224] : memref<4x256x128xf32, #tpu.memory_space<vmem>>, vector<1x256x128xf32>
      %swap3A_226 = vector.shape_cast %swap3A_225 : vector<1x256x128xf32> to vector<256x128xf32>
      %swap3A_227 = vector.shape_cast %dot_general3A_221 : vector<256x128xf32> to vector<1x256x128xf32>
      tpu.vector_store %arg15[%swap3A_222, %swap3A_223, %swap3A_224], %swap3A_227 {strides = array<i32>} : memref<4x256x128xf32, #tpu.memory_space<vmem>>, vector<1x256x128xf32>,
      %get3A_228 = arith.constant 3 : index
      %get3A_229 = arith.constant 0 : index
      %get3A_230 = arith.constant 0 : index
      %get3A_231 = vector.load %arg6[%get3A_228, %get3A_229, %get3A_230] : memref<4x128x128xf32, #tpu.memory_space<vmem>>, vector<1x128x128xf32>
      %get3A_232 = vector.shape_cast %get3A_231 : vector<1x128x128xf32> to vector<128x128xf32>
      %dot_general3A_233 = arith.constant dense<0.000000e+00> : vector<256x128xf32>
      %dot_general3A_234 = tpu.matmul %get3A_1, %get3A_232, %dot_general3A_233 {dimension_numbers = #tpu.dot_dimension_numbers<[1], [0], [0], [1], [0, 0, 1, 1], [], []>, transpose_lhs_hint = false} : vector<256x128xf32>, vector<128x128xf32>, vector<256x128xf32> -> vector<256x128xf32>
      %swap3A_235 = arith.constant 3 : index
      %swap3A_236 = arith.constant 0 : index
      %swap3A_237 = arith.constant 0 : index
      %swap3A_238 = vector.load %arg15[%swap3A_235, %swap3A_236, %swap3A_237] : memref<4x256x128xf32, #tpu.memory_space<vmem>>, vector<1x256x128xf32>
      %swap3A_239 = vector.shape_cast %swap3A_238 : vector<1x256x128xf32> to vector<256x128xf32>
      %swap3A_240 = vector.shape_cast %dot_general3A_234 : vector<256x128xf32> to vector<1x256x128xf32>
      tpu.vector_store %arg15[%swap3A_235, %swap3A_236, %swap3A_237], %swap3A_240 {strides = array<i32>} : memref<4x256x128xf32, #tpu.memory_space<vmem>>, vector<1x256x128xf32>,
      %broadcast_in_dim3A_241 = arith.constant -1.000000e+30 : f32
      %broadcast_in_dim3A_242 = vector.broadcast %broadcast_in_dim3A_241 : f32 to vector<256x1xf32>
      %swap3A_243 = arith.constant 0 : index
      %swap3A_244 = arith.constant 0 : index
      %swap3A_245 = vector.load %arg16[%swap3A_243, %swap3A_244] : memref<256x1xf32, #tpu.memory_space<vmem>>, vector<256x1xf32>
      tpu.vector_store %arg16[%swap3A_243, %swap3A_244], %broadcast_in_dim3A_242 {strides = array<i32>} : memref<256x1xf32, #tpu.memory_space<vmem>>, vector<256x1xf32>,
      %broadcast_in_dim3A_246 = arith.constant 0.000000e+00 : f32
      %broadcast_in_dim3A_247 = vector.broadcast %broadcast_in_dim3A_246 : f32 to vector<256x1xf32>
      %swap3A_248 = arith.constant 0 : index
      %swap3A_249 = arith.constant 0 : index
      %swap3A_250 = vector.load %arg17[%swap3A_248, %swap3A_249] : memref<256x1xf32, #tpu.memory_space<vmem>>, vector<256x1xf32>
      tpu.vector_store %arg17[%swap3A_248, %swap3A_249], %broadcast_in_dim3A_247 {strides = array<i32>} : memref<256x1xf32, #tpu.memory_space<vmem>>, vector<256x1xf32>,
    } else {
    }
    %get3A_4 = arith.constant 0 : index
    %get3A_5 = arith.constant 0 : index
    %get3A_6 = vector.load %arg2[%get3A_4, %get3A_5] : memref<1024x128xf32, #tpu.memory_space<vmem>>, vector<1024x128xf32>
    %dot_general3A = arith.constant dense<0.000000e+00> : vector<256x1024xf32>
    %dot_general3A_7 = tpu.matmul %get3A_1, %get3A_6, %dot_general3A {dimension_numbers = #tpu.dot_dimension_numbers<[1], [1], [0], [0], [0, 0, 1, 0], [], []>, transpose_lhs_hint = false} : vector<256x128xf32>, vector<1024x128xf32>, vector<256x1024xf32> -> vector<256x1024xf32>
    %get3A_8 = arith.constant 0 : index
    %get3A_9 = arith.constant 0 : index
    %get3A_10 = vector.load %arg3[%get3A_8, %get3A_9] : memref<256x1024xi32, #tpu.memory_space<vmem>>, vector<256x1024xi32>
    %get3A_11 = arith.constant dense<0> : vector<256x1024xi32>
    %get3A_12 = arith.cmpi ne, %get3A_10, %get3A_11 : vector<256x1024xi32>
    %convert_element_type3A_13 = arith.extui %get3A_12 : vector<256x1024xi1> to vector<256x1024xi32>
    %convert_element_type3A_14 = arith.sitofp %convert_element_type3A_13 : vector<256x1024xi32> to vector<256x1024xf32>
    %mul3A = arith.mulf %dot_general3A_7, %convert_element_type3A_14 : vector<256x1024xf32>
    %mul3A_15 = arith.constant 0.0883883461 : f32
    %mul3A_16 = vector.broadcast %mul3A_15 : f32 to vector<256x1024xf32>
    %mul3A_17 = arith.mulf %mul3A, %mul3A_16 : vector<256x1024xf32>
    %sub3A = arith.constant 1.000000e+00 : f32
    %sub3A_18 = vector.broadcast %sub3A : f32 to vector<256x1024xf32>
    %sub3A_19 = arith.subf %sub3A_18, %convert_element_type3A_14 : vector<256x1024xf32>
    %mul3A_20 = arith.constant -1.000000e+09 : f32
    %mul3A_21 = vector.broadcast %mul3A_20 : f32 to vector<256x1024xf32>
    %mul3A_22 = arith.mulf %mul3A_21, %sub3A_19 : vector<256x1024xf32>
    %add3A = arith.addf %mul3A_17, %mul3A_22 : vector<256x1024xf32>
    %mul3A_23 = arith.constant 1024 : i32
    %mul3A_24 = arith.muli %arg0, %mul3A_23 : i32
    %iota3A = tpu.iota {dimensions = array<i32: 1>} : vector<256x1024xi32>
    %add3A_25 = vector.broadcast %mul3A_24 : i32 to vector<256x1024xi32>
    %add3A_26 = arith.addi %add3A_25, %iota3A : vector<256x1024xi32>
    %lt3A = arith.constant 10000 : i32
    %lt3A_27 = vector.broadcast %lt3A : i32 to vector<256x1024xi32>
    %lt3A_28 = arith.cmpi slt, %add3A_26, %lt3A_27 : vector<256x1024xi32>
    %jit3A = arith.constant -3.000000e+38 : f32
    %broadcast_in_dim3A = vector.broadcast %jit3A : f32 to vector<256x1024xf32>
    %select_n3A = arith.select %lt3A_28, %add3A, %broadcast_in_dim3A : vector<256x1024xi1>, vector<256x1024xf32>
    %get3A_29 = arith.constant 0 : index
    %get3A_30 = arith.constant 0 : index
    %get3A_31 = vector.load %arg4[%get3A_29, %get3A_30] : memref<256x1xf32, #tpu.memory_space<vmem>>, vector<256x1xf32>
    %sub3A_32 = vector.broadcast %get3A_31 : vector<256x1xf32> to vector<256x1024xf32>
    %sub3A_33 = arith.subf %select_n3A, %sub3A_32 : vector<256x1024xf32>
    %exp3A = math.exp %sub3A_33 : vector<256x1024xf32>
    %get3A_34 = arith.constant 0 : index
    %get3A_35 = arith.constant 0 : index
    %get3A_36 = vector.load %arg5[%get3A_34, %get3A_35] : memref<256x1xf32, #tpu.memory_space<vmem>>, vector<256x1xf32>
    %div3A = vector.broadcast %get3A_36 : vector<256x1xf32> to vector<256x1024xf32>
    %div3A_37 = arith.divf %exp3A, %div3A : vector<256x1024xf32>
    %get3A_38 = arith.constant 0 : index
    %get3A_39 = arith.constant 0 : index
    %get3A_40 = vector.load %arg7[%get3A_38, %get3A_39] : memref<4x128xf32, #tpu.memory_space<vmem>>, vector<4x128xf32>
    %dot_general3A_41 = arith.constant dense<0.000000e+00> : vector<256x4xf32>
    %dot_general3A_42 = tpu.matmul %get3A_1, %get3A_40, %dot_general3A_41 {dimension_numbers = #tpu.dot_dimension_numbers<[1], [1], [0], [0], [0, 0, 1, 0], [], []>, transpose_lhs_hint = false} : vector<256x128xf32>, vector<4x128xf32>, vector<256x4xf32> -> vector<256x4xf32>
    %get3A_43 = arith.constant 0 : index
    %get3A_44 = arith.constant 0 : index
    %get3A_45 = vector.load %arg8[%get3A_43, %get3A_44] : memref<4x128xf32, #tpu.memory_space<vmem>>, vector<4x128xf32>
    %dot_general3A_46 = arith.constant dense<0.000000e+00> : vector<4x1024xf32>
    %dot_general3A_47 = tpu.matmul %get3A_45, %get3A_6, %dot_general3A_46 {dimension_numbers = #tpu.dot_dimension_numbers<[1], [1], [0], [0], [0, 0, 1, 0], [], []>, transpose_lhs_hint = false} : vector<4x128xf32>, vector<1024x128xf32>, vector<4x1024xf32> -> vector<4x1024xf32>
    %get3A_48 = arith.constant 0 : index
    %get3A_49 = arith.constant 0 : index
    %get3A_50 = vector.load %arg9[%get3A_48, %get3A_49] : memref<1x4xf32, #tpu.memory_space<vmem>>, vector<1x4xf32>
    %get3A_51 = arith.constant 0 : index
    %get3A_52 = arith.constant 0 : index
    %get3A_53 = vector.load %arg10[%get3A_51, %get3A_52] : memref<1x4xf32, #tpu.memory_space<vmem>>, vector<1x4xf32>
    %get3A_54 = arith.constant 0 : index
    %get3A_55 = arith.constant 0 : index
    %get3A_56 = arith.constant 0 : index
    %get3A_57 = vector.load %arg15[%get3A_54, %get3A_55, %get3A_56] : memref<4x256x128xf32, #tpu.memory_space<vmem>>, vector<1x256x128xf32>
    %get3A_58 = vector.shape_cast %get3A_57 : vector<1x256x128xf32> to vector<256x128xf32>
    %dot_general3A_59 = arith.constant dense<0.000000e+00> : vector<256x1024xf32>
    %dot_general3A_60 = tpu.matmul %get3A_58, %get3A_6, %dot_general3A_59 {dimension_numbers = #tpu.dot_dimension_numbers<[1], [1], [0], [0], [0, 0, 1, 0], [], []>, transpose_lhs_hint = false} : vector<256x128xf32>, vector<1024x128xf32>, vector<256x1024xf32> -> vector<256x1024xf32>
    %slice3A = vector.extract_strided_slice %dot_general3A_42 {offsets = [0, 0], sizes = [256, 1], strides = [1, 1]} : vector<256x4xf32> to vector<256x1xf32>
    %add3A_61 = vector.broadcast %slice3A : vector<256x1xf32> to vector<256x1024xf32>
    %add3A_62 = arith.addf %dot_general3A_60, %add3A_61 : vector<256x1024xf32>
    %slice3A_63 = vector.extract_strided_slice %dot_general3A_47 {offsets = [0, 0], sizes = [1, 1024], strides = [1, 1]} : vector<4x1024xf32> to vector<1x1024xf32>
    %add3A_64 = vector.broadcast %slice3A_63 : vector<1x1024xf32> to vector<256x1024xf32>
    %add3A_65 = arith.addf %add3A_62, %add3A_64 : vector<256x1024xf32>
    %slice3A_66 = vector.extract_strided_slice %get3A_50 {offsets = [0, 0], sizes = [1, 1], strides = [1, 1]} : vector<1x4xf32> to vector<1x1xf32>
    %add3A_67 = vector.broadcast %slice3A_66 : vector<1x1xf32> to vector<256x1024xf32>
    %add3A_68 = arith.addf %add3A_65, %add3A_67 : vector<256x1024xf32>
    %max3A = arith.constant 0.000000e+00 : f32
    %max3A_69 = vector.broadcast %max3A : f32 to vector<256x1024xf32>
    %max3A_70 = arith.maximumf %add3A_68, %max3A_69 : vector<256x1024xf32>
    %slice3A_71 = vector.extract_strided_slice %get3A_53 {offsets = [0, 0], sizes = [1, 1], strides = [1, 1]} : vector<1x4xf32> to vector<1x1xf32>
    %mul3A_72 = vector.broadcast %slice3A_71 : vector<1x1xf32> to vector<256x1024xf32>
    %mul3A_73 = arith.mulf %mul3A_72, %max3A_70 : vector<256x1024xf32>
    %get3A_74 = arith.constant 1 : index
    %get3A_75 = arith.constant 0 : index
    %get3A_76 = arith.constant 0 : index
    %get3A_77 = vector.load %arg15[%get3A_74, %get3A_75, %get3A_76] : memref<4x256x128xf32, #tpu.memory_space<vmem>>, vector<1x256x128xf32>
    %get3A_78 = vector.shape_cast %get3A_77 : vector<1x256x128xf32> to vector<256x128xf32>
    %dot_general3A_79 = arith.constant dense<0.000000e+00> : vector<256x1024xf32>
    %dot_general3A_80 = tpu.matmul %get3A_78, %get3A_6, %dot_general3A_79 {dimension_numbers = #tpu.dot_dimension_numbers<[1], [1], [0], [0], [0, 0, 1, 0], [], []>, transpose_lhs_hint = false} : vector<256x128xf32>, vector<1024x128xf32>, vector<256x1024xf32> -> vector<256x1024xf32>
    %slice3A_81 = vector.extract_strided_slice %dot_general3A_42 {offsets = [0, 1], sizes = [256, 1], strides = [1, 1]} : vector<256x4xf32> to vector<256x1xf32>
    %add3A_82 = vector.broadcast %slice3A_81 : vector<256x1xf32> to vector<256x1024xf32>
    %add3A_83 = arith.addf %dot_general3A_80, %add3A_82 : vector<256x1024xf32>
    %slice3A_84 = vector.extract_strided_slice %dot_general3A_47 {offsets = [1, 0], sizes = [1, 1024], strides = [1, 1]} : vector<4x1024xf32> to vector<1x1024xf32>
    %add3A_85 = vector.broadcast %slice3A_84 : vector<1x1024xf32> to vector<256x1024xf32>
    %add3A_86 = arith.addf %add3A_83, %add3A_85 : vector<256x1024xf32>
    %slice3A_87 = vector.extract_strided_slice %get3A_50 {offsets = [0, 1], sizes = [1, 1], strides = [1, 1]} : vector<1x4xf32> to vector<1x1xf32>
    %add3A_88 = vector.broadcast %slice3A_87 : vector<1x1xf32> to vector<256x1024xf32>
    %add3A_89 = arith.addf %add3A_86, %add3A_88 : vector<256x1024xf32>
    %max3A_90 = arith.constant 0.000000e+00 : f32
    %max3A_91 = vector.broadcast %max3A_90 : f32 to vector<256x1024xf32>
    %max3A_92 = arith.maximumf %add3A_89, %max3A_91 : vector<256x1024xf32>
    %slice3A_93 = vector.extract_strided_slice %get3A_53 {offsets = [0, 1], sizes = [1, 1], strides = [1, 1]} : vector<1x4xf32> to vector<1x1xf32>
    %mul3A_94 = vector.broadcast %slice3A_93 : vector<1x1xf32> to vector<256x1024xf32>
    %mul3A_95 = arith.mulf %mul3A_94, %max3A_92 : vector<256x1024xf32>
    %add3A_96 = arith.addf %mul3A_73, %mul3A_95 : vector<256x1024xf32>
    %get3A_97 = arith.constant 2 : index
    %get3A_98 = arith.constant 0 : index
    %get3A_99 = arith.constant 0 : index
    %get3A_100 = vector.load %arg15[%get3A_97, %get3A_98, %get3A_99] : memref<4x256x128xf32, #tpu.memory_space<vmem>>, vector<1x256x128xf32>
    %get3A_101 = vector.shape_cast %get3A_100 : vector<1x256x128xf32> to vector<256x128xf32>
    %dot_general3A_102 = arith.constant dense<0.000000e+00> : vector<256x1024xf32>
    %dot_general3A_103 = tpu.matmul %get3A_101, %get3A_6, %dot_general3A_102 {dimension_numbers = #tpu.dot_dimension_numbers<[1], [1], [0], [0], [0, 0, 1, 0], [], []>, transpose_lhs_hint = false} : vector<256x128xf32>, vector<1024x128xf32>, vector<256x1024xf32> -> vector<256x1024xf32>
    %slice3A_104 = vector.extract_strided_slice %dot_general3A_42 {offsets = [0, 2], sizes = [256, 1], strides = [1, 1]} : vector<256x4xf32> to vector<256x1xf32>
    %add3A_105 = vector.broadcast %slice3A_104 : vector<256x1xf32> to vector<256x1024xf32>
    %add3A_106 = arith.addf %dot_general3A_103, %add3A_105 : vector<256x1024xf32>
    %slice3A_107 = vector.extract_strided_slice %dot_general3A_47 {offsets = [2, 0], sizes = [1, 1024], strides = [1, 1]} : vector<4x1024xf32> to vector<1x1024xf32>
    %add3A_108 = vector.broadcast %slice3A_107 : vector<1x1024xf32> to vector<256x1024xf32>
    %add3A_109 = arith.addf %add3A_106, %add3A_108 : vector<256x1024xf32>
    %slice3A_110 = vector.extract_strided_slice %get3A_50 {offsets = [0, 2], sizes = [1, 1], strides = [1, 1]} : vector<1x4xf32> to vector<1x1xf32>
    %add3A_111 = vector.broadcast %slice3A_110 : vector<1x1xf32> to vector<256x1024xf32>
    %add3A_112 = arith.addf %add3A_109, %add3A_111 : vector<256x1024xf32>
    %max3A_113 = arith.constant 0.000000e+00 : f32
    %max3A_114 = vector.broadcast %max3A_113 : f32 to vector<256x1024xf32>
    %max3A_115 = arith.maximumf %add3A_112, %max3A_114 : vector<256x1024xf32>
    %slice3A_116 = vector.extract_strided_slice %get3A_53 {offsets = [0, 2], sizes = [1, 1], strides = [1, 1]} : vector<1x4xf32> to vector<1x1xf32>
    %mul3A_117 = vector.broadcast %slice3A_116 : vector<1x1xf32> to vector<256x1024xf32>
    %mul3A_118 = arith.mulf %mul3A_117, %max3A_115 : vector<256x1024xf32>
    %add3A_119 = arith.addf %add3A_96, %mul3A_118 : vector<256x1024xf32>
    %get3A_120 = arith.constant 3 : index
    %get3A_121 = arith.constant 0 : index
    %get3A_122 = arith.constant 0 : index
    %get3A_123 = vector.load %arg15[%get3A_120, %get3A_121, %get3A_122] : memref<4x256x128xf32, #tpu.memory_space<vmem>>, vector<1x256x128xf32>
    %get3A_124 = vector.shape_cast %get3A_123 : vector<1x256x128xf32> to vector<256x128xf32>
    %dot_general3A_125 = arith.constant dense<0.000000e+00> : vector<256x1024xf32>
    %dot_general3A_126 = tpu.matmul %get3A_124, %get3A_6, %dot_general3A_125 {dimension_numbers = #tpu.dot_dimension_numbers<[1], [1], [0], [0], [0, 0, 1, 0], [], []>, transpose_lhs_hint = false} : vector<256x128xf32>, vector<1024x128xf32>, vector<256x1024xf32> -> vector<256x1024xf32>
    %slice3A_127 = vector.extract_strided_slice %dot_general3A_42 {offsets = [0, 3], sizes = [256, 1], strides = [1, 1]} : vector<256x4xf32> to vector<256x1xf32>
    %add3A_128 = vector.broadcast %slice3A_127 : vector<256x1xf32> to vector<256x1024xf32>
    %add3A_129 = arith.addf %dot_general3A_126, %add3A_128 : vector<256x1024xf32>
    %slice3A_130 = vector.extract_strided_slice %dot_general3A_47 {offsets = [3, 0], sizes = [1, 1024], strides = [1, 1]} : vector<4x1024xf32> to vector<1x1024xf32>
    %add3A_131 = vector.broadcast %slice3A_130 : vector<1x1024xf32> to vector<256x1024xf32>
    %add3A_132 = arith.addf %add3A_129, %add3A_131 : vector<256x1024xf32>
    %slice3A_133 = vector.extract_strided_slice %get3A_50 {offsets = [0, 3], sizes = [1, 1], strides = [1, 1]} : vector<1x4xf32> to vector<1x1xf32>
    %add3A_134 = vector.broadcast %slice3A_133 : vector<1x1xf32> to vector<256x1024xf32>
    %add3A_135 = arith.addf %add3A_132, %add3A_134 : vector<256x1024xf32>
    %max3A_136 = arith.constant 0.000000e+00 : f32
    %max3A_137 = vector.broadcast %max3A_136 : f32 to vector<256x1024xf32>
    %max3A_138 = arith.maximumf %add3A_135, %max3A_137 : vector<256x1024xf32>
    %slice3A_139 = vector.extract_strided_slice %get3A_53 {offsets = [0, 3], sizes = [1, 1], strides = [1, 1]} : vector<1x4xf32> to vector<1x1xf32>
    %mul3A_140 = vector.broadcast %slice3A_139 : vector<1x1xf32> to vector<256x1024xf32>
    %mul3A_141 = arith.mulf %mul3A_140, %max3A_138 : vector<256x1024xf32>
    %add3A_142 = arith.addf %add3A_119, %mul3A_141 : vector<256x1024xf32>
    %get3A_143 = arith.constant 0 : index
    %get3A_144 = arith.constant 0 : index
    %get3A_145 = vector.load %arg11[%get3A_143, %get3A_144] : memref<256x1024xf32, #tpu.memory_space<vmem>>, vector<256x1024xf32>
    %mul3A_146 = arith.mulf %add3A_142, %div3A_37 : vector<256x1024xf32>
    %add3A_147 = arith.addf %get3A_145, %mul3A_146 : vector<256x1024xf32>
    %swap3A = arith.constant 0 : index
    %swap3A_148 = arith.constant 0 : index
    %swap3A_149 = vector.load %arg12[%swap3A, %swap3A_148] : memref<256x1024xf32, #tpu.memory_space<vmem>>, vector<256x1024xf32>
    tpu.vector_store %arg12[%swap3A, %swap3A_148], %add3A_147 {strides = array<i32>} : memref<256x1024xf32, #tpu.memory_space<vmem>>, vector<256x1024xf32>,
    %lt3A_150 = arith.constant 10000 : i32
    %lt3A_151 = vector.broadcast %lt3A_150 : i32 to vector<256x1024xi32>
    %lt3A_152 = arith.cmpi slt, %add3A_26, %lt3A_151 : vector<256x1024xi32>
    %jit3A_153 = arith.constant -3.000000e+38 : f32
    %broadcast_in_dim3A_154 = vector.broadcast %jit3A_153 : f32 to vector<256x1024xf32>
    %select_n3A_155 = arith.select %lt3A_152, %add3A_147, %broadcast_in_dim3A_154 : vector<256x1024xi1>, vector<256x1024xf32>
    %reduce_max3A = arith.constant dense<0xFF800000> : vector<256xf32>
    %reduce_max3A_156 = vector.multi_reduction <maximumf>, %select_n3A_155, %reduce_max3A [1] : vector<256x1024xf32> to vector<256xf32>
    %broadcast_in_dim3A_157 = vector.shape_cast %reduce_max3A_156 : vector<256xf32> to vector<256x1xf32>
    %get3A_158 = arith.constant 0 : index
    %get3A_159 = arith.constant 0 : index
    %get3A_160 = vector.load %arg16[%get3A_158, %get3A_159] : memref<256x1xf32, #tpu.memory_space<vmem>>, vector<256x1xf32>
    %max3A_161 = arith.maximumf %get3A_160, %broadcast_in_dim3A_157 : vector<256x1xf32>
    %get3A_162 = arith.constant 0 : index
    %get3A_163 = arith.constant 0 : index
    %get3A_164 = vector.load %arg17[%get3A_162, %get3A_163] : memref<256x1xf32, #tpu.memory_space<vmem>>, vector<256x1xf32>
    %sub3A_165 = arith.subf %get3A_160, %max3A_161 : vector<256x1xf32>
    %exp3A_166 = math.exp %sub3A_165 : vector<256x1xf32>
    %mul3A_167 = arith.mulf %get3A_164, %exp3A_166 : vector<256x1xf32>
    %sub3A_168 = vector.broadcast %max3A_161 : vector<256x1xf32> to vector<256x1024xf32>
    %sub3A_169 = arith.subf %select_n3A_155, %sub3A_168 : vector<256x1024xf32>
    %exp3A_170 = math.exp %sub3A_169 : vector<256x1024xf32>
    %reduce_sum3A = arith.constant dense<0.000000e+00> : vector<256xf32>
    %reduce_sum3A_171 = vector.multi_reduction <add>, %exp3A_170, %reduce_sum3A [1] : vector<256x1024xf32> to vector<256xf32>
    %broadcast_in_dim3A_172 = vector.shape_cast %reduce_sum3A_171 : vector<256xf32> to vector<256x1xf32>
    %add3A_173 = arith.addf %mul3A_167, %broadcast_in_dim3A_172 : vector<256x1xf32>
    %swap3A_174 = arith.constant 0 : index
    %swap3A_175 = arith.constant 0 : index
    %swap3A_176 = vector.load %arg17[%swap3A_174, %swap3A_175] : memref<256x1xf32, #tpu.memory_space<vmem>>, vector<256x1xf32>
    tpu.vector_store %arg17[%swap3A_174, %swap3A_175], %add3A_173 {strides = array<i32>} : memref<256x1xf32, #tpu.memory_space<vmem>>, vector<256x1xf32>,
    %swap3A_177 = arith.constant 0 : index
    %swap3A_178 = arith.constant 0 : index
    %swap3A_179 = vector.load %arg16[%swap3A_177, %swap3A_178] : memref<256x1xf32, #tpu.memory_space<vmem>>, vector<256x1xf32>
    tpu.vector_store %arg16[%swap3A_177, %swap3A_178], %max3A_161 {strides = array<i32>} : memref<256x1xf32, #tpu.memory_space<vmem>>, vector<256x1xf32>,
    %swap3A_180 = arith.constant 0 : index
    %swap3A_181 = arith.constant 0 : index
    %swap3A_182 = vector.load %arg13[%swap3A_180, %swap3A_181] : memref<256x1xf32, #tpu.memory_space<vmem>>, vector<256x1xf32>
    tpu.vector_store %arg13[%swap3A_180, %swap3A_181], %max3A_161 {strides = array<i32>} : memref<256x1xf32, #tpu.memory_space<vmem>>, vector<256x1xf32>,
    %get3A_183 = arith.constant 0 : index
    %get3A_184 = arith.constant 0 : index
    %get3A_185 = vector.load %arg17[%get3A_183, %get3A_184] : memref<256x1xf32, #tpu.memory_space<vmem>>, vector<256x1xf32>
    %swap3A_186 = arith.constant 0 : index
    %swap3A_187 = arith.constant 0 : index
    %swap3A_188 = vector.load %arg14[%swap3A_186, %swap3A_187] : memref<256x1xf32, #tpu.memory_space<vmem>>, vector<256x1xf32>
    tpu.vector_store %arg14[%swap3A_186, %swap3A_187], %get3A_185 {strides = array<i32>} : memref<256x1xf32, #tpu.memory_space<vmem>>, vector<256x1xf32>,
    return
  }
  func.func @transform_0(%arg0: i32) -> (i32, i32) {
    %c0_i32 = arith.constant 0 : i32
    %c0_i32_0 = arith.constant 0 : i32
    %c0_i32_1 = arith.constant 0 : i32
    return %c0_i32, %c0_i32_0 : i32, i32
  }
  func.func @transform_1(%arg0: i32) -> (i32, i32) {
    %c0_i32 = arith.constant 0 : i32
    %c0_i32_0 = arith.constant 0 : i32
    return %arg0, %c0_i32 : i32, i32
  }
  func.func @transform_2(%arg0: i32) -> (i32, i32) {
    %c0_i32 = arith.constant 0 : i32
    %c0_i32_0 = arith.constant 0 : i32
    return %c0_i32, %arg0 : i32, i32
  }
  func.func @transform_3(%arg0: i32) -> (i32, i32) {
    %c0_i32 = arith.constant 0 : i32
    %c0_i32_0 = arith.constant 0 : i32
    %c0_i32_1 = arith.constant 0 : i32
    return %c0_i32, %c0_i32_0 : i32, i32
  }
  func.func @transform_4(%arg0: i32) -> (i32, i32) {
    %c0_i32 = arith.constant 0 : i32
    %c0_i32_0 = arith.constant 0 : i32
    %c0_i32_1 = arith.constant 0 : i32
    return %c0_i32, %c0_i32_0 : i32, i32
  }
  func.func @transform_5(%arg0: i32) -> (i32, i32, i32) {
    %c0_i32 = arith.constant 0 : i32
    %c0_i32_0 = arith.constant 0 : i32
    %c0_i32_1 = arith.constant 0 : i32
    %c0_i32_2 = arith.constant 0 : i32
    return %c0_i32, %c0_i32_0, %c0_i32_1 : i32, i32, i32
  }
  func.func @transform_6(%arg0: i32) -> (i32, i32) {
    %c0_i32 = arith.constant 0 : i32
    %c0_i32_0 = arith.constant 0 : i32
    %c0_i32_1 = arith.constant 0 : i32
    return %c0_i32, %c0_i32_0 : i32, i32
  }
  func.func @transform_7(%arg0: i32) -> (i32, i32) {
    %c0_i32 = arith.constant 0 : i32
    %c0_i32_0 = arith.constant 0 : i32
    %c0_i32_1 = arith.constant 0 : i32
    return %c0_i32, %c0_i32_0 : i32, i32
  }
  func.func @transform_8(%arg0: i32) -> (i32, i32) {
    %c0_i32 = arith.constant 0 : i32
    %c0_i32_0 = arith.constant 0 : i32
    %c0_i32_1 = arith.constant 0 : i32
    return %c0_i32, %c0_i32_0 : i32, i32
  }
  func.func @transform_9(%arg0: i32) -> (i32, i32) {
    %c0_i32 = arith.constant 0 : i32
    %c0_i32_0 = arith.constant 0 : i32
    %c0_i32_1 = arith.constant 0 : i32
    return %c0_i32, %c0_i32_0 : i32, i32
  }
  func.func @transform_10(%arg0: i32) -> (i32, i32) {
    %c0_i32 = arith.constant 0 : i32
    %c0_i32_0 = arith.constant 0 : i32
    return %c0_i32, %arg0 : i32, i32
  }
  func.func @transform_11(%arg0: i32) -> (i32, i32) {
    %c0_i32 = arith.constant 0 : i32
    %c0_i32_0 = arith.constant 0 : i32
    return %c0_i32, %arg0 : i32, i32
  }
  func.func @transform_12(%arg0: i32) -> (i32, i32) {
    %c0_i32 = arith.constant 0 : i32
    %c0_i32_0 = arith.constant 0 : i32
    %c0_i32_1 = arith.constant 0 : i32
    return %c0_i32, %c0_i32_0 : i32, i32
  }
  func.func @transform_13(%arg0: i32) -> (i32, i32) {
    %c0_i32 = arith.constant 0 : i32
    %c0_i32_0 = arith.constant 0 : i32
    %c0_i32_1 = arith.constant 0 : i32
    return %c0_i32, %c0_i32_0 : i32, i32
  }
}

module attributes {stable_mosaic.version = 14 : i64} {
  func.func @body(%arg0: i32, %arg1: memref<256x1024xf32, #tpu.memory_space<vmem>>, %arg2: memref<256x1xf32, #tpu.memory_space<vmem>>, %arg3: memref<256x1xf32, #tpu.memory_space<vmem>>, %arg4: memref<256x1024xf32, #tpu.memory_space<vmem>>) attributes {dimension_semantics = [#tpu.dimension_semantics<arbitrary>], iteration_bounds = array<i64: 10>, scalar_prefetch = 0 : i64, scratch_operands = 0 : i64, tpu.core_type = #tpu.core_type<tc>, window_params = [{transform_indices = @transform_0, window_bounds = array<i64: 256, 1024>}, {pipeline_mode = #tpu.pipeline_mode<synchronous>, transform_indices = @transform_1, window_bounds = array<i64: 256, 1>}, {pipeline_mode = #tpu.pipeline_mode<synchronous>, transform_indices = @transform_2, window_bounds = array<i64: 256, 1>}, {transform_indices = @transform_3, window_bounds = array<i64: 256, 1024>}]} {
    %get3A = arith.constant 0 : index
    %get3A_0 = arith.constant 0 : index
    %get3A_1 = vector.load %arg1[%get3A, %get3A_0] : memref<256x1024xf32, #tpu.memory_space<vmem>>, vector<256x1024xf32>
    %get3A_2 = arith.constant 0 : index
    %get3A_3 = arith.constant 0 : index
    %get3A_4 = vector.load %arg2[%get3A_2, %get3A_3] : memref<256x1xf32, #tpu.memory_space<vmem>>, vector<256x1xf32>
    %sub3A = vector.broadcast %get3A_4 : vector<256x1xf32> to vector<256x1024xf32>
    %sub3A_5 = arith.subf %get3A_1, %sub3A : vector<256x1024xf32>
    %exp3A = math.exp %sub3A_5 : vector<256x1024xf32>
    %get3A_6 = arith.constant 0 : index
    %get3A_7 = arith.constant 0 : index
    %get3A_8 = vector.load %arg3[%get3A_6, %get3A_7] : memref<256x1xf32, #tpu.memory_space<vmem>>, vector<256x1xf32>
    %div3A = vector.broadcast %get3A_8 : vector<256x1xf32> to vector<256x1024xf32>
    %div3A_9 = arith.divf %exp3A, %div3A : vector<256x1024xf32>
    %swap3A = arith.constant 0 : index
    %swap3A_10 = arith.constant 0 : index
    %swap3A_11 = vector.load %arg4[%swap3A, %swap3A_10] : memref<256x1024xf32, #tpu.memory_space<vmem>>, vector<256x1024xf32>
    tpu.vector_store %arg4[%swap3A, %swap3A_10], %div3A_9 {strides = array<i32>} : memref<256x1024xf32, #tpu.memory_space<vmem>>, vector<256x1024xf32>,
    return
  }
  func.func @transform_0(%arg0: i32) -> (i32, i32) {
    %c0_i32 = arith.constant 0 : i32
    %c0_i32_0 = arith.constant 0 : i32
    return %c0_i32, %arg0 : i32, i32
  }
  func.func @transform_1(%arg0: i32) -> (i32, i32) {
    %c0_i32 = arith.constant 0 : i32
    %c0_i32_0 = arith.constant 0 : i32
    %c0_i32_1 = arith.constant 0 : i32
    return %c0_i32, %c0_i32_0 : i32, i32
  }
  func.func @transform_2(%arg0: i32) -> (i32, i32) {
    %c0_i32 = arith.constant 0 : i32
    %c0_i32_0 = arith.constant 0 : i32
    %c0_i32_1 = arith.constant 0 : i32
    return %c0_i32, %c0_i32_0 : i32, i32
  }
  func.func @transform_3(%arg0: i32) -> (i32, i32) {
    %c0_i32 = arith.constant 0 : i32
    %c0_i32_0 = arith.constant 0 : i32
    return %c0_i32, %arg0 : i32, i32
  }
}

</mosaic_0001>

<sc_bundles>
// kernel: kernel.14.cloned.1.call-start
scs
__scs_entry_jumppad:
0x0: {  	(pc) =	sbr.rel $0x88, $3  }
0x1: {  	(tag) =	ssettag $0x0;
	lr =	simm.s32 $0x1  }
0x2: {  	[smem:$0x3F94] =	sst lr;
	_ =	strace $0xD0000000  }
0x3: {  	_ = 	snop  }
0x4: {  	_ = 	snop  }
0x5: {  	_ = 	snop  }
0x6: {  	_ = 	snop  }
0x7: {  	_ = 	snop  }
__scs_overlays_trampoline_lowered:
0x8: {  	[smem:$0x3FA3] =	sst s0  }
0x9: {  	[smem:$0x3FA4] =	sst s1  }
0xa: {  	[smem:$0x3FA5] =	sst s2  }
0xb: {  	[smem:$0x3FA6] =	sst s3  }
0xc: {  	[smem:$0x3FA7] =	sst s4  }
0xd: {  	[smem:$0x3FA8] =	sst s5  }
0xe: {  	[smem:$0x3FA9] =	sst s6  }
0xf: {  	[smem:$0x3FAA] =	sst s7  }
0x10: {  	[smem:$0x3FAB] =	sst s8  }
0x11: {  	[smem:$0x3FAC] =	sst s9;
	s0 =	simm.s32 @!p0 $0x0  }
0x12: {  	s1 =	sld [smem:$0x3F92];
	s0 =	simm.s32 @p0 $0x1  }
0x13: {  	[smem:$0x3FAD] =	sst s0;
	s0 =	simm.s32 @!p1 $0x0  }
0x14: {  	s2 =	sld [smem:$0x3F91];
	s0 =	simm.s32 @p1 $0x1  }
0x15: {  	[smem:$0x3FAE] =	sst s0;
	s0 =	simm.s32 @!p2 $0x0  }
0x16: {  	s3 =	sld [smem:$0x3FDB];
	s0 =	simm.s32 @p2 $0x1  }
0x17: {  	s4 =	simm.s32 $0x1BF5;
	[smem:$0x3FB0] =	sst s0  }
0x18: {  	s0 =	sld [smem:$0x3F93];
	_ =	swait.ge [sflag:s4], $0x0  }
0x19: {  	s7 =	sld [smem:$0x3F94]  }
0x1a: {  	s8 =	sadd.s32 $0xFFFFE003, lr  }
0x1b: {  	s9 =	sadd.s32 $0xFFFFFEF7, lr;
	s5 =	simm.s32 $0xFFFFFFFF;
	p2 =	slt.u32 s8, $0xFFFFF086  }
0x1c: {  	p1 =	slt.u32 s9, $0xF7A;
	s5 =	simm.s32 @!p2 $0x0  }
0x1d: {  	s5 =	simm.s32 @p1 $0x1;
	p0 =	seq.s32 s7, s2  }
0x1e: {  	s7 =	smul.u32 @!p0 $0xF7A, s2;
	p2 =	seq.s32 @!p0 s5, $0x0  }
0x1f: {  	s9 =	smul.u32 $0xF7A, s1;
	s8 =	simm.s32 @!p0 $0x1BF5;
	p2 =	por !p2, p0  }
0x20: {  	[sflag:s8] =	ssyncset.s32 @!p0 $0xFFFFF086;
	s6 =	sadd.s32 @!p0 s3, s7;
	s7 =	simm.s32 @!p0 $0x108  }
0x21: {  	s3 =	sadd.s32 s3, s9;
	s6 =	sadd.s32 @!p0 $0x88, s6;
	s7 =	simm.s32 @p2 $0x1082  }
0x22: {  	[simem:s7], [sflag:s8] =	dma.local @!p0 [hbm:s6], $0xF7A  }
0x23: {  	s9 =	sor.u32 $0xD0000000, s2;
	s6 =	simm.s32 $0x108;
	_ =	swait.ge @!p0 [sflag:s8], $0x0  }
0x24: {  	s3 =	sadd.s32 $0x88, s3;
	s6 =	simm.s32 @!p1 $0x1082;
	[sflag:s4] =	ssyncset.s32 $0xFFFFF086  }
0x25: {  	[simem:s6], [sflag:s4] =	dma.local [hbm:s3], $0xF7A  }
0x26: {  	[smem:$0x3F94] =	sst s1;
	(tag) =	ssettag s2;
	_ =	strace s9  }
0x27: {  	s1 =	sld [smem:$0x3FA4]  }
0x28: {  	s2 =	sld [smem:$0x3FA5]  }
0x29: {  	s4 =	sld [smem:$0x3FA7]  }
0x2a: {  	p0 =	seq.s32 s5, $0x0;
	s5 =	sld [smem:$0x3FA8]  }
0x2b: {  	s6 =	sld [smem:$0x3FA9]  }
0x2c: {  	s7 =	sld [smem:$0x3FAA]  }
0x2d: {  	s3 =	simm.s32 $0x108;
	s8 =	sld [smem:$0x3FAB]  }
0x2e: {  	s3 =	simm.s32 @!p0 $0x1082;
	s9 =	sld [smem:$0x3FAC]  }
0x2f: {  	lr =	sadd.s32 s0, s3;
	s0 =	sld [smem:$0x3FA3]  }
0x30: {  	s3 =	sld [smem:$0x3FA6]  }
0x31: {  	[smem:$0x3FAF] =	sst s10  }
0x32: {  	s10 =	sld [smem:$0x3FAD];
	_ =	sdelay $0x3  }
0x33: {  	p0 =	seq.s32 s10, $0x1;
	s10 =	sld [smem:$0x3FAF];
	_ =	sdelay $0x3  }
0x34: {  	[smem:$0x3FAF] =	sst s10  }
0x35: {  	s10 =	sld [smem:$0x3FAE];
	_ =	sdelay $0x3  }
0x36: {  	p1 =	seq.s32 s10, $0x1;
	s10 =	sld [smem:$0x3FAF];
	_ =	sdelay $0x3  }
0x37: {  	[smem:$0x3FAF] =	sst s10  }
0x38: {  	s10 =	sld [smem:$0x3FB0]  }
0x39: {  	_ = 	snop;
	(pc) =	sbr.ind lr, $3  }
0x3a: {  	_ = 	snop  }
0x3b: {  	_ = 	snop  }
0x3c: {  	p2 =	seq.s32 s10, $0x1;
	s10 =	sld [smem:$0x3FAF]  }
0x3d: {  	_ =	shalt  }
0x3e: {  	_ =	shalt  }
0x3f: {  	_ =	shalt  }
0x40: {  	_ =	shalt  }
0x41: {  	_ =	shalt  }
0x42: {  	_ =	shalt  }
0x43: {  	_ =	shalt  }
0x44: {  	_ =	shalt  }
0x45: {  	_ =	shalt  }
0x46: {  	_ =	shalt  }
0x47: {  	_ =	shalt  }
0x48: {  	_ =	shalt  }
0x49: {  	_ =	shalt  }
0x4a: {  	_ =	shalt  }
0x4b: {  	_ =	shalt  }
0x4c: {  	_ =	shalt  }
0x4d: {  	_ =	shalt  }
0x4e: {  	_ =	shalt  }
0x4f: {  	_ =	shalt  }
0x50: {  	_ =	shalt  }
0x51: {  	_ =	shalt  }
0x52: {  	_ =	shalt  }
0x53: {  	_ =	shalt  }
0x54: {  	_ =	shalt  }
0x55: {  	_ =	shalt  }
0x56: {  	_ =	shalt  }
0x57: {  	_ =	shalt  }
0x58: {  	_ =	shalt  }
0x59: {  	_ =	shalt  }
0x5a: {  	_ =	shalt  }
0x5b: {  	_ =	shalt  }
0x5c: {  	_ =	shalt  }
0x5d: {  	_ =	shalt  }
0x5e: {  	_ =	shalt  }
0x5f: {  	_ =	shalt  }
0x60: {  	_ =	shalt  }
0x61: {  	_ =	shalt  }
0x62: {  	_ =	shalt  }
0x63: {  	_ =	shalt  }
0x64: {  	_ =	shalt  }
0x65: {  	_ =	shalt  }
0x66: {  	_ =	shalt  }
0x67: {  	_ =	shalt  }
0x68: {  	_ =	shalt  }
0x69: {  	_ =	shalt  }
0x6a: {  	_ =	shalt  }
0x6b: {  	_ =	shalt  }
0x6c: {  	_ =	shalt  }
0x6d: {  	_ =	shalt  }
0x6e: {  	_ =	shalt  }
0x6f: {  	_ =	shalt  }
0x70: {  	_ =	shalt  }
0x71: {  	_ =	shalt  }
0x72: {  	_ =	shalt  }
0x73: {  	_ =	shalt  }
0x74: {  	_ =	shalt  }
0x75: {  	_ =	shalt  }
0x76: {  	_ =	shalt  }
0x77: {  	_ =	shalt  }
0x78: {  	_ =	shalt  }
0x79: {  	_ =	shalt  }
0x7a: {  	_ =	shalt  }
0x7b: {  	_ =	shalt  }
0x7c: {  	_ =	shalt  }
0x7d: {  	_ =	shalt  }
0x7e: {  	_ =	shalt  }
0x7f: {  	_ =	shalt  }
0x80: {  	_ =	shalt  }
0x81: {  	_ =	shalt  }
0x82: {  	_ =	shalt  }
0x83: {  	_ =	shalt  }
0x84: {  	_ =	shalt  }
0x85: {  	_ =	shalt  }
0x86: {  	_ =	shalt  }
0x87: {  	_ =	shalt  }
.Lfunc_end0:
.L_simem_size_0:
called_computation_lowered:
.L_overlay_start_0:
0x88: {  	s2 =	sld [smem:$0x3FD9]  }
0x89: {  	s3 =	sld [smem:$0x3FFE];
	_ =	sdelay $0x1  }
0x8a: {  	s1 =	srdreg.scid  }
0x8b: {  	s0 =	sand.u32 $0x1, s1  }
0x8c: {  	s17 =	sshll.u32 s0, $0xA;
	s2 =	sadd.s32 s3, s2  }
0x8d: {  	s2 =	sadd.s32 s2, s17  }
0x8e: {  	[smem:$0x3FBB] =	sst s2  }
0x8f: {  	_ = 	snop  }
0x90: {  	(tm) =	ssettm $0x1  }
0x91: {  	s18 =	sld [smem:$0x3FFB];
	_ =	sdelay $0x3  }
0x92: {  	_ =	strace s18  }
0x93: {  	s2 =	sld [smem:$0x3FFC];
	_ =	sdelay $0x3  }
0x94: {  	_ =	strace s2  }
0x95: {  	s2 =	sld [smem:$0x3FFD];
	_ =	sdelay $0x3  }
0x96: {  	_ =	strace s2  }
0x97: {  	_ =	strace $0x8FFFFFFF  }
0x98: {  	s19 =	sld [smem:$0x3FDB];
	_ =	sdelay $0x1  }
0x99: {  	s20 =	simm.s32 $_scs_section_size  }
0x9a: {  	s4 =	simm.s32 $_size__tile_overlayer_lowered;
	s5 =	simm.s32 $_tile_overlayer_lowered  }
0x9b: {  	s6 =	simm.s32 $0x1BFF;
	s21 =	sshll.u32 s5, $0x1;
	s3 =	sadd.s32 s20, s19  }
0x9c: {  	s22 =	simm.s32 $0x0;
	s4 =	sshll.u32 s4, $0x1;
	s5 =	sadd.s32 s21, s3  }
0x9d: {  	[timem:s22], [sflag:s6] =	dma.local [hbm:s5], s4  }
0x9e: {  	_ =	swait.ge [sflag:s6], s4  }
0x9f: {  	s4 =	ssub.s32 $0x0, s4;
	[sflag:s6] =	ssyncset.done $0x0  }
0xa0: {  	[sflag:s6] =	ssyncadd.s32 s4;
	_ =	sdelay $0x1  }
0xa1: {  	s23 =	simm.s32 $0x1B8B  }
0xa2: {  	_ =	swait.ge [sflag:s23], $0x1  }
0xa3: {  	[sflag:s23] =	ssyncset.done $0x0  }
0xa4: {  	[sflag:s23] =	ssyncadd.s32 $0xFFFFFFFF  }
0xa5: {  	s4 =	sld [smem:$0x0]  }
0xa6: {  	s5 =	sand.u32 $0xFFFFFFFE, s1  }
0xa7: {  	p0 =	sne.s32 s1, s5  }
0xa8: {  	s5 =	sshll.u32 @p0 s5, $0xE  }
0xa9: {  	s5 =	sadd.s32 @p0 $0x11B8D, s5;
	s6 =	sshll.u32 @p0 s4, $0x11  }
0xaa: {  	s5 =	sor.u32 @p0 s6, s5  }
0xab: {  	[sflag:s5] =	ssyncadd.remote.s32 @p0 $0x1;
	_ =	sdelay $0x1  }
0xac: {  	s5 =	simm.s32 @p0 $0x1B8D  }
0xad: {  	_ =	swait.eq @p0 [sflag:s5], $0x1  }
0xae: {  	[sflag:s5] =	ssyncadd.s32 @p0 $0xFFFFFFFF  }
0xaf: {  	s6 =	sshll.u32 @!p0 s1, $0xE  }
0xb0: {  	s6 =	sor.u32 @!p0 $0x4000, s6;
	s5 =	simm.s32 @!p0 $0x1B8D  }
0xb1: {  	s4 =	sshll.u32 @!p0 s4, $0x11;
	s6 =	sadd.s32 @!p0 $0x11B8D, s6;
	_ =	swait.eq @!p0 [sflag:s5], $0x1  }
0xb2: {  	s4 =	sor.u32 @!p0 s4, s6;
	[sflag:s5] =	ssyncadd.s32 @!p0 $0xFFFFFFFF  }
0xb3: {  	s25 =	simm.s32 $0x1B8E;
	s24 =	sld [smem:$0x3FFE];
	[sflag:s4] =	ssyncadd.remote.s32 @!p0 $0x1  }
0xb4: {  	s26 =	simm.s32 $execute0_lowered;
	[smem:$0x3FD2] =	sst s25  }
0xb5: {  	s5 =	sshll.u32 s26, $0x1;
	_ =	strace $0x80000049;
	[dreg:$0x1] =	wrdreg $0xFFFFFFFF  }
0xb6: {  	s28 =	simm.s32 $_size_execute0_lowered;
	s3 =	sadd.s32 s3, s5;
	[dreg:$0x0] =	wrdreg $0x0  }
0xb7: {  	s5 =	sshll.u32 s28, $0x1;
	[dreg:$0x2] =	wrdreg s3  }
0xb8: {  	[dreg:$0x3] =	wrdreg s5  }
0xb9: {  	[dreg:$0x4] =	wrdreg $0xC0  }
0xba: {  	_ =	task [dreg:s22], $0x5FFFF  }
0xbb: {  	[dreg:$0x1] =	wrdreg $0xFFFFFFFF  }
0xbc: {  	[dreg:$0x0] =	wrdreg $0x60  }
0xbd: {  	[dreg:$0x2] =	wrdreg s24  }
0xbe: {  	[dreg:$0x3] =	wrdreg $0x0  }
0xbf: {  	[dreg:$0x4] =	wrdreg $0x9  }
0xc0: {  	_ =	task.clear_ibuf [dreg:s22], $0x5FFFF;
	_ =	strace $0x90000049  }
0xc1: {  	s29 =	simm.s32 $0x9;
	_ =	strace $0x8000004B  }
0xc2: {  	_ =	swait.ge [sflag:s29], $0x1  }
0xc3: {  	[sflag:s29] =	ssyncadd.s32 $0xFFFFFFFF  }
0xc4: {  	_ =	strace $0x9000004B  }
0xc5: {  	_ =	sfence  }
0xc6: {  	s30 =	sld [smem:$0x0];
	_ =	sdelay $0x2  }
0xc7: {  	s31 =	sshll.u32 s1, $0xD;
	s1 =	sshrl.u32 s1, $0x2  }
0xc8: {  	s4 =	sand.u32 $0x4000, s31;
	s1 =	sadd.s32 s1, s30  }
0xc9: {  	s0 =	sor.u32 s4, s0;
	s1 =	sshll.u32 s1, $0x11  }
0xca: {  	s0 =	sor.u32 s1, s0  }
0xcb: {  	s0 =	sadd.s32 $0x8F2B, s0  }
0xcc: {  	[sflag:s0] =	ssyncadd.remote.s32 $0x1  }
0xcd: {  	_ =	sfence.sel $0xFFFF  }
0xce: {  	[dreg:$0x0] =	wrdreg $0xFFFFFFFF;
	(pc) =	sbr.abs _section_cstart, $3  }
0xcf: {  	[dreg:$0x1] =	wrdreg $0xFFFFFFFF  }
0xd0: {  	_ =	task.clear_ibuf [dreg:s22], $0x2FFFF;
	_ =	strace $0x9FFFFFFF  }
0xd1: {  	(tm) =	ssettm $0x7FFFFFFF  }
tec
execute0_lowered:
.L_overlay_start_1:
0x0: {  	(tag) =	ssettag $0x1  }
0x1: {  	s1 =	srdreg.scid;
	s6 =	rddreg [dreg:$0x0]  }
0x2: {  	s0 =	stileid.u32;
	s2 =	rddreg [dreg:$0x1];
	s3 =	simm.s32 $0x0  }
0x3: {  	s14 =	simm.s32 $0x80;
	s16 =	simm.s32 $0x0;
	s7 =	sand.u32 $0x1, s1  }
0x4: {  	s26 =	sshll.u32 s0, $0x1;
	s1 =	rddreg [dreg:$0x2];
	s9 =	smul.u32 $0x14000, s0  }
0x5: {  	[smem:$0x7FF] =	sst s3;
	s5 =	sadd.s32 $0x64A00, s6;
	s28 =	smul.u32 $0x52000, s0  }
0x6: {  	s12 =	smul.u32 $0x50000, s0;
	s31 =	sshll.u32 s0, $0x6;
	s4 =	sor.u32 s7, s26  }
0x7: {  	s8 =	smul.u32 $0x140000, s7;
	_ =	strace $0x8000004A;
	s7 =	ssub.s32 $0x2, s7  }
0x8: {  	s4 =	smul.u32 $0x280, s4;
	s11 =	sshrl.u32 s7, $0x1;
	s29 =	sshrl.u32 s28, $0x2  }
0x9: {  	s30 =	sshrl.u32 s12, $0x2;
	s12 =	sor.u32 $0x1C01, s31;
	s8 =	sadd.s32 s9, s8  }
0xa: {  	s11 =	ssub.s32 s7, s11;
	s13 =	sadd.s32 s29, s2;
	s15 =	sadd.s32 s30, s2  }
0xb: {  	s9 =	simm.s32 $0x2900;
	s10 =	sadd.s32 s4, s6;
	s4 =	sadd.s32 $0x62000, s6  }
0xc: {  	s8 =	sshrl.u32 s8, $0x3;
	s13 =	sshrl.u32 s13, $0x3;
	s15 =	sshrl.u32 s15, $0x3  }
0xd: {  	s8 =	sadd.s32 s8, s6;
	s6 =	sadd.s32 $0xA600, s10;
	s10 =	simm.s32 $0x1  }
0xe: {  	s7 =	sadd.s32 $0x65200, s8;
	s8 =	smax.u32 s11, $0x1;
	s11 =	simm.s32 $0x3D00  }
.LBB2_1:
0xf: {  	[tilespmem:s9], [sflag:$0x1] =	stream.linear.gather [hbm4b:s6+s3], $0x1400, $0x38;
	[tilespmem:$0x7D00] =	vst v63  }
0x10: {  	_ =	swait.ge [sflag:s10], $0x1400  }
0x11: {  	[sflag:s10] =	ssyncset.done $0x0  }
0x12: {  	[sflag:s10] =	ssyncadd.s32 $0xFFFFEC00  }
0x13: {  	[tilespmem:s11], [sflag:$0x1] =	stream.linear.gather [hbm4b:s5+s3], $0x4000, $0x38;
	[tilespmem:$0x7D00] =	vst v63  }
0x14: {  	_ =	swait.ge [sflag:s10], $0x4000  }
0x15: {  	[sflag:s10] =	ssyncset.done $0x0  }
0x16: {  	[sflag:s10] =	ssyncadd.s32 $0xFFFFC000  }
0x17: {  	[spmem:s13], [sflag:s12] =	dma.local [hbm:s4], $0x2900  }
0x18: {  	_ =	swait.ge [sflag:s10], $0x2900  }
0x19: {  	[sflag:s10] =	ssyncset.done $0x0  }
0x1a: {  	[sflag:s10] =	ssyncadd.s32 $0xFFFFD700  }
0x1b: {  	s17 =	simm.s32 $0x2900;
	[bflag:$0x0] =	sbarrier.arrive $0xFFFF  }
0x1c: {  	[spmem:s2] =	stream.indirect.scatter.add.f32 [tilespmem:s11], [sflag:$0x1], $0x10, s17, s14, $0xb8;
	[tilespmem:$0x7D00] =	vst v63  }
0x1d: {  	s17 =	simm.s32 $0x200;
	_ =	swait.ge [sflag:s10], $0x800  }
.LBB2_2:
0x1e: {  	s18 =	sshra.s32 s17, $0x2;
	[sflag:s10] =	ssyncset.done $0x0;
	p0 =	sne.s32 s17, $0x4E00  }
.Ltmp0:
0x1f: {  	s18 =	sadd.s32 $0x2900, s18;
	[sflag:s10] =	ssyncadd.s32 $0xFFFFF800;
	(pc) =	sbr.rel @p0 .LBB2_2-.Ltmp0, $3  }
0x20: {  	[spmem:s2] =	stream.indirect.scatter.add.f32 [tilespmem:s11], [sflag:$0x1], $0x10, s18, s14, $0xb8;
	[tilespmem:$0x7D00] =	vst v63  }
0x21: {  	s17 =	sadd.s32 $0x200, s17;
	_ =	sdelay $0x1  }
0x22: {  	_ =	swait.ge [sflag:s10], $0x800  }
0x23: {  	[sflag:s10] =	ssyncset.done $0x0;
	s16 =	sadd.s32 $0x1, s16  }
0x24: {  	[sflag:s10] =	ssyncadd.s32 $0xFFFFF800;
	p0 =	sne.s32 s16, s8  }
.Ltmp1:
0x25: {  	[bflag:$0x0] =	sbarrier.arrive $0xFFFF;
	(pc) =	sbr.rel @p0 .LBB2_1-.Ltmp1, $4  }
0x26: {  	[hbm:s7], [sflag:s12] =	dma.local [spmem:s15], $0x2800  }
0x27: {  	_ =	swait.ge [sflag:s10], $0x2800  }
0x28: {  	[sflag:s10] =	ssyncset.done $0x0  }
0x29: {  	[sflag:s10] =	ssyncadd.s32 $0xFFFFD800  }
0x2a: {  	_ =	sfence.sel $0x180000  }
0x2b: {  	[bflag:$0x0] =	sbarrier.arrive $0xFFFF  }
0x2c: {  	p0 =	sne.s32 s0, $0x0;
	_ =	strace $0x9000004A  }
0x2d: {  	s0 =	sadd.s32 @!p0 $0x100000, s1;
	[bflag:$0x2] =	sbarrier.arrive $0xFFFF  }
0x2e: {  	[sflag:s0] =	ssyncadd.tile.s32 @!p0 $0x1;
	_ =	shalt  }
.Lfunc_end2:
_tile_overlayer_lowered:
.L_overlay_start_2:
0x2f: {  	(tag) =	ssettag $0x2  }
0x30: {  	s0 =	rddreg [dreg:$0x0];
	s2 =	stileid.u32  }
0x31: {  	s1 =	rddreg [dreg:$0x1];
	p0 =	sne.s32 s2, $0x0  }
0x32: {  	s3 =	rddreg [dreg:$0x2];
	[bflag:$0x3] =	sbarrier.arrive $0xFFFF;
	s2 =	simm.s32 @!p0 $0x1C01  }
0x33: {  	[timem:s3], [sflag:s2] =	dma.local @!p0 [hbm:s0], s1  }
0x34: {  	s0 =	simm.s32 @!p0 $0x1  }
0x35: {  	_ =	swait.ge @!p0 [sflag:s0], s1  }
0x36: {  	s1 =	ssub.s32 @!p0 $0x0, s1;
	[sflag:s0] =	ssyncset.done @!p0 $0x0  }
0x37: {  	[sflag:s0] =	ssyncadd.s32 @!p0 s1  }
0x38: {  	[bflag:$0x3] =	sbarrier.arrive $0xFFFF  }
0x39: {  	_ =	shalt  }

// kernel: kernel.17.cloned.1.call-start
scs
__scs_entry_jumppad:
0x0: {  	(pc) =	sbr.rel $0x88, $3  }
0x1: {  	(tag) =	ssettag $0x0;
	lr =	simm.s32 $0x1  }
0x2: {  	[smem:$0x3F94] =	sst lr;
	_ =	strace $0xD0000000  }
0x3: {  	_ = 	snop  }
0x4: {  	_ = 	snop  }
0x5: {  	_ = 	snop  }
0x6: {  	_ = 	snop  }
0x7: {  	_ = 	snop  }
__scs_overlays_trampoline_lowered:
0x8: {  	[smem:$0x3FA3] =	sst s0  }
0x9: {  	[smem:$0x3FA4] =	sst s1  }
0xa: {  	[smem:$0x3FA5] =	sst s2  }
0xb: {  	[smem:$0x3FA6] =	sst s3  }
0xc: {  	[smem:$0x3FA7] =	sst s4  }
0xd: {  	[smem:$0x3FA8] =	sst s5  }
0xe: {  	[smem:$0x3FA9] =	sst s6  }
0xf: {  	[smem:$0x3FAA] =	sst s7  }
0x10: {  	[smem:$0x3FAB] =	sst s8  }
0x11: {  	[smem:$0x3FAC] =	sst s9;
	s0 =	simm.s32 @!p0 $0x0  }
0x12: {  	s1 =	sld [smem:$0x3F92];
	s0 =	simm.s32 @p0 $0x1  }
0x13: {  	[smem:$0x3FAD] =	sst s0;
	s0 =	simm.s32 @!p1 $0x0  }
0x14: {  	s2 =	sld [smem:$0x3F91];
	s0 =	simm.s32 @p1 $0x1  }
0x15: {  	[smem:$0x3FAE] =	sst s0;
	s0 =	simm.s32 @!p2 $0x0  }
0x16: {  	s3 =	sld [smem:$0x3FDB];
	s0 =	simm.s32 @p2 $0x1  }
0x17: {  	s4 =	simm.s32 $0x1BF5;
	[smem:$0x3FB0] =	sst s0  }
0x18: {  	s0 =	sld [smem:$0x3F93];
	_ =	swait.ge [sflag:s4], $0x0  }
0x19: {  	s7 =	sld [smem:$0x3F94]  }
0x1a: {  	s8 =	sadd.s32 $0xFFFFE003, lr  }
0x1b: {  	s9 =	sadd.s32 $0xFFFFFEF7, lr;
	s5 =	simm.s32 $0xFFFFFFFF;
	p2 =	slt.u32 s8, $0xFFFFF086  }
0x1c: {  	p1 =	slt.u32 s9, $0xF7A;
	s5 =	simm.s32 @!p2 $0x0  }
0x1d: {  	s5 =	simm.s32 @p1 $0x1;
	p0 =	seq.s32 s7, s2  }
0x1e: {  	s7 =	smul.u32 @!p0 $0xF7A, s2;
	p2 =	seq.s32 @!p0 s5, $0x0  }
0x1f: {  	s9 =	smul.u32 $0xF7A, s1;
	s8 =	simm.s32 @!p0 $0x1BF5;
	p2 =	por !p2, p0  }
0x20: {  	[sflag:s8] =	ssyncset.s32 @!p0 $0xFFFFF086;
	s6 =	sadd.s32 @!p0 s3, s7;
	s7 =	simm.s32 @!p0 $0x108  }
0x21: {  	s3 =	sadd.s32 s3, s9;
	s6 =	sadd.s32 @!p0 $0x88, s6;
	s7 =	simm.s32 @p2 $0x1082  }
0x22: {  	[simem:s7], [sflag:s8] =	dma.local @!p0 [hbm:s6], $0xF7A  }
0x23: {  	s9 =	sor.u32 $0xD0000000, s2;
	s6 =	simm.s32 $0x108;
	_ =	swait.ge @!p0 [sflag:s8], $0x0  }
0x24: {  	s3 =	sadd.s32 $0x88, s3;
	s6 =	simm.s32 @!p1 $0x1082;
	[sflag:s4] =	ssyncset.s32 $0xFFFFF086  }
0x25: {  	[simem:s6], [sflag:s4] =	dma.local [hbm:s3], $0xF7A  }
0x26: {  	[smem:$0x3F94] =	sst s1;
	(tag) =	ssettag s2;
	_ =	strace s9  }
0x27: {  	s1 =	sld [smem:$0x3FA4]  }
0x28: {  	s2 =	sld [smem:$0x3FA5]  }
0x29: {  	s4 =	sld [smem:$0x3FA7]  }
0x2a: {  	p0 =	seq.s32 s5, $0x0;
	s5 =	sld [smem:$0x3FA8]  }
0x2b: {  	s6 =	sld [smem:$0x3FA9]  }
0x2c: {  	s7 =	sld [smem:$0x3FAA]  }
0x2d: {  	s3 =	simm.s32 $0x108;
	s8 =	sld [smem:$0x3FAB]  }
0x2e: {  	s3 =	simm.s32 @!p0 $0x1082;
	s9 =	sld [smem:$0x3FAC]  }
0x2f: {  	lr =	sadd.s32 s0, s3;
	s0 =	sld [smem:$0x3FA3]  }
0x30: {  	s3 =	sld [smem:$0x3FA6]  }
0x31: {  	[smem:$0x3FAF] =	sst s10  }
0x32: {  	s10 =	sld [smem:$0x3FAD];
	_ =	sdelay $0x3  }
0x33: {  	p0 =	seq.s32 s10, $0x1;
	s10 =	sld [smem:$0x3FAF];
	_ =	sdelay $0x3  }
0x34: {  	[smem:$0x3FAF] =	sst s10  }
0x35: {  	s10 =	sld [smem:$0x3FAE];
	_ =	sdelay $0x3  }
0x36: {  	p1 =	seq.s32 s10, $0x1;
	s10 =	sld [smem:$0x3FAF];
	_ =	sdelay $0x3  }
0x37: {  	[smem:$0x3FAF] =	sst s10  }
0x38: {  	s10 =	sld [smem:$0x3FB0]  }
0x39: {  	_ = 	snop;
	(pc) =	sbr.ind lr, $3  }
0x3a: {  	_ = 	snop  }
0x3b: {  	_ = 	snop  }
0x3c: {  	p2 =	seq.s32 s10, $0x1;
	s10 =	sld [smem:$0x3FAF]  }
0x3d: {  	_ =	shalt  }
0x3e: {  	_ =	shalt  }
0x3f: {  	_ =	shalt  }
0x40: {  	_ =	shalt  }
0x41: {  	_ =	shalt  }
0x42: {  	_ =	shalt  }
0x43: {  	_ =	shalt  }
0x44: {  	_ =	shalt  }
0x45: {  	_ =	shalt  }
0x46: {  	_ =	shalt  }
0x47: {  	_ =	shalt  }
0x48: {  	_ =	shalt  }
0x49: {  	_ =	shalt  }
0x4a: {  	_ =	shalt  }
0x4b: {  	_ =	shalt  }
0x4c: {  	_ =	shalt  }
0x4d: {  	_ =	shalt  }
0x4e: {  	_ =	shalt  }
0x4f: {  	_ =	shalt  }
0x50: {  	_ =	shalt  }
0x51: {  	_ =	shalt  }
0x52: {  	_ =	shalt  }
0x53: {  	_ =	shalt  }
0x54: {  	_ =	shalt  }
0x55: {  	_ =	shalt  }
0x56: {  	_ =	shalt  }
0x57: {  	_ =	shalt  }
0x58: {  	_ =	shalt  }
0x59: {  	_ =	shalt  }
0x5a: {  	_ =	shalt  }
0x5b: {  	_ =	shalt  }
0x5c: {  	_ =	shalt  }
0x5d: {  	_ =	shalt  }
0x5e: {  	_ =	shalt  }
0x5f: {  	_ =	shalt  }
0x60: {  	_ =	shalt  }
0x61: {  	_ =	shalt  }
0x62: {  	_ =	shalt  }
0x63: {  	_ =	shalt  }
0x64: {  	_ =	shalt  }
0x65: {  	_ =	shalt  }
0x66: {  	_ =	shalt  }
0x67: {  	_ =	shalt  }
0x68: {  	_ =	shalt  }
0x69: {  	_ =	shalt  }
0x6a: {  	_ =	shalt  }
0x6b: {  	_ =	shalt  }
0x6c: {  	_ =	shalt  }
0x6d: {  	_ =	shalt  }
0x6e: {  	_ =	shalt  }
0x6f: {  	_ =	shalt  }
0x70: {  	_ =	shalt  }
0x71: {  	_ =	shalt  }
0x72: {  	_ =	shalt  }
0x73: {  	_ =	shalt  }
0x74: {  	_ =	shalt  }
0x75: {  	_ =	shalt  }
0x76: {  	_ =	shalt  }
0x77: {  	_ =	shalt  }
0x78: {  	_ =	shalt  }
0x79: {  	_ =	shalt  }
0x7a: {  	_ =	shalt  }
0x7b: {  	_ =	shalt  }
0x7c: {  	_ =	shalt  }
0x7d: {  	_ =	shalt  }
0x7e: {  	_ =	shalt  }
0x7f: {  	_ =	shalt  }
0x80: {  	_ =	shalt  }
0x81: {  	_ =	shalt  }
0x82: {  	_ =	shalt  }
0x83: {  	_ =	shalt  }
0x84: {  	_ =	shalt  }
0x85: {  	_ =	shalt  }
0x86: {  	_ =	shalt  }
0x87: {  	_ =	shalt  }
.Lfunc_end0:
.L_simem_size_0:
called_computation.1_lowered:
.L_overlay_start_0:
0x88: {  	s2 =	sld [smem:$0x3FD9]  }
0x89: {  	s3 =	sld [smem:$0x3FFE];
	_ =	sdelay $0x1  }
0x8a: {  	s1 =	srdreg.scid  }
0x8b: {  	s0 =	sand.u32 $0x1, s1  }
0x8c: {  	s17 =	sshll.u32 s0, $0xA;
	s2 =	sadd.s32 s3, s2  }
0x8d: {  	s2 =	sadd.s32 s2, s17  }
0x8e: {  	[smem:$0x3FBB] =	sst s2  }
0x8f: {  	_ = 	snop  }
0x90: {  	s2 =	sld [smem:$0x3FD0];
	(tm) =	ssettm $0x1  }
0x91: {  	s18 =	sld [smem:$0x3FFB];
	_ =	sdelay $0x3  }
0x92: {  	_ =	strace s18  }
0x93: {  	s3 =	sld [smem:$0x3FFC];
	_ =	sdelay $0x3  }
0x94: {  	_ =	strace s3  }
0x95: {  	s3 =	sld [smem:$0x3FFD];
	_ =	sdelay $0x3  }
0x96: {  	_ =	strace s3  }
0x97: {  	_ =	strace $0x8FFFFFFF  }
0x98: {  	s19 =	sld [smem:$0x3FDB];
	_ =	sdelay $0x1  }
0x99: {  	s4 =	simm.s32 $_scs_section_size  }
0x9a: {  	s5 =	simm.s32 $_size__tile_overlayer_lowered;
	s6 =	simm.s32 $_tile_overlayer_lowered  }
0x9b: {  	s22 =	simm.s32 $0x1BFF;
	s21 =	sshll.u32 s6, $0x1;
	s3 =	sadd.s32 s4, s19  }
0x9c: {  	s7 =	simm.s32 $0x0;
	s20 =	sshll.u32 s5, $0x1;
	s5 =	sadd.s32 s21, s3  }
0x9d: {  	[timem:s7], [sflag:s22] =	dma.local [hbm:s5], s20  }
0x9e: {  	_ =	swait.ge [sflag:s22], s20  }
0x9f: {  	s4 =	ssub.s32 $0x0, s20;
	[sflag:s22] =	ssyncset.done $0x0  }
0xa0: {  	[sflag:s22] =	ssyncadd.s32 s4;
	_ =	sdelay $0x1  }
0xa1: {  	s23 =	simm.s32 $0x1B8B  }
0xa2: {  	_ =	swait.ge [sflag:s23], $0x1  }
0xa3: {  	[sflag:s23] =	ssyncset.done $0x0  }
0xa4: {  	s25 =	simm.s32 $0x1B8E;
	s24 =	sld [smem:$0x3FFE];
	[sflag:s23] =	ssyncadd.s32 $0xFFFFFFFF  }
0xa5: {  	s26 =	simm.s32 $execute0_lowered;
	[smem:$0x3FD2] =	sst s25  }
0xa6: {  	s5 =	sshll.u32 s26, $0x1;
	_ =	strace $0x80000046;
	[dreg:$0x1] =	wrdreg $0xFFFFFFFF  }
0xa7: {  	s28 =	simm.s32 $_size_execute0_lowered;
	s3 =	sadd.s32 s3, s5;
	[dreg:$0x0] =	wrdreg $0x0  }
0xa8: {  	s5 =	sshll.u32 s28, $0x1;
	[dreg:$0x2] =	wrdreg s3  }
0xa9: {  	[dreg:$0x3] =	wrdreg s5  }
0xaa: {  	[dreg:$0x4] =	wrdreg $0xC0  }
0xab: {  	_ =	task [dreg:s7], $0x5FFFF  }
0xac: {  	[dreg:$0x1] =	wrdreg $0xFFFFFFFF  }
0xad: {  	[dreg:$0x0] =	wrdreg $0x60  }
0xae: {  	[dreg:$0x2] =	wrdreg s2  }
0xaf: {  	[dreg:$0x3] =	wrdreg s24  }
0xb0: {  	[dreg:$0x4] =	wrdreg $0x0  }
0xb1: {  	[dreg:$0x5] =	wrdreg $0xA  }
0xb2: {  	_ =	task.clear_ibuf [dreg:s7], $0x6FFFF;
	_ =	strace $0x90000046  }
0xb3: {  	s29 =	simm.s32 $0xA;
	_ =	strace $0x80000048  }
0xb4: {  	_ =	swait.ge [sflag:s29], $0x1  }
0xb5: {  	[sflag:s29] =	ssyncadd.s32 $0xFFFFFFFF  }
0xb6: {  	_ =	strace $0x90000048  }
0xb7: {  	_ =	sfence  }
0xb8: {  	s30 =	sld [smem:$0x0];
	_ =	sdelay $0x2  }
0xb9: {  	s31 =	sshll.u32 s1, $0xD;
	s1 =	sshrl.u32 s1, $0x2  }
0xba: {  	s3 =	sand.u32 $0x4000, s31;
	s1 =	sadd.s32 s1, s30  }
0xbb: {  	s0 =	sor.u32 s3, s0;
	s1 =	sshll.u32 s1, $0x11  }
0xbc: {  	s0 =	sor.u32 s1, s0  }
0xbd: {  	s0 =	sadd.s32 $0x8F2B, s0  }
0xbe: {  	[sflag:s0] =	ssyncadd.remote.s32 $0x1  }
0xbf: {  	_ =	sfence.sel $0xFFFF  }
0xc0: {  	[dreg:$0x0] =	wrdreg $0xFFFFFFFF;
	(pc) =	sbr.abs _section_cstart, $3  }
0xc1: {  	[dreg:$0x1] =	wrdreg $0xFFFFFFFF  }
0xc2: {  	_ =	task.clear_ibuf [dreg:s7], $0x2FFFF;
	_ =	strace $0x9FFFFFFF  }
0xc3: {  	(tm) =	ssettm $0x7FFFFFFF  }
tec
execute0_lowered:
.L_overlay_start_1:
0x0: {  	(tag) =	ssettag $0x1  }
0x1: {  	s1 =	rddreg [dreg:$0x0]  }
0x2: {  	s2 =	srdreg.scid;
	s7 =	rddreg [dreg:$0x1]  }
0x3: {  	s0 =	stileid.u32;
	s3 =	rddreg [dreg:$0x2];
	s4 =	simm.s32 $0x0  }
0x4: {  	s13 =	simm.s32 $0x80;
	s14 =	simm.s32 $0x17000;
	s15 =	simm.s32 $0x14880  }
0x5: {  	s16 =	simm.s32 $0x1B000;
	s19 =	simm.s32 $0x1;
	s20 =	simm.s32 $0x2  }
0x6: {  	s21 =	simm.s32 $0x3;
	s22 =	simm.s32 $0x4;
	s23 =	simm.s32 $0x16F00  }
0x7: {  	s24 =	simm.s32 $0x16F80;
	s26 =	simm.s32 $0x0;
	s9 =	smul.u32 $0x14000, s0  }
0x8: {  	s6 =	sand.u32 $0x1, s2;
	s28 =	sshll.u32 s0, $0x1;
	s29 =	smul.u32 $0x52000, s0  }
0x9: {  	[smem:$0x7FF] =	sst s4;
	s11 =	smul.u32 $0x50000, s0;
	s17 =	sshll.u32 s0, $0x6  }
0xa: {  	s2 =	sor.u32 s6, s28;
	s8 =	smul.u32 $0x140000, s6;
	s6 =	ssub.s32 $0x2, s6  }
0xb: {  	s17 =	sor.u32 $0x1C05, s17;
	s5 =	smul.u32 $0x280, s2;
	s2 =	rddreg [dreg:$0x3]  }
0xc: {  	_ =	strace $0x80000047;
	s30 =	sshrl.u32 s6, $0x1;
	s31 =	sshrl.u32 s11, $0x2  }
0xd: {  	s11 =	simm.s32 $0x5;
	s8 =	sadd.s32 s9, s8;
	s12 =	ssub.s32 s6, s30  }
0xe: {  	s9 =	sshrl.u32 s29, $0x2;
	s25 =	sadd.s32 s31, s3;
	s10 =	sadd.s32 s5, s7  }
0xf: {  	s5 =	sadd.s32 $0xF600, s7;
	s8 =	sshrl.u32 s8, $0x3;
	s18 =	sadd.s32 s9, s3  }
0x10: {  	s9 =	smax.u32 s12, $0x1;
	s12 =	simm.s32 $0x15C00;
	s25 =	sshrl.u32 s25, $0x3  }
0x11: {  	s8 =	sadd.s32 s8, s7;
	s6 =	sadd.s32 $0x5600, s10;
	s7 =	sadd.s32 $0xA600, s10  }
0x12: {  	s10 =	simm.s32 $0x14800;
	s18 =	sshrl.u32 s18, $0x3;
	s8 =	sadd.s32 $0x12000, s8  }
.LBB2_1:
0x13: {  	[tilespmem:s10], [sflag:$0x5] =	stream.linear.gather [hbm4b:s6+s4], $0x1400, $0x38;
	[tilespmem:$0x1F000] =	vst v63  }
0x14: {  	_ =	swait.ge [sflag:s11], $0x1400  }
0x15: {  	[sflag:s11] =	ssyncset.done $0x0  }
0x16: {  	[sflag:s11] =	ssyncadd.s32 $0xFFFFEC00  }
0x17: {  	[tilespmem:s12], [sflag:$0x5] =	stream.linear.gather [hbm4b:s7+s4], $0x1400, $0x38;
	[tilespmem:$0x1F000] =	vst v63  }
0x18: {  	_ =	swait.ge [sflag:s11], $0x1400  }
0x19: {  	[sflag:s11] =	ssyncset.done $0x0  }
0x1a: {  	[sflag:s11] =	ssyncadd.s32 $0xFFFFEC00  }
0x1b: {  	[tilespmem:s14], [sflag:$0x1] =	stream.indirect.gather [hbm4b:s1+s13], $0x80, s10, s13, $0xb8;
	[tilespmem:$0x1F000] =	vst v63  }
0x1c: {  	_ = 	snop  }
0x1d: {  	[tilespmem:s16], [sflag:$0x2] =	stream.indirect.gather [hbm4b:s1+s13], $0x80, s15, s13, $0xb8;
	[tilespmem:$0x1F000] =	vst v63  }
0x1e: {  	[spmem:s18], [sflag:s17] =	dma.local [hbm:s5], $0x2900  }
0x1f: {  	_ =	swait.ge [sflag:s11], $0x2900  }
0x20: {  	[sflag:s11] =	ssyncset.done $0x0  }
0x21: {  	[sflag:s11] =	ssyncadd.s32 $0xFFFFD700  }
0x22: {  	[bflag:$0x0] =	sbarrier.arrive $0xFFFF  }
0x23: {  	_ =	swait.ge [sflag:s19], $0x4000  }
0x24: {  	[sflag:s19] =	ssyncset.done $0x0  }
0x25: {  	s28 =	simm.s32 $0x15C00;
	[sflag:s19] =	ssyncadd.s32 $0xFFFFC000  }
0x26: {  	[spmem:s3] =	stream.indirect.scatter.add.f32 [tilespmem:s14], [sflag:$0x3], $0x80, s28, s13, $0xb8;
	[tilespmem:$0x1F000] =	vst v63  }
0x27: {  	_ =	swait.ge [sflag:s20], $0x4000  }
0x28: {  	[sflag:s20] =	ssyncset.done $0x0  }
0x29: {  	s28 =	simm.s32 $0x15C80;
	[sflag:s20] =	ssyncadd.s32 $0xFFFFC000  }
0x2a: {  	[spmem:s3] =	stream.indirect.scatter.add.f32 [tilespmem:s16], [sflag:$0x4], $0x80, s28, s13, $0xb8;
	[tilespmem:$0x1F000] =	vst v63  }
0x2b: {  	_ =	swait.ge [sflag:s21], $0x4000  }
0x2c: {  	[sflag:s21] =	ssyncset.done $0x0  }
0x2d: {  	s28 =	simm.s32 $0x14900;
	[sflag:s21] =	ssyncadd.s32 $0xFFFFC000  }
0x2e: {  	[tilespmem:s14], [sflag:$0x1] =	stream.indirect.gather [hbm4b:s1+s13], $0x80, s28, s13, $0xb8;
	[tilespmem:$0x1F000] =	vst v63  }
0x2f: {  	_ =	swait.ge [sflag:s22], $0x4000  }
0x30: {  	[sflag:s22] =	ssyncset.done $0x0  }
0x31: {  	s29 =	simm.s32 $0x14980;
	s28 =	simm.s32 $0x400;
	[sflag:s22] =	ssyncadd.s32 $0xFFFFC000  }
.LBB2_2:
0x32: {  	[tilespmem:s16], [sflag:$0x2] =	stream.indirect.gather [hbm4b:s1+s13], $0x80, s29, s13, $0xb8;
	[tilespmem:$0x1F000] =	vst v63  }
0x33: {  	s29 =	smov.u32 s28  }
0x34: {  	p0 =	sne.s32 s28, $0x4800;
	s28 =	sadd.s32 $0x400, s28;
	_ =	swait.ge [sflag:s19], $0x4000  }
0x35: {  	s29 =	sshra.s32 s29, $0x2;
	[sflag:s19] =	ssyncset.done $0x0  }
0x36: {  	s30 =	sadd.s32 $0x15C00, s29;
	[sflag:s19] =	ssyncadd.s32 $0xFFFFC000  }
0x37: {  	[spmem:s3] =	stream.indirect.scatter.add.f32 [tilespmem:s14], [sflag:$0x3], $0x80, s30, s13, $0xb8;
	[tilespmem:$0x1F000] =	vst v63  }
0x38: {  	_ =	swait.ge [sflag:s20], $0x4000  }
0x39: {  	[sflag:s20] =	ssyncset.done $0x0  }
0x3a: {  	s30 =	sadd.s32 $0x15C80, s29;
	[sflag:s20] =	ssyncadd.s32 $0xFFFFC000  }
0x3b: {  	[spmem:s3] =	stream.indirect.scatter.add.f32 [tilespmem:s16], [sflag:$0x4], $0x80, s30, s13, $0xb8;
	[tilespmem:$0x1F000] =	vst v63  }
0x3c: {  	_ =	swait.ge [sflag:s21], $0x4000  }
0x3d: {  	[sflag:s21] =	ssyncset.done $0x0  }
.Ltmp0:
0x3e: {  	s30 =	sadd.s32 $0x14900, s29;
	[sflag:s21] =	ssyncadd.s32 $0xFFFFC000;
	(pc) =	sbr.rel @p0 .LBB2_2-.Ltmp0, $4  }
0x3f: {  	[tilespmem:s14], [sflag:$0x1] =	stream.indirect.gather [hbm4b:s1+s13], $0x80, s30, s13, $0xb8;
	[tilespmem:$0x1F000] =	vst v63  }
0x40: {  	_ =	swait.ge [sflag:s22], $0x4000  }
0x41: {  	[sflag:s22] =	ssyncset.done $0x0  }
0x42: {  	s29 =	sadd.s32 $0x14980, s29;
	[sflag:s22] =	ssyncadd.s32 $0xFFFFC000  }
0x43: {  	[tilespmem:s16], [sflag:$0x2] =	stream.indirect.gather [hbm4b:s1+s13], $0x80, s29, s13, $0xb8;
	[tilespmem:$0x1F000] =	vst v63  }
0x44: {  	_ =	swait.ge [sflag:s19], $0x4000  }
0x45: {  	[sflag:s19] =	ssyncset.done $0x0  }
0x46: {  	[sflag:s19] =	ssyncadd.s32 $0xFFFFC000  }
0x47: {  	[spmem:s3] =	stream.indirect.scatter.add.f32 [tilespmem:s14], [sflag:$0x3], $0x80, s23, s13, $0xb8;
	[tilespmem:$0x1F000] =	vst v63  }
0x48: {  	_ =	swait.ge [sflag:s20], $0x4000  }
0x49: {  	[sflag:s20] =	ssyncset.done $0x0  }
0x4a: {  	[sflag:s20] =	ssyncadd.s32 $0xFFFFC000  }
0x4b: {  	[spmem:s3] =	stream.indirect.scatter.add.f32 [tilespmem:s16], [sflag:$0x4], $0x80, s24, s13, $0xb8;
	[tilespmem:$0x1F000] =	vst v63  }
0x4c: {  	_ =	swait.ge [sflag:s21], $0x4000  }
0x4d: {  	[sflag:s21] =	ssyncset.done $0x0  }
0x4e: {  	[sflag:s21] =	ssyncadd.s32 $0xFFFFC000  }
0x4f: {  	_ =	swait.ge [sflag:s22], $0x4000  }
0x50: {  	s26 =	sadd.s32 $0x1, s26;
	[sflag:s22] =	ssyncset.done $0x0  }
0x51: {  	p0 =	sne.s32 s26, s9;
	[sflag:s22] =	ssyncadd.s32 $0xFFFFC000  }
.Ltmp1:
0x52: {  	[bflag:$0x0] =	sbarrier.arrive $0xFFFF;
	(pc) =	sbr.rel @p0 .LBB2_1-.Ltmp1, $4  }
0x53: {  	[hbm:s8], [sflag:s17] =	dma.local [spmem:s25], $0x2800  }
0x54: {  	_ =	swait.ge [sflag:s11], $0x2800  }
0x55: {  	[sflag:s11] =	ssyncset.done $0x0  }
0x56: {  	[sflag:s11] =	ssyncadd.s32 $0xFFFFD800  }
0x57: {  	_ =	sfence.sel $0x180000  }
0x58: {  	[bflag:$0x0] =	sbarrier.arrive $0xFFFF  }
0x59: {  	p0 =	sne.s32 s0, $0x0;
	_ =	strace $0x90000047  }
0x5a: {  	s0 =	sadd.s32 @!p0 $0x100000, s2;
	[bflag:$0x2] =	sbarrier.arrive $0xFFFF  }
0x5b: {  	[sflag:s0] =	ssyncadd.tile.s32 @!p0 $0x1;
	_ =	shalt  }
.Lfunc_end2:
_tile_overlayer_lowered:
.L_overlay_start_2:
0x5c: {  	(tag) =	ssettag $0x2  }
0x5d: {  	s0 =	rddreg [dreg:$0x0];
	s2 =	stileid.u32  }
0x5e: {  	s1 =	rddreg [dreg:$0x1];
	p0 =	sne.s32 s2, $0x0  }
0x5f: {  	s3 =	rddreg [dreg:$0x2];
	[bflag:$0x3] =	sbarrier.arrive $0xFFFF;
	s2 =	simm.s32 @!p0 $0x1C05  }
0x60: {  	[timem:s3], [sflag:s2] =	dma.local @!p0 [hbm:s0], s1  }
0x61: {  	s0 =	simm.s32 @!p0 $0x5  }
0x62: {  	_ =	swait.ge @!p0 [sflag:s0], s1  }
0x63: {  	s1 =	ssub.s32 @!p0 $0x0, s1;
	[sflag:s0] =	ssyncset.done @!p0 $0x0  }
0x64: {  	[sflag:s0] =	ssyncadd.s32 @!p0 s1  }
0x65: {  	[bflag:$0x3] =	sbarrier.arrive $0xFFFF  }
0x66: {  	_ =	shalt  }

// kernel: kernel.20.cloned.1.call-start
scs
__scs_entry_jumppad:
0x0: {  	(pc) =	sbr.rel $0x88, $3  }
0x1: {  	(tag) =	ssettag $0x0;
	lr =	simm.s32 $0x1  }
0x2: {  	[smem:$0x3F94] =	sst lr;
	_ =	strace $0xD0000000  }
0x3: {  	_ = 	snop  }
0x4: {  	_ = 	snop  }
0x5: {  	_ = 	snop  }
0x6: {  	_ = 	snop  }
0x7: {  	_ = 	snop  }
__scs_overlays_trampoline_lowered:
0x8: {  	[smem:$0x3FA3] =	sst s0  }
0x9: {  	[smem:$0x3FA4] =	sst s1  }
0xa: {  	[smem:$0x3FA5] =	sst s2  }
0xb: {  	[smem:$0x3FA6] =	sst s3  }
0xc: {  	[smem:$0x3FA7] =	sst s4  }
0xd: {  	[smem:$0x3FA8] =	sst s5  }
0xe: {  	[smem:$0x3FA9] =	sst s6  }
0xf: {  	[smem:$0x3FAA] =	sst s7  }
0x10: {  	[smem:$0x3FAB] =	sst s8  }
0x11: {  	[smem:$0x3FAC] =	sst s9;
	s0 =	simm.s32 @!p0 $0x0  }
0x12: {  	s1 =	sld [smem:$0x3F92];
	s0 =	simm.s32 @p0 $0x1  }
0x13: {  	[smem:$0x3FAD] =	sst s0;
	s0 =	simm.s32 @!p1 $0x0  }
0x14: {  	s2 =	sld [smem:$0x3F91];
	s0 =	simm.s32 @p1 $0x1  }
0x15: {  	[smem:$0x3FAE] =	sst s0;
	s0 =	simm.s32 @!p2 $0x0  }
0x16: {  	s3 =	sld [smem:$0x3FDB];
	s0 =	simm.s32 @p2 $0x1  }
0x17: {  	s4 =	simm.s32 $0x1BF5;
	[smem:$0x3FB0] =	sst s0  }
0x18: {  	s0 =	sld [smem:$0x3F93];
	_ =	swait.ge [sflag:s4], $0x0  }
0x19: {  	s7 =	sld [smem:$0x3F94]  }
0x1a: {  	s8 =	sadd.s32 $0xFFFFE003, lr  }
0x1b: {  	s9 =	sadd.s32 $0xFFFFFEF7, lr;
	s5 =	simm.s32 $0xFFFFFFFF;
	p2 =	slt.u32 s8, $0xFFFFF086  }
0x1c: {  	p1 =	slt.u32 s9, $0xF7A;
	s5 =	simm.s32 @!p2 $0x0  }
0x1d: {  	s5 =	simm.s32 @p1 $0x1;
	p0 =	seq.s32 s7, s2  }
0x1e: {  	s7 =	smul.u32 @!p0 $0xF7A, s2;
	p2 =	seq.s32 @!p0 s5, $0x0  }
0x1f: {  	s9 =	smul.u32 $0xF7A, s1;
	s8 =	simm.s32 @!p0 $0x1BF5;
	p2 =	por !p2, p0  }
0x20: {  	[sflag:s8] =	ssyncset.s32 @!p0 $0xFFFFF086;
	s6 =	sadd.s32 @!p0 s3, s7;
	s7 =	simm.s32 @!p0 $0x108  }
0x21: {  	s3 =	sadd.s32 s3, s9;
	s6 =	sadd.s32 @!p0 $0x88, s6;
	s7 =	simm.s32 @p2 $0x1082  }
0x22: {  	[simem:s7], [sflag:s8] =	dma.local @!p0 [hbm:s6], $0xF7A  }
0x23: {  	s9 =	sor.u32 $0xD0000000, s2;
	s6 =	simm.s32 $0x108;
	_ =	swait.ge @!p0 [sflag:s8], $0x0  }
0x24: {  	s3 =	sadd.s32 $0x88, s3;
	s6 =	simm.s32 @!p1 $0x1082;
	[sflag:s4] =	ssyncset.s32 $0xFFFFF086  }
0x25: {  	[simem:s6], [sflag:s4] =	dma.local [hbm:s3], $0xF7A  }
0x26: {  	[smem:$0x3F94] =	sst s1;
	(tag) =	ssettag s2;
	_ =	strace s9  }
0x27: {  	s1 =	sld [smem:$0x3FA4]  }
0x28: {  	s2 =	sld [smem:$0x3FA5]  }
0x29: {  	s4 =	sld [smem:$0x3FA7]  }
0x2a: {  	p0 =	seq.s32 s5, $0x0;
	s5 =	sld [smem:$0x3FA8]  }
0x2b: {  	s6 =	sld [smem:$0x3FA9]  }
0x2c: {  	s7 =	sld [smem:$0x3FAA]  }
0x2d: {  	s3 =	simm.s32 $0x108;
	s8 =	sld [smem:$0x3FAB]  }
0x2e: {  	s3 =	simm.s32 @!p0 $0x1082;
	s9 =	sld [smem:$0x3FAC]  }
0x2f: {  	lr =	sadd.s32 s0, s3;
	s0 =	sld [smem:$0x3FA3]  }
0x30: {  	s3 =	sld [smem:$0x3FA6]  }
0x31: {  	[smem:$0x3FAF] =	sst s10  }
0x32: {  	s10 =	sld [smem:$0x3FAD];
	_ =	sdelay $0x3  }
0x33: {  	p0 =	seq.s32 s10, $0x1;
	s10 =	sld [smem:$0x3FAF];
	_ =	sdelay $0x3  }
0x34: {  	[smem:$0x3FAF] =	sst s10  }
0x35: {  	s10 =	sld [smem:$0x3FAE];
	_ =	sdelay $0x3  }
0x36: {  	p1 =	seq.s32 s10, $0x1;
	s10 =	sld [smem:$0x3FAF];
	_ =	sdelay $0x3  }
0x37: {  	[smem:$0x3FAF] =	sst s10  }
0x38: {  	s10 =	sld [smem:$0x3FB0]  }
0x39: {  	_ = 	snop;
	(pc) =	sbr.ind lr, $3  }
0x3a: {  	_ = 	snop  }
0x3b: {  	_ = 	snop  }
0x3c: {  	p2 =	seq.s32 s10, $0x1;
	s10 =	sld [smem:$0x3FAF]  }
0x3d: {  	_ =	shalt  }
0x3e: {  	_ =	shalt  }
0x3f: {  	_ =	shalt  }
0x40: {  	_ =	shalt  }
0x41: {  	_ =	shalt  }
0x42: {  	_ =	shalt  }
0x43: {  	_ =	shalt  }
0x44: {  	_ =	shalt  }
0x45: {  	_ =	shalt  }
0x46: {  	_ =	shalt  }
0x47: {  	_ =	shalt  }
0x48: {  	_ =	shalt  }
0x49: {  	_ =	shalt  }
0x4a: {  	_ =	shalt  }
0x4b: {  	_ =	shalt  }
0x4c: {  	_ =	shalt  }
0x4d: {  	_ =	shalt  }
0x4e: {  	_ =	shalt  }
0x4f: {  	_ =	shalt  }
0x50: {  	_ =	shalt  }
0x51: {  	_ =	shalt  }
0x52: {  	_ =	shalt  }
0x53: {  	_ =	shalt  }
0x54: {  	_ =	shalt  }
0x55: {  	_ =	shalt  }
0x56: {  	_ =	shalt  }
0x57: {  	_ =	shalt  }
0x58: {  	_ =	shalt  }
0x59: {  	_ =	shalt  }
0x5a: {  	_ =	shalt  }
0x5b: {  	_ =	shalt  }
0x5c: {  	_ =	shalt  }
0x5d: {  	_ =	shalt  }
0x5e: {  	_ =	shalt  }
0x5f: {  	_ =	shalt  }
0x60: {  	_ =	shalt  }
0x61: {  	_ =	shalt  }
0x62: {  	_ =	shalt  }
0x63: {  	_ =	shalt  }
0x64: {  	_ =	shalt  }
0x65: {  	_ =	shalt  }
0x66: {  	_ =	shalt  }
0x67: {  	_ =	shalt  }
0x68: {  	_ =	shalt  }
0x69: {  	_ =	shalt  }
0x6a: {  	_ =	shalt  }
0x6b: {  	_ =	shalt  }
0x6c: {  	_ =	shalt  }
0x6d: {  	_ =	shalt  }
0x6e: {  	_ =	shalt  }
0x6f: {  	_ =	shalt  }
0x70: {  	_ =	shalt  }
0x71: {  	_ =	shalt  }
0x72: {  	_ =	shalt  }
0x73: {  	_ =	shalt  }
0x74: {  	_ =	shalt  }
0x75: {  	_ =	shalt  }
0x76: {  	_ =	shalt  }
0x77: {  	_ =	shalt  }
0x78: {  	_ =	shalt  }
0x79: {  	_ =	shalt  }
0x7a: {  	_ =	shalt  }
0x7b: {  	_ =	shalt  }
0x7c: {  	_ =	shalt  }
0x7d: {  	_ =	shalt  }
0x7e: {  	_ =	shalt  }
0x7f: {  	_ =	shalt  }
0x80: {  	_ =	shalt  }
0x81: {  	_ =	shalt  }
0x82: {  	_ =	shalt  }
0x83: {  	_ =	shalt  }
0x84: {  	_ =	shalt  }
0x85: {  	_ =	shalt  }
0x86: {  	_ =	shalt  }
0x87: {  	_ =	shalt  }
.Lfunc_end0:
.L_simem_size_0:
called_computation.2_lowered:
.L_overlay_start_0:
0x88: {  	s2 =	sld [smem:$0x3FD9]  }
0x89: {  	s3 =	sld [smem:$0x3FFE];
	_ =	sdelay $0x1  }
0x8a: {  	s1 =	srdreg.scid  }
0x8b: {  	s0 =	sand.u32 $0x1, s1  }
0x8c: {  	s17 =	sshll.u32 s0, $0xA;
	s2 =	sadd.s32 s3, s2  }
0x8d: {  	s2 =	sadd.s32 s2, s17  }
0x8e: {  	[smem:$0x3FBB] =	sst s2  }
0x8f: {  	_ = 	snop  }
0x90: {  	s2 =	sld [smem:$0x3FD0];
	(tm) =	ssettm $0x1  }
0x91: {  	s18 =	sld [smem:$0x3FFB];
	_ =	sdelay $0x3  }
0x92: {  	_ =	strace s18  }
0x93: {  	s3 =	sld [smem:$0x3FFC];
	_ =	sdelay $0x3  }
0x94: {  	_ =	strace s3  }
0x95: {  	s3 =	sld [smem:$0x3FFD];
	_ =	sdelay $0x3  }
0x96: {  	_ =	strace s3  }
0x97: {  	_ =	strace $0x8FFFFFFF  }
0x98: {  	s19 =	sld [smem:$0x3FDB];
	_ =	sdelay $0x1  }
0x99: {  	s4 =	simm.s32 $_scs_section_size  }
0x9a: {  	s5 =	simm.s32 $_size__tile_overlayer_lowered;
	s6 =	simm.s32 $_tile_overlayer_lowered  }
0x9b: {  	s22 =	simm.s32 $0x1BFF;
	s21 =	sshll.u32 s6, $0x1;
	s3 =	sadd.s32 s4, s19  }
0x9c: {  	s7 =	simm.s32 $0x0;
	s20 =	sshll.u32 s5, $0x1;
	s5 =	sadd.s32 s21, s3  }
0x9d: {  	[timem:s7], [sflag:s22] =	dma.local [hbm:s5], s20  }
0x9e: {  	_ =	swait.ge [sflag:s22], s20  }
0x9f: {  	s4 =	ssub.s32 $0x0, s20;
	[sflag:s22] =	ssyncset.done $0x0  }
0xa0: {  	[sflag:s22] =	ssyncadd.s32 s4;
	_ =	sdelay $0x1  }
0xa1: {  	s23 =	simm.s32 $0x1B8B  }
0xa2: {  	_ =	swait.ge [sflag:s23], $0x1  }
0xa3: {  	[sflag:s23] =	ssyncset.done $0x0  }
0xa4: {  	s25 =	simm.s32 $0x1B8E;
	s24 =	sld [smem:$0x3FFE];
	[sflag:s23] =	ssyncadd.s32 $0xFFFFFFFF  }
0xa5: {  	s26 =	simm.s32 $execute0_lowered;
	[smem:$0x3FD2] =	sst s25  }
0xa6: {  	s5 =	sshll.u32 s26, $0x1;
	_ =	strace $0x8000004C;
	[dreg:$0x1] =	wrdreg $0xFFFFFFFF  }
0xa7: {  	s28 =	simm.s32 $_size_execute0_lowered;
	s3 =	sadd.s32 s3, s5;
	[dreg:$0x0] =	wrdreg $0x0  }
0xa8: {  	s5 =	sshll.u32 s28, $0x1;
	[dreg:$0x2] =	wrdreg s3  }
0xa9: {  	[dreg:$0x3] =	wrdreg s5  }
0xaa: {  	[dreg:$0x4] =	wrdreg $0xC0  }
0xab: {  	_ =	task [dreg:s7], $0x5FFFF  }
0xac: {  	[dreg:$0x1] =	wrdreg $0xFFFFFFFF  }
0xad: {  	[dreg:$0x0] =	wrdreg $0x60  }
0xae: {  	[dreg:$0x2] =	wrdreg s2  }
0xaf: {  	[dreg:$0x3] =	wrdreg s24  }
0xb0: {  	[dreg:$0x4] =	wrdreg $0x0  }
0xb1: {  	[dreg:$0x5] =	wrdreg $0x9  }
0xb2: {  	_ =	task.clear_ibuf [dreg:s7], $0x6FFFF;
	_ =	strace $0x9000004C  }
0xb3: {  	s29 =	simm.s32 $0x9;
	_ =	strace $0x8000004E  }
0xb4: {  	_ =	swait.ge [sflag:s29], $0x1  }
0xb5: {  	[sflag:s29] =	ssyncadd.s32 $0xFFFFFFFF  }
0xb6: {  	_ =	strace $0x9000004E  }
0xb7: {  	_ =	sfence  }
0xb8: {  	s30 =	sld [smem:$0x0];
	_ =	sdelay $0x2  }
0xb9: {  	s31 =	sshll.u32 s1, $0xD;
	s1 =	sshrl.u32 s1, $0x2  }
0xba: {  	s3 =	sand.u32 $0x4000, s31;
	s1 =	sadd.s32 s1, s30  }
0xbb: {  	s0 =	sor.u32 s3, s0;
	s1 =	sshll.u32 s1, $0x11  }
0xbc: {  	s0 =	sor.u32 s1, s0  }
0xbd: {  	s0 =	sadd.s32 $0x8F2B, s0  }
0xbe: {  	[sflag:s0] =	ssyncadd.remote.s32 $0x1  }
0xbf: {  	_ =	sfence.sel $0xFFFF  }
0xc0: {  	[dreg:$0x0] =	wrdreg $0xFFFFFFFF;
	(pc) =	sbr.abs _section_cstart, $3  }
0xc1: {  	[dreg:$0x1] =	wrdreg $0xFFFFFFFF  }
0xc2: {  	_ =	task.clear_ibuf [dreg:s7], $0x2FFFF;
	_ =	strace $0x9FFFFFFF  }
0xc3: {  	(tm) =	ssettm $0x7FFFFFFF  }
tec
execute0_lowered:
.L_overlay_start_1:
0x0: {  	(tag) =	ssettag $0x1  }
0x1: {  	s1 =	rddreg [dreg:$0x0]  }
0x2: {  	s2 =	srdreg.scid;
	s7 =	rddreg [dreg:$0x1]  }
0x3: {  	s0 =	stileid.u32;
	s3 =	rddreg [dreg:$0x2];
	s4 =	simm.s32 $0x0  }
0x4: {  	s13 =	simm.s32 $0x80;
	s14 =	simm.s32 $0x17000;
	s15 =	simm.s32 $0x14880  }
0x5: {  	s16 =	simm.s32 $0x1B000;
	s19 =	simm.s32 $0x1;
	s20 =	simm.s32 $0x2  }
0x6: {  	s21 =	simm.s32 $0x3;
	s22 =	simm.s32 $0x4;
	s23 =	simm.s32 $0x16F00  }
0x7: {  	s24 =	simm.s32 $0x16F80;
	s26 =	simm.s32 $0x0;
	s9 =	smul.u32 $0x14000, s0  }
0x8: {  	s6 =	sand.u32 $0x1, s2;
	s28 =	sshll.u32 s0, $0x1;
	s29 =	smul.u32 $0x52000, s0  }
0x9: {  	[smem:$0x7FF] =	sst s4;
	s11 =	smul.u32 $0x50000, s0;
	s17 =	sshll.u32 s0, $0x6  }
0xa: {  	s2 =	sor.u32 s6, s28;
	s8 =	smul.u32 $0x140000, s6;
	s6 =	ssub.s32 $0x2, s6  }
0xb: {  	s17 =	sor.u32 $0x1C05, s17;
	s5 =	smul.u32 $0x280, s2;
	s2 =	rddreg [dreg:$0x3]  }
0xc: {  	_ =	strace $0x8000004D;
	s30 =	sshrl.u32 s6, $0x1;
	s31 =	sshrl.u32 s11, $0x2  }
0xd: {  	s11 =	simm.s32 $0x5;
	s8 =	sadd.s32 s9, s8;
	s12 =	ssub.s32 s6, s30  }
0xe: {  	s9 =	sshrl.u32 s29, $0x2;
	s25 =	sadd.s32 s31, s3;
	s10 =	sadd.s32 s5, s7  }
0xf: {  	s5 =	sadd.s32 $0xF600, s7;
	s8 =	sshrl.u32 s8, $0x3;
	s18 =	sadd.s32 s9, s3  }
0x10: {  	s9 =	smax.u32 s12, $0x1;
	s12 =	simm.s32 $0x15C00;
	s25 =	sshrl.u32 s25, $0x3  }
0x11: {  	s8 =	sadd.s32 s8, s7;
	s6 =	sadd.s32 $0x5600, s10;
	s7 =	sadd.s32 $0xA600, s10  }
0x12: {  	s10 =	simm.s32 $0x14800;
	s18 =	sshrl.u32 s18, $0x3;
	s8 =	sadd.s32 $0x12000, s8  }
.LBB2_1:
0x13: {  	[tilespmem:s10], [sflag:$0x5] =	stream.linear.gather [hbm4b:s6+s4], $0x1400, $0x38;
	[tilespmem:$0x1F000] =	vst v63  }
0x14: {  	_ =	swait.ge [sflag:s11], $0x1400  }
0x15: {  	[sflag:s11] =	ssyncset.done $0x0  }
0x16: {  	[sflag:s11] =	ssyncadd.s32 $0xFFFFEC00  }
0x17: {  	[tilespmem:s12], [sflag:$0x5] =	stream.linear.gather [hbm4b:s7+s4], $0x1400, $0x38;
	[tilespmem:$0x1F000] =	vst v63  }
0x18: {  	_ =	swait.ge [sflag:s11], $0x1400  }
0x19: {  	[sflag:s11] =	ssyncset.done $0x0  }
0x1a: {  	[sflag:s11] =	ssyncadd.s32 $0xFFFFEC00  }
0x1b: {  	[tilespmem:s14], [sflag:$0x1] =	stream.indirect.gather [hbm4b:s1+s13], $0x80, s10, s13, $0xb8;
	[tilespmem:$0x1F000] =	vst v63  }
0x1c: {  	_ = 	snop  }
0x1d: {  	[tilespmem:s16], [sflag:$0x2] =	stream.indirect.gather [hbm4b:s1+s13], $0x80, s15, s13, $0xb8;
	[tilespmem:$0x1F000] =	vst v63  }
0x1e: {  	[spmem:s18], [sflag:s17] =	dma.local [hbm:s5], $0x2900  }
0x1f: {  	_ =	swait.ge [sflag:s11], $0x2900  }
0x20: {  	[sflag:s11] =	ssyncset.done $0x0  }
0x21: {  	[sflag:s11] =	ssyncadd.s32 $0xFFFFD700  }
0x22: {  	[bflag:$0x0] =	sbarrier.arrive $0xFFFF  }
0x23: {  	_ =	swait.ge [sflag:s19], $0x4000  }
0x24: {  	[sflag:s19] =	ssyncset.done $0x0  }
0x25: {  	s28 =	simm.s32 $0x15C00;
	[sflag:s19] =	ssyncadd.s32 $0xFFFFC000  }
0x26: {  	[spmem:s3] =	stream.indirect.scatter.add.f32 [tilespmem:s14], [sflag:$0x3], $0x80, s28, s13, $0xb8;
	[tilespmem:$0x1F000] =	vst v63  }
0x27: {  	_ =	swait.ge [sflag:s20], $0x4000  }
0x28: {  	[sflag:s20] =	ssyncset.done $0x0  }
0x29: {  	s28 =	simm.s32 $0x15C80;
	[sflag:s20] =	ssyncadd.s32 $0xFFFFC000  }
0x2a: {  	[spmem:s3] =	stream.indirect.scatter.add.f32 [tilespmem:s16], [sflag:$0x4], $0x80, s28, s13, $0xb8;
	[tilespmem:$0x1F000] =	vst v63  }
0x2b: {  	_ =	swait.ge [sflag:s21], $0x4000  }
0x2c: {  	[sflag:s21] =	ssyncset.done $0x0  }
0x2d: {  	s28 =	simm.s32 $0x14900;
	[sflag:s21] =	ssyncadd.s32 $0xFFFFC000  }
0x2e: {  	[tilespmem:s14], [sflag:$0x1] =	stream.indirect.gather [hbm4b:s1+s13], $0x80, s28, s13, $0xb8;
	[tilespmem:$0x1F000] =	vst v63  }
0x2f: {  	_ =	swait.ge [sflag:s22], $0x4000  }
0x30: {  	[sflag:s22] =	ssyncset.done $0x0  }
0x31: {  	s29 =	simm.s32 $0x14980;
	s28 =	simm.s32 $0x400;
	[sflag:s22] =	ssyncadd.s32 $0xFFFFC000  }
.LBB2_2:
0x32: {  	[tilespmem:s16], [sflag:$0x2] =	stream.indirect.gather [hbm4b:s1+s13], $0x80, s29, s13, $0xb8;
	[tilespmem:$0x1F000] =	vst v63  }
0x33: {  	s29 =	smov.u32 s28  }
0x34: {  	p0 =	sne.s32 s28, $0x4800;
	s28 =	sadd.s32 $0x400, s28;
	_ =	swait.ge [sflag:s19], $0x4000  }
0x35: {  	s29 =	sshra.s32 s29, $0x2;
	[sflag:s19] =	ssyncset.done $0x0  }
0x36: {  	s30 =	sadd.s32 $0x15C00, s29;
	[sflag:s19] =	ssyncadd.s32 $0xFFFFC000  }
0x37: {  	[spmem:s3] =	stream.indirect.scatter.add.f32 [tilespmem:s14], [sflag:$0x3], $0x80, s30, s13, $0xb8;
	[tilespmem:$0x1F000] =	vst v63  }
0x38: {  	_ =	swait.ge [sflag:s20], $0x4000  }
0x39: {  	[sflag:s20] =	ssyncset.done $0x0  }
0x3a: {  	s30 =	sadd.s32 $0x15C80, s29;
	[sflag:s20] =	ssyncadd.s32 $0xFFFFC000  }
0x3b: {  	[spmem:s3] =	stream.indirect.scatter.add.f32 [tilespmem:s16], [sflag:$0x4], $0x80, s30, s13, $0xb8;
	[tilespmem:$0x1F000] =	vst v63  }
0x3c: {  	_ =	swait.ge [sflag:s21], $0x4000  }
0x3d: {  	[sflag:s21] =	ssyncset.done $0x0  }
.Ltmp0:
0x3e: {  	s30 =	sadd.s32 $0x14900, s29;
	[sflag:s21] =	ssyncadd.s32 $0xFFFFC000;
	(pc) =	sbr.rel @p0 .LBB2_2-.Ltmp0, $4  }
0x3f: {  	[tilespmem:s14], [sflag:$0x1] =	stream.indirect.gather [hbm4b:s1+s13], $0x80, s30, s13, $0xb8;
	[tilespmem:$0x1F000] =	vst v63  }
0x40: {  	_ =	swait.ge [sflag:s22], $0x4000  }
0x41: {  	[sflag:s22] =	ssyncset.done $0x0  }
0x42: {  	s29 =	sadd.s32 $0x14980, s29;
	[sflag:s22] =	ssyncadd.s32 $0xFFFFC000  }
0x43: {  	[tilespmem:s16], [sflag:$0x2] =	stream.indirect.gather [hbm4b:s1+s13], $0x80, s29, s13, $0xb8;
	[tilespmem:$0x1F000] =	vst v63  }
0x44: {  	_ =	swait.ge [sflag:s19], $0x4000  }
0x45: {  	[sflag:s19] =	ssyncset.done $0x0  }
0x46: {  	[sflag:s19] =	ssyncadd.s32 $0xFFFFC000  }
0x47: {  	[spmem:s3] =	stream.indirect.scatter.add.f32 [tilespmem:s14], [sflag:$0x3], $0x80, s23, s13, $0xb8;
	[tilespmem:$0x1F000] =	vst v63  }
0x48: {  	_ =	swait.ge [sflag:s20], $0x4000  }
0x49: {  	[sflag:s20] =	ssyncset.done $0x0  }
0x4a: {  	[sflag:s20] =	ssyncadd.s32 $0xFFFFC000  }
0x4b: {  	[spmem:s3] =	stream.indirect.scatter.add.f32 [tilespmem:s16], [sflag:$0x4], $0x80, s24, s13, $0xb8;
	[tilespmem:$0x1F000] =	vst v63  }
0x4c: {  	_ =	swait.ge [sflag:s21], $0x4000  }
0x4d: {  	[sflag:s21] =	ssyncset.done $0x0  }
0x4e: {  	[sflag:s21] =	ssyncadd.s32 $0xFFFFC000  }
0x4f: {  	_ =	swait.ge [sflag:s22], $0x4000  }
0x50: {  	s26 =	sadd.s32 $0x1, s26;
	[sflag:s22] =	ssyncset.done $0x0  }
0x51: {  	p0 =	sne.s32 s26, s9;
	[sflag:s22] =	ssyncadd.s32 $0xFFFFC000  }
.Ltmp1:
0x52: {  	[bflag:$0x0] =	sbarrier.arrive $0xFFFF;
	(pc) =	sbr.rel @p0 .LBB2_1-.Ltmp1, $4  }
0x53: {  	[hbm:s8], [sflag:s17] =	dma.local [spmem:s25], $0x2800  }
0x54: {  	_ =	swait.ge [sflag:s11], $0x2800  }
0x55: {  	[sflag:s11] =	ssyncset.done $0x0  }
0x56: {  	[sflag:s11] =	ssyncadd.s32 $0xFFFFD800  }
0x57: {  	_ =	sfence.sel $0x180000  }
0x58: {  	[bflag:$0x0] =	sbarrier.arrive $0xFFFF  }
0x59: {  	p0 =	sne.s32 s0, $0x0;
	_ =	strace $0x9000004D  }
0x5a: {  	s0 =	sadd.s32 @!p0 $0x100000, s2;
	[bflag:$0x2] =	sbarrier.arrive $0xFFFF  }
0x5b: {  	[sflag:s0] =	ssyncadd.tile.s32 @!p0 $0x1;
	_ =	shalt  }
.Lfunc_end2:
_tile_overlayer_lowered:
.L_overlay_start_2:
0x5c: {  	(tag) =	ssettag $0x2  }
0x5d: {  	s0 =	rddreg [dreg:$0x0];
	s2 =	stileid.u32  }
0x5e: {  	s1 =	rddreg [dreg:$0x1];
	p0 =	sne.s32 s2, $0x0  }
0x5f: {  	s3 =	rddreg [dreg:$0x2];
	[bflag:$0x3] =	sbarrier.arrive $0xFFFF;
	s2 =	simm.s32 @!p0 $0x1C05  }
0x60: {  	[timem:s3], [sflag:s2] =	dma.local @!p0 [hbm:s0], s1  }
0x61: {  	s0 =	simm.s32 @!p0 $0x5  }
0x62: {  	_ =	swait.ge @!p0 [sflag:s0], s1  }
0x63: {  	s1 =	ssub.s32 @!p0 $0x0, s1;
	[sflag:s0] =	ssyncset.done @!p0 $0x0  }
0x64: {  	[sflag:s0] =	ssyncadd.s32 @!p0 s1  }
0x65: {  	[bflag:$0x3] =	sbarrier.arrive $0xFFFF  }
0x66: {  	_ =	shalt  }

// kernel: kernel.23.cloned.1.call-start
scs
__scs_entry_jumppad:
0x0: {  	(pc) =	sbr.rel $0x88, $3  }
0x1: {  	(tag) =	ssettag $0x0;
	lr =	simm.s32 $0x1  }
0x2: {  	[smem:$0x3F94] =	sst lr;
	_ =	strace $0xD0000000  }
0x3: {  	_ = 	snop  }
0x4: {  	_ = 	snop  }
0x5: {  	_ = 	snop  }
0x6: {  	_ = 	snop  }
0x7: {  	_ = 	snop  }
__scs_overlays_trampoline_lowered:
0x8: {  	[smem:$0x3FA3] =	sst s0  }
0x9: {  	[smem:$0x3FA4] =	sst s1  }
0xa: {  	[smem:$0x3FA5] =	sst s2  }
0xb: {  	[smem:$0x3FA6] =	sst s3  }
0xc: {  	[smem:$0x3FA7] =	sst s4  }
0xd: {  	[smem:$0x3FA8] =	sst s5  }
0xe: {  	[smem:$0x3FA9] =	sst s6  }
0xf: {  	[smem:$0x3FAA] =	sst s7  }
0x10: {  	[smem:$0x3FAB] =	sst s8  }
0x11: {  	[smem:$0x3FAC] =	sst s9;
	s0 =	simm.s32 @!p0 $0x0  }
0x12: {  	s1 =	sld [smem:$0x3F92];
	s0 =	simm.s32 @p0 $0x1  }
0x13: {  	[smem:$0x3FAD] =	sst s0;
	s0 =	simm.s32 @!p1 $0x0  }
0x14: {  	s2 =	sld [smem:$0x3F91];
	s0 =	simm.s32 @p1 $0x1  }
0x15: {  	[smem:$0x3FAE] =	sst s0;
	s0 =	simm.s32 @!p2 $0x0  }
0x16: {  	s3 =	sld [smem:$0x3FDB];
	s0 =	simm.s32 @p2 $0x1  }
0x17: {  	s4 =	simm.s32 $0x1BF5;
	[smem:$0x3FB0] =	sst s0  }
0x18: {  	s0 =	sld [smem:$0x3F93];
	_ =	swait.ge [sflag:s4], $0x0  }
0x19: {  	s7 =	sld [smem:$0x3F94]  }
0x1a: {  	s8 =	sadd.s32 $0xFFFFE003, lr  }
0x1b: {  	s9 =	sadd.s32 $0xFFFFFEF7, lr;
	s5 =	simm.s32 $0xFFFFFFFF;
	p2 =	slt.u32 s8, $0xFFFFF086  }
0x1c: {  	p1 =	slt.u32 s9, $0xF7A;
	s5 =	simm.s32 @!p2 $0x0  }
0x1d: {  	s5 =	simm.s32 @p1 $0x1;
	p0 =	seq.s32 s7, s2  }
0x1e: {  	s7 =	smul.u32 @!p0 $0xF7A, s2;
	p2 =	seq.s32 @!p0 s5, $0x0  }
0x1f: {  	s9 =	smul.u32 $0xF7A, s1;
	s8 =	simm.s32 @!p0 $0x1BF5;
	p2 =	por !p2, p0  }
0x20: {  	[sflag:s8] =	ssyncset.s32 @!p0 $0xFFFFF086;
	s6 =	sadd.s32 @!p0 s3, s7;
	s7 =	simm.s32 @!p0 $0x108  }
0x21: {  	s3 =	sadd.s32 s3, s9;
	s6 =	sadd.s32 @!p0 $0x88, s6;
	s7 =	simm.s32 @p2 $0x1082  }
0x22: {  	[simem:s7], [sflag:s8] =	dma.local @!p0 [hbm:s6], $0xF7A  }
0x23: {  	s9 =	sor.u32 $0xD0000000, s2;
	s6 =	simm.s32 $0x108;
	_ =	swait.ge @!p0 [sflag:s8], $0x0  }
0x24: {  	s3 =	sadd.s32 $0x88, s3;
	s6 =	simm.s32 @!p1 $0x1082;
	[sflag:s4] =	ssyncset.s32 $0xFFFFF086  }
0x25: {  	[simem:s6], [sflag:s4] =	dma.local [hbm:s3], $0xF7A  }
0x26: {  	[smem:$0x3F94] =	sst s1;
	(tag) =	ssettag s2;
	_ =	strace s9  }
0x27: {  	s1 =	sld [smem:$0x3FA4]  }
0x28: {  	s2 =	sld [smem:$0x3FA5]  }
0x29: {  	s4 =	sld [smem:$0x3FA7]  }
0x2a: {  	p0 =	seq.s32 s5, $0x0;
	s5 =	sld [smem:$0x3FA8]  }
0x2b: {  	s6 =	sld [smem:$0x3FA9]  }
0x2c: {  	s7 =	sld [smem:$0x3FAA]  }
0x2d: {  	s3 =	simm.s32 $0x108;
	s8 =	sld [smem:$0x3FAB]  }
0x2e: {  	s3 =	simm.s32 @!p0 $0x1082;
	s9 =	sld [smem:$0x3FAC]  }
0x2f: {  	lr =	sadd.s32 s0, s3;
	s0 =	sld [smem:$0x3FA3]  }
0x30: {  	s3 =	sld [smem:$0x3FA6]  }
0x31: {  	[smem:$0x3FAF] =	sst s10  }
0x32: {  	s10 =	sld [smem:$0x3FAD];
	_ =	sdelay $0x3  }
0x33: {  	p0 =	seq.s32 s10, $0x1;
	s10 =	sld [smem:$0x3FAF];
	_ =	sdelay $0x3  }
0x34: {  	[smem:$0x3FAF] =	sst s10  }
0x35: {  	s10 =	sld [smem:$0x3FAE];
	_ =	sdelay $0x3  }
0x36: {  	p1 =	seq.s32 s10, $0x1;
	s10 =	sld [smem:$0x3FAF];
	_ =	sdelay $0x3  }
0x37: {  	[smem:$0x3FAF] =	sst s10  }
0x38: {  	s10 =	sld [smem:$0x3FB0]  }
0x39: {  	_ = 	snop;
	(pc) =	sbr.ind lr, $3  }
0x3a: {  	_ = 	snop  }
0x3b: {  	_ = 	snop  }
0x3c: {  	p2 =	seq.s32 s10, $0x1;
	s10 =	sld [smem:$0x3FAF]  }
0x3d: {  	_ =	shalt  }
0x3e: {  	_ =	shalt  }
0x3f: {  	_ =	shalt  }
0x40: {  	_ =	shalt  }
0x41: {  	_ =	shalt  }
0x42: {  	_ =	shalt  }
0x43: {  	_ =	shalt  }
0x44: {  	_ =	shalt  }
0x45: {  	_ =	shalt  }
0x46: {  	_ =	shalt  }
0x47: {  	_ =	shalt  }
0x48: {  	_ =	shalt  }
0x49: {  	_ =	shalt  }
0x4a: {  	_ =	shalt  }
0x4b: {  	_ =	shalt  }
0x4c: {  	_ =	shalt  }
0x4d: {  	_ =	shalt  }
0x4e: {  	_ =	shalt  }
0x4f: {  	_ =	shalt  }
0x50: {  	_ =	shalt  }
0x51: {  	_ =	shalt  }
0x52: {  	_ =	shalt  }
0x53: {  	_ =	shalt  }
0x54: {  	_ =	shalt  }
0x55: {  	_ =	shalt  }
0x56: {  	_ =	shalt  }
0x57: {  	_ =	shalt  }
0x58: {  	_ =	shalt  }
0x59: {  	_ =	shalt  }
0x5a: {  	_ =	shalt  }
0x5b: {  	_ =	shalt  }
0x5c: {  	_ =	shalt  }
0x5d: {  	_ =	shalt  }
0x5e: {  	_ =	shalt  }
0x5f: {  	_ =	shalt  }
0x60: {  	_ =	shalt  }
0x61: {  	_ =	shalt  }
0x62: {  	_ =	shalt  }
0x63: {  	_ =	shalt  }
0x64: {  	_ =	shalt  }
0x65: {  	_ =	shalt  }
0x66: {  	_ =	shalt  }
0x67: {  	_ =	shalt  }
0x68: {  	_ =	shalt  }
0x69: {  	_ =	shalt  }
0x6a: {  	_ =	shalt  }
0x6b: {  	_ =	shalt  }
0x6c: {  	_ =	shalt  }
0x6d: {  	_ =	shalt  }
0x6e: {  	_ =	shalt  }
0x6f: {  	_ =	shalt  }
0x70: {  	_ =	shalt  }
0x71: {  	_ =	shalt  }
0x72: {  	_ =	shalt  }
0x73: {  	_ =	shalt  }
0x74: {  	_ =	shalt  }
0x75: {  	_ =	shalt  }
0x76: {  	_ =	shalt  }
0x77: {  	_ =	shalt  }
0x78: {  	_ =	shalt  }
0x79: {  	_ =	shalt  }
0x7a: {  	_ =	shalt  }
0x7b: {  	_ =	shalt  }
0x7c: {  	_ =	shalt  }
0x7d: {  	_ =	shalt  }
0x7e: {  	_ =	shalt  }
0x7f: {  	_ =	shalt  }
0x80: {  	_ =	shalt  }
0x81: {  	_ =	shalt  }
0x82: {  	_ =	shalt  }
0x83: {  	_ =	shalt  }
0x84: {  	_ =	shalt  }
0x85: {  	_ =	shalt  }
0x86: {  	_ =	shalt  }
0x87: {  	_ =	shalt  }
.Lfunc_end0:
.L_simem_size_0:
called_computation.3_lowered:
.L_overlay_start_0:
0x88: {  	s2 =	sld [smem:$0x3FD9]  }
0x89: {  	s3 =	sld [smem:$0x3FFE];
	_ =	sdelay $0x1  }
0x8a: {  	s1 =	srdreg.scid  }
0x8b: {  	s0 =	sand.u32 $0x1, s1  }
0x8c: {  	s17 =	sshll.u32 s0, $0xA;
	s2 =	sadd.s32 s3, s2  }
0x8d: {  	s2 =	sadd.s32 s2, s17  }
0x8e: {  	[smem:$0x3FBB] =	sst s2  }
0x8f: {  	_ = 	snop  }
0x90: {  	s2 =	sld [smem:$0x3FD0];
	(tm) =	ssettm $0x1  }
0x91: {  	s18 =	sld [smem:$0x3FFB];
	_ =	sdelay $0x3  }
0x92: {  	_ =	strace s18  }
0x93: {  	s3 =	sld [smem:$0x3FFC];
	_ =	sdelay $0x3  }
0x94: {  	_ =	strace s3  }
0x95: {  	s3 =	sld [smem:$0x3FFD];
	_ =	sdelay $0x3  }
0x96: {  	_ =	strace s3  }
0x97: {  	_ =	strace $0x8FFFFFFF  }
0x98: {  	s19 =	sld [smem:$0x3FDB];
	_ =	sdelay $0x1  }
0x99: {  	s4 =	simm.s32 $_scs_section_size  }
0x9a: {  	s5 =	simm.s32 $_size__tile_overlayer_lowered;
	s6 =	simm.s32 $_tile_overlayer_lowered  }
0x9b: {  	s22 =	simm.s32 $0x1BFF;
	s21 =	sshll.u32 s6, $0x1;
	s3 =	sadd.s32 s4, s19  }
0x9c: {  	s7 =	simm.s32 $0x0;
	s20 =	sshll.u32 s5, $0x1;
	s5 =	sadd.s32 s21, s3  }
0x9d: {  	[timem:s7], [sflag:s22] =	dma.local [hbm:s5], s20  }
0x9e: {  	_ =	swait.ge [sflag:s22], s20  }
0x9f: {  	s4 =	ssub.s32 $0x0, s20;
	[sflag:s22] =	ssyncset.done $0x0  }
0xa0: {  	[sflag:s22] =	ssyncadd.s32 s4;
	_ =	sdelay $0x1  }
0xa1: {  	s23 =	simm.s32 $0x1B8B  }
0xa2: {  	_ =	swait.ge [sflag:s23], $0x1  }
0xa3: {  	[sflag:s23] =	ssyncset.done $0x0  }
0xa4: {  	s25 =	simm.s32 $0x1B8E;
	s24 =	sld [smem:$0x3FFE];
	[sflag:s23] =	ssyncadd.s32 $0xFFFFFFFF  }
0xa5: {  	s26 =	simm.s32 $execute0_lowered;
	[smem:$0x3FD2] =	sst s25  }
0xa6: {  	s5 =	sshll.u32 s26, $0x1;
	_ =	strace $0x8000004F;
	[dreg:$0x1] =	wrdreg $0xFFFFFFFF  }
0xa7: {  	s28 =	simm.s32 $_size_execute0_lowered;
	s3 =	sadd.s32 s3, s5;
	[dreg:$0x0] =	wrdreg $0x0  }
0xa8: {  	s5 =	sshll.u32 s28, $0x1;
	[dreg:$0x2] =	wrdreg s3  }
0xa9: {  	[dreg:$0x3] =	wrdreg s5  }
0xaa: {  	[dreg:$0x4] =	wrdreg $0xC0  }
0xab: {  	_ =	task [dreg:s7], $0x5FFFF  }
0xac: {  	[dreg:$0x1] =	wrdreg $0xFFFFFFFF  }
0xad: {  	[dreg:$0x0] =	wrdreg $0x60  }
0xae: {  	[dreg:$0x2] =	wrdreg s2  }
0xaf: {  	[dreg:$0x3] =	wrdreg s24  }
0xb0: {  	[dreg:$0x4] =	wrdreg $0x0  }
0xb1: {  	[dreg:$0x5] =	wrdreg $0x9  }
0xb2: {  	_ =	task.clear_ibuf [dreg:s7], $0x6FFFF;
	_ =	strace $0x9000004F  }
0xb3: {  	s29 =	simm.s32 $0x9;
	_ =	strace $0x80000051  }
0xb4: {  	_ =	swait.ge [sflag:s29], $0x1  }
0xb5: {  	[sflag:s29] =	ssyncadd.s32 $0xFFFFFFFF  }
0xb6: {  	_ =	strace $0x90000051  }
0xb7: {  	_ =	sfence  }
0xb8: {  	s30 =	sld [smem:$0x0];
	_ =	sdelay $0x2  }
0xb9: {  	s31 =	sshll.u32 s1, $0xD;
	s1 =	sshrl.u32 s1, $0x2  }
0xba: {  	s3 =	sand.u32 $0x4000, s31;
	s1 =	sadd.s32 s1, s30  }
0xbb: {  	s0 =	sor.u32 s3, s0;
	s1 =	sshll.u32 s1, $0x11  }
0xbc: {  	s0 =	sor.u32 s1, s0  }
0xbd: {  	s0 =	sadd.s32 $0x8F2B, s0  }
0xbe: {  	[sflag:s0] =	ssyncadd.remote.s32 $0x1  }
0xbf: {  	_ =	sfence.sel $0xFFFF  }
0xc0: {  	[dreg:$0x0] =	wrdreg $0xFFFFFFFF;
	(pc) =	sbr.abs _section_cstart, $3  }
0xc1: {  	[dreg:$0x1] =	wrdreg $0xFFFFFFFF  }
0xc2: {  	_ =	task.clear_ibuf [dreg:s7], $0x2FFFF;
	_ =	strace $0x9FFFFFFF  }
0xc3: {  	(tm) =	ssettm $0x7FFFFFFF  }
tec
execute0_lowered:
.L_overlay_start_1:
0x0: {  	(tag) =	ssettag $0x1  }
0x1: {  	s1 =	rddreg [dreg:$0x0]  }
0x2: {  	s2 =	srdreg.scid;
	s7 =	rddreg [dreg:$0x1]  }
0x3: {  	s0 =	stileid.u32;
	s3 =	rddreg [dreg:$0x2];
	s4 =	simm.s32 $0x0  }
0x4: {  	s13 =	simm.s32 $0x80;
	s14 =	simm.s32 $0x17000;
	s15 =	simm.s32 $0x14880  }
0x5: {  	s16 =	simm.s32 $0x1B000;
	s19 =	simm.s32 $0x1;
	s20 =	simm.s32 $0x2  }
0x6: {  	s21 =	simm.s32 $0x3;
	s22 =	simm.s32 $0x4;
	s23 =	simm.s32 $0x16F00  }
0x7: {  	s24 =	simm.s32 $0x16F80;
	s26 =	simm.s32 $0x0;
	s9 =	smul.u32 $0x14000, s0  }
0x8: {  	s6 =	sand.u32 $0x1, s2;
	s28 =	sshll.u32 s0, $0x1;
	s29 =	smul.u32 $0x52000, s0  }
0x9: {  	[smem:$0x7FF] =	sst s4;
	s11 =	smul.u32 $0x50000, s0;
	s17 =	sshll.u32 s0, $0x6  }
0xa: {  	s2 =	sor.u32 s6, s28;
	s8 =	smul.u32 $0x140000, s6;
	s6 =	ssub.s32 $0x2, s6  }
0xb: {  	s17 =	sor.u32 $0x1C05, s17;
	s5 =	smul.u32 $0x280, s2;
	s2 =	rddreg [dreg:$0x3]  }
0xc: {  	_ =	strace $0x80000050;
	s30 =	sshrl.u32 s6, $0x1;
	s31 =	sshrl.u32 s11, $0x2  }
0xd: {  	s11 =	simm.s32 $0x5;
	s8 =	sadd.s32 s9, s8;
	s12 =	ssub.s32 s6, s30  }
0xe: {  	s9 =	sshrl.u32 s29, $0x2;
	s25 =	sadd.s32 s31, s3;
	s10 =	sadd.s32 s5, s7  }
0xf: {  	s5 =	sadd.s32 $0xF600, s7;
	s8 =	sshrl.u32 s8, $0x3;
	s18 =	sadd.s32 s9, s3  }
0x10: {  	s9 =	smax.u32 s12, $0x1;
	s12 =	simm.s32 $0x15C00;
	s25 =	sshrl.u32 s25, $0x3  }
0x11: {  	s8 =	sadd.s32 s8, s7;
	s6 =	sadd.s32 $0x5600, s10;
	s7 =	sadd.s32 $0xA600, s10  }
0x12: {  	s10 =	simm.s32 $0x14800;
	s18 =	sshrl.u32 s18, $0x3;
	s8 =	sadd.s32 $0x12000, s8  }
.LBB2_1:
0x13: {  	[tilespmem:s10], [sflag:$0x5] =	stream.linear.gather [hbm4b:s6+s4], $0x1400, $0x38;
	[tilespmem:$0x1F000] =	vst v63  }
0x14: {  	_ =	swait.ge [sflag:s11], $0x1400  }
0x15: {  	[sflag:s11] =	ssyncset.done $0x0  }
0x16: {  	[sflag:s11] =	ssyncadd.s32 $0xFFFFEC00  }
0x17: {  	[tilespmem:s12], [sflag:$0x5] =	stream.linear.gather [hbm4b:s7+s4], $0x1400, $0x38;
	[tilespmem:$0x1F000] =	vst v63  }
0x18: {  	_ =	swait.ge [sflag:s11], $0x1400  }
0x19: {  	[sflag:s11] =	ssyncset.done $0x0  }
0x1a: {  	[sflag:s11] =	ssyncadd.s32 $0xFFFFEC00  }
0x1b: {  	[tilespmem:s14], [sflag:$0x1] =	stream.indirect.gather [hbm4b:s1+s13], $0x80, s10, s13, $0xb8;
	[tilespmem:$0x1F000] =	vst v63  }
0x1c: {  	_ = 	snop  }
0x1d: {  	[tilespmem:s16], [sflag:$0x2] =	stream.indirect.gather [hbm4b:s1+s13], $0x80, s15, s13, $0xb8;
	[tilespmem:$0x1F000] =	vst v63  }
0x1e: {  	[spmem:s18], [sflag:s17] =	dma.local [hbm:s5], $0x2900  }
0x1f: {  	_ =	swait.ge [sflag:s11], $0x2900  }
0x20: {  	[sflag:s11] =	ssyncset.done $0x0  }
0x21: {  	[sflag:s11] =	ssyncadd.s32 $0xFFFFD700  }
0x22: {  	[bflag:$0x0] =	sbarrier.arrive $0xFFFF  }
0x23: {  	_ =	swait.ge [sflag:s19], $0x4000  }
0x24: {  	[sflag:s19] =	ssyncset.done $0x0  }
0x25: {  	s28 =	simm.s32 $0x15C00;
	[sflag:s19] =	ssyncadd.s32 $0xFFFFC000  }
0x26: {  	[spmem:s3] =	stream.indirect.scatter.add.f32 [tilespmem:s14], [sflag:$0x3], $0x80, s28, s13, $0xb8;
	[tilespmem:$0x1F000] =	vst v63  }
0x27: {  	_ =	swait.ge [sflag:s20], $0x4000  }
0x28: {  	[sflag:s20] =	ssyncset.done $0x0  }
0x29: {  	s28 =	simm.s32 $0x15C80;
	[sflag:s20] =	ssyncadd.s32 $0xFFFFC000  }
0x2a: {  	[spmem:s3] =	stream.indirect.scatter.add.f32 [tilespmem:s16], [sflag:$0x4], $0x80, s28, s13, $0xb8;
	[tilespmem:$0x1F000] =	vst v63  }
0x2b: {  	_ =	swait.ge [sflag:s21], $0x4000  }
0x2c: {  	[sflag:s21] =	ssyncset.done $0x0  }
0x2d: {  	s28 =	simm.s32 $0x14900;
	[sflag:s21] =	ssyncadd.s32 $0xFFFFC000  }
0x2e: {  	[tilespmem:s14], [sflag:$0x1] =	stream.indirect.gather [hbm4b:s1+s13], $0x80, s28, s13, $0xb8;
	[tilespmem:$0x1F000] =	vst v63  }
0x2f: {  	_ =	swait.ge [sflag:s22], $0x4000  }
0x30: {  	[sflag:s22] =	ssyncset.done $0x0  }
0x31: {  	s29 =	simm.s32 $0x14980;
	s28 =	simm.s32 $0x400;
	[sflag:s22] =	ssyncadd.s32 $0xFFFFC000  }
.LBB2_2:
0x32: {  	[tilespmem:s16], [sflag:$0x2] =	stream.indirect.gather [hbm4b:s1+s13], $0x80, s29, s13, $0xb8;
	[tilespmem:$0x1F000] =	vst v63  }
0x33: {  	s29 =	smov.u32 s28  }
0x34: {  	p0 =	sne.s32 s28, $0x4800;
	s28 =	sadd.s32 $0x400, s28;
	_ =	swait.ge [sflag:s19], $0x4000  }
0x35: {  	s29 =	sshra.s32 s29, $0x2;
	[sflag:s19] =	ssyncset.done $0x0  }
0x36: {  	s30 =	sadd.s32 $0x15C00, s29;
	[sflag:s19] =	ssyncadd.s32 $0xFFFFC000  }
0x37: {  	[spmem:s3] =	stream.indirect.scatter.add.f32 [tilespmem:s14], [sflag:$0x3], $0x80, s30, s13, $0xb8;
	[tilespmem:$0x1F000] =	vst v63  }
0x38: {  	_ =	swait.ge [sflag:s20], $0x4000  }
0x39: {  	[sflag:s20] =	ssyncset.done $0x0  }
0x3a: {  	s30 =	sadd.s32 $0x15C80, s29;
	[sflag:s20] =	ssyncadd.s32 $0xFFFFC000  }
0x3b: {  	[spmem:s3] =	stream.indirect.scatter.add.f32 [tilespmem:s16], [sflag:$0x4], $0x80, s30, s13, $0xb8;
	[tilespmem:$0x1F000] =	vst v63  }
0x3c: {  	_ =	swait.ge [sflag:s21], $0x4000  }
0x3d: {  	[sflag:s21] =	ssyncset.done $0x0  }
.Ltmp0:
0x3e: {  	s30 =	sadd.s32 $0x14900, s29;
	[sflag:s21] =	ssyncadd.s32 $0xFFFFC000;
	(pc) =	sbr.rel @p0 .LBB2_2-.Ltmp0, $4  }
0x3f: {  	[tilespmem:s14], [sflag:$0x1] =	stream.indirect.gather [hbm4b:s1+s13], $0x80, s30, s13, $0xb8;
	[tilespmem:$0x1F000] =	vst v63  }
0x40: {  	_ =	swait.ge [sflag:s22], $0x4000  }
0x41: {  	[sflag:s22] =	ssyncset.done $0x0  }
0x42: {  	s29 =	sadd.s32 $0x14980, s29;
	[sflag:s22] =	ssyncadd.s32 $0xFFFFC000  }
0x43: {  	[tilespmem:s16], [sflag:$0x2] =	stream.indirect.gather [hbm4b:s1+s13], $0x80, s29, s13, $0xb8;
	[tilespmem:$0x1F000] =	vst v63  }
0x44: {  	_ =	swait.ge [sflag:s19], $0x4000  }
0x45: {  	[sflag:s19] =	ssyncset.done $0x0  }
0x46: {  	[sflag:s19] =	ssyncadd.s32 $0xFFFFC000  }
0x47: {  	[spmem:s3] =	stream.indirect.scatter.add.f32 [tilespmem:s14], [sflag:$0x3], $0x80, s23, s13, $0xb8;
	[tilespmem:$0x1F000] =	vst v63  }
0x48: {  	_ =	swait.ge [sflag:s20], $0x4000  }
0x49: {  	[sflag:s20] =	ssyncset.done $0x0  }
0x4a: {  	[sflag:s20] =	ssyncadd.s32 $0xFFFFC000  }
0x4b: {  	[spmem:s3] =	stream.indirect.scatter.add.f32 [tilespmem:s16], [sflag:$0x4], $0x80, s24, s13, $0xb8;
	[tilespmem:$0x1F000] =	vst v63  }
0x4c: {  	_ =	swait.ge [sflag:s21], $0x4000  }
0x4d: {  	[sflag:s21] =	ssyncset.done $0x0  }
0x4e: {  	[sflag:s21] =	ssyncadd.s32 $0xFFFFC000  }
0x4f: {  	_ =	swait.ge [sflag:s22], $0x4000  }
0x50: {  	s26 =	sadd.s32 $0x1, s26;
	[sflag:s22] =	ssyncset.done $0x0  }
0x51: {  	p0 =	sne.s32 s26, s9;
	[sflag:s22] =	ssyncadd.s32 $0xFFFFC000  }
.Ltmp1:
0x52: {  	[bflag:$0x0] =	sbarrier.arrive $0xFFFF;
	(pc) =	sbr.rel @p0 .LBB2_1-.Ltmp1, $4  }
0x53: {  	[hbm:s8], [sflag:s17] =	dma.local [spmem:s25], $0x2800  }
0x54: {  	_ =	swait.ge [sflag:s11], $0x2800  }
0x55: {  	[sflag:s11] =	ssyncset.done $0x0  }
0x56: {  	[sflag:s11] =	ssyncadd.s32 $0xFFFFD800  }
0x57: {  	_ =	sfence.sel $0x180000  }
0x58: {  	[bflag:$0x0] =	sbarrier.arrive $0xFFFF  }
0x59: {  	p0 =	sne.s32 s0, $0x0;
	_ =	strace $0x90000050  }
0x5a: {  	s0 =	sadd.s32 @!p0 $0x100000, s2;
	[bflag:$0x2] =	sbarrier.arrive $0xFFFF  }
0x5b: {  	[sflag:s0] =	ssyncadd.tile.s32 @!p0 $0x1;
	_ =	shalt  }
.Lfunc_end2:
_tile_overlayer_lowered:
.L_overlay_start_2:
0x5c: {  	(tag) =	ssettag $0x2  }
0x5d: {  	s0 =	rddreg [dreg:$0x0];
	s2 =	stileid.u32  }
0x5e: {  	s1 =	rddreg [dreg:$0x1];
	p0 =	sne.s32 s2, $0x0  }
0x5f: {  	s3 =	rddreg [dreg:$0x2];
	[bflag:$0x3] =	sbarrier.arrive $0xFFFF;
	s2 =	simm.s32 @!p0 $0x1C05  }
0x60: {  	[timem:s3], [sflag:s2] =	dma.local @!p0 [hbm:s0], s1  }
0x61: {  	s0 =	simm.s32 @!p0 $0x5  }
0x62: {  	_ =	swait.ge @!p0 [sflag:s0], s1  }
0x63: {  	s1 =	ssub.s32 @!p0 $0x0, s1;
	[sflag:s0] =	ssyncset.done @!p0 $0x0  }
0x64: {  	[sflag:s0] =	ssyncadd.s32 @!p0 s1  }
0x65: {  	[bflag:$0x3] =	sbarrier.arrive $0xFFFF  }
0x66: {  	_ =	shalt  }

</sc_bundles>
